<compile_context>
chip_gen: v7x
topology: tpu7x:2x2x1
jax: 0.10.2.dev20260603
libtpu: 0.0.44.dev20260713+nightly
codegen_flags: <defaults>
</compile_context>

<pallas_src>
import functools

import jax
import jax.numpy as jnp
from jax import lax
from jax.experimental import pallas as pl
from jax.experimental.pallas import tpu as pltpu
from jax.experimental.pallas import tpu_sc as plsc

_N = 10000
_NP = 10240
_E = 320000
_EPAD = 327680

_NC = 2
_NS = 16
_NW = _NC * _NS
_EPW = _EPAD // _NW
_CH = 128
_NCHUNK = _EPW // _CH
_RPT = _NP // _NS
_ZR = 32



def _lin_body(x_ref, w_ref, b_ref, o_ref):
    o_ref[...] = (
        jnp.dot(x_ref[...], w_ref[...], preferred_element_type=jnp.float32)
        + b_ref[...]
    )


def _mid_body(p0_ref, p1_ref, w_ref, b_ref, o_ref):
    h = jnp.maximum(p0_ref[...] + p1_ref[...], 0.0)
    o_ref[...] = (
        jnp.dot(h, w_ref[...], preferred_element_type=jnp.float32) + b_ref[...]
    )


def _argmax_body(p0_ref, p1_ref, o_ref):
    h = p0_ref[...] + p1_ref[...]
    col = lax.broadcasted_iota(jnp.int32, h.shape, 1)
    valid = col < 40
    h = jnp.where(valid, h, -jnp.inf)
    m = jnp.max(h, axis=1, keepdims=True)
    idx = jnp.min(jnp.where(h >= m, col, jnp.int32(2**30)), axis=1)
    o_ref[...] = idx[:, None]


_BR = 2048


def _bcast_body(e_ref, o_ref):
    o_ref[...] = jnp.broadcast_to(e_ref[...], o_ref.shape)


def _tc_ev_bcast(ev):
    e2 = ev.reshape(_EPAD, 1)
    bre = 4096
    return pl.pallas_call(
        _bcast_body,
        grid=(_EPAD // bre,),
        in_specs=[pl.BlockSpec((bre, 1), lambda i: (i, 0))],
        out_specs=pl.BlockSpec((bre, 16), lambda i: (i, 0)),
        out_shape=jax.ShapeDtypeStruct((_EPAD, 16), jnp.float32),
    )(e2)


def _tc_first(x, W, b):
    n, k = x.shape
    m = W.shape[1]
    return pl.pallas_call(
        _lin_body,
        grid=(n // _BR,),
        in_specs=[
            pl.BlockSpec((_BR, k), lambda i: (i, 0)),
            pl.BlockSpec((k, m), lambda i: (0, 0)),
            pl.BlockSpec((1, m), lambda i: (0, 0)),
        ],
        out_specs=pl.BlockSpec((_BR, m), lambda i: (i, 0)),
        out_shape=jax.ShapeDtypeStruct((n, m), jnp.float32),
    )(x, W, b)


def _tc_mid(p0, p1, W, b):
    n, k = p0.shape
    m = W.shape[1]
    return pl.pallas_call(
        _mid_body,
        grid=(n // _BR,),
        in_specs=[
            pl.BlockSpec((_BR, k), lambda i: (i, 0)),
            pl.BlockSpec((_BR, k), lambda i: (i, 0)),
            pl.BlockSpec((k, m), lambda i: (0, 0)),
            pl.BlockSpec((1, m), lambda i: (0, 0)),
        ],
        out_specs=pl.BlockSpec((_BR, m), lambda i: (i, 0)),
        out_shape=jax.ShapeDtypeStruct((n, m), jnp.float32),
    )(p0, p1, W, b)


def _tc_argmax(p0, p1):
    n, k = p0.shape
    return pl.pallas_call(
        _argmax_body,
        grid=(n // _BR,),
        in_specs=[
            pl.BlockSpec((_BR, k), lambda i: (i, 0)),
            pl.BlockSpec((_BR, k), lambda i: (i, 0)),
        ],
        out_specs=pl.BlockSpec((_BR, 1), lambda i: (i, 0)),
        out_shape=jax.ShapeDtypeStruct((n, 1), jnp.int32),
    )(p0, p1)



def _spmm_sc_body(z_hbm, src_hbm, dst_hbm, ev_hbm, out_hbm,
                  src_all, dst_all, evb, rows, zbuf, acc, sem):
    F = rows.shape[1]
    c = lax.axis_index("c")
    s = lax.axis_index("s")
    wid = c * _NS + s

    pltpu.sync_copy(src_hbm.at[pl.ds(wid * _NCHUNK, _NCHUNK)], src_all)
    pltpu.sync_copy(dst_hbm.at[pl.ds(wid * _NCHUNK, _NCHUNK)], dst_all)

    zero = jnp.zeros((16,), jnp.float32)
    for r in range(_ZR):
        for j in range(F // 16):
            zbuf[r, pl.ds(j * 16, 16)] = zero

    def zero_acc(i, carry):
        pltpu.sync_copy(zbuf, acc.at[pl.ds(s * _RPT + i * _ZR, _ZR)])
        return carry

    lax.fori_loop(0, _RPT // _ZR, zero_acc, 0)
    plsc.subcore_barrier()

    def chunk_body(k, carry):
        row = wid * _NCHUNK + k
        c_ev = pltpu.async_copy(ev_hbm.at[row], evb, sem)
        c_g = pltpu.async_copy(z_hbm.at[src_all.at[k]], rows, sem)
        c_ev.wait()
        c_g.wait()

        def scale_body(e, c2):
            evx = evb[e, pl.ds(0, 16)]
            for j in range(F // 16):
                sl = pl.ds(j * 16, 16)
                rows[e, sl] = rows[e, sl] * evx
            return c2

        lax.fori_loop(0, _CH, scale_body, 0)
        pltpu.sync_copy(rows, acc.at[dst_all.at[k]], add=True)
        return carry

    lax.fori_loop(0, _NCHUNK, chunk_body, 0)
    plsc.subcore_barrier()

    pltpu.sync_copy(acc.at[pl.ds(s * _RPT, _RPT)],
                    out_hbm.at[c, pl.ds(s * _RPT, _RPT)])


def _spmm(z, src, dst, ev):
    n, F = z.shape
    mesh = plsc.VectorSubcoreMesh(core_axis_name="c", subcore_axis_name="s")
    f = pl.kernel(
        _spmm_sc_body,
        out_type=jax.ShapeDtypeStruct((_NC, n, F), jnp.float32),
        mesh=mesh,
        scratch_types=[
            pltpu.VMEM((_NCHUNK, _CH), jnp.int32),
            pltpu.VMEM((_NCHUNK, _CH), jnp.int32),
            pltpu.VMEM((_CH, 16), jnp.float32),
            pltpu.VMEM((_CH, F), jnp.float32),
            pltpu.VMEM((_ZR, F), jnp.float32),
            pltpu.VMEM_SHARED((n, F), jnp.float32),
            pltpu.SemaphoreType.DMA,
        ],
        compiler_params=pltpu.CompilerParams(use_tc_tiling_on_sc=False),
    )
    return f(z, src, dst, ev)



def kernel(x, edge_index, edge_vals, W1, b1, W2, b2, W3, b3):
    pad_e = _EPAD - _E
    dst = jnp.pad(edge_index[0], (0, pad_e)).reshape(_NW * _NCHUNK, _CH)
    src = jnp.pad(edge_index[1], (0, pad_e)).reshape(_NW * _NCHUNK, _CH)
    evp = jnp.pad(edge_vals, (0, pad_e))

    xp = jnp.pad(x, ((0, _NP - _N), (0, 0)))
    z1 = _tc_first(xp, W1, b1.reshape(1, -1))
    evb = _tc_ev_bcast(evp).reshape(_NW * _NCHUNK, _CH, 16)
    p1 = _spmm(z1, src, dst, evb)
    z2 = _tc_mid(p1[0], p1[1], W2, b2.reshape(1, -1))
    p2 = _spmm(z2, src, dst, evb)
    W3p = jnp.pad(W3, ((0, 0), (0, 8)))
    b3p = jnp.pad(b3, (0, 8)).reshape(1, -1)
    z3 = _tc_mid(p2[0], p2[1], W3p, b3p)
    p3 = _spmm(z3, src, dst, evb)
    out = _tc_argmax(p3[0], p3[1])
    return out[:_N, 0]

# --- scband reference (transcript-rebuilt; emitter-appended) ---
"""Pipeline reference for scband-gcn-62148176773352 (READ-ONLY COPY).

The authoritative reference and input builder live on the scoring server;
editing this copy changes nothing except your own understanding.
"""

import jax, jax.numpy as jnp
import numpy as np

N = 10000
E = 320000
F_IN = 128
H1 = 128
H2 = 64
C = 40


def _xavier(key, fan_in, fan_out):
    limit = np.sqrt(6.0 / (fan_in + fan_out))
    return jax.random.uniform(key, (fan_in, fan_out), dtype=jnp.float32, minval=-limit, maxval=limit)


def setup_inputs(seed: int = 0) -> dict:
    key = jax.random.key(seed)
    ks = jax.random.split(key, 8)
    x = jax.random.normal(ks[0], (N, F_IN), dtype=jnp.float32)
    edge_index = jax.random.randint(ks[1], (2, E), 0, N, dtype=jnp.int32)
    edge_vals = jax.random.uniform(ks[2], (E,), dtype=jnp.float32)
    W1 = _xavier(ks[3], F_IN, H1)
    b1 = jnp.zeros((H1,), dtype=jnp.float32)
    W2 = _xavier(ks[4], H1, H2)
    b2 = jnp.zeros((H2,), dtype=jnp.float32)
    W3 = _xavier(ks[5], H2, C)
    b3 = jnp.zeros((C,), dtype=jnp.float32)
    return {"x": x, "edge_index": edge_index, "edge_vals": edge_vals,
            "W1": W1, "b1": b1, "W2": W2, "b2": b2, "W3": W3, "b3": b3}


def reference(x, edge_index, edge_vals, W1, b1, W2, b2, W3, b3):
    dst = edge_index[0]
    src = edge_index[1]

    def spmm(h):
        # sparse adj (COO) @ h : gather rows of h by src, scale, scatter-add to dst
        msgs = edge_vals[:, None] * jnp.take(h, src, axis=0)
        return jax.ops.segment_sum(msgs, dst, num_segments=N)

    h = jax.nn.relu(spmm(x @ W1 + b1))
    h = jax.nn.relu(spmm(h @ W2 + b2))
    h = spmm(h @ W3 + b3)
    logp = jax.nn.log_softmax(h, axis=1)
    return jnp.argmax(logp, axis=1)

if __name__ == "__main__":
    import jax
    _d = setup_inputs()
    print(jax.jit(kernel)(*tuple(_d.values())))

</pallas_src>

<mosaic_0001>
#map = affine_map<(d0, d1) -> (0, 0)>
#map1 = affine_map<(d0, d1) -> (0, 0, 0)>
module attributes {stable_mosaic.version = 14 : i64} {
  func.func @_spmm_sc_body(%arg0: i32, %arg1: i32, %arg2: memref<10240x64xf32, #tpu.memory_space<hbm>>, %arg3: memref<2560x128xi32, #tpu.memory_space<hbm>>, %arg4: memref<2560x128xi32, #tpu.memory_space<hbm>>, %arg5: memref<2560x128x16xf32, #tpu.memory_space<hbm>>, %arg6: memref<2x10240x64xf32, #tpu.memory_space<hbm>>, %arg7: memref<80x128xi32, #tpu.memory_space<vmem>>, %arg8: memref<80x128xi32, #tpu.memory_space<vmem>>, %arg9: memref<128x16xf32, #tpu.memory_space<vmem>>, %arg10: memref<128x64xf32, #tpu.memory_space<vmem>>, %arg11: memref<32x64xf32, #tpu.memory_space<vmem>>, %arg12: memref<10240x64xf32, #tpu.memory_space<vmem_shared>>, %arg13: memref<!tpu.dma_semaphore, #tpu.memory_space<semaphore_mem>>) attributes {dimension_semantics = [#tpu.dimension_semantics<core_parallel>, #tpu.dimension_semantics<subcore_parallel>], iteration_bounds = array<i64: 2, 16>, scalar_prefetch = 0 : i64, scratch_operands = 7 : i64, tpu.core_type = #tpu.core_type<sc_vector_subcore>, window_params = [{transform_indices = #map}, {transform_indices = #map}, {transform_indices = #map}, {transform_indices = #map1}, {transform_indices = #map1}]} {
    %mul3A = arith.constant 16 : i32
    %mul3A_0 = arith.muli %arg0, %mul3A : i32
    %add3A = arith.addi %mul3A_0, %arg1 : i32
    %mul3A_1 = arith.constant 80 : i32
    %mul3A_2 = arith.muli %add3A, %mul3A_1 : i32
    "tpu.region"() ({
      %run_scoped3A = tpu.sem_alloc : memref<!tpu.dma_semaphore, #tpu.memory_space<semaphore_mem>>
      %dma_start3A = arith.constant 0 : i32
      %dma_start3A_789 = tpu.memref_slice %arg3[%mul3A_2, %dma_start3A] : memref<2560x128xi32, #tpu.memory_space<hbm>> -> memref<80x128xi32, #tpu.memory_space<hbm>>
      %dma_start3A_790 = arith.constant 0 : i32
      %dma_start3A_791 = tpu.memref_slice %arg3[%mul3A_2, %dma_start3A_790] : memref<2560x128xi32, #tpu.memory_space<hbm>> -> memref<80x128xi32, #tpu.memory_space<hbm>>
      tpu.enqueue_dma source(%dma_start3A_791 : memref<80x128xi32, #tpu.memory_space<hbm>>) target(%arg7 : memref<80x128xi32, #tpu.memory_space<vmem>>) target_semaphore(%run_scoped3A : memref<!tpu.dma_semaphore, #tpu.memory_space<semaphore_mem>>)
      %dma_wait3A = arith.constant 0 : i32
      %dma_wait3A_792 = tpu.memref_slice %arg3[%mul3A_2, %dma_wait3A] : memref<2560x128xi32, #tpu.memory_space<hbm>> -> memref<80x128xi32, #tpu.memory_space<hbm>>
      %dma_wait3A_793 = arith.constant 0 : i32
      %dma_wait3A_794 = tpu.memref_slice %arg3[%mul3A_2, %dma_wait3A_793] : memref<2560x128xi32, #tpu.memory_space<hbm>> -> memref<80x128xi32, #tpu.memory_space<hbm>>
      tpu.wait_dma2 semaphore(%run_scoped3A : memref<!tpu.dma_semaphore, #tpu.memory_space<semaphore_mem>>) src(%dma_wait3A_794 : memref<80x128xi32, #tpu.memory_space<hbm>>) dst(%arg7 : memref<80x128xi32, #tpu.memory_space<vmem>>)
      tpu.yield
    }) : () -> ()
    %mul3A_3 = arith.constant 80 : i32
    %mul3A_4 = arith.muli %add3A, %mul3A_3 : i32
    "tpu.region"() ({
      %run_scoped3A = tpu.sem_alloc : memref<!tpu.dma_semaphore, #tpu.memory_space<semaphore_mem>>
      %dma_start3A = arith.constant 0 : i32
      %dma_start3A_789 = tpu.memref_slice %arg4[%mul3A_4, %dma_start3A] : memref<2560x128xi32, #tpu.memory_space<hbm>> -> memref<80x128xi32, #tpu.memory_space<hbm>>
      %dma_start3A_790 = arith.constant 0 : i32
      %dma_start3A_791 = tpu.memref_slice %arg4[%mul3A_4, %dma_start3A_790] : memref<2560x128xi32, #tpu.memory_space<hbm>> -> memref<80x128xi32, #tpu.memory_space<hbm>>
      tpu.enqueue_dma source(%dma_start3A_791 : memref<80x128xi32, #tpu.memory_space<hbm>>) target(%arg8 : memref<80x128xi32, #tpu.memory_space<vmem>>) target_semaphore(%run_scoped3A : memref<!tpu.dma_semaphore, #tpu.memory_space<semaphore_mem>>)
      %dma_wait3A = arith.constant 0 : i32
      %dma_wait3A_792 = tpu.memref_slice %arg4[%mul3A_4, %dma_wait3A] : memref<2560x128xi32, #tpu.memory_space<hbm>> -> memref<80x128xi32, #tpu.memory_space<hbm>>
      %dma_wait3A_793 = arith.constant 0 : i32
      %dma_wait3A_794 = tpu.memref_slice %arg4[%mul3A_4, %dma_wait3A_793] : memref<2560x128xi32, #tpu.memory_space<hbm>> -> memref<80x128xi32, #tpu.memory_space<hbm>>
      tpu.wait_dma2 semaphore(%run_scoped3A : memref<!tpu.dma_semaphore, #tpu.memory_space<semaphore_mem>>) src(%dma_wait3A_794 : memref<80x128xi32, #tpu.memory_space<hbm>>) dst(%arg8 : memref<80x128xi32, #tpu.memory_space<vmem>>)
      tpu.yield
    }) : () -> ()
    %broadcast_in_dim3A = arith.constant 0.000000e+00 : f32
    %broadcast_in_dim3A_5 = vector.broadcast %broadcast_in_dim3A : f32 to vector<16xf32>
    %swap3A = arith.constant 0 : i32
    %swap3A_6 = arith.index_cast %swap3A : i32 to index
    %swap3A_7 = arith.constant 0 : index
    %swap3A_8 = tpu.vector_load %arg11[%swap3A_6, %swap3A_7] {strides = array<i32>} : memref<32x64xf32, #tpu.memory_space<vmem>>, vector<1x16xf32>,
    %swap3A_9 = vector.shape_cast %swap3A_8 : vector<1x16xf32> to vector<16xf32>
    %swap3A_10 = vector.shape_cast %broadcast_in_dim3A_5 : vector<16xf32> to vector<1x16xf32>
    tpu.vector_store %arg11[%swap3A_6, %swap3A_7], %swap3A_10 {strides = array<i32>} : memref<32x64xf32, #tpu.memory_space<vmem>>, vector<1x16xf32>,
    %swap3A_11 = arith.constant 0 : i32
    %swap3A_12 = arith.index_cast %swap3A_11 : i32 to index
    %swap3A_13 = arith.constant 16 : index
    %swap3A_14 = tpu.vector_load %arg11[%swap3A_12, %swap3A_13] {strides = array<i32>} : memref<32x64xf32, #tpu.memory_space<vmem>>, vector<1x16xf32>,
    %swap3A_15 = vector.shape_cast %swap3A_14 : vector<1x16xf32> to vector<16xf32>
    %swap3A_16 = vector.shape_cast %broadcast_in_dim3A_5 : vector<16xf32> to vector<1x16xf32>
    tpu.vector_store %arg11[%swap3A_12, %swap3A_13], %swap3A_16 {strides = array<i32>} : memref<32x64xf32, #tpu.memory_space<vmem>>, vector<1x16xf32>,
    %swap3A_17 = arith.constant 0 : i32
    %swap3A_18 = arith.index_cast %swap3A_17 : i32 to index
    %swap3A_19 = arith.constant 32 : index
    %swap3A_20 = tpu.vector_load %arg11[%swap3A_18, %swap3A_19] {strides = array<i32>} : memref<32x64xf32, #tpu.memory_space<vmem>>, vector<1x16xf32>,
    %swap3A_21 = vector.shape_cast %swap3A_20 : vector<1x16xf32> to vector<16xf32>
    %swap3A_22 = vector.shape_cast %broadcast_in_dim3A_5 : vector<16xf32> to vector<1x16xf32>
    tpu.vector_store %arg11[%swap3A_18, %swap3A_19], %swap3A_22 {strides = array<i32>} : memref<32x64xf32, #tpu.memory_space<vmem>>, vector<1x16xf32>,
    %swap3A_23 = arith.constant 0 : i32
    %swap3A_24 = arith.index_cast %swap3A_23 : i32 to index
    %swap3A_25 = arith.constant 48 : index
    %swap3A_26 = tpu.vector_load %arg11[%swap3A_24, %swap3A_25] {strides = array<i32>} : memref<32x64xf32, #tpu.memory_space<vmem>>, vector<1x16xf32>,
    %swap3A_27 = vector.shape_cast %swap3A_26 : vector<1x16xf32> to vector<16xf32>
    %swap3A_28 = vector.shape_cast %broadcast_in_dim3A_5 : vector<16xf32> to vector<1x16xf32>
    tpu.vector_store %arg11[%swap3A_24, %swap3A_25], %swap3A_28 {strides = array<i32>} : memref<32x64xf32, #tpu.memory_space<vmem>>, vector<1x16xf32>,
    %swap3A_29 = arith.constant 1 : i32
    %swap3A_30 = arith.index_cast %swap3A_29 : i32 to index
    %swap3A_31 = arith.constant 0 : index
    %swap3A_32 = tpu.vector_load %arg11[%swap3A_30, %swap3A_31] {strides = array<i32>} : memref<32x64xf32, #tpu.memory_space<vmem>>, vector<1x16xf32>,
    %swap3A_33 = vector.shape_cast %swap3A_32 : vector<1x16xf32> to vector<16xf32>
    %swap3A_34 = vector.shape_cast %broadcast_in_dim3A_5 : vector<16xf32> to vector<1x16xf32>
    tpu.vector_store %arg11[%swap3A_30, %swap3A_31], %swap3A_34 {strides = array<i32>} : memref<32x64xf32, #tpu.memory_space<vmem>>, vector<1x16xf32>,
    %swap3A_35 = arith.constant 1 : i32
    %swap3A_36 = arith.index_cast %swap3A_35 : i32 to index
    %swap3A_37 = arith.constant 16 : index
    %swap3A_38 = tpu.vector_load %arg11[%swap3A_36, %swap3A_37] {strides = array<i32>} : memref<32x64xf32, #tpu.memory_space<vmem>>, vector<1x16xf32>,
    %swap3A_39 = vector.shape_cast %swap3A_38 : vector<1x16xf32> to vector<16xf32>
    %swap3A_40 = vector.shape_cast %broadcast_in_dim3A_5 : vector<16xf32> to vector<1x16xf32>
    tpu.vector_store %arg11[%swap3A_36, %swap3A_37], %swap3A_40 {strides = array<i32>} : memref<32x64xf32, #tpu.memory_space<vmem>>, vector<1x16xf32>,
    %swap3A_41 = arith.constant 1 : i32
    %swap3A_42 = arith.index_cast %swap3A_41 : i32 to index
    %swap3A_43 = arith.constant 32 : index
    %swap3A_44 = tpu.vector_load %arg11[%swap3A_42, %swap3A_43] {strides = array<i32>} : memref<32x64xf32, #tpu.memory_space<vmem>>, vector<1x16xf32>,
    %swap3A_45 = vector.shape_cast %swap3A_44 : vector<1x16xf32> to vector<16xf32>
    %swap3A_46 = vector.shape_cast %broadcast_in_dim3A_5 : vector<16xf32> to vector<1x16xf32>
    tpu.vector_store %arg11[%swap3A_42, %swap3A_43], %swap3A_46 {strides = array<i32>} : memref<32x64xf32, #tpu.memory_space<vmem>>, vector<1x16xf32>,
    %swap3A_47 = arith.constant 1 : i32
    %swap3A_48 = arith.index_cast %swap3A_47 : i32 to index
    %swap3A_49 = arith.constant 48 : index
    %swap3A_50 = tpu.vector_load %arg11[%swap3A_48, %swap3A_49] {strides = array<i32>} : memref<32x64xf32, #tpu.memory_space<vmem>>, vector<1x16xf32>,
    %swap3A_51 = vector.shape_cast %swap3A_50 : vector<1x16xf32> to vector<16xf32>
    %swap3A_52 = vector.shape_cast %broadcast_in_dim3A_5 : vector<16xf32> to vector<1x16xf32>
    tpu.vector_store %arg11[%swap3A_48, %swap3A_49], %swap3A_52 {strides = array<i32>} : memref<32x64xf32, #tpu.memory_space<vmem>>, vector<1x16xf32>,
    %swap3A_53 = arith.constant 2 : i32
    %swap3A_54 = arith.index_cast %swap3A_53 : i32 to index
    %swap3A_55 = arith.constant 0 : index
    %swap3A_56 = tpu.vector_load %arg11[%swap3A_54, %swap3A_55] {strides = array<i32>} : memref<32x64xf32, #tpu.memory_space<vmem>>, vector<1x16xf32>,
    %swap3A_57 = vector.shape_cast %swap3A_56 : vector<1x16xf32> to vector<16xf32>
    %swap3A_58 = vector.shape_cast %broadcast_in_dim3A_5 : vector<16xf32> to vector<1x16xf32>
    tpu.vector_store %arg11[%swap3A_54, %swap3A_55], %swap3A_58 {strides = array<i32>} : memref<32x64xf32, #tpu.memory_space<vmem>>, vector<1x16xf32>,
    %swap3A_59 = arith.constant 2 : i32
    %swap3A_60 = arith.index_cast %swap3A_59 : i32 to index
    %swap3A_61 = arith.constant 16 : index
    %swap3A_62 = tpu.vector_load %arg11[%swap3A_60, %swap3A_61] {strides = array<i32>} : memref<32x64xf32, #tpu.memory_space<vmem>>, vector<1x16xf32>,
    %swap3A_63 = vector.shape_cast %swap3A_62 : vector<1x16xf32> to vector<16xf32>
    %swap3A_64 = vector.shape_cast %broadcast_in_dim3A_5 : vector<16xf32> to vector<1x16xf32>
    tpu.vector_store %arg11[%swap3A_60, %swap3A_61], %swap3A_64 {strides = array<i32>} : memref<32x64xf32, #tpu.memory_space<vmem>>, vector<1x16xf32>,
    %swap3A_65 = arith.constant 2 : i32
    %swap3A_66 = arith.index_cast %swap3A_65 : i32 to index
    %swap3A_67 = arith.constant 32 : index
    %swap3A_68 = tpu.vector_load %arg11[%swap3A_66, %swap3A_67] {strides = array<i32>} : memref<32x64xf32, #tpu.memory_space<vmem>>, vector<1x16xf32>,
    %swap3A_69 = vector.shape_cast %swap3A_68 : vector<1x16xf32> to vector<16xf32>
    %swap3A_70 = vector.shape_cast %broadcast_in_dim3A_5 : vector<16xf32> to vector<1x16xf32>
    tpu.vector_store %arg11[%swap3A_66, %swap3A_67], %swap3A_70 {strides = array<i32>} : memref<32x64xf32, #tpu.memory_space<vmem>>, vector<1x16xf32>,
    %swap3A_71 = arith.constant 2 : i32
    %swap3A_72 = arith.index_cast %swap3A_71 : i32 to index
    %swap3A_73 = arith.constant 48 : index
    %swap3A_74 = tpu.vector_load %arg11[%swap3A_72, %swap3A_73] {strides = array<i32>} : memref<32x64xf32, #tpu.memory_space<vmem>>, vector<1x16xf32>,
    %swap3A_75 = vector.shape_cast %swap3A_74 : vector<1x16xf32> to vector<16xf32>
    %swap3A_76 = vector.shape_cast %broadcast_in_dim3A_5 : vector<16xf32> to vector<1x16xf32>
    tpu.vector_store %arg11[%swap3A_72, %swap3A_73], %swap3A_76 {strides = array<i32>} : memref<32x64xf32, #tpu.memory_space<vmem>>, vector<1x16xf32>,
    %swap3A_77 = arith.constant 3 : i32
    %swap3A_78 = arith.index_cast %swap3A_77 : i32 to index
    %swap3A_79 = arith.constant 0 : index
    %swap3A_80 = tpu.vector_load %arg11[%swap3A_78, %swap3A_79] {strides = array<i32>} : memref<32x64xf32, #tpu.memory_space<vmem>>, vector<1x16xf32>,
    %swap3A_81 = vector.shape_cast %swap3A_80 : vector<1x16xf32> to vector<16xf32>
    %swap3A_82 = vector.shape_cast %broadcast_in_dim3A_5 : vector<16xf32> to vector<1x16xf32>
    tpu.vector_store %arg11[%swap3A_78, %swap3A_79], %swap3A_82 {strides = array<i32>} : memref<32x64xf32, #tpu.memory_space<vmem>>, vector<1x16xf32>,
    %swap3A_83 = arith.constant 3 : i32
    %swap3A_84 = arith.index_cast %swap3A_83 : i32 to index
    %swap3A_85 = arith.constant 16 : index
    %swap3A_86 = tpu.vector_load %arg11[%swap3A_84, %swap3A_85] {strides = array<i32>} : memref<32x64xf32, #tpu.memory_space<vmem>>, vector<1x16xf32>,
    %swap3A_87 = vector.shape_cast %swap3A_86 : vector<1x16xf32> to vector<16xf32>
    %swap3A_88 = vector.shape_cast %broadcast_in_dim3A_5 : vector<16xf32> to vector<1x16xf32>
    tpu.vector_store %arg11[%swap3A_84, %swap3A_85], %swap3A_88 {strides = array<i32>} : memref<32x64xf32, #tpu.memory_space<vmem>>, vector<1x16xf32>,
    %swap3A_89 = arith.constant 3 : i32
    %swap3A_90 = arith.index_cast %swap3A_89 : i32 to index
    %swap3A_91 = arith.constant 32 : index
    %swap3A_92 = tpu.vector_load %arg11[%swap3A_90, %swap3A_91] {strides = array<i32>} : memref<32x64xf32, #tpu.memory_space<vmem>>, vector<1x16xf32>,
    %swap3A_93 = vector.shape_cast %swap3A_92 : vector<1x16xf32> to vector<16xf32>
    %swap3A_94 = vector.shape_cast %broadcast_in_dim3A_5 : vector<16xf32> to vector<1x16xf32>
    tpu.vector_store %arg11[%swap3A_90, %swap3A_91], %swap3A_94 {strides = array<i32>} : memref<32x64xf32, #tpu.memory_space<vmem>>, vector<1x16xf32>,
    %swap3A_95 = arith.constant 3 : i32
    %swap3A_96 = arith.index_cast %swap3A_95 : i32 to index
    %swap3A_97 = arith.constant 48 : index
    %swap3A_98 = tpu.vector_load %arg11[%swap3A_96, %swap3A_97] {strides = array<i32>} : memref<32x64xf32, #tpu.memory_space<vmem>>, vector<1x16xf32>,
    %swap3A_99 = vector.shape_cast %swap3A_98 : vector<1x16xf32> to vector<16xf32>
    %swap3A_100 = vector.shape_cast %broadcast_in_dim3A_5 : vector<16xf32> to vector<1x16xf32>
    tpu.vector_store %arg11[%swap3A_96, %swap3A_97], %swap3A_100 {strides = array<i32>} : memref<32x64xf32, #tpu.memory_space<vmem>>, vector<1x16xf32>,
    %swap3A_101 = arith.constant 4 : i32
    %swap3A_102 = arith.index_cast %swap3A_101 : i32 to index
    %swap3A_103 = arith.constant 0 : index
    %swap3A_104 = tpu.vector_load %arg11[%swap3A_102, %swap3A_103] {strides = array<i32>} : memref<32x64xf32, #tpu.memory_space<vmem>>, vector<1x16xf32>,
    %swap3A_105 = vector.shape_cast %swap3A_104 : vector<1x16xf32> to vector<16xf32>
    %swap3A_106 = vector.shape_cast %broadcast_in_dim3A_5 : vector<16xf32> to vector<1x16xf32>
    tpu.vector_store %arg11[%swap3A_102, %swap3A_103], %swap3A_106 {strides = array<i32>} : memref<32x64xf32, #tpu.memory_space<vmem>>, vector<1x16xf32>,
    %swap3A_107 = arith.constant 4 : i32
    %swap3A_108 = arith.index_cast %swap3A_107 : i32 to index
    %swap3A_109 = arith.constant 16 : index
    %swap3A_110 = tpu.vector_load %arg11[%swap3A_108, %swap3A_109] {strides = array<i32>} : memref<32x64xf32, #tpu.memory_space<vmem>>, vector<1x16xf32>,
    %swap3A_111 = vector.shape_cast %swap3A_110 : vector<1x16xf32> to vector<16xf32>
    %swap3A_112 = vector.shape_cast %broadcast_in_dim3A_5 : vector<16xf32> to vector<1x16xf32>
    tpu.vector_store %arg11[%swap3A_108, %swap3A_109], %swap3A_112 {strides = array<i32>} : memref<32x64xf32, #tpu.memory_space<vmem>>, vector<1x16xf32>,
    %swap3A_113 = arith.constant 4 : i32
    %swap3A_114 = arith.index_cast %swap3A_113 : i32 to index
    %swap3A_115 = arith.constant 32 : index
    %swap3A_116 = tpu.vector_load %arg11[%swap3A_114, %swap3A_115] {strides = array<i32>} : memref<32x64xf32, #tpu.memory_space<vmem>>, vector<1x16xf32>,
    %swap3A_117 = vector.shape_cast %swap3A_116 : vector<1x16xf32> to vector<16xf32>
    %swap3A_118 = vector.shape_cast %broadcast_in_dim3A_5 : vector<16xf32> to vector<1x16xf32>
    tpu.vector_store %arg11[%swap3A_114, %swap3A_115], %swap3A_118 {strides = array<i32>} : memref<32x64xf32, #tpu.memory_space<vmem>>, vector<1x16xf32>,
    %swap3A_119 = arith.constant 4 : i32
    %swap3A_120 = arith.index_cast %swap3A_119 : i32 to index
    %swap3A_121 = arith.constant 48 : index
    %swap3A_122 = tpu.vector_load %arg11[%swap3A_120, %swap3A_121] {strides = array<i32>} : memref<32x64xf32, #tpu.memory_space<vmem>>, vector<1x16xf32>,
    %swap3A_123 = vector.shape_cast %swap3A_122 : vector<1x16xf32> to vector<16xf32>
    %swap3A_124 = vector.shape_cast %broadcast_in_dim3A_5 : vector<16xf32> to vector<1x16xf32>
    tpu.vector_store %arg11[%swap3A_120, %swap3A_121], %swap3A_124 {strides = array<i32>} : memref<32x64xf32, #tpu.memory_space<vmem>>, vector<1x16xf32>,
    %swap3A_125 = arith.constant 5 : i32
    %swap3A_126 = arith.index_cast %swap3A_125 : i32 to index
    %swap3A_127 = arith.constant 0 : index
    %swap3A_128 = tpu.vector_load %arg11[%swap3A_126, %swap3A_127] {strides = array<i32>} : memref<32x64xf32, #tpu.memory_space<vmem>>, vector<1x16xf32>,
    %swap3A_129 = vector.shape_cast %swap3A_128 : vector<1x16xf32> to vector<16xf32>
    %swap3A_130 = vector.shape_cast %broadcast_in_dim3A_5 : vector<16xf32> to vector<1x16xf32>
    tpu.vector_store %arg11[%swap3A_126, %swap3A_127], %swap3A_130 {strides = array<i32>} : memref<32x64xf32, #tpu.memory_space<vmem>>, vector<1x16xf32>,
    %swap3A_131 = arith.constant 5 : i32
    %swap3A_132 = arith.index_cast %swap3A_131 : i32 to index
    %swap3A_133 = arith.constant 16 : index
    %swap3A_134 = tpu.vector_load %arg11[%swap3A_132, %swap3A_133] {strides = array<i32>} : memref<32x64xf32, #tpu.memory_space<vmem>>, vector<1x16xf32>,
    %swap3A_135 = vector.shape_cast %swap3A_134 : vector<1x16xf32> to vector<16xf32>
    %swap3A_136 = vector.shape_cast %broadcast_in_dim3A_5 : vector<16xf32> to vector<1x16xf32>
    tpu.vector_store %arg11[%swap3A_132, %swap3A_133], %swap3A_136 {strides = array<i32>} : memref<32x64xf32, #tpu.memory_space<vmem>>, vector<1x16xf32>,
    %swap3A_137 = arith.constant 5 : i32
    %swap3A_138 = arith.index_cast %swap3A_137 : i32 to index
    %swap3A_139 = arith.constant 32 : index
    %swap3A_140 = tpu.vector_load %arg11[%swap3A_138, %swap3A_139] {strides = array<i32>} : memref<32x64xf32, #tpu.memory_space<vmem>>, vector<1x16xf32>,
    %swap3A_141 = vector.shape_cast %swap3A_140 : vector<1x16xf32> to vector<16xf32>
    %swap3A_142 = vector.shape_cast %broadcast_in_dim3A_5 : vector<16xf32> to vector<1x16xf32>
    tpu.vector_store %arg11[%swap3A_138, %swap3A_139], %swap3A_142 {strides = array<i32>} : memref<32x64xf32, #tpu.memory_space<vmem>>, vector<1x16xf32>,
    %swap3A_143 = arith.constant 5 : i32
    %swap3A_144 = arith.index_cast %swap3A_143 : i32 to index
    %swap3A_145 = arith.constant 48 : index
    %swap3A_146 = tpu.vector_load %arg11[%swap3A_144, %swap3A_145] {strides = array<i32>} : memref<32x64xf32, #tpu.memory_space<vmem>>, vector<1x16xf32>,
    %swap3A_147 = vector.shape_cast %swap3A_146 : vector<1x16xf32> to vector<16xf32>
    %swap3A_148 = vector.shape_cast %broadcast_in_dim3A_5 : vector<16xf32> to vector<1x16xf32>
    tpu.vector_store %arg11[%swap3A_144, %swap3A_145], %swap3A_148 {strides = array<i32>} : memref<32x64xf32, #tpu.memory_space<vmem>>, vector<1x16xf32>,
    %swap3A_149 = arith.constant 6 : i32
    %swap3A_150 = arith.index_cast %swap3A_149 : i32 to index
    %swap3A_151 = arith.constant 0 : index
    %swap3A_152 = tpu.vector_load %arg11[%swap3A_150, %swap3A_151] {strides = array<i32>} : memref<32x64xf32, #tpu.memory_space<vmem>>, vector<1x16xf32>,
    %swap3A_153 = vector.shape_cast %swap3A_152 : vector<1x16xf32> to vector<16xf32>
    %swap3A_154 = vector.shape_cast %broadcast_in_dim3A_5 : vector<16xf32> to vector<1x16xf32>
    tpu.vector_store %arg11[%swap3A_150, %swap3A_151], %swap3A_154 {strides = array<i32>} : memref<32x64xf32, #tpu.memory_space<vmem>>, vector<1x16xf32>,
    %swap3A_155 = arith.constant 6 : i32
    %swap3A_156 = arith.index_cast %swap3A_155 : i32 to index
    %swap3A_157 = arith.constant 16 : index
    %swap3A_158 = tpu.vector_load %arg11[%swap3A_156, %swap3A_157] {strides = array<i32>} : memref<32x64xf32, #tpu.memory_space<vmem>>, vector<1x16xf32>,
    %swap3A_159 = vector.shape_cast %swap3A_158 : vector<1x16xf32> to vector<16xf32>
    %swap3A_160 = vector.shape_cast %broadcast_in_dim3A_5 : vector<16xf32> to vector<1x16xf32>
    tpu.vector_store %arg11[%swap3A_156, %swap3A_157], %swap3A_160 {strides = array<i32>} : memref<32x64xf32, #tpu.memory_space<vmem>>, vector<1x16xf32>,
    %swap3A_161 = arith.constant 6 : i32
    %swap3A_162 = arith.index_cast %swap3A_161 : i32 to index
    %swap3A_163 = arith.constant 32 : index
    %swap3A_164 = tpu.vector_load %arg11[%swap3A_162, %swap3A_163] {strides = array<i32>} : memref<32x64xf32, #tpu.memory_space<vmem>>, vector<1x16xf32>,
    %swap3A_165 = vector.shape_cast %swap3A_164 : vector<1x16xf32> to vector<16xf32>
    %swap3A_166 = vector.shape_cast %broadcast_in_dim3A_5 : vector<16xf32> to vector<1x16xf32>
    tpu.vector_store %arg11[%swap3A_162, %swap3A_163], %swap3A_166 {strides = array<i32>} : memref<32x64xf32, #tpu.memory_space<vmem>>, vector<1x16xf32>,
    %swap3A_167 = arith.constant 6 : i32
    %swap3A_168 = arith.index_cast %swap3A_167 : i32 to index
    %swap3A_169 = arith.constant 48 : index
    %swap3A_170 = tpu.vector_load %arg11[%swap3A_168, %swap3A_169] {strides = array<i32>} : memref<32x64xf32, #tpu.memory_space<vmem>>, vector<1x16xf32>,
    %swap3A_171 = vector.shape_cast %swap3A_170 : vector<1x16xf32> to vector<16xf32>
    %swap3A_172 = vector.shape_cast %broadcast_in_dim3A_5 : vector<16xf32> to vector<1x16xf32>
    tpu.vector_store %arg11[%swap3A_168, %swap3A_169], %swap3A_172 {strides = array<i32>} : memref<32x64xf32, #tpu.memory_space<vmem>>, vector<1x16xf32>,
    %swap3A_173 = arith.constant 7 : i32
    %swap3A_174 = arith.index_cast %swap3A_173 : i32 to index
    %swap3A_175 = arith.constant 0 : index
    %swap3A_176 = tpu.vector_load %arg11[%swap3A_174, %swap3A_175] {strides = array<i32>} : memref<32x64xf32, #tpu.memory_space<vmem>>, vector<1x16xf32>,
    %swap3A_177 = vector.shape_cast %swap3A_176 : vector<1x16xf32> to vector<16xf32>
    %swap3A_178 = vector.shape_cast %broadcast_in_dim3A_5 : vector<16xf32> to vector<1x16xf32>
    tpu.vector_store %arg11[%swap3A_174, %swap3A_175], %swap3A_178 {strides = array<i32>} : memref<32x64xf32, #tpu.memory_space<vmem>>, vector<1x16xf32>,
    %swap3A_179 = arith.constant 7 : i32
    %swap3A_180 = arith.index_cast %swap3A_179 : i32 to index
    %swap3A_181 = arith.constant 16 : index
    %swap3A_182 = tpu.vector_load %arg11[%swap3A_180, %swap3A_181] {strides = array<i32>} : memref<32x64xf32, #tpu.memory_space<vmem>>, vector<1x16xf32>,
    %swap3A_183 = vector.shape_cast %swap3A_182 : vector<1x16xf32> to vector<16xf32>
    %swap3A_184 = vector.shape_cast %broadcast_in_dim3A_5 : vector<16xf32> to vector<1x16xf32>
    tpu.vector_store %arg11[%swap3A_180, %swap3A_181], %swap3A_184 {strides = array<i32>} : memref<32x64xf32, #tpu.memory_space<vmem>>, vector<1x16xf32>,
    %swap3A_185 = arith.constant 7 : i32
    %swap3A_186 = arith.index_cast %swap3A_185 : i32 to index
    %swap3A_187 = arith.constant 32 : index
    %swap3A_188 = tpu.vector_load %arg11[%swap3A_186, %swap3A_187] {strides = array<i32>} : memref<32x64xf32, #tpu.memory_space<vmem>>, vector<1x16xf32>,
    %swap3A_189 = vector.shape_cast %swap3A_188 : vector<1x16xf32> to vector<16xf32>
    %swap3A_190 = vector.shape_cast %broadcast_in_dim3A_5 : vector<16xf32> to vector<1x16xf32>
    tpu.vector_store %arg11[%swap3A_186, %swap3A_187], %swap3A_190 {strides = array<i32>} : memref<32x64xf32, #tpu.memory_space<vmem>>, vector<1x16xf32>,
    %swap3A_191 = arith.constant 7 : i32
    %swap3A_192 = arith.index_cast %swap3A_191 : i32 to index
    %swap3A_193 = arith.constant 48 : index
    %swap3A_194 = tpu.vector_load %arg11[%swap3A_192, %swap3A_193] {strides = array<i32>} : memref<32x64xf32, #tpu.memory_space<vmem>>, vector<1x16xf32>,
    %swap3A_195 = vector.shape_cast %swap3A_194 : vector<1x16xf32> to vector<16xf32>
    %swap3A_196 = vector.shape_cast %broadcast_in_dim3A_5 : vector<16xf32> to vector<1x16xf32>
    tpu.vector_store %arg11[%swap3A_192, %swap3A_193], %swap3A_196 {strides = array<i32>} : memref<32x64xf32, #tpu.memory_space<vmem>>, vector<1x16xf32>,
    %swap3A_197 = arith.constant 8 : i32
    %swap3A_198 = arith.index_cast %swap3A_197 : i32 to index
    %swap3A_199 = arith.constant 0 : index
    %swap3A_200 = tpu.vector_load %arg11[%swap3A_198, %swap3A_199] {strides = array<i32>} : memref<32x64xf32, #tpu.memory_space<vmem>>, vector<1x16xf32>,
    %swap3A_201 = vector.shape_cast %swap3A_200 : vector<1x16xf32> to vector<16xf32>
    %swap3A_202 = vector.shape_cast %broadcast_in_dim3A_5 : vector<16xf32> to vector<1x16xf32>
    tpu.vector_store %arg11[%swap3A_198, %swap3A_199], %swap3A_202 {strides = array<i32>} : memref<32x64xf32, #tpu.memory_space<vmem>>, vector<1x16xf32>,
    %swap3A_203 = arith.constant 8 : i32
    %swap3A_204 = arith.index_cast %swap3A_203 : i32 to index
    %swap3A_205 = arith.constant 16 : index
    %swap3A_206 = tpu.vector_load %arg11[%swap3A_204, %swap3A_205] {strides = array<i32>} : memref<32x64xf32, #tpu.memory_space<vmem>>, vector<1x16xf32>,
    %swap3A_207 = vector.shape_cast %swap3A_206 : vector<1x16xf32> to vector<16xf32>
    %swap3A_208 = vector.shape_cast %broadcast_in_dim3A_5 : vector<16xf32> to vector<1x16xf32>
    tpu.vector_store %arg11[%swap3A_204, %swap3A_205], %swap3A_208 {strides = array<i32>} : memref<32x64xf32, #tpu.memory_space<vmem>>, vector<1x16xf32>,
    %swap3A_209 = arith.constant 8 : i32
    %swap3A_210 = arith.index_cast %swap3A_209 : i32 to index
    %swap3A_211 = arith.constant 32 : index
    %swap3A_212 = tpu.vector_load %arg11[%swap3A_210, %swap3A_211] {strides = array<i32>} : memref<32x64xf32, #tpu.memory_space<vmem>>, vector<1x16xf32>,
    %swap3A_213 = vector.shape_cast %swap3A_212 : vector<1x16xf32> to vector<16xf32>
    %swap3A_214 = vector.shape_cast %broadcast_in_dim3A_5 : vector<16xf32> to vector<1x16xf32>
    tpu.vector_store %arg11[%swap3A_210, %swap3A_211], %swap3A_214 {strides = array<i32>} : memref<32x64xf32, #tpu.memory_space<vmem>>, vector<1x16xf32>,
    %swap3A_215 = arith.constant 8 : i32
    %swap3A_216 = arith.index_cast %swap3A_215 : i32 to index
    %swap3A_217 = arith.constant 48 : index
    %swap3A_218 = tpu.vector_load %arg11[%swap3A_216, %swap3A_217] {strides = array<i32>} : memref<32x64xf32, #tpu.memory_space<vmem>>, vector<1x16xf32>,
    %swap3A_219 = vector.shape_cast %swap3A_218 : vector<1x16xf32> to vector<16xf32>
    %swap3A_220 = vector.shape_cast %broadcast_in_dim3A_5 : vector<16xf32> to vector<1x16xf32>
    tpu.vector_store %arg11[%swap3A_216, %swap3A_217], %swap3A_220 {strides = array<i32>} : memref<32x64xf32, #tpu.memory_space<vmem>>, vector<1x16xf32>,
    %swap3A_221 = arith.constant 9 : i32
    %swap3A_222 = arith.index_cast %swap3A_221 : i32 to index
    %swap3A_223 = arith.constant 0 : index
    %swap3A_224 = tpu.vector_load %arg11[%swap3A_222, %swap3A_223] {strides = array<i32>} : memref<32x64xf32, #tpu.memory_space<vmem>>, vector<1x16xf32>,
    %swap3A_225 = vector.shape_cast %swap3A_224 : vector<1x16xf32> to vector<16xf32>
    %swap3A_226 = vector.shape_cast %broadcast_in_dim3A_5 : vector<16xf32> to vector<1x16xf32>
    tpu.vector_store %arg11[%swap3A_222, %swap3A_223], %swap3A_226 {strides = array<i32>} : memref<32x64xf32, #tpu.memory_space<vmem>>, vector<1x16xf32>,
    %swap3A_227 = arith.constant 9 : i32
    %swap3A_228 = arith.index_cast %swap3A_227 : i32 to index
    %swap3A_229 = arith.constant 16 : index
    %swap3A_230 = tpu.vector_load %arg11[%swap3A_228, %swap3A_229] {strides = array<i32>} : memref<32x64xf32, #tpu.memory_space<vmem>>, vector<1x16xf32>,
    %swap3A_231 = vector.shape_cast %swap3A_230 : vector<1x16xf32> to vector<16xf32>
    %swap3A_232 = vector.shape_cast %broadcast_in_dim3A_5 : vector<16xf32> to vector<1x16xf32>
    tpu.vector_store %arg11[%swap3A_228, %swap3A_229], %swap3A_232 {strides = array<i32>} : memref<32x64xf32, #tpu.memory_space<vmem>>, vector<1x16xf32>,
    %swap3A_233 = arith.constant 9 : i32
    %swap3A_234 = arith.index_cast %swap3A_233 : i32 to index
    %swap3A_235 = arith.constant 32 : index
    %swap3A_236 = tpu.vector_load %arg11[%swap3A_234, %swap3A_235] {strides = array<i32>} : memref<32x64xf32, #tpu.memory_space<vmem>>, vector<1x16xf32>,
    %swap3A_237 = vector.shape_cast %swap3A_236 : vector<1x16xf32> to vector<16xf32>
    %swap3A_238 = vector.shape_cast %broadcast_in_dim3A_5 : vector<16xf32> to vector<1x16xf32>
    tpu.vector_store %arg11[%swap3A_234, %swap3A_235], %swap3A_238 {strides = array<i32>} : memref<32x64xf32, #tpu.memory_space<vmem>>, vector<1x16xf32>,
    %swap3A_239 = arith.constant 9 : i32
    %swap3A_240 = arith.index_cast %swap3A_239 : i32 to index
    %swap3A_241 = arith.constant 48 : index
    %swap3A_242 = tpu.vector_load %arg11[%swap3A_240, %swap3A_241] {strides = array<i32>} : memref<32x64xf32, #tpu.memory_space<vmem>>, vector<1x16xf32>,
    %swap3A_243 = vector.shape_cast %swap3A_242 : vector<1x16xf32> to vector<16xf32>
    %swap3A_244 = vector.shape_cast %broadcast_in_dim3A_5 : vector<16xf32> to vector<1x16xf32>
    tpu.vector_store %arg11[%swap3A_240, %swap3A_241], %swap3A_244 {strides = array<i32>} : memref<32x64xf32, #tpu.memory_space<vmem>>, vector<1x16xf32>,
    %swap3A_245 = arith.constant 10 : i32
    %swap3A_246 = arith.index_cast %swap3A_245 : i32 to index
    %swap3A_247 = arith.constant 0 : index
    %swap3A_248 = tpu.vector_load %arg11[%swap3A_246, %swap3A_247] {strides = array<i32>} : memref<32x64xf32, #tpu.memory_space<vmem>>, vector<1x16xf32>,
    %swap3A_249 = vector.shape_cast %swap3A_248 : vector<1x16xf32> to vector<16xf32>
    %swap3A_250 = vector.shape_cast %broadcast_in_dim3A_5 : vector<16xf32> to vector<1x16xf32>
    tpu.vector_store %arg11[%swap3A_246, %swap3A_247], %swap3A_250 {strides = array<i32>} : memref<32x64xf32, #tpu.memory_space<vmem>>, vector<1x16xf32>,
    %swap3A_251 = arith.constant 10 : i32
    %swap3A_252 = arith.index_cast %swap3A_251 : i32 to index
    %swap3A_253 = arith.constant 16 : index
    %swap3A_254 = tpu.vector_load %arg11[%swap3A_252, %swap3A_253] {strides = array<i32>} : memref<32x64xf32, #tpu.memory_space<vmem>>, vector<1x16xf32>,
    %swap3A_255 = vector.shape_cast %swap3A_254 : vector<1x16xf32> to vector<16xf32>
    %swap3A_256 = vector.shape_cast %broadcast_in_dim3A_5 : vector<16xf32> to vector<1x16xf32>
    tpu.vector_store %arg11[%swap3A_252, %swap3A_253], %swap3A_256 {strides = array<i32>} : memref<32x64xf32, #tpu.memory_space<vmem>>, vector<1x16xf32>,
    %swap3A_257 = arith.constant 10 : i32
    %swap3A_258 = arith.index_cast %swap3A_257 : i32 to index
    %swap3A_259 = arith.constant 32 : index
    %swap3A_260 = tpu.vector_load %arg11[%swap3A_258, %swap3A_259] {strides = array<i32>} : memref<32x64xf32, #tpu.memory_space<vmem>>, vector<1x16xf32>,
    %swap3A_261 = vector.shape_cast %swap3A_260 : vector<1x16xf32> to vector<16xf32>
    %swap3A_262 = vector.shape_cast %broadcast_in_dim3A_5 : vector<16xf32> to vector<1x16xf32>
    tpu.vector_store %arg11[%swap3A_258, %swap3A_259], %swap3A_262 {strides = array<i32>} : memref<32x64xf32, #tpu.memory_space<vmem>>, vector<1x16xf32>,
    %swap3A_263 = arith.constant 10 : i32
    %swap3A_264 = arith.index_cast %swap3A_263 : i32 to index
    %swap3A_265 = arith.constant 48 : index
    %swap3A_266 = tpu.vector_load %arg11[%swap3A_264, %swap3A_265] {strides = array<i32>} : memref<32x64xf32, #tpu.memory_space<vmem>>, vector<1x16xf32>,
    %swap3A_267 = vector.shape_cast %swap3A_266 : vector<1x16xf32> to vector<16xf32>
    %swap3A_268 = vector.shape_cast %broadcast_in_dim3A_5 : vector<16xf32> to vector<1x16xf32>
    tpu.vector_store %arg11[%swap3A_264, %swap3A_265], %swap3A_268 {strides = array<i32>} : memref<32x64xf32, #tpu.memory_space<vmem>>, vector<1x16xf32>,
    %swap3A_269 = arith.constant 11 : i32
    %swap3A_270 = arith.index_cast %swap3A_269 : i32 to index
    %swap3A_271 = arith.constant 0 : index
    %swap3A_272 = tpu.vector_load %arg11[%swap3A_270, %swap3A_271] {strides = array<i32>} : memref<32x64xf32, #tpu.memory_space<vmem>>, vector<1x16xf32>,
    %swap3A_273 = vector.shape_cast %swap3A_272 : vector<1x16xf32> to vector<16xf32>
    %swap3A_274 = vector.shape_cast %broadcast_in_dim3A_5 : vector<16xf32> to vector<1x16xf32>
    tpu.vector_store %arg11[%swap3A_270, %swap3A_271], %swap3A_274 {strides = array<i32>} : memref<32x64xf32, #tpu.memory_space<vmem>>, vector<1x16xf32>,
    %swap3A_275 = arith.constant 11 : i32
    %swap3A_276 = arith.index_cast %swap3A_275 : i32 to index
    %swap3A_277 = arith.constant 16 : index
    %swap3A_278 = tpu.vector_load %arg11[%swap3A_276, %swap3A_277] {strides = array<i32>} : memref<32x64xf32, #tpu.memory_space<vmem>>, vector<1x16xf32>,
    %swap3A_279 = vector.shape_cast %swap3A_278 : vector<1x16xf32> to vector<16xf32>
    %swap3A_280 = vector.shape_cast %broadcast_in_dim3A_5 : vector<16xf32> to vector<1x16xf32>
    tpu.vector_store %arg11[%swap3A_276, %swap3A_277], %swap3A_280 {strides = array<i32>} : memref<32x64xf32, #tpu.memory_space<vmem>>, vector<1x16xf32>,
    %swap3A_281 = arith.constant 11 : i32
    %swap3A_282 = arith.index_cast %swap3A_281 : i32 to index
    %swap3A_283 = arith.constant 32 : index
    %swap3A_284 = tpu.vector_load %arg11[%swap3A_282, %swap3A_283] {strides = array<i32>} : memref<32x64xf32, #tpu.memory_space<vmem>>, vector<1x16xf32>,
    %swap3A_285 = vector.shape_cast %swap3A_284 : vector<1x16xf32> to vector<16xf32>
    %swap3A_286 = vector.shape_cast %broadcast_in_dim3A_5 : vector<16xf32> to vector<1x16xf32>
    tpu.vector_store %arg11[%swap3A_282, %swap3A_283], %swap3A_286 {strides = array<i32>} : memref<32x64xf32, #tpu.memory_space<vmem>>, vector<1x16xf32>,
    %swap3A_287 = arith.constant 11 : i32
    %swap3A_288 = arith.index_cast %swap3A_287 : i32 to index
    %swap3A_289 = arith.constant 48 : index
    %swap3A_290 = tpu.vector_load %arg11[%swap3A_288, %swap3A_289] {strides = array<i32>} : memref<32x64xf32, #tpu.memory_space<vmem>>, vector<1x16xf32>,
    %swap3A_291 = vector.shape_cast %swap3A_290 : vector<1x16xf32> to vector<16xf32>
    %swap3A_292 = vector.shape_cast %broadcast_in_dim3A_5 : vector<16xf32> to vector<1x16xf32>
    tpu.vector_store %arg11[%swap3A_288, %swap3A_289], %swap3A_292 {strides = array<i32>} : memref<32x64xf32, #tpu.memory_space<vmem>>, vector<1x16xf32>,
    %swap3A_293 = arith.constant 12 : i32
    %swap3A_294 = arith.index_cast %swap3A_293 : i32 to index
    %swap3A_295 = arith.constant 0 : index
    %swap3A_296 = tpu.vector_load %arg11[%swap3A_294, %swap3A_295] {strides = array<i32>} : memref<32x64xf32, #tpu.memory_space<vmem>>, vector<1x16xf32>,
    %swap3A_297 = vector.shape_cast %swap3A_296 : vector<1x16xf32> to vector<16xf32>
    %swap3A_298 = vector.shape_cast %broadcast_in_dim3A_5 : vector<16xf32> to vector<1x16xf32>
    tpu.vector_store %arg11[%swap3A_294, %swap3A_295], %swap3A_298 {strides = array<i32>} : memref<32x64xf32, #tpu.memory_space<vmem>>, vector<1x16xf32>,
    %swap3A_299 = arith.constant 12 : i32
    %swap3A_300 = arith.index_cast %swap3A_299 : i32 to index
    %swap3A_301 = arith.constant 16 : index
    %swap3A_302 = tpu.vector_load %arg11[%swap3A_300, %swap3A_301] {strides = array<i32>} : memref<32x64xf32, #tpu.memory_space<vmem>>, vector<1x16xf32>,
    %swap3A_303 = vector.shape_cast %swap3A_302 : vector<1x16xf32> to vector<16xf32>
    %swap3A_304 = vector.shape_cast %broadcast_in_dim3A_5 : vector<16xf32> to vector<1x16xf32>
    tpu.vector_store %arg11[%swap3A_300, %swap3A_301], %swap3A_304 {strides = array<i32>} : memref<32x64xf32, #tpu.memory_space<vmem>>, vector<1x16xf32>,
    %swap3A_305 = arith.constant 12 : i32
    %swap3A_306 = arith.index_cast %swap3A_305 : i32 to index
    %swap3A_307 = arith.constant 32 : index
    %swap3A_308 = tpu.vector_load %arg11[%swap3A_306, %swap3A_307] {strides = array<i32>} : memref<32x64xf32, #tpu.memory_space<vmem>>, vector<1x16xf32>,
    %swap3A_309 = vector.shape_cast %swap3A_308 : vector<1x16xf32> to vector<16xf32>
    %swap3A_310 = vector.shape_cast %broadcast_in_dim3A_5 : vector<16xf32> to vector<1x16xf32>
    tpu.vector_store %arg11[%swap3A_306, %swap3A_307], %swap3A_310 {strides = array<i32>} : memref<32x64xf32, #tpu.memory_space<vmem>>, vector<1x16xf32>,
    %swap3A_311 = arith.constant 12 : i32
    %swap3A_312 = arith.index_cast %swap3A_311 : i32 to index
    %swap3A_313 = arith.constant 48 : index
    %swap3A_314 = tpu.vector_load %arg11[%swap3A_312, %swap3A_313] {strides = array<i32>} : memref<32x64xf32, #tpu.memory_space<vmem>>, vector<1x16xf32>,
    %swap3A_315 = vector.shape_cast %swap3A_314 : vector<1x16xf32> to vector<16xf32>
    %swap3A_316 = vector.shape_cast %broadcast_in_dim3A_5 : vector<16xf32> to vector<1x16xf32>
    tpu.vector_store %arg11[%swap3A_312, %swap3A_313], %swap3A_316 {strides = array<i32>} : memref<32x64xf32, #tpu.memory_space<vmem>>, vector<1x16xf32>,
    %swap3A_317 = arith.constant 13 : i32
    %swap3A_318 = arith.index_cast %swap3A_317 : i32 to index
    %swap3A_319 = arith.constant 0 : index
    %swap3A_320 = tpu.vector_load %arg11[%swap3A_318, %swap3A_319] {strides = array<i32>} : memref<32x64xf32, #tpu.memory_space<vmem>>, vector<1x16xf32>,
    %swap3A_321 = vector.shape_cast %swap3A_320 : vector<1x16xf32> to vector<16xf32>
    %swap3A_322 = vector.shape_cast %broadcast_in_dim3A_5 : vector<16xf32> to vector<1x16xf32>
    tpu.vector_store %arg11[%swap3A_318, %swap3A_319], %swap3A_322 {strides = array<i32>} : memref<32x64xf32, #tpu.memory_space<vmem>>, vector<1x16xf32>,
    %swap3A_323 = arith.constant 13 : i32
    %swap3A_324 = arith.index_cast %swap3A_323 : i32 to index
    %swap3A_325 = arith.constant 16 : index
    %swap3A_326 = tpu.vector_load %arg11[%swap3A_324, %swap3A_325] {strides = array<i32>} : memref<32x64xf32, #tpu.memory_space<vmem>>, vector<1x16xf32>,
    %swap3A_327 = vector.shape_cast %swap3A_326 : vector<1x16xf32> to vector<16xf32>
    %swap3A_328 = vector.shape_cast %broadcast_in_dim3A_5 : vector<16xf32> to vector<1x16xf32>
    tpu.vector_store %arg11[%swap3A_324, %swap3A_325], %swap3A_328 {strides = array<i32>} : memref<32x64xf32, #tpu.memory_space<vmem>>, vector<1x16xf32>,
    %swap3A_329 = arith.constant 13 : i32
    %swap3A_330 = arith.index_cast %swap3A_329 : i32 to index
    %swap3A_331 = arith.constant 32 : index
    %swap3A_332 = tpu.vector_load %arg11[%swap3A_330, %swap3A_331] {strides = array<i32>} : memref<32x64xf32, #tpu.memory_space<vmem>>, vector<1x16xf32>,
    %swap3A_333 = vector.shape_cast %swap3A_332 : vector<1x16xf32> to vector<16xf32>
    %swap3A_334 = vector.shape_cast %broadcast_in_dim3A_5 : vector<16xf32> to vector<1x16xf32>
    tpu.vector_store %arg11[%swap3A_330, %swap3A_331], %swap3A_334 {strides = array<i32>} : memref<32x64xf32, #tpu.memory_space<vmem>>, vector<1x16xf32>,
    %swap3A_335 = arith.constant 13 : i32
    %swap3A_336 = arith.index_cast %swap3A_335 : i32 to index
    %swap3A_337 = arith.constant 48 : index
    %swap3A_338 = tpu.vector_load %arg11[%swap3A_336, %swap3A_337] {strides = array<i32>} : memref<32x64xf32, #tpu.memory_space<vmem>>, vector<1x16xf32>,
    %swap3A_339 = vector.shape_cast %swap3A_338 : vector<1x16xf32> to vector<16xf32>
    %swap3A_340 = vector.shape_cast %broadcast_in_dim3A_5 : vector<16xf32> to vector<1x16xf32>
    tpu.vector_store %arg11[%swap3A_336, %swap3A_337], %swap3A_340 {strides = array<i32>} : memref<32x64xf32, #tpu.memory_space<vmem>>, vector<1x16xf32>,
    %swap3A_341 = arith.constant 14 : i32
    %swap3A_342 = arith.index_cast %swap3A_341 : i32 to index
    %swap3A_343 = arith.constant 0 : index
    %swap3A_344 = tpu.vector_load %arg11[%swap3A_342, %swap3A_343] {strides = array<i32>} : memref<32x64xf32, #tpu.memory_space<vmem>>, vector<1x16xf32>,
    %swap3A_345 = vector.shape_cast %swap3A_344 : vector<1x16xf32> to vector<16xf32>
    %swap3A_346 = vector.shape_cast %broadcast_in_dim3A_5 : vector<16xf32> to vector<1x16xf32>
    tpu.vector_store %arg11[%swap3A_342, %swap3A_343], %swap3A_346 {strides = array<i32>} : memref<32x64xf32, #tpu.memory_space<vmem>>, vector<1x16xf32>,
    %swap3A_347 = arith.constant 14 : i32
    %swap3A_348 = arith.index_cast %swap3A_347 : i32 to index
    %swap3A_349 = arith.constant 16 : index
    %swap3A_350 = tpu.vector_load %arg11[%swap3A_348, %swap3A_349] {strides = array<i32>} : memref<32x64xf32, #tpu.memory_space<vmem>>, vector<1x16xf32>,
    %swap3A_351 = vector.shape_cast %swap3A_350 : vector<1x16xf32> to vector<16xf32>
    %swap3A_352 = vector.shape_cast %broadcast_in_dim3A_5 : vector<16xf32> to vector<1x16xf32>
    tpu.vector_store %arg11[%swap3A_348, %swap3A_349], %swap3A_352 {strides = array<i32>} : memref<32x64xf32, #tpu.memory_space<vmem>>, vector<1x16xf32>,
    %swap3A_353 = arith.constant 14 : i32
    %swap3A_354 = arith.index_cast %swap3A_353 : i32 to index
    %swap3A_355 = arith.constant 32 : index
    %swap3A_356 = tpu.vector_load %arg11[%swap3A_354, %swap3A_355] {strides = array<i32>} : memref<32x64xf32, #tpu.memory_space<vmem>>, vector<1x16xf32>,
    %swap3A_357 = vector.shape_cast %swap3A_356 : vector<1x16xf32> to vector<16xf32>
    %swap3A_358 = vector.shape_cast %broadcast_in_dim3A_5 : vector<16xf32> to vector<1x16xf32>
    tpu.vector_store %arg11[%swap3A_354, %swap3A_355], %swap3A_358 {strides = array<i32>} : memref<32x64xf32, #tpu.memory_space<vmem>>, vector<1x16xf32>,
    %swap3A_359 = arith.constant 14 : i32
    %swap3A_360 = arith.index_cast %swap3A_359 : i32 to index
    %swap3A_361 = arith.constant 48 : index
    %swap3A_362 = tpu.vector_load %arg11[%swap3A_360, %swap3A_361] {strides = array<i32>} : memref<32x64xf32, #tpu.memory_space<vmem>>, vector<1x16xf32>,
    %swap3A_363 = vector.shape_cast %swap3A_362 : vector<1x16xf32> to vector<16xf32>
    %swap3A_364 = vector.shape_cast %broadcast_in_dim3A_5 : vector<16xf32> to vector<1x16xf32>
    tpu.vector_store %arg11[%swap3A_360, %swap3A_361], %swap3A_364 {strides = array<i32>} : memref<32x64xf32, #tpu.memory_space<vmem>>, vector<1x16xf32>,
    %swap3A_365 = arith.constant 15 : i32
    %swap3A_366 = arith.index_cast %swap3A_365 : i32 to index
    %swap3A_367 = arith.constant 0 : index
    %swap3A_368 = tpu.vector_load %arg11[%swap3A_366, %swap3A_367] {strides = array<i32>} : memref<32x64xf32, #tpu.memory_space<vmem>>, vector<1x16xf32>,
    %swap3A_369 = vector.shape_cast %swap3A_368 : vector<1x16xf32> to vector<16xf32>
    %swap3A_370 = vector.shape_cast %broadcast_in_dim3A_5 : vector<16xf32> to vector<1x16xf32>
    tpu.vector_store %arg11[%swap3A_366, %swap3A_367], %swap3A_370 {strides = array<i32>} : memref<32x64xf32, #tpu.memory_space<vmem>>, vector<1x16xf32>,
    %swap3A_371 = arith.constant 15 : i32
    %swap3A_372 = arith.index_cast %swap3A_371 : i32 to index
    %swap3A_373 = arith.constant 16 : index
    %swap3A_374 = tpu.vector_load %arg11[%swap3A_372, %swap3A_373] {strides = array<i32>} : memref<32x64xf32, #tpu.memory_space<vmem>>, vector<1x16xf32>,
    %swap3A_375 = vector.shape_cast %swap3A_374 : vector<1x16xf32> to vector<16xf32>
    %swap3A_376 = vector.shape_cast %broadcast_in_dim3A_5 : vector<16xf32> to vector<1x16xf32>
    tpu.vector_store %arg11[%swap3A_372, %swap3A_373], %swap3A_376 {strides = array<i32>} : memref<32x64xf32, #tpu.memory_space<vmem>>, vector<1x16xf32>,
    %swap3A_377 = arith.constant 15 : i32
    %swap3A_378 = arith.index_cast %swap3A_377 : i32 to index
    %swap3A_379 = arith.constant 32 : index
    %swap3A_380 = tpu.vector_load %arg11[%swap3A_378, %swap3A_379] {strides = array<i32>} : memref<32x64xf32, #tpu.memory_space<vmem>>, vector<1x16xf32>,
    %swap3A_381 = vector.shape_cast %swap3A_380 : vector<1x16xf32> to vector<16xf32>
    %swap3A_382 = vector.shape_cast %broadcast_in_dim3A_5 : vector<16xf32> to vector<1x16xf32>
    tpu.vector_store %arg11[%swap3A_378, %swap3A_379], %swap3A_382 {strides = array<i32>} : memref<32x64xf32, #tpu.memory_space<vmem>>, vector<1x16xf32>,
    %swap3A_383 = arith.constant 15 : i32
    %swap3A_384 = arith.index_cast %swap3A_383 : i32 to index
    %swap3A_385 = arith.constant 48 : index
    %swap3A_386 = tpu.vector_load %arg11[%swap3A_384, %swap3A_385] {strides = array<i32>} : memref<32x64xf32, #tpu.memory_space<vmem>>, vector<1x16xf32>,
    %swap3A_387 = vector.shape_cast %swap3A_386 : vector<1x16xf32> to vector<16xf32>
    %swap3A_388 = vector.shape_cast %broadcast_in_dim3A_5 : vector<16xf32> to vector<1x16xf32>
    tpu.vector_store %arg11[%swap3A_384, %swap3A_385], %swap3A_388 {strides = array<i32>} : memref<32x64xf32, #tpu.memory_space<vmem>>, vector<1x16xf32>,
    %swap3A_389 = arith.constant 16 : i32
    %swap3A_390 = arith.index_cast %swap3A_389 : i32 to index
    %swap3A_391 = arith.constant 0 : index
    %swap3A_392 = tpu.vector_load %arg11[%swap3A_390, %swap3A_391] {strides = array<i32>} : memref<32x64xf32, #tpu.memory_space<vmem>>, vector<1x16xf32>,
    %swap3A_393 = vector.shape_cast %swap3A_392 : vector<1x16xf32> to vector<16xf32>
    %swap3A_394 = vector.shape_cast %broadcast_in_dim3A_5 : vector<16xf32> to vector<1x16xf32>
    tpu.vector_store %arg11[%swap3A_390, %swap3A_391], %swap3A_394 {strides = array<i32>} : memref<32x64xf32, #tpu.memory_space<vmem>>, vector<1x16xf32>,
    %swap3A_395 = arith.constant 16 : i32
    %swap3A_396 = arith.index_cast %swap3A_395 : i32 to index
    %swap3A_397 = arith.constant 16 : index
    %swap3A_398 = tpu.vector_load %arg11[%swap3A_396, %swap3A_397] {strides = array<i32>} : memref<32x64xf32, #tpu.memory_space<vmem>>, vector<1x16xf32>,
    %swap3A_399 = vector.shape_cast %swap3A_398 : vector<1x16xf32> to vector<16xf32>
    %swap3A_400 = vector.shape_cast %broadcast_in_dim3A_5 : vector<16xf32> to vector<1x16xf32>
    tpu.vector_store %arg11[%swap3A_396, %swap3A_397], %swap3A_400 {strides = array<i32>} : memref<32x64xf32, #tpu.memory_space<vmem>>, vector<1x16xf32>,
    %swap3A_401 = arith.constant 16 : i32
    %swap3A_402 = arith.index_cast %swap3A_401 : i32 to index
    %swap3A_403 = arith.constant 32 : index
    %swap3A_404 = tpu.vector_load %arg11[%swap3A_402, %swap3A_403] {strides = array<i32>} : memref<32x64xf32, #tpu.memory_space<vmem>>, vector<1x16xf32>,
    %swap3A_405 = vector.shape_cast %swap3A_404 : vector<1x16xf32> to vector<16xf32>
    %swap3A_406 = vector.shape_cast %broadcast_in_dim3A_5 : vector<16xf32> to vector<1x16xf32>
    tpu.vector_store %arg11[%swap3A_402, %swap3A_403], %swap3A_406 {strides = array<i32>} : memref<32x64xf32, #tpu.memory_space<vmem>>, vector<1x16xf32>,
    %swap3A_407 = arith.constant 16 : i32
    %swap3A_408 = arith.index_cast %swap3A_407 : i32 to index
    %swap3A_409 = arith.constant 48 : index
    %swap3A_410 = tpu.vector_load %arg11[%swap3A_408, %swap3A_409] {strides = array<i32>} : memref<32x64xf32, #tpu.memory_space<vmem>>, vector<1x16xf32>,
    %swap3A_411 = vector.shape_cast %swap3A_410 : vector<1x16xf32> to vector<16xf32>
    %swap3A_412 = vector.shape_cast %broadcast_in_dim3A_5 : vector<16xf32> to vector<1x16xf32>
    tpu.vector_store %arg11[%swap3A_408, %swap3A_409], %swap3A_412 {strides = array<i32>} : memref<32x64xf32, #tpu.memory_space<vmem>>, vector<1x16xf32>,
    %swap3A_413 = arith.constant 17 : i32
    %swap3A_414 = arith.index_cast %swap3A_413 : i32 to index
    %swap3A_415 = arith.constant 0 : index
    %swap3A_416 = tpu.vector_load %arg11[%swap3A_414, %swap3A_415] {strides = array<i32>} : memref<32x64xf32, #tpu.memory_space<vmem>>, vector<1x16xf32>,
    %swap3A_417 = vector.shape_cast %swap3A_416 : vector<1x16xf32> to vector<16xf32>
    %swap3A_418 = vector.shape_cast %broadcast_in_dim3A_5 : vector<16xf32> to vector<1x16xf32>
    tpu.vector_store %arg11[%swap3A_414, %swap3A_415], %swap3A_418 {strides = array<i32>} : memref<32x64xf32, #tpu.memory_space<vmem>>, vector<1x16xf32>,
    %swap3A_419 = arith.constant 17 : i32
    %swap3A_420 = arith.index_cast %swap3A_419 : i32 to index
    %swap3A_421 = arith.constant 16 : index
    %swap3A_422 = tpu.vector_load %arg11[%swap3A_420, %swap3A_421] {strides = array<i32>} : memref<32x64xf32, #tpu.memory_space<vmem>>, vector<1x16xf32>,
    %swap3A_423 = vector.shape_cast %swap3A_422 : vector<1x16xf32> to vector<16xf32>
    %swap3A_424 = vector.shape_cast %broadcast_in_dim3A_5 : vector<16xf32> to vector<1x16xf32>
    tpu.vector_store %arg11[%swap3A_420, %swap3A_421], %swap3A_424 {strides = array<i32>} : memref<32x64xf32, #tpu.memory_space<vmem>>, vector<1x16xf32>,
    %swap3A_425 = arith.constant 17 : i32
    %swap3A_426 = arith.index_cast %swap3A_425 : i32 to index
    %swap3A_427 = arith.constant 32 : index
    %swap3A_428 = tpu.vector_load %arg11[%swap3A_426, %swap3A_427] {strides = array<i32>} : memref<32x64xf32, #tpu.memory_space<vmem>>, vector<1x16xf32>,
    %swap3A_429 = vector.shape_cast %swap3A_428 : vector<1x16xf32> to vector<16xf32>
    %swap3A_430 = vector.shape_cast %broadcast_in_dim3A_5 : vector<16xf32> to vector<1x16xf32>
    tpu.vector_store %arg11[%swap3A_426, %swap3A_427], %swap3A_430 {strides = array<i32>} : memref<32x64xf32, #tpu.memory_space<vmem>>, vector<1x16xf32>,
    %swap3A_431 = arith.constant 17 : i32
    %swap3A_432 = arith.index_cast %swap3A_431 : i32 to index
    %swap3A_433 = arith.constant 48 : index
    %swap3A_434 = tpu.vector_load %arg11[%swap3A_432, %swap3A_433] {strides = array<i32>} : memref<32x64xf32, #tpu.memory_space<vmem>>, vector<1x16xf32>,
    %swap3A_435 = vector.shape_cast %swap3A_434 : vector<1x16xf32> to vector<16xf32>
    %swap3A_436 = vector.shape_cast %broadcast_in_dim3A_5 : vector<16xf32> to vector<1x16xf32>
    tpu.vector_store %arg11[%swap3A_432, %swap3A_433], %swap3A_436 {strides = array<i32>} : memref<32x64xf32, #tpu.memory_space<vmem>>, vector<1x16xf32>,
    %swap3A_437 = arith.constant 18 : i32
    %swap3A_438 = arith.index_cast %swap3A_437 : i32 to index
    %swap3A_439 = arith.constant 0 : index
    %swap3A_440 = tpu.vector_load %arg11[%swap3A_438, %swap3A_439] {strides = array<i32>} : memref<32x64xf32, #tpu.memory_space<vmem>>, vector<1x16xf32>,
    %swap3A_441 = vector.shape_cast %swap3A_440 : vector<1x16xf32> to vector<16xf32>
    %swap3A_442 = vector.shape_cast %broadcast_in_dim3A_5 : vector<16xf32> to vector<1x16xf32>
    tpu.vector_store %arg11[%swap3A_438, %swap3A_439], %swap3A_442 {strides = array<i32>} : memref<32x64xf32, #tpu.memory_space<vmem>>, vector<1x16xf32>,
    %swap3A_443 = arith.constant 18 : i32
    %swap3A_444 = arith.index_cast %swap3A_443 : i32 to index
    %swap3A_445 = arith.constant 16 : index
    %swap3A_446 = tpu.vector_load %arg11[%swap3A_444, %swap3A_445] {strides = array<i32>} : memref<32x64xf32, #tpu.memory_space<vmem>>, vector<1x16xf32>,
    %swap3A_447 = vector.shape_cast %swap3A_446 : vector<1x16xf32> to vector<16xf32>
    %swap3A_448 = vector.shape_cast %broadcast_in_dim3A_5 : vector<16xf32> to vector<1x16xf32>
    tpu.vector_store %arg11[%swap3A_444, %swap3A_445], %swap3A_448 {strides = array<i32>} : memref<32x64xf32, #tpu.memory_space<vmem>>, vector<1x16xf32>,
    %swap3A_449 = arith.constant 18 : i32
    %swap3A_450 = arith.index_cast %swap3A_449 : i32 to index
    %swap3A_451 = arith.constant 32 : index
    %swap3A_452 = tpu.vector_load %arg11[%swap3A_450, %swap3A_451] {strides = array<i32>} : memref<32x64xf32, #tpu.memory_space<vmem>>, vector<1x16xf32>,
    %swap3A_453 = vector.shape_cast %swap3A_452 : vector<1x16xf32> to vector<16xf32>
    %swap3A_454 = vector.shape_cast %broadcast_in_dim3A_5 : vector<16xf32> to vector<1x16xf32>
    tpu.vector_store %arg11[%swap3A_450, %swap3A_451], %swap3A_454 {strides = array<i32>} : memref<32x64xf32, #tpu.memory_space<vmem>>, vector<1x16xf32>,
    %swap3A_455 = arith.constant 18 : i32
    %swap3A_456 = arith.index_cast %swap3A_455 : i32 to index
    %swap3A_457 = arith.constant 48 : index
    %swap3A_458 = tpu.vector_load %arg11[%swap3A_456, %swap3A_457] {strides = array<i32>} : memref<32x64xf32, #tpu.memory_space<vmem>>, vector<1x16xf32>,
    %swap3A_459 = vector.shape_cast %swap3A_458 : vector<1x16xf32> to vector<16xf32>
    %swap3A_460 = vector.shape_cast %broadcast_in_dim3A_5 : vector<16xf32> to vector<1x16xf32>
    tpu.vector_store %arg11[%swap3A_456, %swap3A_457], %swap3A_460 {strides = array<i32>} : memref<32x64xf32, #tpu.memory_space<vmem>>, vector<1x16xf32>,
    %swap3A_461 = arith.constant 19 : i32
    %swap3A_462 = arith.index_cast %swap3A_461 : i32 to index
    %swap3A_463 = arith.constant 0 : index
    %swap3A_464 = tpu.vector_load %arg11[%swap3A_462, %swap3A_463] {strides = array<i32>} : memref<32x64xf32, #tpu.memory_space<vmem>>, vector<1x16xf32>,
    %swap3A_465 = vector.shape_cast %swap3A_464 : vector<1x16xf32> to vector<16xf32>
    %swap3A_466 = vector.shape_cast %broadcast_in_dim3A_5 : vector<16xf32> to vector<1x16xf32>
    tpu.vector_store %arg11[%swap3A_462, %swap3A_463], %swap3A_466 {strides = array<i32>} : memref<32x64xf32, #tpu.memory_space<vmem>>, vector<1x16xf32>,
    %swap3A_467 = arith.constant 19 : i32
    %swap3A_468 = arith.index_cast %swap3A_467 : i32 to index
    %swap3A_469 = arith.constant 16 : index
    %swap3A_470 = tpu.vector_load %arg11[%swap3A_468, %swap3A_469] {strides = array<i32>} : memref<32x64xf32, #tpu.memory_space<vmem>>, vector<1x16xf32>,
    %swap3A_471 = vector.shape_cast %swap3A_470 : vector<1x16xf32> to vector<16xf32>
    %swap3A_472 = vector.shape_cast %broadcast_in_dim3A_5 : vector<16xf32> to vector<1x16xf32>
    tpu.vector_store %arg11[%swap3A_468, %swap3A_469], %swap3A_472 {strides = array<i32>} : memref<32x64xf32, #tpu.memory_space<vmem>>, vector<1x16xf32>,
    %swap3A_473 = arith.constant 19 : i32
    %swap3A_474 = arith.index_cast %swap3A_473 : i32 to index
    %swap3A_475 = arith.constant 32 : index
    %swap3A_476 = tpu.vector_load %arg11[%swap3A_474, %swap3A_475] {strides = array<i32>} : memref<32x64xf32, #tpu.memory_space<vmem>>, vector<1x16xf32>,
    %swap3A_477 = vector.shape_cast %swap3A_476 : vector<1x16xf32> to vector<16xf32>
    %swap3A_478 = vector.shape_cast %broadcast_in_dim3A_5 : vector<16xf32> to vector<1x16xf32>
    tpu.vector_store %arg11[%swap3A_474, %swap3A_475], %swap3A_478 {strides = array<i32>} : memref<32x64xf32, #tpu.memory_space<vmem>>, vector<1x16xf32>,
    %swap3A_479 = arith.constant 19 : i32
    %swap3A_480 = arith.index_cast %swap3A_479 : i32 to index
    %swap3A_481 = arith.constant 48 : index
    %swap3A_482 = tpu.vector_load %arg11[%swap3A_480, %swap3A_481] {strides = array<i32>} : memref<32x64xf32, #tpu.memory_space<vmem>>, vector<1x16xf32>,
    %swap3A_483 = vector.shape_cast %swap3A_482 : vector<1x16xf32> to vector<16xf32>
    %swap3A_484 = vector.shape_cast %broadcast_in_dim3A_5 : vector<16xf32> to vector<1x16xf32>
    tpu.vector_store %arg11[%swap3A_480, %swap3A_481], %swap3A_484 {strides = array<i32>} : memref<32x64xf32, #tpu.memory_space<vmem>>, vector<1x16xf32>,
    %swap3A_485 = arith.constant 20 : i32
    %swap3A_486 = arith.index_cast %swap3A_485 : i32 to index
    %swap3A_487 = arith.constant 0 : index
    %swap3A_488 = tpu.vector_load %arg11[%swap3A_486, %swap3A_487] {strides = array<i32>} : memref<32x64xf32, #tpu.memory_space<vmem>>, vector<1x16xf32>,
    %swap3A_489 = vector.shape_cast %swap3A_488 : vector<1x16xf32> to vector<16xf32>
    %swap3A_490 = vector.shape_cast %broadcast_in_dim3A_5 : vector<16xf32> to vector<1x16xf32>
    tpu.vector_store %arg11[%swap3A_486, %swap3A_487], %swap3A_490 {strides = array<i32>} : memref<32x64xf32, #tpu.memory_space<vmem>>, vector<1x16xf32>,
    %swap3A_491 = arith.constant 20 : i32
    %swap3A_492 = arith.index_cast %swap3A_491 : i32 to index
    %swap3A_493 = arith.constant 16 : index
    %swap3A_494 = tpu.vector_load %arg11[%swap3A_492, %swap3A_493] {strides = array<i32>} : memref<32x64xf32, #tpu.memory_space<vmem>>, vector<1x16xf32>,
    %swap3A_495 = vector.shape_cast %swap3A_494 : vector<1x16xf32> to vector<16xf32>
    %swap3A_496 = vector.shape_cast %broadcast_in_dim3A_5 : vector<16xf32> to vector<1x16xf32>
    tpu.vector_store %arg11[%swap3A_492, %swap3A_493], %swap3A_496 {strides = array<i32>} : memref<32x64xf32, #tpu.memory_space<vmem>>, vector<1x16xf32>,
    %swap3A_497 = arith.constant 20 : i32
    %swap3A_498 = arith.index_cast %swap3A_497 : i32 to index
    %swap3A_499 = arith.constant 32 : index
    %swap3A_500 = tpu.vector_load %arg11[%swap3A_498, %swap3A_499] {strides = array<i32>} : memref<32x64xf32, #tpu.memory_space<vmem>>, vector<1x16xf32>,
    %swap3A_501 = vector.shape_cast %swap3A_500 : vector<1x16xf32> to vector<16xf32>
    %swap3A_502 = vector.shape_cast %broadcast_in_dim3A_5 : vector<16xf32> to vector<1x16xf32>
    tpu.vector_store %arg11[%swap3A_498, %swap3A_499], %swap3A_502 {strides = array<i32>} : memref<32x64xf32, #tpu.memory_space<vmem>>, vector<1x16xf32>,
    %swap3A_503 = arith.constant 20 : i32
    %swap3A_504 = arith.index_cast %swap3A_503 : i32 to index
    %swap3A_505 = arith.constant 48 : index
    %swap3A_506 = tpu.vector_load %arg11[%swap3A_504, %swap3A_505] {strides = array<i32>} : memref<32x64xf32, #tpu.memory_space<vmem>>, vector<1x16xf32>,
    %swap3A_507 = vector.shape_cast %swap3A_506 : vector<1x16xf32> to vector<16xf32>
    %swap3A_508 = vector.shape_cast %broadcast_in_dim3A_5 : vector<16xf32> to vector<1x16xf32>
    tpu.vector_store %arg11[%swap3A_504, %swap3A_505], %swap3A_508 {strides = array<i32>} : memref<32x64xf32, #tpu.memory_space<vmem>>, vector<1x16xf32>,
    %swap3A_509 = arith.constant 21 : i32
    %swap3A_510 = arith.index_cast %swap3A_509 : i32 to index
    %swap3A_511 = arith.constant 0 : index
    %swap3A_512 = tpu.vector_load %arg11[%swap3A_510, %swap3A_511] {strides = array<i32>} : memref<32x64xf32, #tpu.memory_space<vmem>>, vector<1x16xf32>,
    %swap3A_513 = vector.shape_cast %swap3A_512 : vector<1x16xf32> to vector<16xf32>
    %swap3A_514 = vector.shape_cast %broadcast_in_dim3A_5 : vector<16xf32> to vector<1x16xf32>
    tpu.vector_store %arg11[%swap3A_510, %swap3A_511], %swap3A_514 {strides = array<i32>} : memref<32x64xf32, #tpu.memory_space<vmem>>, vector<1x16xf32>,
    %swap3A_515 = arith.constant 21 : i32
    %swap3A_516 = arith.index_cast %swap3A_515 : i32 to index
    %swap3A_517 = arith.constant 16 : index
    %swap3A_518 = tpu.vector_load %arg11[%swap3A_516, %swap3A_517] {strides = array<i32>} : memref<32x64xf32, #tpu.memory_space<vmem>>, vector<1x16xf32>,
    %swap3A_519 = vector.shape_cast %swap3A_518 : vector<1x16xf32> to vector<16xf32>
    %swap3A_520 = vector.shape_cast %broadcast_in_dim3A_5 : vector<16xf32> to vector<1x16xf32>
    tpu.vector_store %arg11[%swap3A_516, %swap3A_517], %swap3A_520 {strides = array<i32>} : memref<32x64xf32, #tpu.memory_space<vmem>>, vector<1x16xf32>,
    %swap3A_521 = arith.constant 21 : i32
    %swap3A_522 = arith.index_cast %swap3A_521 : i32 to index
    %swap3A_523 = arith.constant 32 : index
    %swap3A_524 = tpu.vector_load %arg11[%swap3A_522, %swap3A_523] {strides = array<i32>} : memref<32x64xf32, #tpu.memory_space<vmem>>, vector<1x16xf32>,
    %swap3A_525 = vector.shape_cast %swap3A_524 : vector<1x16xf32> to vector<16xf32>
    %swap3A_526 = vector.shape_cast %broadcast_in_dim3A_5 : vector<16xf32> to vector<1x16xf32>
    tpu.vector_store %arg11[%swap3A_522, %swap3A_523], %swap3A_526 {strides = array<i32>} : memref<32x64xf32, #tpu.memory_space<vmem>>, vector<1x16xf32>,
    %swap3A_527 = arith.constant 21 : i32
    %swap3A_528 = arith.index_cast %swap3A_527 : i32 to index
    %swap3A_529 = arith.constant 48 : index
    %swap3A_530 = tpu.vector_load %arg11[%swap3A_528, %swap3A_529] {strides = array<i32>} : memref<32x64xf32, #tpu.memory_space<vmem>>, vector<1x16xf32>,
    %swap3A_531 = vector.shape_cast %swap3A_530 : vector<1x16xf32> to vector<16xf32>
    %swap3A_532 = vector.shape_cast %broadcast_in_dim3A_5 : vector<16xf32> to vector<1x16xf32>
    tpu.vector_store %arg11[%swap3A_528, %swap3A_529], %swap3A_532 {strides = array<i32>} : memref<32x64xf32, #tpu.memory_space<vmem>>, vector<1x16xf32>,
    %swap3A_533 = arith.constant 22 : i32
    %swap3A_534 = arith.index_cast %swap3A_533 : i32 to index
    %swap3A_535 = arith.constant 0 : index
    %swap3A_536 = tpu.vector_load %arg11[%swap3A_534, %swap3A_535] {strides = array<i32>} : memref<32x64xf32, #tpu.memory_space<vmem>>, vector<1x16xf32>,
    %swap3A_537 = vector.shape_cast %swap3A_536 : vector<1x16xf32> to vector<16xf32>
    %swap3A_538 = vector.shape_cast %broadcast_in_dim3A_5 : vector<16xf32> to vector<1x16xf32>
    tpu.vector_store %arg11[%swap3A_534, %swap3A_535], %swap3A_538 {strides = array<i32>} : memref<32x64xf32, #tpu.memory_space<vmem>>, vector<1x16xf32>,
    %swap3A_539 = arith.constant 22 : i32
    %swap3A_540 = arith.index_cast %swap3A_539 : i32 to index
    %swap3A_541 = arith.constant 16 : index
    %swap3A_542 = tpu.vector_load %arg11[%swap3A_540, %swap3A_541] {strides = array<i32>} : memref<32x64xf32, #tpu.memory_space<vmem>>, vector<1x16xf32>,
    %swap3A_543 = vector.shape_cast %swap3A_542 : vector<1x16xf32> to vector<16xf32>
    %swap3A_544 = vector.shape_cast %broadcast_in_dim3A_5 : vector<16xf32> to vector<1x16xf32>
    tpu.vector_store %arg11[%swap3A_540, %swap3A_541], %swap3A_544 {strides = array<i32>} : memref<32x64xf32, #tpu.memory_space<vmem>>, vector<1x16xf32>,
    %swap3A_545 = arith.constant 22 : i32
    %swap3A_546 = arith.index_cast %swap3A_545 : i32 to index
    %swap3A_547 = arith.constant 32 : index
    %swap3A_548 = tpu.vector_load %arg11[%swap3A_546, %swap3A_547] {strides = array<i32>} : memref<32x64xf32, #tpu.memory_space<vmem>>, vector<1x16xf32>,
    %swap3A_549 = vector.shape_cast %swap3A_548 : vector<1x16xf32> to vector<16xf32>
    %swap3A_550 = vector.shape_cast %broadcast_in_dim3A_5 : vector<16xf32> to vector<1x16xf32>
    tpu.vector_store %arg11[%swap3A_546, %swap3A_547], %swap3A_550 {strides = array<i32>} : memref<32x64xf32, #tpu.memory_space<vmem>>, vector<1x16xf32>,
    %swap3A_551 = arith.constant 22 : i32
    %swap3A_552 = arith.index_cast %swap3A_551 : i32 to index
    %swap3A_553 = arith.constant 48 : index
    %swap3A_554 = tpu.vector_load %arg11[%swap3A_552, %swap3A_553] {strides = array<i32>} : memref<32x64xf32, #tpu.memory_space<vmem>>, vector<1x16xf32>,
    %swap3A_555 = vector.shape_cast %swap3A_554 : vector<1x16xf32> to vector<16xf32>
    %swap3A_556 = vector.shape_cast %broadcast_in_dim3A_5 : vector<16xf32> to vector<1x16xf32>
    tpu.vector_store %arg11[%swap3A_552, %swap3A_553], %swap3A_556 {strides = array<i32>} : memref<32x64xf32, #tpu.memory_space<vmem>>, vector<1x16xf32>,
    %swap3A_557 = arith.constant 23 : i32
    %swap3A_558 = arith.index_cast %swap3A_557 : i32 to index
    %swap3A_559 = arith.constant 0 : index
    %swap3A_560 = tpu.vector_load %arg11[%swap3A_558, %swap3A_559] {strides = array<i32>} : memref<32x64xf32, #tpu.memory_space<vmem>>, vector<1x16xf32>,
    %swap3A_561 = vector.shape_cast %swap3A_560 : vector<1x16xf32> to vector<16xf32>
    %swap3A_562 = vector.shape_cast %broadcast_in_dim3A_5 : vector<16xf32> to vector<1x16xf32>
    tpu.vector_store %arg11[%swap3A_558, %swap3A_559], %swap3A_562 {strides = array<i32>} : memref<32x64xf32, #tpu.memory_space<vmem>>, vector<1x16xf32>,
    %swap3A_563 = arith.constant 23 : i32
    %swap3A_564 = arith.index_cast %swap3A_563 : i32 to index
    %swap3A_565 = arith.constant 16 : index
    %swap3A_566 = tpu.vector_load %arg11[%swap3A_564, %swap3A_565] {strides = array<i32>} : memref<32x64xf32, #tpu.memory_space<vmem>>, vector<1x16xf32>,
    %swap3A_567 = vector.shape_cast %swap3A_566 : vector<1x16xf32> to vector<16xf32>
    %swap3A_568 = vector.shape_cast %broadcast_in_dim3A_5 : vector<16xf32> to vector<1x16xf32>
    tpu.vector_store %arg11[%swap3A_564, %swap3A_565], %swap3A_568 {strides = array<i32>} : memref<32x64xf32, #tpu.memory_space<vmem>>, vector<1x16xf32>,
    %swap3A_569 = arith.constant 23 : i32
    %swap3A_570 = arith.index_cast %swap3A_569 : i32 to index
    %swap3A_571 = arith.constant 32 : index
    %swap3A_572 = tpu.vector_load %arg11[%swap3A_570, %swap3A_571] {strides = array<i32>} : memref<32x64xf32, #tpu.memory_space<vmem>>, vector<1x16xf32>,
    %swap3A_573 = vector.shape_cast %swap3A_572 : vector<1x16xf32> to vector<16xf32>
    %swap3A_574 = vector.shape_cast %broadcast_in_dim3A_5 : vector<16xf32> to vector<1x16xf32>
    tpu.vector_store %arg11[%swap3A_570, %swap3A_571], %swap3A_574 {strides = array<i32>} : memref<32x64xf32, #tpu.memory_space<vmem>>, vector<1x16xf32>,
    %swap3A_575 = arith.constant 23 : i32
    %swap3A_576 = arith.index_cast %swap3A_575 : i32 to index
    %swap3A_577 = arith.constant 48 : index
    %swap3A_578 = tpu.vector_load %arg11[%swap3A_576, %swap3A_577] {strides = array<i32>} : memref<32x64xf32, #tpu.memory_space<vmem>>, vector<1x16xf32>,
    %swap3A_579 = vector.shape_cast %swap3A_578 : vector<1x16xf32> to vector<16xf32>
    %swap3A_580 = vector.shape_cast %broadcast_in_dim3A_5 : vector<16xf32> to vector<1x16xf32>
    tpu.vector_store %arg11[%swap3A_576, %swap3A_577], %swap3A_580 {strides = array<i32>} : memref<32x64xf32, #tpu.memory_space<vmem>>, vector<1x16xf32>,
    %swap3A_581 = arith.constant 24 : i32
    %swap3A_582 = arith.index_cast %swap3A_581 : i32 to index
    %swap3A_583 = arith.constant 0 : index
    %swap3A_584 = tpu.vector_load %arg11[%swap3A_582, %swap3A_583] {strides = array<i32>} : memref<32x64xf32, #tpu.memory_space<vmem>>, vector<1x16xf32>,
    %swap3A_585 = vector.shape_cast %swap3A_584 : vector<1x16xf32> to vector<16xf32>
    %swap3A_586 = vector.shape_cast %broadcast_in_dim3A_5 : vector<16xf32> to vector<1x16xf32>
    tpu.vector_store %arg11[%swap3A_582, %swap3A_583], %swap3A_586 {strides = array<i32>} : memref<32x64xf32, #tpu.memory_space<vmem>>, vector<1x16xf32>,
    %swap3A_587 = arith.constant 24 : i32
    %swap3A_588 = arith.index_cast %swap3A_587 : i32 to index
    %swap3A_589 = arith.constant 16 : index
    %swap3A_590 = tpu.vector_load %arg11[%swap3A_588, %swap3A_589] {strides = array<i32>} : memref<32x64xf32, #tpu.memory_space<vmem>>, vector<1x16xf32>,
    %swap3A_591 = vector.shape_cast %swap3A_590 : vector<1x16xf32> to vector<16xf32>
    %swap3A_592 = vector.shape_cast %broadcast_in_dim3A_5 : vector<16xf32> to vector<1x16xf32>
    tpu.vector_store %arg11[%swap3A_588, %swap3A_589], %swap3A_592 {strides = array<i32>} : memref<32x64xf32, #tpu.memory_space<vmem>>, vector<1x16xf32>,
    %swap3A_593 = arith.constant 24 : i32
    %swap3A_594 = arith.index_cast %swap3A_593 : i32 to index
    %swap3A_595 = arith.constant 32 : index
    %swap3A_596 = tpu.vector_load %arg11[%swap3A_594, %swap3A_595] {strides = array<i32>} : memref<32x64xf32, #tpu.memory_space<vmem>>, vector<1x16xf32>,
    %swap3A_597 = vector.shape_cast %swap3A_596 : vector<1x16xf32> to vector<16xf32>
    %swap3A_598 = vector.shape_cast %broadcast_in_dim3A_5 : vector<16xf32> to vector<1x16xf32>
    tpu.vector_store %arg11[%swap3A_594, %swap3A_595], %swap3A_598 {strides = array<i32>} : memref<32x64xf32, #tpu.memory_space<vmem>>, vector<1x16xf32>,
    %swap3A_599 = arith.constant 24 : i32
    %swap3A_600 = arith.index_cast %swap3A_599 : i32 to index
    %swap3A_601 = arith.constant 48 : index
    %swap3A_602 = tpu.vector_load %arg11[%swap3A_600, %swap3A_601] {strides = array<i32>} : memref<32x64xf32, #tpu.memory_space<vmem>>, vector<1x16xf32>,
    %swap3A_603 = vector.shape_cast %swap3A_602 : vector<1x16xf32> to vector<16xf32>
    %swap3A_604 = vector.shape_cast %broadcast_in_dim3A_5 : vector<16xf32> to vector<1x16xf32>
    tpu.vector_store %arg11[%swap3A_600, %swap3A_601], %swap3A_604 {strides = array<i32>} : memref<32x64xf32, #tpu.memory_space<vmem>>, vector<1x16xf32>,
    %swap3A_605 = arith.constant 25 : i32
    %swap3A_606 = arith.index_cast %swap3A_605 : i32 to index
    %swap3A_607 = arith.constant 0 : index
    %swap3A_608 = tpu.vector_load %arg11[%swap3A_606, %swap3A_607] {strides = array<i32>} : memref<32x64xf32, #tpu.memory_space<vmem>>, vector<1x16xf32>,
    %swap3A_609 = vector.shape_cast %swap3A_608 : vector<1x16xf32> to vector<16xf32>
    %swap3A_610 = vector.shape_cast %broadcast_in_dim3A_5 : vector<16xf32> to vector<1x16xf32>
    tpu.vector_store %arg11[%swap3A_606, %swap3A_607], %swap3A_610 {strides = array<i32>} : memref<32x64xf32, #tpu.memory_space<vmem>>, vector<1x16xf32>,
    %swap3A_611 = arith.constant 25 : i32
    %swap3A_612 = arith.index_cast %swap3A_611 : i32 to index
    %swap3A_613 = arith.constant 16 : index
    %swap3A_614 = tpu.vector_load %arg11[%swap3A_612, %swap3A_613] {strides = array<i32>} : memref<32x64xf32, #tpu.memory_space<vmem>>, vector<1x16xf32>,
    %swap3A_615 = vector.shape_cast %swap3A_614 : vector<1x16xf32> to vector<16xf32>
    %swap3A_616 = vector.shape_cast %broadcast_in_dim3A_5 : vector<16xf32> to vector<1x16xf32>
    tpu.vector_store %arg11[%swap3A_612, %swap3A_613], %swap3A_616 {strides = array<i32>} : memref<32x64xf32, #tpu.memory_space<vmem>>, vector<1x16xf32>,
    %swap3A_617 = arith.constant 25 : i32
    %swap3A_618 = arith.index_cast %swap3A_617 : i32 to index
    %swap3A_619 = arith.constant 32 : index
    %swap3A_620 = tpu.vector_load %arg11[%swap3A_618, %swap3A_619] {strides = array<i32>} : memref<32x64xf32, #tpu.memory_space<vmem>>, vector<1x16xf32>,
    %swap3A_621 = vector.shape_cast %swap3A_620 : vector<1x16xf32> to vector<16xf32>
    %swap3A_622 = vector.shape_cast %broadcast_in_dim3A_5 : vector<16xf32> to vector<1x16xf32>
    tpu.vector_store %arg11[%swap3A_618, %swap3A_619], %swap3A_622 {strides = array<i32>} : memref<32x64xf32, #tpu.memory_space<vmem>>, vector<1x16xf32>,
    %swap3A_623 = arith.constant 25 : i32
    %swap3A_624 = arith.index_cast %swap3A_623 : i32 to index
    %swap3A_625 = arith.constant 48 : index
    %swap3A_626 = tpu.vector_load %arg11[%swap3A_624, %swap3A_625] {strides = array<i32>} : memref<32x64xf32, #tpu.memory_space<vmem>>, vector<1x16xf32>,
    %swap3A_627 = vector.shape_cast %swap3A_626 : vector<1x16xf32> to vector<16xf32>
    %swap3A_628 = vector.shape_cast %broadcast_in_dim3A_5 : vector<16xf32> to vector<1x16xf32>
    tpu.vector_store %arg11[%swap3A_624, %swap3A_625], %swap3A_628 {strides = array<i32>} : memref<32x64xf32, #tpu.memory_space<vmem>>, vector<1x16xf32>,
    %swap3A_629 = arith.constant 26 : i32
    %swap3A_630 = arith.index_cast %swap3A_629 : i32 to index
    %swap3A_631 = arith.constant 0 : index
    %swap3A_632 = tpu.vector_load %arg11[%swap3A_630, %swap3A_631] {strides = array<i32>} : memref<32x64xf32, #tpu.memory_space<vmem>>, vector<1x16xf32>,
    %swap3A_633 = vector.shape_cast %swap3A_632 : vector<1x16xf32> to vector<16xf32>
    %swap3A_634 = vector.shape_cast %broadcast_in_dim3A_5 : vector<16xf32> to vector<1x16xf32>
    tpu.vector_store %arg11[%swap3A_630, %swap3A_631], %swap3A_634 {strides = array<i32>} : memref<32x64xf32, #tpu.memory_space<vmem>>, vector<1x16xf32>,
    %swap3A_635 = arith.constant 26 : i32
    %swap3A_636 = arith.index_cast %swap3A_635 : i32 to index
    %swap3A_637 = arith.constant 16 : index
    %swap3A_638 = tpu.vector_load %arg11[%swap3A_636, %swap3A_637] {strides = array<i32>} : memref<32x64xf32, #tpu.memory_space<vmem>>, vector<1x16xf32>,
    %swap3A_639 = vector.shape_cast %swap3A_638 : vector<1x16xf32> to vector<16xf32>
    %swap3A_640 = vector.shape_cast %broadcast_in_dim3A_5 : vector<16xf32> to vector<1x16xf32>
    tpu.vector_store %arg11[%swap3A_636, %swap3A_637], %swap3A_640 {strides = array<i32>} : memref<32x64xf32, #tpu.memory_space<vmem>>, vector<1x16xf32>,
    %swap3A_641 = arith.constant 26 : i32
    %swap3A_642 = arith.index_cast %swap3A_641 : i32 to index
    %swap3A_643 = arith.constant 32 : index
    %swap3A_644 = tpu.vector_load %arg11[%swap3A_642, %swap3A_643] {strides = array<i32>} : memref<32x64xf32, #tpu.memory_space<vmem>>, vector<1x16xf32>,
    %swap3A_645 = vector.shape_cast %swap3A_644 : vector<1x16xf32> to vector<16xf32>
    %swap3A_646 = vector.shape_cast %broadcast_in_dim3A_5 : vector<16xf32> to vector<1x16xf32>
    tpu.vector_store %arg11[%swap3A_642, %swap3A_643], %swap3A_646 {strides = array<i32>} : memref<32x64xf32, #tpu.memory_space<vmem>>, vector<1x16xf32>,
    %swap3A_647 = arith.constant 26 : i32
    %swap3A_648 = arith.index_cast %swap3A_647 : i32 to index
    %swap3A_649 = arith.constant 48 : index
    %swap3A_650 = tpu.vector_load %arg11[%swap3A_648, %swap3A_649] {strides = array<i32>} : memref<32x64xf32, #tpu.memory_space<vmem>>, vector<1x16xf32>,
    %swap3A_651 = vector.shape_cast %swap3A_650 : vector<1x16xf32> to vector<16xf32>
    %swap3A_652 = vector.shape_cast %broadcast_in_dim3A_5 : vector<16xf32> to vector<1x16xf32>
    tpu.vector_store %arg11[%swap3A_648, %swap3A_649], %swap3A_652 {strides = array<i32>} : memref<32x64xf32, #tpu.memory_space<vmem>>, vector<1x16xf32>,
    %swap3A_653 = arith.constant 27 : i32
    %swap3A_654 = arith.index_cast %swap3A_653 : i32 to index
    %swap3A_655 = arith.constant 0 : index
    %swap3A_656 = tpu.vector_load %arg11[%swap3A_654, %swap3A_655] {strides = array<i32>} : memref<32x64xf32, #tpu.memory_space<vmem>>, vector<1x16xf32>,
    %swap3A_657 = vector.shape_cast %swap3A_656 : vector<1x16xf32> to vector<16xf32>
    %swap3A_658 = vector.shape_cast %broadcast_in_dim3A_5 : vector<16xf32> to vector<1x16xf32>
    tpu.vector_store %arg11[%swap3A_654, %swap3A_655], %swap3A_658 {strides = array<i32>} : memref<32x64xf32, #tpu.memory_space<vmem>>, vector<1x16xf32>,
    %swap3A_659 = arith.constant 27 : i32
    %swap3A_660 = arith.index_cast %swap3A_659 : i32 to index
    %swap3A_661 = arith.constant 16 : index
    %swap3A_662 = tpu.vector_load %arg11[%swap3A_660, %swap3A_661] {strides = array<i32>} : memref<32x64xf32, #tpu.memory_space<vmem>>, vector<1x16xf32>,
    %swap3A_663 = vector.shape_cast %swap3A_662 : vector<1x16xf32> to vector<16xf32>
    %swap3A_664 = vector.shape_cast %broadcast_in_dim3A_5 : vector<16xf32> to vector<1x16xf32>
    tpu.vector_store %arg11[%swap3A_660, %swap3A_661], %swap3A_664 {strides = array<i32>} : memref<32x64xf32, #tpu.memory_space<vmem>>, vector<1x16xf32>,
    %swap3A_665 = arith.constant 27 : i32
    %swap3A_666 = arith.index_cast %swap3A_665 : i32 to index
    %swap3A_667 = arith.constant 32 : index
    %swap3A_668 = tpu.vector_load %arg11[%swap3A_666, %swap3A_667] {strides = array<i32>} : memref<32x64xf32, #tpu.memory_space<vmem>>, vector<1x16xf32>,
    %swap3A_669 = vector.shape_cast %swap3A_668 : vector<1x16xf32> to vector<16xf32>
    %swap3A_670 = vector.shape_cast %broadcast_in_dim3A_5 : vector<16xf32> to vector<1x16xf32>
    tpu.vector_store %arg11[%swap3A_666, %swap3A_667], %swap3A_670 {strides = array<i32>} : memref<32x64xf32, #tpu.memory_space<vmem>>, vector<1x16xf32>,
    %swap3A_671 = arith.constant 27 : i32
    %swap3A_672 = arith.index_cast %swap3A_671 : i32 to index
    %swap3A_673 = arith.constant 48 : index
    %swap3A_674 = tpu.vector_load %arg11[%swap3A_672, %swap3A_673] {strides = array<i32>} : memref<32x64xf32, #tpu.memory_space<vmem>>, vector<1x16xf32>,
    %swap3A_675 = vector.shape_cast %swap3A_674 : vector<1x16xf32> to vector<16xf32>
    %swap3A_676 = vector.shape_cast %broadcast_in_dim3A_5 : vector<16xf32> to vector<1x16xf32>
    tpu.vector_store %arg11[%swap3A_672, %swap3A_673], %swap3A_676 {strides = array<i32>} : memref<32x64xf32, #tpu.memory_space<vmem>>, vector<1x16xf32>,
    %swap3A_677 = arith.constant 28 : i32
    %swap3A_678 = arith.index_cast %swap3A_677 : i32 to index
    %swap3A_679 = arith.constant 0 : index
    %swap3A_680 = tpu.vector_load %arg11[%swap3A_678, %swap3A_679] {strides = array<i32>} : memref<32x64xf32, #tpu.memory_space<vmem>>, vector<1x16xf32>,
    %swap3A_681 = vector.shape_cast %swap3A_680 : vector<1x16xf32> to vector<16xf32>
    %swap3A_682 = vector.shape_cast %broadcast_in_dim3A_5 : vector<16xf32> to vector<1x16xf32>
    tpu.vector_store %arg11[%swap3A_678, %swap3A_679], %swap3A_682 {strides = array<i32>} : memref<32x64xf32, #tpu.memory_space<vmem>>, vector<1x16xf32>,
    %swap3A_683 = arith.constant 28 : i32
    %swap3A_684 = arith.index_cast %swap3A_683 : i32 to index
    %swap3A_685 = arith.constant 16 : index
    %swap3A_686 = tpu.vector_load %arg11[%swap3A_684, %swap3A_685] {strides = array<i32>} : memref<32x64xf32, #tpu.memory_space<vmem>>, vector<1x16xf32>,
    %swap3A_687 = vector.shape_cast %swap3A_686 : vector<1x16xf32> to vector<16xf32>
    %swap3A_688 = vector.shape_cast %broadcast_in_dim3A_5 : vector<16xf32> to vector<1x16xf32>
    tpu.vector_store %arg11[%swap3A_684, %swap3A_685], %swap3A_688 {strides = array<i32>} : memref<32x64xf32, #tpu.memory_space<vmem>>, vector<1x16xf32>,
    %swap3A_689 = arith.constant 28 : i32
    %swap3A_690 = arith.index_cast %swap3A_689 : i32 to index
    %swap3A_691 = arith.constant 32 : index
    %swap3A_692 = tpu.vector_load %arg11[%swap3A_690, %swap3A_691] {strides = array<i32>} : memref<32x64xf32, #tpu.memory_space<vmem>>, vector<1x16xf32>,
    %swap3A_693 = vector.shape_cast %swap3A_692 : vector<1x16xf32> to vector<16xf32>
    %swap3A_694 = vector.shape_cast %broadcast_in_dim3A_5 : vector<16xf32> to vector<1x16xf32>
    tpu.vector_store %arg11[%swap3A_690, %swap3A_691], %swap3A_694 {strides = array<i32>} : memref<32x64xf32, #tpu.memory_space<vmem>>, vector<1x16xf32>,
    %swap3A_695 = arith.constant 28 : i32
    %swap3A_696 = arith.index_cast %swap3A_695 : i32 to index
    %swap3A_697 = arith.constant 48 : index
    %swap3A_698 = tpu.vector_load %arg11[%swap3A_696, %swap3A_697] {strides = array<i32>} : memref<32x64xf32, #tpu.memory_space<vmem>>, vector<1x16xf32>,
    %swap3A_699 = vector.shape_cast %swap3A_698 : vector<1x16xf32> to vector<16xf32>
    %swap3A_700 = vector.shape_cast %broadcast_in_dim3A_5 : vector<16xf32> to vector<1x16xf32>
    tpu.vector_store %arg11[%swap3A_696, %swap3A_697], %swap3A_700 {strides = array<i32>} : memref<32x64xf32, #tpu.memory_space<vmem>>, vector<1x16xf32>,
    %swap3A_701 = arith.constant 29 : i32
    %swap3A_702 = arith.index_cast %swap3A_701 : i32 to index
    %swap3A_703 = arith.constant 0 : index
    %swap3A_704 = tpu.vector_load %arg11[%swap3A_702, %swap3A_703] {strides = array<i32>} : memref<32x64xf32, #tpu.memory_space<vmem>>, vector<1x16xf32>,
    %swap3A_705 = vector.shape_cast %swap3A_704 : vector<1x16xf32> to vector<16xf32>
    %swap3A_706 = vector.shape_cast %broadcast_in_dim3A_5 : vector<16xf32> to vector<1x16xf32>
    tpu.vector_store %arg11[%swap3A_702, %swap3A_703], %swap3A_706 {strides = array<i32>} : memref<32x64xf32, #tpu.memory_space<vmem>>, vector<1x16xf32>,
    %swap3A_707 = arith.constant 29 : i32
    %swap3A_708 = arith.index_cast %swap3A_707 : i32 to index
    %swap3A_709 = arith.constant 16 : index
    %swap3A_710 = tpu.vector_load %arg11[%swap3A_708, %swap3A_709] {strides = array<i32>} : memref<32x64xf32, #tpu.memory_space<vmem>>, vector<1x16xf32>,
    %swap3A_711 = vector.shape_cast %swap3A_710 : vector<1x16xf32> to vector<16xf32>
    %swap3A_712 = vector.shape_cast %broadcast_in_dim3A_5 : vector<16xf32> to vector<1x16xf32>
    tpu.vector_store %arg11[%swap3A_708, %swap3A_709], %swap3A_712 {strides = array<i32>} : memref<32x64xf32, #tpu.memory_space<vmem>>, vector<1x16xf32>,
    %swap3A_713 = arith.constant 29 : i32
    %swap3A_714 = arith.index_cast %swap3A_713 : i32 to index
    %swap3A_715 = arith.constant 32 : index
    %swap3A_716 = tpu.vector_load %arg11[%swap3A_714, %swap3A_715] {strides = array<i32>} : memref<32x64xf32, #tpu.memory_space<vmem>>, vector<1x16xf32>,
    %swap3A_717 = vector.shape_cast %swap3A_716 : vector<1x16xf32> to vector<16xf32>
    %swap3A_718 = vector.shape_cast %broadcast_in_dim3A_5 : vector<16xf32> to vector<1x16xf32>
    tpu.vector_store %arg11[%swap3A_714, %swap3A_715], %swap3A_718 {strides = array<i32>} : memref<32x64xf32, #tpu.memory_space<vmem>>, vector<1x16xf32>,
    %swap3A_719 = arith.constant 29 : i32
    %swap3A_720 = arith.index_cast %swap3A_719 : i32 to index
    %swap3A_721 = arith.constant 48 : index
    %swap3A_722 = tpu.vector_load %arg11[%swap3A_720, %swap3A_721] {strides = array<i32>} : memref<32x64xf32, #tpu.memory_space<vmem>>, vector<1x16xf32>,
    %swap3A_723 = vector.shape_cast %swap3A_722 : vector<1x16xf32> to vector<16xf32>
    %swap3A_724 = vector.shape_cast %broadcast_in_dim3A_5 : vector<16xf32> to vector<1x16xf32>
    tpu.vector_store %arg11[%swap3A_720, %swap3A_721], %swap3A_724 {strides = array<i32>} : memref<32x64xf32, #tpu.memory_space<vmem>>, vector<1x16xf32>,
    %swap3A_725 = arith.constant 30 : i32
    %swap3A_726 = arith.index_cast %swap3A_725 : i32 to index
    %swap3A_727 = arith.constant 0 : index
    %swap3A_728 = tpu.vector_load %arg11[%swap3A_726, %swap3A_727] {strides = array<i32>} : memref<32x64xf32, #tpu.memory_space<vmem>>, vector<1x16xf32>,
    %swap3A_729 = vector.shape_cast %swap3A_728 : vector<1x16xf32> to vector<16xf32>
    %swap3A_730 = vector.shape_cast %broadcast_in_dim3A_5 : vector<16xf32> to vector<1x16xf32>
    tpu.vector_store %arg11[%swap3A_726, %swap3A_727], %swap3A_730 {strides = array<i32>} : memref<32x64xf32, #tpu.memory_space<vmem>>, vector<1x16xf32>,
    %swap3A_731 = arith.constant 30 : i32
    %swap3A_732 = arith.index_cast %swap3A_731 : i32 to index
    %swap3A_733 = arith.constant 16 : index
    %swap3A_734 = tpu.vector_load %arg11[%swap3A_732, %swap3A_733] {strides = array<i32>} : memref<32x64xf32, #tpu.memory_space<vmem>>, vector<1x16xf32>,
    %swap3A_735 = vector.shape_cast %swap3A_734 : vector<1x16xf32> to vector<16xf32>
    %swap3A_736 = vector.shape_cast %broadcast_in_dim3A_5 : vector<16xf32> to vector<1x16xf32>
    tpu.vector_store %arg11[%swap3A_732, %swap3A_733], %swap3A_736 {strides = array<i32>} : memref<32x64xf32, #tpu.memory_space<vmem>>, vector<1x16xf32>,
    %swap3A_737 = arith.constant 30 : i32
    %swap3A_738 = arith.index_cast %swap3A_737 : i32 to index
    %swap3A_739 = arith.constant 32 : index
    %swap3A_740 = tpu.vector_load %arg11[%swap3A_738, %swap3A_739] {strides = array<i32>} : memref<32x64xf32, #tpu.memory_space<vmem>>, vector<1x16xf32>,
    %swap3A_741 = vector.shape_cast %swap3A_740 : vector<1x16xf32> to vector<16xf32>
    %swap3A_742 = vector.shape_cast %broadcast_in_dim3A_5 : vector<16xf32> to vector<1x16xf32>
    tpu.vector_store %arg11[%swap3A_738, %swap3A_739], %swap3A_742 {strides = array<i32>} : memref<32x64xf32, #tpu.memory_space<vmem>>, vector<1x16xf32>,
    %swap3A_743 = arith.constant 30 : i32
    %swap3A_744 = arith.index_cast %swap3A_743 : i32 to index
    %swap3A_745 = arith.constant 48 : index
    %swap3A_746 = tpu.vector_load %arg11[%swap3A_744, %swap3A_745] {strides = array<i32>} : memref<32x64xf32, #tpu.memory_space<vmem>>, vector<1x16xf32>,
    %swap3A_747 = vector.shape_cast %swap3A_746 : vector<1x16xf32> to vector<16xf32>
    %swap3A_748 = vector.shape_cast %broadcast_in_dim3A_5 : vector<16xf32> to vector<1x16xf32>
    tpu.vector_store %arg11[%swap3A_744, %swap3A_745], %swap3A_748 {strides = array<i32>} : memref<32x64xf32, #tpu.memory_space<vmem>>, vector<1x16xf32>,
    %swap3A_749 = arith.constant 31 : i32
    %swap3A_750 = arith.index_cast %swap3A_749 : i32 to index
    %swap3A_751 = arith.constant 0 : index
    %swap3A_752 = tpu.vector_load %arg11[%swap3A_750, %swap3A_751] {strides = array<i32>} : memref<32x64xf32, #tpu.memory_space<vmem>>, vector<1x16xf32>,
    %swap3A_753 = vector.shape_cast %swap3A_752 : vector<1x16xf32> to vector<16xf32>
    %swap3A_754 = vector.shape_cast %broadcast_in_dim3A_5 : vector<16xf32> to vector<1x16xf32>
    tpu.vector_store %arg11[%swap3A_750, %swap3A_751], %swap3A_754 {strides = array<i32>} : memref<32x64xf32, #tpu.memory_space<vmem>>, vector<1x16xf32>,
    %swap3A_755 = arith.constant 31 : i32
    %swap3A_756 = arith.index_cast %swap3A_755 : i32 to index
    %swap3A_757 = arith.constant 16 : index
    %swap3A_758 = tpu.vector_load %arg11[%swap3A_756, %swap3A_757] {strides = array<i32>} : memref<32x64xf32, #tpu.memory_space<vmem>>, vector<1x16xf32>,
    %swap3A_759 = vector.shape_cast %swap3A_758 : vector<1x16xf32> to vector<16xf32>
    %swap3A_760 = vector.shape_cast %broadcast_in_dim3A_5 : vector<16xf32> to vector<1x16xf32>
    tpu.vector_store %arg11[%swap3A_756, %swap3A_757], %swap3A_760 {strides = array<i32>} : memref<32x64xf32, #tpu.memory_space<vmem>>, vector<1x16xf32>,
    %swap3A_761 = arith.constant 31 : i32
    %swap3A_762 = arith.index_cast %swap3A_761 : i32 to index
    %swap3A_763 = arith.constant 32 : index
    %swap3A_764 = tpu.vector_load %arg11[%swap3A_762, %swap3A_763] {strides = array<i32>} : memref<32x64xf32, #tpu.memory_space<vmem>>, vector<1x16xf32>,
    %swap3A_765 = vector.shape_cast %swap3A_764 : vector<1x16xf32> to vector<16xf32>
    %swap3A_766 = vector.shape_cast %broadcast_in_dim3A_5 : vector<16xf32> to vector<1x16xf32>
    tpu.vector_store %arg11[%swap3A_762, %swap3A_763], %swap3A_766 {strides = array<i32>} : memref<32x64xf32, #tpu.memory_space<vmem>>, vector<1x16xf32>,
    %swap3A_767 = arith.constant 31 : i32
    %swap3A_768 = arith.index_cast %swap3A_767 : i32 to index
    %swap3A_769 = arith.constant 48 : index
    %swap3A_770 = tpu.vector_load %arg11[%swap3A_768, %swap3A_769] {strides = array<i32>} : memref<32x64xf32, #tpu.memory_space<vmem>>, vector<1x16xf32>,
    %swap3A_771 = vector.shape_cast %swap3A_770 : vector<1x16xf32> to vector<16xf32>
    %swap3A_772 = vector.shape_cast %broadcast_in_dim3A_5 : vector<16xf32> to vector<1x16xf32>
    tpu.vector_store %arg11[%swap3A_768, %swap3A_769], %swap3A_772 {strides = array<i32>} : memref<32x64xf32, #tpu.memory_space<vmem>>, vector<1x16xf32>,
    %scan3A = arith.constant 0 : i32
    %scan3A_773 = arith.constant 0 : i32
    %scan3A_774 = arith.constant 20 : i32
    %scan3A_775 = arith.addi %scan3A_773, %scan3A_774 : i32
    %scan3A_776 = arith.constant 1 : i32
    scf.for %scan3A_789 = %scan3A_773 to %scan3A_775 step %scan3A_776  : i32 {
      %mul3A_790 = arith.constant 640 : i32
      %mul3A_791 = arith.muli %arg1, %mul3A_790 : i32
      %mul3A_792 = arith.constant 32 : i32
      %mul3A_793 = arith.muli %scan3A_789, %mul3A_792 : i32
      %add3A_794 = arith.addi %mul3A_791, %mul3A_793 : i32
      "tpu.region"() ({
        %run_scoped3A = tpu.sem_alloc : memref<!tpu.dma_semaphore, #tpu.memory_space<semaphore_mem>>
        %dma_start3A = arith.constant 0 : i32
        %dma_start3A_795 = tpu.memref_slice %arg12[%add3A_794, %dma_start3A] : memref<10240x64xf32, #tpu.memory_space<vmem_shared>> -> memref<32x64xf32, #tpu.memory_space<vmem_shared>>
        %dma_start3A_796 = arith.constant 0 : i32
        %dma_start3A_797 = tpu.memref_slice %arg12[%add3A_794, %dma_start3A_796] : memref<10240x64xf32, #tpu.memory_space<vmem_shared>> -> memref<32x64xf32, #tpu.memory_space<vmem_shared>>
        tpu.enqueue_dma source(%arg11 : memref<32x64xf32, #tpu.memory_space<vmem>>) target(%dma_start3A_797 : memref<32x64xf32, #tpu.memory_space<vmem_shared>>) target_semaphore(%run_scoped3A : memref<!tpu.dma_semaphore, #tpu.memory_space<semaphore_mem>>)
        %dma_wait3A = arith.constant 0 : i32
        %dma_wait3A_798 = tpu.memref_slice %arg12[%add3A_794, %dma_wait3A] : memref<10240x64xf32, #tpu.memory_space<vmem_shared>> -> memref<32x64xf32, #tpu.memory_space<vmem_shared>>
        %dma_wait3A_799 = arith.constant 0 : i32
        %dma_wait3A_800 = tpu.memref_slice %arg12[%add3A_794, %dma_wait3A_799] : memref<10240x64xf32, #tpu.memory_space<vmem_shared>> -> memref<32x64xf32, #tpu.memory_space<vmem_shared>>
        tpu.wait_dma2 semaphore(%run_scoped3A : memref<!tpu.dma_semaphore, #tpu.memory_space<semaphore_mem>>) src(%arg11 : memref<32x64xf32, #tpu.memory_space<vmem>>) dst(%dma_wait3A_800 : memref<32x64xf32, #tpu.memory_space<vmem_shared>>)
        tpu.yield
      }) : () -> ()
    }
    %scan3A_777 = arith.constant 20 : i32
    %barrier3A = arith.constant 0 : index
    tpu.barrier barrier_id(%barrier3A)
    %scan3A_778 = arith.constant 0 : i32
    %scan3A_779 = arith.constant 0 : i32
    %scan3A_780 = arith.constant 80 : i32
    %scan3A_781 = arith.addi %scan3A_779, %scan3A_780 : i32
    %scan3A_782 = arith.constant 1 : i32
    scf.for %scan3A_789 = %scan3A_779 to %scan3A_781 step %scan3A_782  : i32 {
      %mul3A_790 = arith.constant 80 : i32
      %mul3A_791 = arith.muli %add3A, %mul3A_790 : i32
      %add3A_792 = arith.addi %mul3A_791, %scan3A_789 : i32
      %dma_start3A = arith.constant 0 : i32
      %dma_start3A_793 = arith.constant 0 : i32
      %dma_start3A_794 = tpu.memref_slice %arg5[%add3A_792, %dma_start3A, %dma_start3A_793] : memref<2560x128x16xf32, #tpu.memory_space<hbm>> -> memref<1x128x16xf32, #tpu.memory_space<hbm>>
      %dma_start3A_795 = tpu.memref_squeeze %dma_start3A_794 : memref<1x128x16xf32, #tpu.memory_space<hbm>> -> memref<128x16xf32, #tpu.memory_space<hbm>>
      %dma_start3A_796 = arith.constant 0 : i32
      %dma_start3A_797 = arith.constant 0 : i32
      %dma_start3A_798 = tpu.memref_slice %arg5[%add3A_792, %dma_start3A_796, %dma_start3A_797] : memref<2560x128x16xf32, #tpu.memory_space<hbm>> -> memref<1x128x16xf32, #tpu.memory_space<hbm>>
      %dma_start3A_799 = tpu.memref_squeeze %dma_start3A_798 : memref<1x128x16xf32, #tpu.memory_space<hbm>> -> memref<128x16xf32, #tpu.memory_space<hbm>>
      tpu.enqueue_dma source(%dma_start3A_799 : memref<128x16xf32, #tpu.memory_space<hbm>>) target(%arg9 : memref<128x16xf32, #tpu.memory_space<vmem>>) target_semaphore(%arg13 : memref<!tpu.dma_semaphore, #tpu.memory_space<semaphore_mem>>)
      %dma_start3A_800 = arith.constant 0 : i32
      %dma_start3A_801 = tpu.memref_slice %arg7[%scan3A_789, %dma_start3A_800] : memref<80x128xi32, #tpu.memory_space<vmem>> -> memref<1x128xi32, #tpu.memory_space<vmem>>
      %dma_start3A_802 = tpu.memref_squeeze %dma_start3A_801 : memref<1x128xi32, #tpu.memory_space<vmem>> -> memref<128xi32, #tpu.memory_space<vmem>>
      %dma_start3A_803 = arith.constant 0 : i32
      %dma_start3A_804 = arith.constant 0 : i32
      %dma_start3A_805 = tpu.memref_slice %arg2[%dma_start3A_803, %dma_start3A_804] : memref<10240x64xf32, #tpu.memory_space<hbm>> -> memref<10240x64xf32, #tpu.memory_space<hbm>>
      tpu.enqueue_indirect_dma source(%dma_start3A_805 : memref<10240x64xf32, #tpu.memory_space<hbm>>) target(%arg10 : memref<128x64xf32, #tpu.memory_space<vmem>>) offsets(%dma_start3A_802 : memref<128xi32, #tpu.memory_space<vmem>>) semaphore(%arg13 : memref<!tpu.dma_semaphore, #tpu.memory_space<semaphore_mem>>)
      %dma_wait3A = arith.constant 0 : i32
      %dma_wait3A_806 = arith.constant 0 : i32
      %dma_wait3A_807 = tpu.memref_slice %arg5[%add3A_792, %dma_wait3A, %dma_wait3A_806] : memref<2560x128x16xf32, #tpu.memory_space<hbm>> -> memref<1x128x16xf32, #tpu.memory_space<hbm>>
      %dma_wait3A_808 = tpu.memref_squeeze %dma_wait3A_807 : memref<1x128x16xf32, #tpu.memory_space<hbm>> -> memref<128x16xf32, #tpu.memory_space<hbm>>
      %dma_wait3A_809 = arith.constant 0 : i32
      %dma_wait3A_810 = arith.constant 0 : i32
      %dma_wait3A_811 = tpu.memref_slice %arg5[%add3A_792, %dma_wait3A_809, %dma_wait3A_810] : memref<2560x128x16xf32, #tpu.memory_space<hbm>> -> memref<1x128x16xf32, #tpu.memory_space<hbm>>
      %dma_wait3A_812 = tpu.memref_squeeze %dma_wait3A_811 : memref<1x128x16xf32, #tpu.memory_space<hbm>> -> memref<128x16xf32, #tpu.memory_space<hbm>>
      tpu.wait_dma2 semaphore(%arg13 : memref<!tpu.dma_semaphore, #tpu.memory_space<semaphore_mem>>) src(%dma_wait3A_812 : memref<128x16xf32, #tpu.memory_space<hbm>>) dst(%arg9 : memref<128x16xf32, #tpu.memory_space<vmem>>)
      %dma_wait3A_813 = arith.constant 0 : i32
      %dma_wait3A_814 = tpu.memref_slice %arg7[%scan3A_789, %dma_wait3A_813] : memref<80x128xi32, #tpu.memory_space<vmem>> -> memref<1x128xi32, #tpu.memory_space<vmem>>
      %dma_wait3A_815 = tpu.memref_squeeze %dma_wait3A_814 : memref<1x128xi32, #tpu.memory_space<vmem>> -> memref<128xi32, #tpu.memory_space<vmem>>
      %dma_wait3A_816 = arith.constant 0 : i32
      %dma_wait3A_817 = arith.constant 0 : i32
      %dma_wait3A_818 = tpu.memref_slice %arg2[%dma_wait3A_816, %dma_wait3A_817] : memref<10240x64xf32, #tpu.memory_space<hbm>> -> memref<10240x64xf32, #tpu.memory_space<hbm>>
      tpu.wait_indirect_dma semaphore(%arg13 : memref<!tpu.dma_semaphore, #tpu.memory_space<semaphore_mem>>) src(%dma_wait3A_818 : memref<10240x64xf32, #tpu.memory_space<hbm>>) dst(%arg10 : memref<128x64xf32, #tpu.memory_space<vmem>>)
      %scan3A_819 = arith.constant 0 : i32
      %scan3A_820 = arith.constant 0 : i32
      %scan3A_821 = arith.constant 128 : i32
      %scan3A_822 = arith.addi %scan3A_820, %scan3A_821 : i32
      %scan3A_823 = arith.constant 1 : i32
      scf.for %scan3A_825 = %scan3A_820 to %scan3A_822 step %scan3A_823  : i32 {
        %get3A = arith.index_cast %scan3A_825 : i32 to index
        %get3A_826 = arith.constant 0 : index
        %get3A_827 = tpu.vector_load %arg9[%get3A, %get3A_826] {strides = array<i32>} : memref<128x16xf32, #tpu.memory_space<vmem>>, vector<1x16xf32>,
        %get3A_828 = vector.shape_cast %get3A_827 : vector<1x16xf32> to vector<16xf32>
        %get3A_829 = arith.index_cast %scan3A_825 : i32 to index
        %get3A_830 = arith.constant 0 : index
        %get3A_831 = tpu.vector_load %arg10[%get3A_829, %get3A_830] {strides = array<i32>} : memref<128x64xf32, #tpu.memory_space<vmem>>, vector<1x16xf32>,
        %get3A_832 = vector.shape_cast %get3A_831 : vector<1x16xf32> to vector<16xf32>
        %mul3A_833 = arith.mulf %get3A_832, %get3A_828 : vector<16xf32>
        %swap3A_834 = arith.index_cast %scan3A_825 : i32 to index
        %swap3A_835 = arith.constant 0 : index
        %swap3A_836 = tpu.vector_load %arg10[%swap3A_834, %swap3A_835] {strides = array<i32>} : memref<128x64xf32, #tpu.memory_space<vmem>>, vector<1x16xf32>,
        %swap3A_837 = vector.shape_cast %swap3A_836 : vector<1x16xf32> to vector<16xf32>
        %swap3A_838 = vector.shape_cast %mul3A_833 : vector<16xf32> to vector<1x16xf32>
        tpu.vector_store %arg10[%swap3A_834, %swap3A_835], %swap3A_838 {strides = array<i32>} : memref<128x64xf32, #tpu.memory_space<vmem>>, vector<1x16xf32>,
        %get3A_839 = arith.index_cast %scan3A_825 : i32 to index
        %get3A_840 = arith.constant 16 : index
        %get3A_841 = tpu.vector_load %arg10[%get3A_839, %get3A_840] {strides = array<i32>} : memref<128x64xf32, #tpu.memory_space<vmem>>, vector<1x16xf32>,
        %get3A_842 = vector.shape_cast %get3A_841 : vector<1x16xf32> to vector<16xf32>
        %mul3A_843 = arith.mulf %get3A_842, %get3A_828 : vector<16xf32>
        %swap3A_844 = arith.index_cast %scan3A_825 : i32 to index
        %swap3A_845 = arith.constant 16 : index
        %swap3A_846 = tpu.vector_load %arg10[%swap3A_844, %swap3A_845] {strides = array<i32>} : memref<128x64xf32, #tpu.memory_space<vmem>>, vector<1x16xf32>,
        %swap3A_847 = vector.shape_cast %swap3A_846 : vector<1x16xf32> to vector<16xf32>
        %swap3A_848 = vector.shape_cast %mul3A_843 : vector<16xf32> to vector<1x16xf32>
        tpu.vector_store %arg10[%swap3A_844, %swap3A_845], %swap3A_848 {strides = array<i32>} : memref<128x64xf32, #tpu.memory_space<vmem>>, vector<1x16xf32>,
        %get3A_849 = arith.index_cast %scan3A_825 : i32 to index
        %get3A_850 = arith.constant 32 : index
        %get3A_851 = tpu.vector_load %arg10[%get3A_849, %get3A_850] {strides = array<i32>} : memref<128x64xf32, #tpu.memory_space<vmem>>, vector<1x16xf32>,
        %get3A_852 = vector.shape_cast %get3A_851 : vector<1x16xf32> to vector<16xf32>
        %mul3A_853 = arith.mulf %get3A_852, %get3A_828 : vector<16xf32>
        %swap3A_854 = arith.index_cast %scan3A_825 : i32 to index
        %swap3A_855 = arith.constant 32 : index
        %swap3A_856 = tpu.vector_load %arg10[%swap3A_854, %swap3A_855] {strides = array<i32>} : memref<128x64xf32, #tpu.memory_space<vmem>>, vector<1x16xf32>,
        %swap3A_857 = vector.shape_cast %swap3A_856 : vector<1x16xf32> to vector<16xf32>
        %swap3A_858 = vector.shape_cast %mul3A_853 : vector<16xf32> to vector<1x16xf32>
        tpu.vector_store %arg10[%swap3A_854, %swap3A_855], %swap3A_858 {strides = array<i32>} : memref<128x64xf32, #tpu.memory_space<vmem>>, vector<1x16xf32>,
        %get3A_859 = arith.index_cast %scan3A_825 : i32 to index
        %get3A_860 = arith.constant 48 : index
        %get3A_861 = tpu.vector_load %arg10[%get3A_859, %get3A_860] {strides = array<i32>} : memref<128x64xf32, #tpu.memory_space<vmem>>, vector<1x16xf32>,
        %get3A_862 = vector.shape_cast %get3A_861 : vector<1x16xf32> to vector<16xf32>
        %mul3A_863 = arith.mulf %get3A_862, %get3A_828 : vector<16xf32>
        %swap3A_864 = arith.index_cast %scan3A_825 : i32 to index
        %swap3A_865 = arith.constant 48 : index
        %swap3A_866 = tpu.vector_load %arg10[%swap3A_864, %swap3A_865] {strides = array<i32>} : memref<128x64xf32, #tpu.memory_space<vmem>>, vector<1x16xf32>,
        %swap3A_867 = vector.shape_cast %swap3A_866 : vector<1x16xf32> to vector<16xf32>
        %swap3A_868 = vector.shape_cast %mul3A_863 : vector<16xf32> to vector<1x16xf32>
        tpu.vector_store %arg10[%swap3A_864, %swap3A_865], %swap3A_868 {strides = array<i32>} : memref<128x64xf32, #tpu.memory_space<vmem>>, vector<1x16xf32>,
      }
      %scan3A_824 = arith.constant 128 : i32
      "tpu.region"() ({
        %run_scoped3A = tpu.sem_alloc : memref<!tpu.dma_semaphore, #tpu.memory_space<semaphore_mem>>
        %dma_start3A_825 = arith.constant 0 : i32
        %dma_start3A_826 = tpu.memref_slice %arg8[%scan3A_789, %dma_start3A_825] : memref<80x128xi32, #tpu.memory_space<vmem>> -> memref<1x128xi32, #tpu.memory_space<vmem>>
        %dma_start3A_827 = tpu.memref_squeeze %dma_start3A_826 : memref<1x128xi32, #tpu.memory_space<vmem>> -> memref<128xi32, #tpu.memory_space<vmem>>
        %dma_start3A_828 = arith.constant 0 : i32
        %dma_start3A_829 = arith.constant 0 : i32
        %dma_start3A_830 = tpu.memref_slice %arg12[%dma_start3A_828, %dma_start3A_829] : memref<10240x64xf32, #tpu.memory_space<vmem_shared>> -> memref<10240x64xf32, #tpu.memory_space<vmem_shared>>
        tpu.enqueue_indirect_dma source(%arg10 : memref<128x64xf32, #tpu.memory_space<vmem>>) target(%dma_start3A_830 : memref<10240x64xf32, #tpu.memory_space<vmem_shared>>) offsets(%dma_start3A_827 : memref<128xi32, #tpu.memory_space<vmem>>) semaphore(%run_scoped3A : memref<!tpu.dma_semaphore, #tpu.memory_space<semaphore_mem>>) {add = true}
        %dma_wait3A_831 = arith.constant 0 : i32
        %dma_wait3A_832 = tpu.memref_slice %arg8[%scan3A_789, %dma_wait3A_831] : memref<80x128xi32, #tpu.memory_space<vmem>> -> memref<1x128xi32, #tpu.memory_space<vmem>>
        %dma_wait3A_833 = tpu.memref_squeeze %dma_wait3A_832 : memref<1x128xi32, #tpu.memory_space<vmem>> -> memref<128xi32, #tpu.memory_space<vmem>>
        %dma_wait3A_834 = arith.constant 0 : i32
        %dma_wait3A_835 = arith.constant 0 : i32
        %dma_wait3A_836 = tpu.memref_slice %arg12[%dma_wait3A_834, %dma_wait3A_835] : memref<10240x64xf32, #tpu.memory_space<vmem_shared>> -> memref<10240x64xf32, #tpu.memory_space<vmem_shared>>
        tpu.wait_indirect_dma semaphore(%run_scoped3A : memref<!tpu.dma_semaphore, #tpu.memory_space<semaphore_mem>>) src(%arg10 : memref<128x64xf32, #tpu.memory_space<vmem>>) dst(%dma_wait3A_836 : memref<10240x64xf32, #tpu.memory_space<vmem_shared>>)
        tpu.yield
      }) : () -> ()
    }
    %scan3A_783 = arith.constant 80 : i32
    %barrier3A_784 = arith.constant 0 : index
    tpu.barrier barrier_id(%barrier3A_784)
    %mul3A_785 = arith.constant 640 : i32
    %mul3A_786 = arith.muli %arg1, %mul3A_785 : i32
    %mul3A_787 = arith.constant 640 : i32
    %mul3A_788 = arith.muli %arg1, %mul3A_787 : i32
    "tpu.region"() ({
      %run_scoped3A = tpu.sem_alloc : memref<!tpu.dma_semaphore, #tpu.memory_space<semaphore_mem>>
      %dma_start3A = arith.constant 0 : i32
      %dma_start3A_789 = tpu.memref_slice %arg6[%arg0, %mul3A_788, %dma_start3A] : memref<2x10240x64xf32, #tpu.memory_space<hbm>> -> memref<1x640x64xf32, #tpu.memory_space<hbm>>
      %dma_start3A_790 = tpu.memref_squeeze %dma_start3A_789 : memref<1x640x64xf32, #tpu.memory_space<hbm>> -> memref<640x64xf32, #tpu.memory_space<hbm>>
      %dma_start3A_791 = arith.constant 0 : i32
      %dma_start3A_792 = tpu.memref_slice %arg12[%mul3A_786, %dma_start3A_791] : memref<10240x64xf32, #tpu.memory_space<vmem_shared>> -> memref<640x64xf32, #tpu.memory_space<vmem_shared>>
      tpu.enqueue_dma source(%dma_start3A_792 : memref<640x64xf32, #tpu.memory_space<vmem_shared>>) target(%dma_start3A_790 : memref<640x64xf32, #tpu.memory_space<hbm>>) target_semaphore(%run_scoped3A : memref<!tpu.dma_semaphore, #tpu.memory_space<semaphore_mem>>)
      %dma_wait3A = arith.constant 0 : i32
      %dma_wait3A_793 = tpu.memref_slice %arg6[%arg0, %mul3A_788, %dma_wait3A] : memref<2x10240x64xf32, #tpu.memory_space<hbm>> -> memref<1x640x64xf32, #tpu.memory_space<hbm>>
      %dma_wait3A_794 = tpu.memref_squeeze %dma_wait3A_793 : memref<1x640x64xf32, #tpu.memory_space<hbm>> -> memref<640x64xf32, #tpu.memory_space<hbm>>
      %dma_wait3A_795 = arith.constant 0 : i32
      %dma_wait3A_796 = tpu.memref_slice %arg12[%mul3A_786, %dma_wait3A_795] : memref<10240x64xf32, #tpu.memory_space<vmem_shared>> -> memref<640x64xf32, #tpu.memory_space<vmem_shared>>
      tpu.wait_dma2 semaphore(%run_scoped3A : memref<!tpu.dma_semaphore, #tpu.memory_space<semaphore_mem>>) src(%dma_wait3A_796 : memref<640x64xf32, #tpu.memory_space<vmem_shared>>) dst(%dma_wait3A_794 : memref<640x64xf32, #tpu.memory_space<hbm>>)
      tpu.yield
    }) : () -> ()
    return
  }
}

#map = affine_map<(d0, d1) -> (0, 0)>
#map1 = affine_map<(d0, d1) -> (0, 0, 0)>
module attributes {stable_mosaic.version = 14 : i64} {
  func.func @_spmm_sc_body(%arg0: i32, %arg1: i32, %arg2: memref<10240x128xf32, #tpu.memory_space<hbm>>, %arg3: memref<2560x128xi32, #tpu.memory_space<hbm>>, %arg4: memref<2560x128xi32, #tpu.memory_space<hbm>>, %arg5: memref<2560x128x16xf32, #tpu.memory_space<hbm>>, %arg6: memref<2x10240x128xf32, #tpu.memory_space<hbm>>, %arg7: memref<80x128xi32, #tpu.memory_space<vmem>>, %arg8: memref<80x128xi32, #tpu.memory_space<vmem>>, %arg9: memref<128x16xf32, #tpu.memory_space<vmem>>, %arg10: memref<128x128xf32, #tpu.memory_space<vmem>>, %arg11: memref<32x128xf32, #tpu.memory_space<vmem>>, %arg12: memref<10240x128xf32, #tpu.memory_space<vmem_shared>>, %arg13: memref<!tpu.dma_semaphore, #tpu.memory_space<semaphore_mem>>) attributes {dimension_semantics = [#tpu.dimension_semantics<core_parallel>, #tpu.dimension_semantics<subcore_parallel>], iteration_bounds = array<i64: 2, 16>, scalar_prefetch = 0 : i64, scratch_operands = 7 : i64, tpu.core_type = #tpu.core_type<sc_vector_subcore>, window_params = [{transform_indices = #map}, {transform_indices = #map}, {transform_indices = #map}, {transform_indices = #map1}, {transform_indices = #map1}]} {
    %mul3A = arith.constant 16 : i32
    %mul3A_0 = arith.muli %arg0, %mul3A : i32
    %add3A = arith.addi %mul3A_0, %arg1 : i32
    %mul3A_1 = arith.constant 80 : i32
    %mul3A_2 = arith.muli %add3A, %mul3A_1 : i32
    "tpu.region"() ({
      %run_scoped3A = tpu.sem_alloc : memref<!tpu.dma_semaphore, #tpu.memory_space<semaphore_mem>>
      %dma_start3A = arith.constant 0 : i32
      %dma_start3A_1557 = tpu.memref_slice %arg3[%mul3A_2, %dma_start3A] : memref<2560x128xi32, #tpu.memory_space<hbm>> -> memref<80x128xi32, #tpu.memory_space<hbm>>
      %dma_start3A_1558 = arith.constant 0 : i32
      %dma_start3A_1559 = tpu.memref_slice %arg3[%mul3A_2, %dma_start3A_1558] : memref<2560x128xi32, #tpu.memory_space<hbm>> -> memref<80x128xi32, #tpu.memory_space<hbm>>
      tpu.enqueue_dma source(%dma_start3A_1559 : memref<80x128xi32, #tpu.memory_space<hbm>>) target(%arg7 : memref<80x128xi32, #tpu.memory_space<vmem>>) target_semaphore(%run_scoped3A : memref<!tpu.dma_semaphore, #tpu.memory_space<semaphore_mem>>)
      %dma_wait3A = arith.constant 0 : i32
      %dma_wait3A_1560 = tpu.memref_slice %arg3[%mul3A_2, %dma_wait3A] : memref<2560x128xi32, #tpu.memory_space<hbm>> -> memref<80x128xi32, #tpu.memory_space<hbm>>
      %dma_wait3A_1561 = arith.constant 0 : i32
      %dma_wait3A_1562 = tpu.memref_slice %arg3[%mul3A_2, %dma_wait3A_1561] : memref<2560x128xi32, #tpu.memory_space<hbm>> -> memref<80x128xi32, #tpu.memory_space<hbm>>
      tpu.wait_dma2 semaphore(%run_scoped3A : memref<!tpu.dma_semaphore, #tpu.memory_space<semaphore_mem>>) src(%dma_wait3A_1562 : memref<80x128xi32, #tpu.memory_space<hbm>>) dst(%arg7 : memref<80x128xi32, #tpu.memory_space<vmem>>)
      tpu.yield
    }) : () -> ()
    %mul3A_3 = arith.constant 80 : i32
    %mul3A_4 = arith.muli %add3A, %mul3A_3 : i32
    "tpu.region"() ({
      %run_scoped3A = tpu.sem_alloc : memref<!tpu.dma_semaphore, #tpu.memory_space<semaphore_mem>>
      %dma_start3A = arith.constant 0 : i32
      %dma_start3A_1557 = tpu.memref_slice %arg4[%mul3A_4, %dma_start3A] : memref<2560x128xi32, #tpu.memory_space<hbm>> -> memref<80x128xi32, #tpu.memory_space<hbm>>
      %dma_start3A_1558 = arith.constant 0 : i32
      %dma_start3A_1559 = tpu.memref_slice %arg4[%mul3A_4, %dma_start3A_1558] : memref<2560x128xi32, #tpu.memory_space<hbm>> -> memref<80x128xi32, #tpu.memory_space<hbm>>
      tpu.enqueue_dma source(%dma_start3A_1559 : memref<80x128xi32, #tpu.memory_space<hbm>>) target(%arg8 : memref<80x128xi32, #tpu.memory_space<vmem>>) target_semaphore(%run_scoped3A : memref<!tpu.dma_semaphore, #tpu.memory_space<semaphore_mem>>)
      %dma_wait3A = arith.constant 0 : i32
      %dma_wait3A_1560 = tpu.memref_slice %arg4[%mul3A_4, %dma_wait3A] : memref<2560x128xi32, #tpu.memory_space<hbm>> -> memref<80x128xi32, #tpu.memory_space<hbm>>
      %dma_wait3A_1561 = arith.constant 0 : i32
      %dma_wait3A_1562 = tpu.memref_slice %arg4[%mul3A_4, %dma_wait3A_1561] : memref<2560x128xi32, #tpu.memory_space<hbm>> -> memref<80x128xi32, #tpu.memory_space<hbm>>
      tpu.wait_dma2 semaphore(%run_scoped3A : memref<!tpu.dma_semaphore, #tpu.memory_space<semaphore_mem>>) src(%dma_wait3A_1562 : memref<80x128xi32, #tpu.memory_space<hbm>>) dst(%arg8 : memref<80x128xi32, #tpu.memory_space<vmem>>)
      tpu.yield
    }) : () -> ()
    %broadcast_in_dim3A = arith.constant 0.000000e+00 : f32
    %broadcast_in_dim3A_5 = vector.broadcast %broadcast_in_dim3A : f32 to vector<16xf32>
    %swap3A = arith.constant 0 : i32
    %swap3A_6 = arith.index_cast %swap3A : i32 to index
    %swap3A_7 = arith.constant 0 : index
    %swap3A_8 = tpu.vector_load %arg11[%swap3A_6, %swap3A_7] {strides = array<i32>} : memref<32x128xf32, #tpu.memory_space<vmem>>, vector<1x16xf32>,
    %swap3A_9 = vector.shape_cast %swap3A_8 : vector<1x16xf32> to vector<16xf32>
    %swap3A_10 = vector.shape_cast %broadcast_in_dim3A_5 : vector<16xf32> to vector<1x16xf32>
    tpu.vector_store %arg11[%swap3A_6, %swap3A_7], %swap3A_10 {strides = array<i32>} : memref<32x128xf32, #tpu.memory_space<vmem>>, vector<1x16xf32>,
    %swap3A_11 = arith.constant 0 : i32
    %swap3A_12 = arith.index_cast %swap3A_11 : i32 to index
    %swap3A_13 = arith.constant 16 : index
    %swap3A_14 = tpu.vector_load %arg11[%swap3A_12, %swap3A_13] {strides = array<i32>} : memref<32x128xf32, #tpu.memory_space<vmem>>, vector<1x16xf32>,
    %swap3A_15 = vector.shape_cast %swap3A_14 : vector<1x16xf32> to vector<16xf32>
    %swap3A_16 = vector.shape_cast %broadcast_in_dim3A_5 : vector<16xf32> to vector<1x16xf32>
    tpu.vector_store %arg11[%swap3A_12, %swap3A_13], %swap3A_16 {strides = array<i32>} : memref<32x128xf32, #tpu.memory_space<vmem>>, vector<1x16xf32>,
    %swap3A_17 = arith.constant 0 : i32
    %swap3A_18 = arith.index_cast %swap3A_17 : i32 to index
    %swap3A_19 = arith.constant 32 : index
    %swap3A_20 = tpu.vector_load %arg11[%swap3A_18, %swap3A_19] {strides = array<i32>} : memref<32x128xf32, #tpu.memory_space<vmem>>, vector<1x16xf32>,
    %swap3A_21 = vector.shape_cast %swap3A_20 : vector<1x16xf32> to vector<16xf32>
    %swap3A_22 = vector.shape_cast %broadcast_in_dim3A_5 : vector<16xf32> to vector<1x16xf32>
    tpu.vector_store %arg11[%swap3A_18, %swap3A_19], %swap3A_22 {strides = array<i32>} : memref<32x128xf32, #tpu.memory_space<vmem>>, vector<1x16xf32>,
    %swap3A_23 = arith.constant 0 : i32
    %swap3A_24 = arith.index_cast %swap3A_23 : i32 to index
    %swap3A_25 = arith.constant 48 : index
    %swap3A_26 = tpu.vector_load %arg11[%swap3A_24, %swap3A_25] {strides = array<i32>} : memref<32x128xf32, #tpu.memory_space<vmem>>, vector<1x16xf32>,
    %swap3A_27 = vector.shape_cast %swap3A_26 : vector<1x16xf32> to vector<16xf32>
    %swap3A_28 = vector.shape_cast %broadcast_in_dim3A_5 : vector<16xf32> to vector<1x16xf32>
    tpu.vector_store %arg11[%swap3A_24, %swap3A_25], %swap3A_28 {strides = array<i32>} : memref<32x128xf32, #tpu.memory_space<vmem>>, vector<1x16xf32>,
    %swap3A_29 = arith.constant 0 : i32
    %swap3A_30 = arith.index_cast %swap3A_29 : i32 to index
    %swap3A_31 = arith.constant 64 : index
    %swap3A_32 = tpu.vector_load %arg11[%swap3A_30, %swap3A_31] {strides = array<i32>} : memref<32x128xf32, #tpu.memory_space<vmem>>, vector<1x16xf32>,
    %swap3A_33 = vector.shape_cast %swap3A_32 : vector<1x16xf32> to vector<16xf32>
    %swap3A_34 = vector.shape_cast %broadcast_in_dim3A_5 : vector<16xf32> to vector<1x16xf32>
    tpu.vector_store %arg11[%swap3A_30, %swap3A_31], %swap3A_34 {strides = array<i32>} : memref<32x128xf32, #tpu.memory_space<vmem>>, vector<1x16xf32>,
    %swap3A_35 = arith.constant 0 : i32
    %swap3A_36 = arith.index_cast %swap3A_35 : i32 to index
    %swap3A_37 = arith.constant 80 : index
    %swap3A_38 = tpu.vector_load %arg11[%swap3A_36, %swap3A_37] {strides = array<i32>} : memref<32x128xf32, #tpu.memory_space<vmem>>, vector<1x16xf32>,
    %swap3A_39 = vector.shape_cast %swap3A_38 : vector<1x16xf32> to vector<16xf32>
    %swap3A_40 = vector.shape_cast %broadcast_in_dim3A_5 : vector<16xf32> to vector<1x16xf32>
    tpu.vector_store %arg11[%swap3A_36, %swap3A_37], %swap3A_40 {strides = array<i32>} : memref<32x128xf32, #tpu.memory_space<vmem>>, vector<1x16xf32>,
    %swap3A_41 = arith.constant 0 : i32
    %swap3A_42 = arith.index_cast %swap3A_41 : i32 to index
    %swap3A_43 = arith.constant 96 : index
    %swap3A_44 = tpu.vector_load %arg11[%swap3A_42, %swap3A_43] {strides = array<i32>} : memref<32x128xf32, #tpu.memory_space<vmem>>, vector<1x16xf32>,
    %swap3A_45 = vector.shape_cast %swap3A_44 : vector<1x16xf32> to vector<16xf32>
    %swap3A_46 = vector.shape_cast %broadcast_in_dim3A_5 : vector<16xf32> to vector<1x16xf32>
    tpu.vector_store %arg11[%swap3A_42, %swap3A_43], %swap3A_46 {strides = array<i32>} : memref<32x128xf32, #tpu.memory_space<vmem>>, vector<1x16xf32>,
    %swap3A_47 = arith.constant 0 : i32
    %swap3A_48 = arith.index_cast %swap3A_47 : i32 to index
    %swap3A_49 = arith.constant 112 : index
    %swap3A_50 = tpu.vector_load %arg11[%swap3A_48, %swap3A_49] {strides = array<i32>} : memref<32x128xf32, #tpu.memory_space<vmem>>, vector<1x16xf32>,
    %swap3A_51 = vector.shape_cast %swap3A_50 : vector<1x16xf32> to vector<16xf32>
    %swap3A_52 = vector.shape_cast %broadcast_in_dim3A_5 : vector<16xf32> to vector<1x16xf32>
    tpu.vector_store %arg11[%swap3A_48, %swap3A_49], %swap3A_52 {strides = array<i32>} : memref<32x128xf32, #tpu.memory_space<vmem>>, vector<1x16xf32>,
    %swap3A_53 = arith.constant 1 : i32
    %swap3A_54 = arith.index_cast %swap3A_53 : i32 to index
    %swap3A_55 = arith.constant 0 : index
    %swap3A_56 = tpu.vector_load %arg11[%swap3A_54, %swap3A_55] {strides = array<i32>} : memref<32x128xf32, #tpu.memory_space<vmem>>, vector<1x16xf32>,
    %swap3A_57 = vector.shape_cast %swap3A_56 : vector<1x16xf32> to vector<16xf32>
    %swap3A_58 = vector.shape_cast %broadcast_in_dim3A_5 : vector<16xf32> to vector<1x16xf32>
    tpu.vector_store %arg11[%swap3A_54, %swap3A_55], %swap3A_58 {strides = array<i32>} : memref<32x128xf32, #tpu.memory_space<vmem>>, vector<1x16xf32>,
    %swap3A_59 = arith.constant 1 : i32
    %swap3A_60 = arith.index_cast %swap3A_59 : i32 to index
    %swap3A_61 = arith.constant 16 : index
    %swap3A_62 = tpu.vector_load %arg11[%swap3A_60, %swap3A_61] {strides = array<i32>} : memref<32x128xf32, #tpu.memory_space<vmem>>, vector<1x16xf32>,
    %swap3A_63 = vector.shape_cast %swap3A_62 : vector<1x16xf32> to vector<16xf32>
    %swap3A_64 = vector.shape_cast %broadcast_in_dim3A_5 : vector<16xf32> to vector<1x16xf32>
    tpu.vector_store %arg11[%swap3A_60, %swap3A_61], %swap3A_64 {strides = array<i32>} : memref<32x128xf32, #tpu.memory_space<vmem>>, vector<1x16xf32>,
    %swap3A_65 = arith.constant 1 : i32
    %swap3A_66 = arith.index_cast %swap3A_65 : i32 to index
    %swap3A_67 = arith.constant 32 : index
    %swap3A_68 = tpu.vector_load %arg11[%swap3A_66, %swap3A_67] {strides = array<i32>} : memref<32x128xf32, #tpu.memory_space<vmem>>, vector<1x16xf32>,
    %swap3A_69 = vector.shape_cast %swap3A_68 : vector<1x16xf32> to vector<16xf32>
    %swap3A_70 = vector.shape_cast %broadcast_in_dim3A_5 : vector<16xf32> to vector<1x16xf32>
    tpu.vector_store %arg11[%swap3A_66, %swap3A_67], %swap3A_70 {strides = array<i32>} : memref<32x128xf32, #tpu.memory_space<vmem>>, vector<1x16xf32>,
    %swap3A_71 = arith.constant 1 : i32
    %swap3A_72 = arith.index_cast %swap3A_71 : i32 to index
    %swap3A_73 = arith.constant 48 : index
    %swap3A_74 = tpu.vector_load %arg11[%swap3A_72, %swap3A_73] {strides = array<i32>} : memref<32x128xf32, #tpu.memory_space<vmem>>, vector<1x16xf32>,
    %swap3A_75 = vector.shape_cast %swap3A_74 : vector<1x16xf32> to vector<16xf32>
    %swap3A_76 = vector.shape_cast %broadcast_in_dim3A_5 : vector<16xf32> to vector<1x16xf32>
    tpu.vector_store %arg11[%swap3A_72, %swap3A_73], %swap3A_76 {strides = array<i32>} : memref<32x128xf32, #tpu.memory_space<vmem>>, vector<1x16xf32>,
    %swap3A_77 = arith.constant 1 : i32
    %swap3A_78 = arith.index_cast %swap3A_77 : i32 to index
    %swap3A_79 = arith.constant 64 : index
    %swap3A_80 = tpu.vector_load %arg11[%swap3A_78, %swap3A_79] {strides = array<i32>} : memref<32x128xf32, #tpu.memory_space<vmem>>, vector<1x16xf32>,
    %swap3A_81 = vector.shape_cast %swap3A_80 : vector<1x16xf32> to vector<16xf32>
    %swap3A_82 = vector.shape_cast %broadcast_in_dim3A_5 : vector<16xf32> to vector<1x16xf32>
    tpu.vector_store %arg11[%swap3A_78, %swap3A_79], %swap3A_82 {strides = array<i32>} : memref<32x128xf32, #tpu.memory_space<vmem>>, vector<1x16xf32>,
    %swap3A_83 = arith.constant 1 : i32
    %swap3A_84 = arith.index_cast %swap3A_83 : i32 to index
    %swap3A_85 = arith.constant 80 : index
    %swap3A_86 = tpu.vector_load %arg11[%swap3A_84, %swap3A_85] {strides = array<i32>} : memref<32x128xf32, #tpu.memory_space<vmem>>, vector<1x16xf32>,
    %swap3A_87 = vector.shape_cast %swap3A_86 : vector<1x16xf32> to vector<16xf32>
    %swap3A_88 = vector.shape_cast %broadcast_in_dim3A_5 : vector<16xf32> to vector<1x16xf32>
    tpu.vector_store %arg11[%swap3A_84, %swap3A_85], %swap3A_88 {strides = array<i32>} : memref<32x128xf32, #tpu.memory_space<vmem>>, vector<1x16xf32>,
    %swap3A_89 = arith.constant 1 : i32
    %swap3A_90 = arith.index_cast %swap3A_89 : i32 to index
    %swap3A_91 = arith.constant 96 : index
    %swap3A_92 = tpu.vector_load %arg11[%swap3A_90, %swap3A_91] {strides = array<i32>} : memref<32x128xf32, #tpu.memory_space<vmem>>, vector<1x16xf32>,
    %swap3A_93 = vector.shape_cast %swap3A_92 : vector<1x16xf32> to vector<16xf32>
    %swap3A_94 = vector.shape_cast %broadcast_in_dim3A_5 : vector<16xf32> to vector<1x16xf32>
    tpu.vector_store %arg11[%swap3A_90, %swap3A_91], %swap3A_94 {strides = array<i32>} : memref<32x128xf32, #tpu.memory_space<vmem>>, vector<1x16xf32>,
    %swap3A_95 = arith.constant 1 : i32
    %swap3A_96 = arith.index_cast %swap3A_95 : i32 to index
    %swap3A_97 = arith.constant 112 : index
    %swap3A_98 = tpu.vector_load %arg11[%swap3A_96, %swap3A_97] {strides = array<i32>} : memref<32x128xf32, #tpu.memory_space<vmem>>, vector<1x16xf32>,
    %swap3A_99 = vector.shape_cast %swap3A_98 : vector<1x16xf32> to vector<16xf32>
    %swap3A_100 = vector.shape_cast %broadcast_in_dim3A_5 : vector<16xf32> to vector<1x16xf32>
    tpu.vector_store %arg11[%swap3A_96, %swap3A_97], %swap3A_100 {strides = array<i32>} : memref<32x128xf32, #tpu.memory_space<vmem>>, vector<1x16xf32>,
    %swap3A_101 = arith.constant 2 : i32
    %swap3A_102 = arith.index_cast %swap3A_101 : i32 to index
    %swap3A_103 = arith.constant 0 : index
    %swap3A_104 = tpu.vector_load %arg11[%swap3A_102, %swap3A_103] {strides = array<i32>} : memref<32x128xf32, #tpu.memory_space<vmem>>, vector<1x16xf32>,
    %swap3A_105 = vector.shape_cast %swap3A_104 : vector<1x16xf32> to vector<16xf32>
    %swap3A_106 = vector.shape_cast %broadcast_in_dim3A_5 : vector<16xf32> to vector<1x16xf32>
    tpu.vector_store %arg11[%swap3A_102, %swap3A_103], %swap3A_106 {strides = array<i32>} : memref<32x128xf32, #tpu.memory_space<vmem>>, vector<1x16xf32>,
    %swap3A_107 = arith.constant 2 : i32
    %swap3A_108 = arith.index_cast %swap3A_107 : i32 to index
    %swap3A_109 = arith.constant 16 : index
    %swap3A_110 = tpu.vector_load %arg11[%swap3A_108, %swap3A_109] {strides = array<i32>} : memref<32x128xf32, #tpu.memory_space<vmem>>, vector<1x16xf32>,
    %swap3A_111 = vector.shape_cast %swap3A_110 : vector<1x16xf32> to vector<16xf32>
    %swap3A_112 = vector.shape_cast %broadcast_in_dim3A_5 : vector<16xf32> to vector<1x16xf32>
    tpu.vector_store %arg11[%swap3A_108, %swap3A_109], %swap3A_112 {strides = array<i32>} : memref<32x128xf32, #tpu.memory_space<vmem>>, vector<1x16xf32>,
    %swap3A_113 = arith.constant 2 : i32
    %swap3A_114 = arith.index_cast %swap3A_113 : i32 to index
    %swap3A_115 = arith.constant 32 : index
    %swap3A_116 = tpu.vector_load %arg11[%swap3A_114, %swap3A_115] {strides = array<i32>} : memref<32x128xf32, #tpu.memory_space<vmem>>, vector<1x16xf32>,
    %swap3A_117 = vector.shape_cast %swap3A_116 : vector<1x16xf32> to vector<16xf32>
    %swap3A_118 = vector.shape_cast %broadcast_in_dim3A_5 : vector<16xf32> to vector<1x16xf32>
    tpu.vector_store %arg11[%swap3A_114, %swap3A_115], %swap3A_118 {strides = array<i32>} : memref<32x128xf32, #tpu.memory_space<vmem>>, vector<1x16xf32>,
    %swap3A_119 = arith.constant 2 : i32
    %swap3A_120 = arith.index_cast %swap3A_119 : i32 to index
    %swap3A_121 = arith.constant 48 : index
    %swap3A_122 = tpu.vector_load %arg11[%swap3A_120, %swap3A_121] {strides = array<i32>} : memref<32x128xf32, #tpu.memory_space<vmem>>, vector<1x16xf32>,
    %swap3A_123 = vector.shape_cast %swap3A_122 : vector<1x16xf32> to vector<16xf32>
    %swap3A_124 = vector.shape_cast %broadcast_in_dim3A_5 : vector<16xf32> to vector<1x16xf32>
    tpu.vector_store %arg11[%swap3A_120, %swap3A_121], %swap3A_124 {strides = array<i32>} : memref<32x128xf32, #tpu.memory_space<vmem>>, vector<1x16xf32>,
    %swap3A_125 = arith.constant 2 : i32
    %swap3A_126 = arith.index_cast %swap3A_125 : i32 to index
    %swap3A_127 = arith.constant 64 : index
    %swap3A_128 = tpu.vector_load %arg11[%swap3A_126, %swap3A_127] {strides = array<i32>} : memref<32x128xf32, #tpu.memory_space<vmem>>, vector<1x16xf32>,
    %swap3A_129 = vector.shape_cast %swap3A_128 : vector<1x16xf32> to vector<16xf32>
    %swap3A_130 = vector.shape_cast %broadcast_in_dim3A_5 : vector<16xf32> to vector<1x16xf32>
    tpu.vector_store %arg11[%swap3A_126, %swap3A_127], %swap3A_130 {strides = array<i32>} : memref<32x128xf32, #tpu.memory_space<vmem>>, vector<1x16xf32>,
    %swap3A_131 = arith.constant 2 : i32
    %swap3A_132 = arith.index_cast %swap3A_131 : i32 to index
    %swap3A_133 = arith.constant 80 : index
    %swap3A_134 = tpu.vector_load %arg11[%swap3A_132, %swap3A_133] {strides = array<i32>} : memref<32x128xf32, #tpu.memory_space<vmem>>, vector<1x16xf32>,
    %swap3A_135 = vector.shape_cast %swap3A_134 : vector<1x16xf32> to vector<16xf32>
    %swap3A_136 = vector.shape_cast %broadcast_in_dim3A_5 : vector<16xf32> to vector<1x16xf32>
    tpu.vector_store %arg11[%swap3A_132, %swap3A_133], %swap3A_136 {strides = array<i32>} : memref<32x128xf32, #tpu.memory_space<vmem>>, vector<1x16xf32>,
    %swap3A_137 = arith.constant 2 : i32
    %swap3A_138 = arith.index_cast %swap3A_137 : i32 to index
    %swap3A_139 = arith.constant 96 : index
    %swap3A_140 = tpu.vector_load %arg11[%swap3A_138, %swap3A_139] {strides = array<i32>} : memref<32x128xf32, #tpu.memory_space<vmem>>, vector<1x16xf32>,
    %swap3A_141 = vector.shape_cast %swap3A_140 : vector<1x16xf32> to vector<16xf32>
    %swap3A_142 = vector.shape_cast %broadcast_in_dim3A_5 : vector<16xf32> to vector<1x16xf32>
    tpu.vector_store %arg11[%swap3A_138, %swap3A_139], %swap3A_142 {strides = array<i32>} : memref<32x128xf32, #tpu.memory_space<vmem>>, vector<1x16xf32>,
    %swap3A_143 = arith.constant 2 : i32
    %swap3A_144 = arith.index_cast %swap3A_143 : i32 to index
    %swap3A_145 = arith.constant 112 : index
    %swap3A_146 = tpu.vector_load %arg11[%swap3A_144, %swap3A_145] {strides = array<i32>} : memref<32x128xf32, #tpu.memory_space<vmem>>, vector<1x16xf32>,
    %swap3A_147 = vector.shape_cast %swap3A_146 : vector<1x16xf32> to vector<16xf32>
    %swap3A_148 = vector.shape_cast %broadcast_in_dim3A_5 : vector<16xf32> to vector<1x16xf32>
    tpu.vector_store %arg11[%swap3A_144, %swap3A_145], %swap3A_148 {strides = array<i32>} : memref<32x128xf32, #tpu.memory_space<vmem>>, vector<1x16xf32>,
    %swap3A_149 = arith.constant 3 : i32
    %swap3A_150 = arith.index_cast %swap3A_149 : i32 to index
    %swap3A_151 = arith.constant 0 : index
    %swap3A_152 = tpu.vector_load %arg11[%swap3A_150, %swap3A_151] {strides = array<i32>} : memref<32x128xf32, #tpu.memory_space<vmem>>, vector<1x16xf32>,
    %swap3A_153 = vector.shape_cast %swap3A_152 : vector<1x16xf32> to vector<16xf32>
    %swap3A_154 = vector.shape_cast %broadcast_in_dim3A_5 : vector<16xf32> to vector<1x16xf32>
    tpu.vector_store %arg11[%swap3A_150, %swap3A_151], %swap3A_154 {strides = array<i32>} : memref<32x128xf32, #tpu.memory_space<vmem>>, vector<1x16xf32>,
    %swap3A_155 = arith.constant 3 : i32
    %swap3A_156 = arith.index_cast %swap3A_155 : i32 to index
    %swap3A_157 = arith.constant 16 : index
    %swap3A_158 = tpu.vector_load %arg11[%swap3A_156, %swap3A_157] {strides = array<i32>} : memref<32x128xf32, #tpu.memory_space<vmem>>, vector<1x16xf32>,
    %swap3A_159 = vector.shape_cast %swap3A_158 : vector<1x16xf32> to vector<16xf32>
    %swap3A_160 = vector.shape_cast %broadcast_in_dim3A_5 : vector<16xf32> to vector<1x16xf32>
    tpu.vector_store %arg11[%swap3A_156, %swap3A_157], %swap3A_160 {strides = array<i32>} : memref<32x128xf32, #tpu.memory_space<vmem>>, vector<1x16xf32>,
    %swap3A_161 = arith.constant 3 : i32
    %swap3A_162 = arith.index_cast %swap3A_161 : i32 to index
    %swap3A_163 = arith.constant 32 : index
    %swap3A_164 = tpu.vector_load %arg11[%swap3A_162, %swap3A_163] {strides = array<i32>} : memref<32x128xf32, #tpu.memory_space<vmem>>, vector<1x16xf32>,
    %swap3A_165 = vector.shape_cast %swap3A_164 : vector<1x16xf32> to vector<16xf32>
    %swap3A_166 = vector.shape_cast %broadcast_in_dim3A_5 : vector<16xf32> to vector<1x16xf32>
    tpu.vector_store %arg11[%swap3A_162, %swap3A_163], %swap3A_166 {strides = array<i32>} : memref<32x128xf32, #tpu.memory_space<vmem>>, vector<1x16xf32>,
    %swap3A_167 = arith.constant 3 : i32
    %swap3A_168 = arith.index_cast %swap3A_167 : i32 to index
    %swap3A_169 = arith.constant 48 : index
    %swap3A_170 = tpu.vector_load %arg11[%swap3A_168, %swap3A_169] {strides = array<i32>} : memref<32x128xf32, #tpu.memory_space<vmem>>, vector<1x16xf32>,
    %swap3A_171 = vector.shape_cast %swap3A_170 : vector<1x16xf32> to vector<16xf32>
    %swap3A_172 = vector.shape_cast %broadcast_in_dim3A_5 : vector<16xf32> to vector<1x16xf32>
    tpu.vector_store %arg11[%swap3A_168, %swap3A_169], %swap3A_172 {strides = array<i32>} : memref<32x128xf32, #tpu.memory_space<vmem>>, vector<1x16xf32>,
    %swap3A_173 = arith.constant 3 : i32
    %swap3A_174 = arith.index_cast %swap3A_173 : i32 to index
    %swap3A_175 = arith.constant 64 : index
    %swap3A_176 = tpu.vector_load %arg11[%swap3A_174, %swap3A_175] {strides = array<i32>} : memref<32x128xf32, #tpu.memory_space<vmem>>, vector<1x16xf32>,
    %swap3A_177 = vector.shape_cast %swap3A_176 : vector<1x16xf32> to vector<16xf32>
    %swap3A_178 = vector.shape_cast %broadcast_in_dim3A_5 : vector<16xf32> to vector<1x16xf32>
    tpu.vector_store %arg11[%swap3A_174, %swap3A_175], %swap3A_178 {strides = array<i32>} : memref<32x128xf32, #tpu.memory_space<vmem>>, vector<1x16xf32>,
    %swap3A_179 = arith.constant 3 : i32
    %swap3A_180 = arith.index_cast %swap3A_179 : i32 to index
    %swap3A_181 = arith.constant 80 : index
    %swap3A_182 = tpu.vector_load %arg11[%swap3A_180, %swap3A_181] {strides = array<i32>} : memref<32x128xf32, #tpu.memory_space<vmem>>, vector<1x16xf32>,
    %swap3A_183 = vector.shape_cast %swap3A_182 : vector<1x16xf32> to vector<16xf32>
    %swap3A_184 = vector.shape_cast %broadcast_in_dim3A_5 : vector<16xf32> to vector<1x16xf32>
    tpu.vector_store %arg11[%swap3A_180, %swap3A_181], %swap3A_184 {strides = array<i32>} : memref<32x128xf32, #tpu.memory_space<vmem>>, vector<1x16xf32>,
    %swap3A_185 = arith.constant 3 : i32
    %swap3A_186 = arith.index_cast %swap3A_185 : i32 to index
    %swap3A_187 = arith.constant 96 : index
    %swap3A_188 = tpu.vector_load %arg11[%swap3A_186, %swap3A_187] {strides = array<i32>} : memref<32x128xf32, #tpu.memory_space<vmem>>, vector<1x16xf32>,
    %swap3A_189 = vector.shape_cast %swap3A_188 : vector<1x16xf32> to vector<16xf32>
    %swap3A_190 = vector.shape_cast %broadcast_in_dim3A_5 : vector<16xf32> to vector<1x16xf32>
    tpu.vector_store %arg11[%swap3A_186, %swap3A_187], %swap3A_190 {strides = array<i32>} : memref<32x128xf32, #tpu.memory_space<vmem>>, vector<1x16xf32>,
    %swap3A_191 = arith.constant 3 : i32
    %swap3A_192 = arith.index_cast %swap3A_191 : i32 to index
    %swap3A_193 = arith.constant 112 : index
    %swap3A_194 = tpu.vector_load %arg11[%swap3A_192, %swap3A_193] {strides = array<i32>} : memref<32x128xf32, #tpu.memory_space<vmem>>, vector<1x16xf32>,
    %swap3A_195 = vector.shape_cast %swap3A_194 : vector<1x16xf32> to vector<16xf32>
    %swap3A_196 = vector.shape_cast %broadcast_in_dim3A_5 : vector<16xf32> to vector<1x16xf32>
    tpu.vector_store %arg11[%swap3A_192, %swap3A_193], %swap3A_196 {strides = array<i32>} : memref<32x128xf32, #tpu.memory_space<vmem>>, vector<1x16xf32>,
    %swap3A_197 = arith.constant 4 : i32
    %swap3A_198 = arith.index_cast %swap3A_197 : i32 to index
    %swap3A_199 = arith.constant 0 : index
    %swap3A_200 = tpu.vector_load %arg11[%swap3A_198, %swap3A_199] {strides = array<i32>} : memref<32x128xf32, #tpu.memory_space<vmem>>, vector<1x16xf32>,
    %swap3A_201 = vector.shape_cast %swap3A_200 : vector<1x16xf32> to vector<16xf32>
    %swap3A_202 = vector.shape_cast %broadcast_in_dim3A_5 : vector<16xf32> to vector<1x16xf32>
    tpu.vector_store %arg11[%swap3A_198, %swap3A_199], %swap3A_202 {strides = array<i32>} : memref<32x128xf32, #tpu.memory_space<vmem>>, vector<1x16xf32>,
    %swap3A_203 = arith.constant 4 : i32
    %swap3A_204 = arith.index_cast %swap3A_203 : i32 to index
    %swap3A_205 = arith.constant 16 : index
    %swap3A_206 = tpu.vector_load %arg11[%swap3A_204, %swap3A_205] {strides = array<i32>} : memref<32x128xf32, #tpu.memory_space<vmem>>, vector<1x16xf32>,
    %swap3A_207 = vector.shape_cast %swap3A_206 : vector<1x16xf32> to vector<16xf32>
    %swap3A_208 = vector.shape_cast %broadcast_in_dim3A_5 : vector<16xf32> to vector<1x16xf32>
    tpu.vector_store %arg11[%swap3A_204, %swap3A_205], %swap3A_208 {strides = array<i32>} : memref<32x128xf32, #tpu.memory_space<vmem>>, vector<1x16xf32>,
    %swap3A_209 = arith.constant 4 : i32
    %swap3A_210 = arith.index_cast %swap3A_209 : i32 to index
    %swap3A_211 = arith.constant 32 : index
    %swap3A_212 = tpu.vector_load %arg11[%swap3A_210, %swap3A_211] {strides = array<i32>} : memref<32x128xf32, #tpu.memory_space<vmem>>, vector<1x16xf32>,
    %swap3A_213 = vector.shape_cast %swap3A_212 : vector<1x16xf32> to vector<16xf32>
    %swap3A_214 = vector.shape_cast %broadcast_in_dim3A_5 : vector<16xf32> to vector<1x16xf32>
    tpu.vector_store %arg11[%swap3A_210, %swap3A_211], %swap3A_214 {strides = array<i32>} : memref<32x128xf32, #tpu.memory_space<vmem>>, vector<1x16xf32>,
    %swap3A_215 = arith.constant 4 : i32
    %swap3A_216 = arith.index_cast %swap3A_215 : i32 to index
    %swap3A_217 = arith.constant 48 : index
    %swap3A_218 = tpu.vector_load %arg11[%swap3A_216, %swap3A_217] {strides = array<i32>} : memref<32x128xf32, #tpu.memory_space<vmem>>, vector<1x16xf32>,
    %swap3A_219 = vector.shape_cast %swap3A_218 : vector<1x16xf32> to vector<16xf32>
    %swap3A_220 = vector.shape_cast %broadcast_in_dim3A_5 : vector<16xf32> to vector<1x16xf32>
    tpu.vector_store %arg11[%swap3A_216, %swap3A_217], %swap3A_220 {strides = array<i32>} : memref<32x128xf32, #tpu.memory_space<vmem>>, vector<1x16xf32>,
    %swap3A_221 = arith.constant 4 : i32
    %swap3A_222 = arith.index_cast %swap3A_221 : i32 to index
    %swap3A_223 = arith.constant 64 : index
    %swap3A_224 = tpu.vector_load %arg11[%swap3A_222, %swap3A_223] {strides = array<i32>} : memref<32x128xf32, #tpu.memory_space<vmem>>, vector<1x16xf32>,
    %swap3A_225 = vector.shape_cast %swap3A_224 : vector<1x16xf32> to vector<16xf32>
    %swap3A_226 = vector.shape_cast %broadcast_in_dim3A_5 : vector<16xf32> to vector<1x16xf32>
    tpu.vector_store %arg11[%swap3A_222, %swap3A_223], %swap3A_226 {strides = array<i32>} : memref<32x128xf32, #tpu.memory_space<vmem>>, vector<1x16xf32>,
    %swap3A_227 = arith.constant 4 : i32
    %swap3A_228 = arith.index_cast %swap3A_227 : i32 to index
    %swap3A_229 = arith.constant 80 : index
    %swap3A_230 = tpu.vector_load %arg11[%swap3A_228, %swap3A_229] {strides = array<i32>} : memref<32x128xf32, #tpu.memory_space<vmem>>, vector<1x16xf32>,
    %swap3A_231 = vector.shape_cast %swap3A_230 : vector<1x16xf32> to vector<16xf32>
    %swap3A_232 = vector.shape_cast %broadcast_in_dim3A_5 : vector<16xf32> to vector<1x16xf32>
    tpu.vector_store %arg11[%swap3A_228, %swap3A_229], %swap3A_232 {strides = array<i32>} : memref<32x128xf32, #tpu.memory_space<vmem>>, vector<1x16xf32>,
    %swap3A_233 = arith.constant 4 : i32
    %swap3A_234 = arith.index_cast %swap3A_233 : i32 to index
    %swap3A_235 = arith.constant 96 : index
    %swap3A_236 = tpu.vector_load %arg11[%swap3A_234, %swap3A_235] {strides = array<i32>} : memref<32x128xf32, #tpu.memory_space<vmem>>, vector<1x16xf32>,
    %swap3A_237 = vector.shape_cast %swap3A_236 : vector<1x16xf32> to vector<16xf32>
    %swap3A_238 = vector.shape_cast %broadcast_in_dim3A_5 : vector<16xf32> to vector<1x16xf32>
    tpu.vector_store %arg11[%swap3A_234, %swap3A_235], %swap3A_238 {strides = array<i32>} : memref<32x128xf32, #tpu.memory_space<vmem>>, vector<1x16xf32>,
    %swap3A_239 = arith.constant 4 : i32
    %swap3A_240 = arith.index_cast %swap3A_239 : i32 to index
    %swap3A_241 = arith.constant 112 : index
    %swap3A_242 = tpu.vector_load %arg11[%swap3A_240, %swap3A_241] {strides = array<i32>} : memref<32x128xf32, #tpu.memory_space<vmem>>, vector<1x16xf32>,
    %swap3A_243 = vector.shape_cast %swap3A_242 : vector<1x16xf32> to vector<16xf32>
    %swap3A_244 = vector.shape_cast %broadcast_in_dim3A_5 : vector<16xf32> to vector<1x16xf32>
    tpu.vector_store %arg11[%swap3A_240, %swap3A_241], %swap3A_244 {strides = array<i32>} : memref<32x128xf32, #tpu.memory_space<vmem>>, vector<1x16xf32>,
    %swap3A_245 = arith.constant 5 : i32
    %swap3A_246 = arith.index_cast %swap3A_245 : i32 to index
    %swap3A_247 = arith.constant 0 : index
    %swap3A_248 = tpu.vector_load %arg11[%swap3A_246, %swap3A_247] {strides = array<i32>} : memref<32x128xf32, #tpu.memory_space<vmem>>, vector<1x16xf32>,
    %swap3A_249 = vector.shape_cast %swap3A_248 : vector<1x16xf32> to vector<16xf32>
    %swap3A_250 = vector.shape_cast %broadcast_in_dim3A_5 : vector<16xf32> to vector<1x16xf32>
    tpu.vector_store %arg11[%swap3A_246, %swap3A_247], %swap3A_250 {strides = array<i32>} : memref<32x128xf32, #tpu.memory_space<vmem>>, vector<1x16xf32>,
    %swap3A_251 = arith.constant 5 : i32
    %swap3A_252 = arith.index_cast %swap3A_251 : i32 to index
    %swap3A_253 = arith.constant 16 : index
    %swap3A_254 = tpu.vector_load %arg11[%swap3A_252, %swap3A_253] {strides = array<i32>} : memref<32x128xf32, #tpu.memory_space<vmem>>, vector<1x16xf32>,
    %swap3A_255 = vector.shape_cast %swap3A_254 : vector<1x16xf32> to vector<16xf32>
    %swap3A_256 = vector.shape_cast %broadcast_in_dim3A_5 : vector<16xf32> to vector<1x16xf32>
    tpu.vector_store %arg11[%swap3A_252, %swap3A_253], %swap3A_256 {strides = array<i32>} : memref<32x128xf32, #tpu.memory_space<vmem>>, vector<1x16xf32>,
    %swap3A_257 = arith.constant 5 : i32
    %swap3A_258 = arith.index_cast %swap3A_257 : i32 to index
    %swap3A_259 = arith.constant 32 : index
    %swap3A_260 = tpu.vector_load %arg11[%swap3A_258, %swap3A_259] {strides = array<i32>} : memref<32x128xf32, #tpu.memory_space<vmem>>, vector<1x16xf32>,
    %swap3A_261 = vector.shape_cast %swap3A_260 : vector<1x16xf32> to vector<16xf32>
    %swap3A_262 = vector.shape_cast %broadcast_in_dim3A_5 : vector<16xf32> to vector<1x16xf32>
    tpu.vector_store %arg11[%swap3A_258, %swap3A_259], %swap3A_262 {strides = array<i32>} : memref<32x128xf32, #tpu.memory_space<vmem>>, vector<1x16xf32>,
    %swap3A_263 = arith.constant 5 : i32
    %swap3A_264 = arith.index_cast %swap3A_263 : i32 to index
    %swap3A_265 = arith.constant 48 : index
    %swap3A_266 = tpu.vector_load %arg11[%swap3A_264, %swap3A_265] {strides = array<i32>} : memref<32x128xf32, #tpu.memory_space<vmem>>, vector<1x16xf32>,
    %swap3A_267 = vector.shape_cast %swap3A_266 : vector<1x16xf32> to vector<16xf32>
    %swap3A_268 = vector.shape_cast %broadcast_in_dim3A_5 : vector<16xf32> to vector<1x16xf32>
    tpu.vector_store %arg11[%swap3A_264, %swap3A_265], %swap3A_268 {strides = array<i32>} : memref<32x128xf32, #tpu.memory_space<vmem>>, vector<1x16xf32>,
    %swap3A_269 = arith.constant 5 : i32
    %swap3A_270 = arith.index_cast %swap3A_269 : i32 to index
    %swap3A_271 = arith.constant 64 : index
    %swap3A_272 = tpu.vector_load %arg11[%swap3A_270, %swap3A_271] {strides = array<i32>} : memref<32x128xf32, #tpu.memory_space<vmem>>, vector<1x16xf32>,
    %swap3A_273 = vector.shape_cast %swap3A_272 : vector<1x16xf32> to vector<16xf32>
    %swap3A_274 = vector.shape_cast %broadcast_in_dim3A_5 : vector<16xf32> to vector<1x16xf32>
    tpu.vector_store %arg11[%swap3A_270, %swap3A_271], %swap3A_274 {strides = array<i32>} : memref<32x128xf32, #tpu.memory_space<vmem>>, vector<1x16xf32>,
    %swap3A_275 = arith.constant 5 : i32
    %swap3A_276 = arith.index_cast %swap3A_275 : i32 to index
    %swap3A_277 = arith.constant 80 : index
    %swap3A_278 = tpu.vector_load %arg11[%swap3A_276, %swap3A_277] {strides = array<i32>} : memref<32x128xf32, #tpu.memory_space<vmem>>, vector<1x16xf32>,
    %swap3A_279 = vector.shape_cast %swap3A_278 : vector<1x16xf32> to vector<16xf32>
    %swap3A_280 = vector.shape_cast %broadcast_in_dim3A_5 : vector<16xf32> to vector<1x16xf32>
    tpu.vector_store %arg11[%swap3A_276, %swap3A_277], %swap3A_280 {strides = array<i32>} : memref<32x128xf32, #tpu.memory_space<vmem>>, vector<1x16xf32>,
    %swap3A_281 = arith.constant 5 : i32
    %swap3A_282 = arith.index_cast %swap3A_281 : i32 to index
    %swap3A_283 = arith.constant 96 : index
    %swap3A_284 = tpu.vector_load %arg11[%swap3A_282, %swap3A_283] {strides = array<i32>} : memref<32x128xf32, #tpu.memory_space<vmem>>, vector<1x16xf32>,
    %swap3A_285 = vector.shape_cast %swap3A_284 : vector<1x16xf32> to vector<16xf32>
    %swap3A_286 = vector.shape_cast %broadcast_in_dim3A_5 : vector<16xf32> to vector<1x16xf32>
    tpu.vector_store %arg11[%swap3A_282, %swap3A_283], %swap3A_286 {strides = array<i32>} : memref<32x128xf32, #tpu.memory_space<vmem>>, vector<1x16xf32>,
    %swap3A_287 = arith.constant 5 : i32
    %swap3A_288 = arith.index_cast %swap3A_287 : i32 to index
    %swap3A_289 = arith.constant 112 : index
    %swap3A_290 = tpu.vector_load %arg11[%swap3A_288, %swap3A_289] {strides = array<i32>} : memref<32x128xf32, #tpu.memory_space<vmem>>, vector<1x16xf32>,
    %swap3A_291 = vector.shape_cast %swap3A_290 : vector<1x16xf32> to vector<16xf32>
    %swap3A_292 = vector.shape_cast %broadcast_in_dim3A_5 : vector<16xf32> to vector<1x16xf32>
    tpu.vector_store %arg11[%swap3A_288, %swap3A_289], %swap3A_292 {strides = array<i32>} : memref<32x128xf32, #tpu.memory_space<vmem>>, vector<1x16xf32>,
    %swap3A_293 = arith.constant 6 : i32
    %swap3A_294 = arith.index_cast %swap3A_293 : i32 to index
    %swap3A_295 = arith.constant 0 : index
    %swap3A_296 = tpu.vector_load %arg11[%swap3A_294, %swap3A_295] {strides = array<i32>} : memref<32x128xf32, #tpu.memory_space<vmem>>, vector<1x16xf32>,
    %swap3A_297 = vector.shape_cast %swap3A_296 : vector<1x16xf32> to vector<16xf32>
    %swap3A_298 = vector.shape_cast %broadcast_in_dim3A_5 : vector<16xf32> to vector<1x16xf32>
    tpu.vector_store %arg11[%swap3A_294, %swap3A_295], %swap3A_298 {strides = array<i32>} : memref<32x128xf32, #tpu.memory_space<vmem>>, vector<1x16xf32>,
    %swap3A_299 = arith.constant 6 : i32
    %swap3A_300 = arith.index_cast %swap3A_299 : i32 to index
    %swap3A_301 = arith.constant 16 : index
    %swap3A_302 = tpu.vector_load %arg11[%swap3A_300, %swap3A_301] {strides = array<i32>} : memref<32x128xf32, #tpu.memory_space<vmem>>, vector<1x16xf32>,
    %swap3A_303 = vector.shape_cast %swap3A_302 : vector<1x16xf32> to vector<16xf32>
    %swap3A_304 = vector.shape_cast %broadcast_in_dim3A_5 : vector<16xf32> to vector<1x16xf32>
    tpu.vector_store %arg11[%swap3A_300, %swap3A_301], %swap3A_304 {strides = array<i32>} : memref<32x128xf32, #tpu.memory_space<vmem>>, vector<1x16xf32>,
    %swap3A_305 = arith.constant 6 : i32
    %swap3A_306 = arith.index_cast %swap3A_305 : i32 to index
    %swap3A_307 = arith.constant 32 : index
    %swap3A_308 = tpu.vector_load %arg11[%swap3A_306, %swap3A_307] {strides = array<i32>} : memref<32x128xf32, #tpu.memory_space<vmem>>, vector<1x16xf32>,
    %swap3A_309 = vector.shape_cast %swap3A_308 : vector<1x16xf32> to vector<16xf32>
    %swap3A_310 = vector.shape_cast %broadcast_in_dim3A_5 : vector<16xf32> to vector<1x16xf32>
    tpu.vector_store %arg11[%swap3A_306, %swap3A_307], %swap3A_310 {strides = array<i32>} : memref<32x128xf32, #tpu.memory_space<vmem>>, vector<1x16xf32>,
    %swap3A_311 = arith.constant 6 : i32
    %swap3A_312 = arith.index_cast %swap3A_311 : i32 to index
    %swap3A_313 = arith.constant 48 : index
    %swap3A_314 = tpu.vector_load %arg11[%swap3A_312, %swap3A_313] {strides = array<i32>} : memref<32x128xf32, #tpu.memory_space<vmem>>, vector<1x16xf32>,
    %swap3A_315 = vector.shape_cast %swap3A_314 : vector<1x16xf32> to vector<16xf32>
    %swap3A_316 = vector.shape_cast %broadcast_in_dim3A_5 : vector<16xf32> to vector<1x16xf32>
    tpu.vector_store %arg11[%swap3A_312, %swap3A_313], %swap3A_316 {strides = array<i32>} : memref<32x128xf32, #tpu.memory_space<vmem>>, vector<1x16xf32>,
    %swap3A_317 = arith.constant 6 : i32
    %swap3A_318 = arith.index_cast %swap3A_317 : i32 to index
    %swap3A_319 = arith.constant 64 : index
    %swap3A_320 = tpu.vector_load %arg11[%swap3A_318, %swap3A_319] {strides = array<i32>} : memref<32x128xf32, #tpu.memory_space<vmem>>, vector<1x16xf32>,
    %swap3A_321 = vector.shape_cast %swap3A_320 : vector<1x16xf32> to vector<16xf32>
    %swap3A_322 = vector.shape_cast %broadcast_in_dim3A_5 : vector<16xf32> to vector<1x16xf32>
    tpu.vector_store %arg11[%swap3A_318, %swap3A_319], %swap3A_322 {strides = array<i32>} : memref<32x128xf32, #tpu.memory_space<vmem>>, vector<1x16xf32>,
    %swap3A_323 = arith.constant 6 : i32
    %swap3A_324 = arith.index_cast %swap3A_323 : i32 to index
    %swap3A_325 = arith.constant 80 : index
    %swap3A_326 = tpu.vector_load %arg11[%swap3A_324, %swap3A_325] {strides = array<i32>} : memref<32x128xf32, #tpu.memory_space<vmem>>, vector<1x16xf32>,
    %swap3A_327 = vector.shape_cast %swap3A_326 : vector<1x16xf32> to vector<16xf32>
    %swap3A_328 = vector.shape_cast %broadcast_in_dim3A_5 : vector<16xf32> to vector<1x16xf32>
    tpu.vector_store %arg11[%swap3A_324, %swap3A_325], %swap3A_328 {strides = array<i32>} : memref<32x128xf32, #tpu.memory_space<vmem>>, vector<1x16xf32>,
    %swap3A_329 = arith.constant 6 : i32
    %swap3A_330 = arith.index_cast %swap3A_329 : i32 to index
    %swap3A_331 = arith.constant 96 : index
    %swap3A_332 = tpu.vector_load %arg11[%swap3A_330, %swap3A_331] {strides = array<i32>} : memref<32x128xf32, #tpu.memory_space<vmem>>, vector<1x16xf32>,
    %swap3A_333 = vector.shape_cast %swap3A_332 : vector<1x16xf32> to vector<16xf32>
    %swap3A_334 = vector.shape_cast %broadcast_in_dim3A_5 : vector<16xf32> to vector<1x16xf32>
    tpu.vector_store %arg11[%swap3A_330, %swap3A_331], %swap3A_334 {strides = array<i32>} : memref<32x128xf32, #tpu.memory_space<vmem>>, vector<1x16xf32>,
    %swap3A_335 = arith.constant 6 : i32
    %swap3A_336 = arith.index_cast %swap3A_335 : i32 to index
    %swap3A_337 = arith.constant 112 : index
    %swap3A_338 = tpu.vector_load %arg11[%swap3A_336, %swap3A_337] {strides = array<i32>} : memref<32x128xf32, #tpu.memory_space<vmem>>, vector<1x16xf32>,
    %swap3A_339 = vector.shape_cast %swap3A_338 : vector<1x16xf32> to vector<16xf32>
    %swap3A_340 = vector.shape_cast %broadcast_in_dim3A_5 : vector<16xf32> to vector<1x16xf32>
    tpu.vector_store %arg11[%swap3A_336, %swap3A_337], %swap3A_340 {strides = array<i32>} : memref<32x128xf32, #tpu.memory_space<vmem>>, vector<1x16xf32>,
    %swap3A_341 = arith.constant 7 : i32
    %swap3A_342 = arith.index_cast %swap3A_341 : i32 to index
    %swap3A_343 = arith.constant 0 : index
    %swap3A_344 = tpu.vector_load %arg11[%swap3A_342, %swap3A_343] {strides = array<i32>} : memref<32x128xf32, #tpu.memory_space<vmem>>, vector<1x16xf32>,
    %swap3A_345 = vector.shape_cast %swap3A_344 : vector<1x16xf32> to vector<16xf32>
    %swap3A_346 = vector.shape_cast %broadcast_in_dim3A_5 : vector<16xf32> to vector<1x16xf32>
    tpu.vector_store %arg11[%swap3A_342, %swap3A_343], %swap3A_346 {strides = array<i32>} : memref<32x128xf32, #tpu.memory_space<vmem>>, vector<1x16xf32>,
    %swap3A_347 = arith.constant 7 : i32
    %swap3A_348 = arith.index_cast %swap3A_347 : i32 to index
    %swap3A_349 = arith.constant 16 : index
    %swap3A_350 = tpu.vector_load %arg11[%swap3A_348, %swap3A_349] {strides = array<i32>} : memref<32x128xf32, #tpu.memory_space<vmem>>, vector<1x16xf32>,
    %swap3A_351 = vector.shape_cast %swap3A_350 : vector<1x16xf32> to vector<16xf32>
    %swap3A_352 = vector.shape_cast %broadcast_in_dim3A_5 : vector<16xf32> to vector<1x16xf32>
    tpu.vector_store %arg11[%swap3A_348, %swap3A_349], %swap3A_352 {strides = array<i32>} : memref<32x128xf32, #tpu.memory_space<vmem>>, vector<1x16xf32>,
    %swap3A_353 = arith.constant 7 : i32
    %swap3A_354 = arith.index_cast %swap3A_353 : i32 to index
    %swap3A_355 = arith.constant 32 : index
    %swap3A_356 = tpu.vector_load %arg11[%swap3A_354, %swap3A_355] {strides = array<i32>} : memref<32x128xf32, #tpu.memory_space<vmem>>, vector<1x16xf32>,
    %swap3A_357 = vector.shape_cast %swap3A_356 : vector<1x16xf32> to vector<16xf32>
    %swap3A_358 = vector.shape_cast %broadcast_in_dim3A_5 : vector<16xf32> to vector<1x16xf32>
    tpu.vector_store %arg11[%swap3A_354, %swap3A_355], %swap3A_358 {strides = array<i32>} : memref<32x128xf32, #tpu.memory_space<vmem>>, vector<1x16xf32>,
    %swap3A_359 = arith.constant 7 : i32
    %swap3A_360 = arith.index_cast %swap3A_359 : i32 to index
    %swap3A_361 = arith.constant 48 : index
    %swap3A_362 = tpu.vector_load %arg11[%swap3A_360, %swap3A_361] {strides = array<i32>} : memref<32x128xf32, #tpu.memory_space<vmem>>, vector<1x16xf32>,
    %swap3A_363 = vector.shape_cast %swap3A_362 : vector<1x16xf32> to vector<16xf32>
    %swap3A_364 = vector.shape_cast %broadcast_in_dim3A_5 : vector<16xf32> to vector<1x16xf32>
    tpu.vector_store %arg11[%swap3A_360, %swap3A_361], %swap3A_364 {strides = array<i32>} : memref<32x128xf32, #tpu.memory_space<vmem>>, vector<1x16xf32>,
    %swap3A_365 = arith.constant 7 : i32
    %swap3A_366 = arith.index_cast %swap3A_365 : i32 to index
    %swap3A_367 = arith.constant 64 : index
    %swap3A_368 = tpu.vector_load %arg11[%swap3A_366, %swap3A_367] {strides = array<i32>} : memref<32x128xf32, #tpu.memory_space<vmem>>, vector<1x16xf32>,
    %swap3A_369 = vector.shape_cast %swap3A_368 : vector<1x16xf32> to vector<16xf32>
    %swap3A_370 = vector.shape_cast %broadcast_in_dim3A_5 : vector<16xf32> to vector<1x16xf32>
    tpu.vector_store %arg11[%swap3A_366, %swap3A_367], %swap3A_370 {strides = array<i32>} : memref<32x128xf32, #tpu.memory_space<vmem>>, vector<1x16xf32>,
    %swap3A_371 = arith.constant 7 : i32
    %swap3A_372 = arith.index_cast %swap3A_371 : i32 to index
    %swap3A_373 = arith.constant 80 : index
    %swap3A_374 = tpu.vector_load %arg11[%swap3A_372, %swap3A_373] {strides = array<i32>} : memref<32x128xf32, #tpu.memory_space<vmem>>, vector<1x16xf32>,
    %swap3A_375 = vector.shape_cast %swap3A_374 : vector<1x16xf32> to vector<16xf32>
    %swap3A_376 = vector.shape_cast %broadcast_in_dim3A_5 : vector<16xf32> to vector<1x16xf32>
    tpu.vector_store %arg11[%swap3A_372, %swap3A_373], %swap3A_376 {strides = array<i32>} : memref<32x128xf32, #tpu.memory_space<vmem>>, vector<1x16xf32>,
    %swap3A_377 = arith.constant 7 : i32
    %swap3A_378 = arith.index_cast %swap3A_377 : i32 to index
    %swap3A_379 = arith.constant 96 : index
    %swap3A_380 = tpu.vector_load %arg11[%swap3A_378, %swap3A_379] {strides = array<i32>} : memref<32x128xf32, #tpu.memory_space<vmem>>, vector<1x16xf32>,
    %swap3A_381 = vector.shape_cast %swap3A_380 : vector<1x16xf32> to vector<16xf32>
    %swap3A_382 = vector.shape_cast %broadcast_in_dim3A_5 : vector<16xf32> to vector<1x16xf32>
    tpu.vector_store %arg11[%swap3A_378, %swap3A_379], %swap3A_382 {strides = array<i32>} : memref<32x128xf32, #tpu.memory_space<vmem>>, vector<1x16xf32>,
    %swap3A_383 = arith.constant 7 : i32
    %swap3A_384 = arith.index_cast %swap3A_383 : i32 to index
    %swap3A_385 = arith.constant 112 : index
    %swap3A_386 = tpu.vector_load %arg11[%swap3A_384, %swap3A_385] {strides = array<i32>} : memref<32x128xf32, #tpu.memory_space<vmem>>, vector<1x16xf32>,
    %swap3A_387 = vector.shape_cast %swap3A_386 : vector<1x16xf32> to vector<16xf32>
    %swap3A_388 = vector.shape_cast %broadcast_in_dim3A_5 : vector<16xf32> to vector<1x16xf32>
    tpu.vector_store %arg11[%swap3A_384, %swap3A_385], %swap3A_388 {strides = array<i32>} : memref<32x128xf32, #tpu.memory_space<vmem>>, vector<1x16xf32>,
    %swap3A_389 = arith.constant 8 : i32
    %swap3A_390 = arith.index_cast %swap3A_389 : i32 to index
    %swap3A_391 = arith.constant 0 : index
    %swap3A_392 = tpu.vector_load %arg11[%swap3A_390, %swap3A_391] {strides = array<i32>} : memref<32x128xf32, #tpu.memory_space<vmem>>, vector<1x16xf32>,
    %swap3A_393 = vector.shape_cast %swap3A_392 : vector<1x16xf32> to vector<16xf32>
    %swap3A_394 = vector.shape_cast %broadcast_in_dim3A_5 : vector<16xf32> to vector<1x16xf32>
    tpu.vector_store %arg11[%swap3A_390, %swap3A_391], %swap3A_394 {strides = array<i32>} : memref<32x128xf32, #tpu.memory_space<vmem>>, vector<1x16xf32>,
    %swap3A_395 = arith.constant 8 : i32
    %swap3A_396 = arith.index_cast %swap3A_395 : i32 to index
    %swap3A_397 = arith.constant 16 : index
    %swap3A_398 = tpu.vector_load %arg11[%swap3A_396, %swap3A_397] {strides = array<i32>} : memref<32x128xf32, #tpu.memory_space<vmem>>, vector<1x16xf32>,
    %swap3A_399 = vector.shape_cast %swap3A_398 : vector<1x16xf32> to vector<16xf32>
    %swap3A_400 = vector.shape_cast %broadcast_in_dim3A_5 : vector<16xf32> to vector<1x16xf32>
    tpu.vector_store %arg11[%swap3A_396, %swap3A_397], %swap3A_400 {strides = array<i32>} : memref<32x128xf32, #tpu.memory_space<vmem>>, vector<1x16xf32>,
    %swap3A_401 = arith.constant 8 : i32
    %swap3A_402 = arith.index_cast %swap3A_401 : i32 to index
    %swap3A_403 = arith.constant 32 : index
    %swap3A_404 = tpu.vector_load %arg11[%swap3A_402, %swap3A_403] {strides = array<i32>} : memref<32x128xf32, #tpu.memory_space<vmem>>, vector<1x16xf32>,
    %swap3A_405 = vector.shape_cast %swap3A_404 : vector<1x16xf32> to vector<16xf32>
    %swap3A_406 = vector.shape_cast %broadcast_in_dim3A_5 : vector<16xf32> to vector<1x16xf32>
    tpu.vector_store %arg11[%swap3A_402, %swap3A_403], %swap3A_406 {strides = array<i32>} : memref<32x128xf32, #tpu.memory_space<vmem>>, vector<1x16xf32>,
    %swap3A_407 = arith.constant 8 : i32
    %swap3A_408 = arith.index_cast %swap3A_407 : i32 to index
    %swap3A_409 = arith.constant 48 : index
    %swap3A_410 = tpu.vector_load %arg11[%swap3A_408, %swap3A_409] {strides = array<i32>} : memref<32x128xf32, #tpu.memory_space<vmem>>, vector<1x16xf32>,
    %swap3A_411 = vector.shape_cast %swap3A_410 : vector<1x16xf32> to vector<16xf32>
    %swap3A_412 = vector.shape_cast %broadcast_in_dim3A_5 : vector<16xf32> to vector<1x16xf32>
    tpu.vector_store %arg11[%swap3A_408, %swap3A_409], %swap3A_412 {strides = array<i32>} : memref<32x128xf32, #tpu.memory_space<vmem>>, vector<1x16xf32>,
    %swap3A_413 = arith.constant 8 : i32
    %swap3A_414 = arith.index_cast %swap3A_413 : i32 to index
    %swap3A_415 = arith.constant 64 : index
    %swap3A_416 = tpu.vector_load %arg11[%swap3A_414, %swap3A_415] {strides = array<i32>} : memref<32x128xf32, #tpu.memory_space<vmem>>, vector<1x16xf32>,
    %swap3A_417 = vector.shape_cast %swap3A_416 : vector<1x16xf32> to vector<16xf32>
    %swap3A_418 = vector.shape_cast %broadcast_in_dim3A_5 : vector<16xf32> to vector<1x16xf32>
    tpu.vector_store %arg11[%swap3A_414, %swap3A_415], %swap3A_418 {strides = array<i32>} : memref<32x128xf32, #tpu.memory_space<vmem>>, vector<1x16xf32>,
    %swap3A_419 = arith.constant 8 : i32
    %swap3A_420 = arith.index_cast %swap3A_419 : i32 to index
    %swap3A_421 = arith.constant 80 : index
    %swap3A_422 = tpu.vector_load %arg11[%swap3A_420, %swap3A_421] {strides = array<i32>} : memref<32x128xf32, #tpu.memory_space<vmem>>, vector<1x16xf32>,
    %swap3A_423 = vector.shape_cast %swap3A_422 : vector<1x16xf32> to vector<16xf32>
    %swap3A_424 = vector.shape_cast %broadcast_in_dim3A_5 : vector<16xf32> to vector<1x16xf32>
    tpu.vector_store %arg11[%swap3A_420, %swap3A_421], %swap3A_424 {strides = array<i32>} : memref<32x128xf32, #tpu.memory_space<vmem>>, vector<1x16xf32>,
    %swap3A_425 = arith.constant 8 : i32
    %swap3A_426 = arith.index_cast %swap3A_425 : i32 to index
    %swap3A_427 = arith.constant 96 : index
    %swap3A_428 = tpu.vector_load %arg11[%swap3A_426, %swap3A_427] {strides = array<i32>} : memref<32x128xf32, #tpu.memory_space<vmem>>, vector<1x16xf32>,
    %swap3A_429 = vector.shape_cast %swap3A_428 : vector<1x16xf32> to vector<16xf32>
    %swap3A_430 = vector.shape_cast %broadcast_in_dim3A_5 : vector<16xf32> to vector<1x16xf32>
    tpu.vector_store %arg11[%swap3A_426, %swap3A_427], %swap3A_430 {strides = array<i32>} : memref<32x128xf32, #tpu.memory_space<vmem>>, vector<1x16xf32>,
    %swap3A_431 = arith.constant 8 : i32
    %swap3A_432 = arith.index_cast %swap3A_431 : i32 to index
    %swap3A_433 = arith.constant 112 : index
    %swap3A_434 = tpu.vector_load %arg11[%swap3A_432, %swap3A_433] {strides = array<i32>} : memref<32x128xf32, #tpu.memory_space<vmem>>, vector<1x16xf32>,
    %swap3A_435 = vector.shape_cast %swap3A_434 : vector<1x16xf32> to vector<16xf32>
    %swap3A_436 = vector.shape_cast %broadcast_in_dim3A_5 : vector<16xf32> to vector<1x16xf32>
    tpu.vector_store %arg11[%swap3A_432, %swap3A_433], %swap3A_436 {strides = array<i32>} : memref<32x128xf32, #tpu.memory_space<vmem>>, vector<1x16xf32>,
    %swap3A_437 = arith.constant 9 : i32
    %swap3A_438 = arith.index_cast %swap3A_437 : i32 to index
    %swap3A_439 = arith.constant 0 : index
    %swap3A_440 = tpu.vector_load %arg11[%swap3A_438, %swap3A_439] {strides = array<i32>} : memref<32x128xf32, #tpu.memory_space<vmem>>, vector<1x16xf32>,
    %swap3A_441 = vector.shape_cast %swap3A_440 : vector<1x16xf32> to vector<16xf32>
    %swap3A_442 = vector.shape_cast %broadcast_in_dim3A_5 : vector<16xf32> to vector<1x16xf32>
    tpu.vector_store %arg11[%swap3A_438, %swap3A_439], %swap3A_442 {strides = array<i32>} : memref<32x128xf32, #tpu.memory_space<vmem>>, vector<1x16xf32>,
    %swap3A_443 = arith.constant 9 : i32
    %swap3A_444 = arith.index_cast %swap3A_443 : i32 to index
    %swap3A_445 = arith.constant 16 : index
    %swap3A_446 = tpu.vector_load %arg11[%swap3A_444, %swap3A_445] {strides = array<i32>} : memref<32x128xf32, #tpu.memory_space<vmem>>, vector<1x16xf32>,
    %swap3A_447 = vector.shape_cast %swap3A_446 : vector<1x16xf32> to vector<16xf32>
    %swap3A_448 = vector.shape_cast %broadcast_in_dim3A_5 : vector<16xf32> to vector<1x16xf32>
    tpu.vector_store %arg11[%swap3A_444, %swap3A_445], %swap3A_448 {strides = array<i32>} : memref<32x128xf32, #tpu.memory_space<vmem>>, vector<1x16xf32>,
    %swap3A_449 = arith.constant 9 : i32
    %swap3A_450 = arith.index_cast %swap3A_449 : i32 to index
    %swap3A_451 = arith.constant 32 : index
    %swap3A_452 = tpu.vector_load %arg11[%swap3A_450, %swap3A_451] {strides = array<i32>} : memref<32x128xf32, #tpu.memory_space<vmem>>, vector<1x16xf32>,
    %swap3A_453 = vector.shape_cast %swap3A_452 : vector<1x16xf32> to vector<16xf32>
    %swap3A_454 = vector.shape_cast %broadcast_in_dim3A_5 : vector<16xf32> to vector<1x16xf32>
    tpu.vector_store %arg11[%swap3A_450, %swap3A_451], %swap3A_454 {strides = array<i32>} : memref<32x128xf32, #tpu.memory_space<vmem>>, vector<1x16xf32>,
    %swap3A_455 = arith.constant 9 : i32
    %swap3A_456 = arith.index_cast %swap3A_455 : i32 to index
    %swap3A_457 = arith.constant 48 : index
    %swap3A_458 = tpu.vector_load %arg11[%swap3A_456, %swap3A_457] {strides = array<i32>} : memref<32x128xf32, #tpu.memory_space<vmem>>, vector<1x16xf32>,
    %swap3A_459 = vector.shape_cast %swap3A_458 : vector<1x16xf32> to vector<16xf32>
    %swap3A_460 = vector.shape_cast %broadcast_in_dim3A_5 : vector<16xf32> to vector<1x16xf32>
    tpu.vector_store %arg11[%swap3A_456, %swap3A_457], %swap3A_460 {strides = array<i32>} : memref<32x128xf32, #tpu.memory_space<vmem>>, vector<1x16xf32>,
    %swap3A_461 = arith.constant 9 : i32
    %swap3A_462 = arith.index_cast %swap3A_461 : i32 to index
    %swap3A_463 = arith.constant 64 : index
    %swap3A_464 = tpu.vector_load %arg11[%swap3A_462, %swap3A_463] {strides = array<i32>} : memref<32x128xf32, #tpu.memory_space<vmem>>, vector<1x16xf32>,
    %swap3A_465 = vector.shape_cast %swap3A_464 : vector<1x16xf32> to vector<16xf32>
    %swap3A_466 = vector.shape_cast %broadcast_in_dim3A_5 : vector<16xf32> to vector<1x16xf32>
    tpu.vector_store %arg11[%swap3A_462, %swap3A_463], %swap3A_466 {strides = array<i32>} : memref<32x128xf32, #tpu.memory_space<vmem>>, vector<1x16xf32>,
    %swap3A_467 = arith.constant 9 : i32
    %swap3A_468 = arith.index_cast %swap3A_467 : i32 to index
    %swap3A_469 = arith.constant 80 : index
    %swap3A_470 = tpu.vector_load %arg11[%swap3A_468, %swap3A_469] {strides = array<i32>} : memref<32x128xf32, #tpu.memory_space<vmem>>, vector<1x16xf32>,
    %swap3A_471 = vector.shape_cast %swap3A_470 : vector<1x16xf32> to vector<16xf32>
    %swap3A_472 = vector.shape_cast %broadcast_in_dim3A_5 : vector<16xf32> to vector<1x16xf32>
    tpu.vector_store %arg11[%swap3A_468, %swap3A_469], %swap3A_472 {strides = array<i32>} : memref<32x128xf32, #tpu.memory_space<vmem>>, vector<1x16xf32>,
    %swap3A_473 = arith.constant 9 : i32
    %swap3A_474 = arith.index_cast %swap3A_473 : i32 to index
    %swap3A_475 = arith.constant 96 : index
    %swap3A_476 = tpu.vector_load %arg11[%swap3A_474, %swap3A_475] {strides = array<i32>} : memref<32x128xf32, #tpu.memory_space<vmem>>, vector<1x16xf32>,
    %swap3A_477 = vector.shape_cast %swap3A_476 : vector<1x16xf32> to vector<16xf32>
    %swap3A_478 = vector.shape_cast %broadcast_in_dim3A_5 : vector<16xf32> to vector<1x16xf32>
    tpu.vector_store %arg11[%swap3A_474, %swap3A_475], %swap3A_478 {strides = array<i32>} : memref<32x128xf32, #tpu.memory_space<vmem>>, vector<1x16xf32>,
    %swap3A_479 = arith.constant 9 : i32
    %swap3A_480 = arith.index_cast %swap3A_479 : i32 to index
    %swap3A_481 = arith.constant 112 : index
    %swap3A_482 = tpu.vector_load %arg11[%swap3A_480, %swap3A_481] {strides = array<i32>} : memref<32x128xf32, #tpu.memory_space<vmem>>, vector<1x16xf32>,
    %swap3A_483 = vector.shape_cast %swap3A_482 : vector<1x16xf32> to vector<16xf32>
    %swap3A_484 = vector.shape_cast %broadcast_in_dim3A_5 : vector<16xf32> to vector<1x16xf32>
    tpu.vector_store %arg11[%swap3A_480, %swap3A_481], %swap3A_484 {strides = array<i32>} : memref<32x128xf32, #tpu.memory_space<vmem>>, vector<1x16xf32>,
    %swap3A_485 = arith.constant 10 : i32
    %swap3A_486 = arith.index_cast %swap3A_485 : i32 to index
    %swap3A_487 = arith.constant 0 : index
    %swap3A_488 = tpu.vector_load %arg11[%swap3A_486, %swap3A_487] {strides = array<i32>} : memref<32x128xf32, #tpu.memory_space<vmem>>, vector<1x16xf32>,
    %swap3A_489 = vector.shape_cast %swap3A_488 : vector<1x16xf32> to vector<16xf32>
    %swap3A_490 = vector.shape_cast %broadcast_in_dim3A_5 : vector<16xf32> to vector<1x16xf32>
    tpu.vector_store %arg11[%swap3A_486, %swap3A_487], %swap3A_490 {strides = array<i32>} : memref<32x128xf32, #tpu.memory_space<vmem>>, vector<1x16xf32>,
    %swap3A_491 = arith.constant 10 : i32
    %swap3A_492 = arith.index_cast %swap3A_491 : i32 to index
    %swap3A_493 = arith.constant 16 : index
    %swap3A_494 = tpu.vector_load %arg11[%swap3A_492, %swap3A_493] {strides = array<i32>} : memref<32x128xf32, #tpu.memory_space<vmem>>, vector<1x16xf32>,
    %swap3A_495 = vector.shape_cast %swap3A_494 : vector<1x16xf32> to vector<16xf32>
    %swap3A_496 = vector.shape_cast %broadcast_in_dim3A_5 : vector<16xf32> to vector<1x16xf32>
    tpu.vector_store %arg11[%swap3A_492, %swap3A_493], %swap3A_496 {strides = array<i32>} : memref<32x128xf32, #tpu.memory_space<vmem>>, vector<1x16xf32>,
    %swap3A_497 = arith.constant 10 : i32
    %swap3A_498 = arith.index_cast %swap3A_497 : i32 to index
    %swap3A_499 = arith.constant 32 : index
    %swap3A_500 = tpu.vector_load %arg11[%swap3A_498, %swap3A_499] {strides = array<i32>} : memref<32x128xf32, #tpu.memory_space<vmem>>, vector<1x16xf32>,
    %swap3A_501 = vector.shape_cast %swap3A_500 : vector<1x16xf32> to vector<16xf32>
    %swap3A_502 = vector.shape_cast %broadcast_in_dim3A_5 : vector<16xf32> to vector<1x16xf32>
    tpu.vector_store %arg11[%swap3A_498, %swap3A_499], %swap3A_502 {strides = array<i32>} : memref<32x128xf32, #tpu.memory_space<vmem>>, vector<1x16xf32>,
    %swap3A_503 = arith.constant 10 : i32
    %swap3A_504 = arith.index_cast %swap3A_503 : i32 to index
    %swap3A_505 = arith.constant 48 : index
    %swap3A_506 = tpu.vector_load %arg11[%swap3A_504, %swap3A_505] {strides = array<i32>} : memref<32x128xf32, #tpu.memory_space<vmem>>, vector<1x16xf32>,
    %swap3A_507 = vector.shape_cast %swap3A_506 : vector<1x16xf32> to vector<16xf32>
    %swap3A_508 = vector.shape_cast %broadcast_in_dim3A_5 : vector<16xf32> to vector<1x16xf32>
    tpu.vector_store %arg11[%swap3A_504, %swap3A_505], %swap3A_508 {strides = array<i32>} : memref<32x128xf32, #tpu.memory_space<vmem>>, vector<1x16xf32>,
    %swap3A_509 = arith.constant 10 : i32
    %swap3A_510 = arith.index_cast %swap3A_509 : i32 to index
    %swap3A_511 = arith.constant 64 : index
    %swap3A_512 = tpu.vector_load %arg11[%swap3A_510, %swap3A_511] {strides = array<i32>} : memref<32x128xf32, #tpu.memory_space<vmem>>, vector<1x16xf32>,
    %swap3A_513 = vector.shape_cast %swap3A_512 : vector<1x16xf32> to vector<16xf32>
    %swap3A_514 = vector.shape_cast %broadcast_in_dim3A_5 : vector<16xf32> to vector<1x16xf32>
    tpu.vector_store %arg11[%swap3A_510, %swap3A_511], %swap3A_514 {strides = array<i32>} : memref<32x128xf32, #tpu.memory_space<vmem>>, vector<1x16xf32>,
    %swap3A_515 = arith.constant 10 : i32
    %swap3A_516 = arith.index_cast %swap3A_515 : i32 to index
    %swap3A_517 = arith.constant 80 : index
    %swap3A_518 = tpu.vector_load %arg11[%swap3A_516, %swap3A_517] {strides = array<i32>} : memref<32x128xf32, #tpu.memory_space<vmem>>, vector<1x16xf32>,
    %swap3A_519 = vector.shape_cast %swap3A_518 : vector<1x16xf32> to vector<16xf32>
    %swap3A_520 = vector.shape_cast %broadcast_in_dim3A_5 : vector<16xf32> to vector<1x16xf32>
    tpu.vector_store %arg11[%swap3A_516, %swap3A_517], %swap3A_520 {strides = array<i32>} : memref<32x128xf32, #tpu.memory_space<vmem>>, vector<1x16xf32>,
    %swap3A_521 = arith.constant 10 : i32
    %swap3A_522 = arith.index_cast %swap3A_521 : i32 to index
    %swap3A_523 = arith.constant 96 : index
    %swap3A_524 = tpu.vector_load %arg11[%swap3A_522, %swap3A_523] {strides = array<i32>} : memref<32x128xf32, #tpu.memory_space<vmem>>, vector<1x16xf32>,
    %swap3A_525 = vector.shape_cast %swap3A_524 : vector<1x16xf32> to vector<16xf32>
    %swap3A_526 = vector.shape_cast %broadcast_in_dim3A_5 : vector<16xf32> to vector<1x16xf32>
    tpu.vector_store %arg11[%swap3A_522, %swap3A_523], %swap3A_526 {strides = array<i32>} : memref<32x128xf32, #tpu.memory_space<vmem>>, vector<1x16xf32>,
    %swap3A_527 = arith.constant 10 : i32
    %swap3A_528 = arith.index_cast %swap3A_527 : i32 to index
    %swap3A_529 = arith.constant 112 : index
    %swap3A_530 = tpu.vector_load %arg11[%swap3A_528, %swap3A_529] {strides = array<i32>} : memref<32x128xf32, #tpu.memory_space<vmem>>, vector<1x16xf32>,
    %swap3A_531 = vector.shape_cast %swap3A_530 : vector<1x16xf32> to vector<16xf32>
    %swap3A_532 = vector.shape_cast %broadcast_in_dim3A_5 : vector<16xf32> to vector<1x16xf32>
    tpu.vector_store %arg11[%swap3A_528, %swap3A_529], %swap3A_532 {strides = array<i32>} : memref<32x128xf32, #tpu.memory_space<vmem>>, vector<1x16xf32>,
    %swap3A_533 = arith.constant 11 : i32
    %swap3A_534 = arith.index_cast %swap3A_533 : i32 to index
    %swap3A_535 = arith.constant 0 : index
    %swap3A_536 = tpu.vector_load %arg11[%swap3A_534, %swap3A_535] {strides = array<i32>} : memref<32x128xf32, #tpu.memory_space<vmem>>, vector<1x16xf32>,
    %swap3A_537 = vector.shape_cast %swap3A_536 : vector<1x16xf32> to vector<16xf32>
    %swap3A_538 = vector.shape_cast %broadcast_in_dim3A_5 : vector<16xf32> to vector<1x16xf32>
    tpu.vector_store %arg11[%swap3A_534, %swap3A_535], %swap3A_538 {strides = array<i32>} : memref<32x128xf32, #tpu.memory_space<vmem>>, vector<1x16xf32>,
    %swap3A_539 = arith.constant 11 : i32
    %swap3A_540 = arith.index_cast %swap3A_539 : i32 to index
    %swap3A_541 = arith.constant 16 : index
    %swap3A_542 = tpu.vector_load %arg11[%swap3A_540, %swap3A_541] {strides = array<i32>} : memref<32x128xf32, #tpu.memory_space<vmem>>, vector<1x16xf32>,
    %swap3A_543 = vector.shape_cast %swap3A_542 : vector<1x16xf32> to vector<16xf32>
    %swap3A_544 = vector.shape_cast %broadcast_in_dim3A_5 : vector<16xf32> to vector<1x16xf32>
    tpu.vector_store %arg11[%swap3A_540, %swap3A_541], %swap3A_544 {strides = array<i32>} : memref<32x128xf32, #tpu.memory_space<vmem>>, vector<1x16xf32>,
    %swap3A_545 = arith.constant 11 : i32
    %swap3A_546 = arith.index_cast %swap3A_545 : i32 to index
    %swap3A_547 = arith.constant 32 : index
    %swap3A_548 = tpu.vector_load %arg11[%swap3A_546, %swap3A_547] {strides = array<i32>} : memref<32x128xf32, #tpu.memory_space<vmem>>, vector<1x16xf32>,
    %swap3A_549 = vector.shape_cast %swap3A_548 : vector<1x16xf32> to vector<16xf32>
    %swap3A_550 = vector.shape_cast %broadcast_in_dim3A_5 : vector<16xf32> to vector<1x16xf32>
    tpu.vector_store %arg11[%swap3A_546, %swap3A_547], %swap3A_550 {strides = array<i32>} : memref<32x128xf32, #tpu.memory_space<vmem>>, vector<1x16xf32>,
    %swap3A_551 = arith.constant 11 : i32
    %swap3A_552 = arith.index_cast %swap3A_551 : i32 to index
    %swap3A_553 = arith.constant 48 : index
    %swap3A_554 = tpu.vector_load %arg11[%swap3A_552, %swap3A_553] {strides = array<i32>} : memref<32x128xf32, #tpu.memory_space<vmem>>, vector<1x16xf32>,
    %swap3A_555 = vector.shape_cast %swap3A_554 : vector<1x16xf32> to vector<16xf32>
    %swap3A_556 = vector.shape_cast %broadcast_in_dim3A_5 : vector<16xf32> to vector<1x16xf32>
    tpu.vector_store %arg11[%swap3A_552, %swap3A_553], %swap3A_556 {strides = array<i32>} : memref<32x128xf32, #tpu.memory_space<vmem>>, vector<1x16xf32>,
    %swap3A_557 = arith.constant 11 : i32
    %swap3A_558 = arith.index_cast %swap3A_557 : i32 to index
    %swap3A_559 = arith.constant 64 : index
    %swap3A_560 = tpu.vector_load %arg11[%swap3A_558, %swap3A_559] {strides = array<i32>} : memref<32x128xf32, #tpu.memory_space<vmem>>, vector<1x16xf32>,
    %swap3A_561 = vector.shape_cast %swap3A_560 : vector<1x16xf32> to vector<16xf32>
    %swap3A_562 = vector.shape_cast %broadcast_in_dim3A_5 : vector<16xf32> to vector<1x16xf32>
    tpu.vector_store %arg11[%swap3A_558, %swap3A_559], %swap3A_562 {strides = array<i32>} : memref<32x128xf32, #tpu.memory_space<vmem>>, vector<1x16xf32>,
    %swap3A_563 = arith.constant 11 : i32
    %swap3A_564 = arith.index_cast %swap3A_563 : i32 to index
    %swap3A_565 = arith.constant 80 : index
    %swap3A_566 = tpu.vector_load %arg11[%swap3A_564, %swap3A_565] {strides = array<i32>} : memref<32x128xf32, #tpu.memory_space<vmem>>, vector<1x16xf32>,
    %swap3A_567 = vector.shape_cast %swap3A_566 : vector<1x16xf32> to vector<16xf32>
    %swap3A_568 = vector.shape_cast %broadcast_in_dim3A_5 : vector<16xf32> to vector<1x16xf32>
    tpu.vector_store %arg11[%swap3A_564, %swap3A_565], %swap3A_568 {strides = array<i32>} : memref<32x128xf32, #tpu.memory_space<vmem>>, vector<1x16xf32>,
    %swap3A_569 = arith.constant 11 : i32
    %swap3A_570 = arith.index_cast %swap3A_569 : i32 to index
    %swap3A_571 = arith.constant 96 : index
    %swap3A_572 = tpu.vector_load %arg11[%swap3A_570, %swap3A_571] {strides = array<i32>} : memref<32x128xf32, #tpu.memory_space<vmem>>, vector<1x16xf32>,
    %swap3A_573 = vector.shape_cast %swap3A_572 : vector<1x16xf32> to vector<16xf32>
    %swap3A_574 = vector.shape_cast %broadcast_in_dim3A_5 : vector<16xf32> to vector<1x16xf32>
    tpu.vector_store %arg11[%swap3A_570, %swap3A_571], %swap3A_574 {strides = array<i32>} : memref<32x128xf32, #tpu.memory_space<vmem>>, vector<1x16xf32>,
    %swap3A_575 = arith.constant 11 : i32
    %swap3A_576 = arith.index_cast %swap3A_575 : i32 to index
    %swap3A_577 = arith.constant 112 : index
    %swap3A_578 = tpu.vector_load %arg11[%swap3A_576, %swap3A_577] {strides = array<i32>} : memref<32x128xf32, #tpu.memory_space<vmem>>, vector<1x16xf32>,
    %swap3A_579 = vector.shape_cast %swap3A_578 : vector<1x16xf32> to vector<16xf32>
    %swap3A_580 = vector.shape_cast %broadcast_in_dim3A_5 : vector<16xf32> to vector<1x16xf32>
    tpu.vector_store %arg11[%swap3A_576, %swap3A_577], %swap3A_580 {strides = array<i32>} : memref<32x128xf32, #tpu.memory_space<vmem>>, vector<1x16xf32>,
    %swap3A_581 = arith.constant 12 : i32
    %swap3A_582 = arith.index_cast %swap3A_581 : i32 to index
    %swap3A_583 = arith.constant 0 : index
    %swap3A_584 = tpu.vector_load %arg11[%swap3A_582, %swap3A_583] {strides = array<i32>} : memref<32x128xf32, #tpu.memory_space<vmem>>, vector<1x16xf32>,
    %swap3A_585 = vector.shape_cast %swap3A_584 : vector<1x16xf32> to vector<16xf32>
    %swap3A_586 = vector.shape_cast %broadcast_in_dim3A_5 : vector<16xf32> to vector<1x16xf32>
    tpu.vector_store %arg11[%swap3A_582, %swap3A_583], %swap3A_586 {strides = array<i32>} : memref<32x128xf32, #tpu.memory_space<vmem>>, vector<1x16xf32>,
    %swap3A_587 = arith.constant 12 : i32
    %swap3A_588 = arith.index_cast %swap3A_587 : i32 to index
    %swap3A_589 = arith.constant 16 : index
    %swap3A_590 = tpu.vector_load %arg11[%swap3A_588, %swap3A_589] {strides = array<i32>} : memref<32x128xf32, #tpu.memory_space<vmem>>, vector<1x16xf32>,
    %swap3A_591 = vector.shape_cast %swap3A_590 : vector<1x16xf32> to vector<16xf32>
    %swap3A_592 = vector.shape_cast %broadcast_in_dim3A_5 : vector<16xf32> to vector<1x16xf32>
    tpu.vector_store %arg11[%swap3A_588, %swap3A_589], %swap3A_592 {strides = array<i32>} : memref<32x128xf32, #tpu.memory_space<vmem>>, vector<1x16xf32>,
    %swap3A_593 = arith.constant 12 : i32
    %swap3A_594 = arith.index_cast %swap3A_593 : i32 to index
    %swap3A_595 = arith.constant 32 : index
    %swap3A_596 = tpu.vector_load %arg11[%swap3A_594, %swap3A_595] {strides = array<i32>} : memref<32x128xf32, #tpu.memory_space<vmem>>, vector<1x16xf32>,
    %swap3A_597 = vector.shape_cast %swap3A_596 : vector<1x16xf32> to vector<16xf32>
    %swap3A_598 = vector.shape_cast %broadcast_in_dim3A_5 : vector<16xf32> to vector<1x16xf32>
    tpu.vector_store %arg11[%swap3A_594, %swap3A_595], %swap3A_598 {strides = array<i32>} : memref<32x128xf32, #tpu.memory_space<vmem>>, vector<1x16xf32>,
    %swap3A_599 = arith.constant 12 : i32
    %swap3A_600 = arith.index_cast %swap3A_599 : i32 to index
    %swap3A_601 = arith.constant 48 : index
    %swap3A_602 = tpu.vector_load %arg11[%swap3A_600, %swap3A_601] {strides = array<i32>} : memref<32x128xf32, #tpu.memory_space<vmem>>, vector<1x16xf32>,
    %swap3A_603 = vector.shape_cast %swap3A_602 : vector<1x16xf32> to vector<16xf32>
    %swap3A_604 = vector.shape_cast %broadcast_in_dim3A_5 : vector<16xf32> to vector<1x16xf32>
    tpu.vector_store %arg11[%swap3A_600, %swap3A_601], %swap3A_604 {strides = array<i32>} : memref<32x128xf32, #tpu.memory_space<vmem>>, vector<1x16xf32>,
    %swap3A_605 = arith.constant 12 : i32
    %swap3A_606 = arith.index_cast %swap3A_605 : i32 to index
    %swap3A_607 = arith.constant 64 : index
    %swap3A_608 = tpu.vector_load %arg11[%swap3A_606, %swap3A_607] {strides = array<i32>} : memref<32x128xf32, #tpu.memory_space<vmem>>, vector<1x16xf32>,
    %swap3A_609 = vector.shape_cast %swap3A_608 : vector<1x16xf32> to vector<16xf32>
    %swap3A_610 = vector.shape_cast %broadcast_in_dim3A_5 : vector<16xf32> to vector<1x16xf32>
    tpu.vector_store %arg11[%swap3A_606, %swap3A_607], %swap3A_610 {strides = array<i32>} : memref<32x128xf32, #tpu.memory_space<vmem>>, vector<1x16xf32>,
    %swap3A_611 = arith.constant 12 : i32
    %swap3A_612 = arith.index_cast %swap3A_611 : i32 to index
    %swap3A_613 = arith.constant 80 : index
    %swap3A_614 = tpu.vector_load %arg11[%swap3A_612, %swap3A_613] {strides = array<i32>} : memref<32x128xf32, #tpu.memory_space<vmem>>, vector<1x16xf32>,
    %swap3A_615 = vector.shape_cast %swap3A_614 : vector<1x16xf32> to vector<16xf32>
    %swap3A_616 = vector.shape_cast %broadcast_in_dim3A_5 : vector<16xf32> to vector<1x16xf32>
    tpu.vector_store %arg11[%swap3A_612, %swap3A_613], %swap3A_616 {strides = array<i32>} : memref<32x128xf32, #tpu.memory_space<vmem>>, vector<1x16xf32>,
    %swap3A_617 = arith.constant 12 : i32
    %swap3A_618 = arith.index_cast %swap3A_617 : i32 to index
    %swap3A_619 = arith.constant 96 : index
    %swap3A_620 = tpu.vector_load %arg11[%swap3A_618, %swap3A_619] {strides = array<i32>} : memref<32x128xf32, #tpu.memory_space<vmem>>, vector<1x16xf32>,
    %swap3A_621 = vector.shape_cast %swap3A_620 : vector<1x16xf32> to vector<16xf32>
    %swap3A_622 = vector.shape_cast %broadcast_in_dim3A_5 : vector<16xf32> to vector<1x16xf32>
    tpu.vector_store %arg11[%swap3A_618, %swap3A_619], %swap3A_622 {strides = array<i32>} : memref<32x128xf32, #tpu.memory_space<vmem>>, vector<1x16xf32>,
    %swap3A_623 = arith.constant 12 : i32
    %swap3A_624 = arith.index_cast %swap3A_623 : i32 to index
    %swap3A_625 = arith.constant 112 : index
    %swap3A_626 = tpu.vector_load %arg11[%swap3A_624, %swap3A_625] {strides = array<i32>} : memref<32x128xf32, #tpu.memory_space<vmem>>, vector<1x16xf32>,
    %swap3A_627 = vector.shape_cast %swap3A_626 : vector<1x16xf32> to vector<16xf32>
    %swap3A_628 = vector.shape_cast %broadcast_in_dim3A_5 : vector<16xf32> to vector<1x16xf32>
    tpu.vector_store %arg11[%swap3A_624, %swap3A_625], %swap3A_628 {strides = array<i32>} : memref<32x128xf32, #tpu.memory_space<vmem>>, vector<1x16xf32>,
    %swap3A_629 = arith.constant 13 : i32
    %swap3A_630 = arith.index_cast %swap3A_629 : i32 to index
    %swap3A_631 = arith.constant 0 : index
    %swap3A_632 = tpu.vector_load %arg11[%swap3A_630, %swap3A_631] {strides = array<i32>} : memref<32x128xf32, #tpu.memory_space<vmem>>, vector<1x16xf32>,
    %swap3A_633 = vector.shape_cast %swap3A_632 : vector<1x16xf32> to vector<16xf32>
    %swap3A_634 = vector.shape_cast %broadcast_in_dim3A_5 : vector<16xf32> to vector<1x16xf32>
    tpu.vector_store %arg11[%swap3A_630, %swap3A_631], %swap3A_634 {strides = array<i32>} : memref<32x128xf32, #tpu.memory_space<vmem>>, vector<1x16xf32>,
    %swap3A_635 = arith.constant 13 : i32
    %swap3A_636 = arith.index_cast %swap3A_635 : i32 to index
    %swap3A_637 = arith.constant 16 : index
    %swap3A_638 = tpu.vector_load %arg11[%swap3A_636, %swap3A_637] {strides = array<i32>} : memref<32x128xf32, #tpu.memory_space<vmem>>, vector<1x16xf32>,
    %swap3A_639 = vector.shape_cast %swap3A_638 : vector<1x16xf32> to vector<16xf32>
    %swap3A_640 = vector.shape_cast %broadcast_in_dim3A_5 : vector<16xf32> to vector<1x16xf32>
    tpu.vector_store %arg11[%swap3A_636, %swap3A_637], %swap3A_640 {strides = array<i32>} : memref<32x128xf32, #tpu.memory_space<vmem>>, vector<1x16xf32>,
    %swap3A_641 = arith.constant 13 : i32
    %swap3A_642 = arith.index_cast %swap3A_641 : i32 to index
    %swap3A_643 = arith.constant 32 : index
    %swap3A_644 = tpu.vector_load %arg11[%swap3A_642, %swap3A_643] {strides = array<i32>} : memref<32x128xf32, #tpu.memory_space<vmem>>, vector<1x16xf32>,
    %swap3A_645 = vector.shape_cast %swap3A_644 : vector<1x16xf32> to vector<16xf32>
    %swap3A_646 = vector.shape_cast %broadcast_in_dim3A_5 : vector<16xf32> to vector<1x16xf32>
    tpu.vector_store %arg11[%swap3A_642, %swap3A_643], %swap3A_646 {strides = array<i32>} : memref<32x128xf32, #tpu.memory_space<vmem>>, vector<1x16xf32>,
    %swap3A_647 = arith.constant 13 : i32
    %swap3A_648 = arith.index_cast %swap3A_647 : i32 to index
    %swap3A_649 = arith.constant 48 : index
    %swap3A_650 = tpu.vector_load %arg11[%swap3A_648, %swap3A_649] {strides = array<i32>} : memref<32x128xf32, #tpu.memory_space<vmem>>, vector<1x16xf32>,
    %swap3A_651 = vector.shape_cast %swap3A_650 : vector<1x16xf32> to vector<16xf32>
    %swap3A_652 = vector.shape_cast %broadcast_in_dim3A_5 : vector<16xf32> to vector<1x16xf32>
    tpu.vector_store %arg11[%swap3A_648, %swap3A_649], %swap3A_652 {strides = array<i32>} : memref<32x128xf32, #tpu.memory_space<vmem>>, vector<1x16xf32>,
    %swap3A_653 = arith.constant 13 : i32
    %swap3A_654 = arith.index_cast %swap3A_653 : i32 to index
    %swap3A_655 = arith.constant 64 : index
    %swap3A_656 = tpu.vector_load %arg11[%swap3A_654, %swap3A_655] {strides = array<i32>} : memref<32x128xf32, #tpu.memory_space<vmem>>, vector<1x16xf32>,
    %swap3A_657 = vector.shape_cast %swap3A_656 : vector<1x16xf32> to vector<16xf32>
    %swap3A_658 = vector.shape_cast %broadcast_in_dim3A_5 : vector<16xf32> to vector<1x16xf32>
    tpu.vector_store %arg11[%swap3A_654, %swap3A_655], %swap3A_658 {strides = array<i32>} : memref<32x128xf32, #tpu.memory_space<vmem>>, vector<1x16xf32>,
    %swap3A_659 = arith.constant 13 : i32
    %swap3A_660 = arith.index_cast %swap3A_659 : i32 to index
    %swap3A_661 = arith.constant 80 : index
    %swap3A_662 = tpu.vector_load %arg11[%swap3A_660, %swap3A_661] {strides = array<i32>} : memref<32x128xf32, #tpu.memory_space<vmem>>, vector<1x16xf32>,
    %swap3A_663 = vector.shape_cast %swap3A_662 : vector<1x16xf32> to vector<16xf32>
    %swap3A_664 = vector.shape_cast %broadcast_in_dim3A_5 : vector<16xf32> to vector<1x16xf32>
    tpu.vector_store %arg11[%swap3A_660, %swap3A_661], %swap3A_664 {strides = array<i32>} : memref<32x128xf32, #tpu.memory_space<vmem>>, vector<1x16xf32>,
    %swap3A_665 = arith.constant 13 : i32
    %swap3A_666 = arith.index_cast %swap3A_665 : i32 to index
    %swap3A_667 = arith.constant 96 : index
    %swap3A_668 = tpu.vector_load %arg11[%swap3A_666, %swap3A_667] {strides = array<i32>} : memref<32x128xf32, #tpu.memory_space<vmem>>, vector<1x16xf32>,
    %swap3A_669 = vector.shape_cast %swap3A_668 : vector<1x16xf32> to vector<16xf32>
    %swap3A_670 = vector.shape_cast %broadcast_in_dim3A_5 : vector<16xf32> to vector<1x16xf32>
    tpu.vector_store %arg11[%swap3A_666, %swap3A_667], %swap3A_670 {strides = array<i32>} : memref<32x128xf32, #tpu.memory_space<vmem>>, vector<1x16xf32>,
    %swap3A_671 = arith.constant 13 : i32
    %swap3A_672 = arith.index_cast %swap3A_671 : i32 to index
    %swap3A_673 = arith.constant 112 : index
    %swap3A_674 = tpu.vector_load %arg11[%swap3A_672, %swap3A_673] {strides = array<i32>} : memref<32x128xf32, #tpu.memory_space<vmem>>, vector<1x16xf32>,
    %swap3A_675 = vector.shape_cast %swap3A_674 : vector<1x16xf32> to vector<16xf32>
    %swap3A_676 = vector.shape_cast %broadcast_in_dim3A_5 : vector<16xf32> to vector<1x16xf32>
    tpu.vector_store %arg11[%swap3A_672, %swap3A_673], %swap3A_676 {strides = array<i32>} : memref<32x128xf32, #tpu.memory_space<vmem>>, vector<1x16xf32>,
    %swap3A_677 = arith.constant 14 : i32
    %swap3A_678 = arith.index_cast %swap3A_677 : i32 to index
    %swap3A_679 = arith.constant 0 : index
    %swap3A_680 = tpu.vector_load %arg11[%swap3A_678, %swap3A_679] {strides = array<i32>} : memref<32x128xf32, #tpu.memory_space<vmem>>, vector<1x16xf32>,
    %swap3A_681 = vector.shape_cast %swap3A_680 : vector<1x16xf32> to vector<16xf32>
    %swap3A_682 = vector.shape_cast %broadcast_in_dim3A_5 : vector<16xf32> to vector<1x16xf32>
    tpu.vector_store %arg11[%swap3A_678, %swap3A_679], %swap3A_682 {strides = array<i32>} : memref<32x128xf32, #tpu.memory_space<vmem>>, vector<1x16xf32>,
    %swap3A_683 = arith.constant 14 : i32
    %swap3A_684 = arith.index_cast %swap3A_683 : i32 to index
    %swap3A_685 = arith.constant 16 : index
    %swap3A_686 = tpu.vector_load %arg11[%swap3A_684, %swap3A_685] {strides = array<i32>} : memref<32x128xf32, #tpu.memory_space<vmem>>, vector<1x16xf32>,
    %swap3A_687 = vector.shape_cast %swap3A_686 : vector<1x16xf32> to vector<16xf32>
    %swap3A_688 = vector.shape_cast %broadcast_in_dim3A_5 : vector<16xf32> to vector<1x16xf32>
    tpu.vector_store %arg11[%swap3A_684, %swap3A_685], %swap3A_688 {strides = array<i32>} : memref<32x128xf32, #tpu.memory_space<vmem>>, vector<1x16xf32>,
    %swap3A_689 = arith.constant 14 : i32
    %swap3A_690 = arith.index_cast %swap3A_689 : i32 to index
    %swap3A_691 = arith.constant 32 : index
    %swap3A_692 = tpu.vector_load %arg11[%swap3A_690, %swap3A_691] {strides = array<i32>} : memref<32x128xf32, #tpu.memory_space<vmem>>, vector<1x16xf32>,
    %swap3A_693 = vector.shape_cast %swap3A_692 : vector<1x16xf32> to vector<16xf32>
    %swap3A_694 = vector.shape_cast %broadcast_in_dim3A_5 : vector<16xf32> to vector<1x16xf32>
    tpu.vector_store %arg11[%swap3A_690, %swap3A_691], %swap3A_694 {strides = array<i32>} : memref<32x128xf32, #tpu.memory_space<vmem>>, vector<1x16xf32>,
    %swap3A_695 = arith.constant 14 : i32
    %swap3A_696 = arith.index_cast %swap3A_695 : i32 to index
    %swap3A_697 = arith.constant 48 : index
    %swap3A_698 = tpu.vector_load %arg11[%swap3A_696, %swap3A_697] {strides = array<i32>} : memref<32x128xf32, #tpu.memory_space<vmem>>, vector<1x16xf32>,
    %swap3A_699 = vector.shape_cast %swap3A_698 : vector<1x16xf32> to vector<16xf32>
    %swap3A_700 = vector.shape_cast %broadcast_in_dim3A_5 : vector<16xf32> to vector<1x16xf32>
    tpu.vector_store %arg11[%swap3A_696, %swap3A_697], %swap3A_700 {strides = array<i32>} : memref<32x128xf32, #tpu.memory_space<vmem>>, vector<1x16xf32>,
    %swap3A_701 = arith.constant 14 : i32
    %swap3A_702 = arith.index_cast %swap3A_701 : i32 to index
    %swap3A_703 = arith.constant 64 : index
    %swap3A_704 = tpu.vector_load %arg11[%swap3A_702, %swap3A_703] {strides = array<i32>} : memref<32x128xf32, #tpu.memory_space<vmem>>, vector<1x16xf32>,
    %swap3A_705 = vector.shape_cast %swap3A_704 : vector<1x16xf32> to vector<16xf32>
    %swap3A_706 = vector.shape_cast %broadcast_in_dim3A_5 : vector<16xf32> to vector<1x16xf32>
    tpu.vector_store %arg11[%swap3A_702, %swap3A_703], %swap3A_706 {strides = array<i32>} : memref<32x128xf32, #tpu.memory_space<vmem>>, vector<1x16xf32>,
    %swap3A_707 = arith.constant 14 : i32
    %swap3A_708 = arith.index_cast %swap3A_707 : i32 to index
    %swap3A_709 = arith.constant 80 : index
    %swap3A_710 = tpu.vector_load %arg11[%swap3A_708, %swap3A_709] {strides = array<i32>} : memref<32x128xf32, #tpu.memory_space<vmem>>, vector<1x16xf32>,
    %swap3A_711 = vector.shape_cast %swap3A_710 : vector<1x16xf32> to vector<16xf32>
    %swap3A_712 = vector.shape_cast %broadcast_in_dim3A_5 : vector<16xf32> to vector<1x16xf32>
    tpu.vector_store %arg11[%swap3A_708, %swap3A_709], %swap3A_712 {strides = array<i32>} : memref<32x128xf32, #tpu.memory_space<vmem>>, vector<1x16xf32>,
    %swap3A_713 = arith.constant 14 : i32
    %swap3A_714 = arith.index_cast %swap3A_713 : i32 to index
    %swap3A_715 = arith.constant 96 : index
    %swap3A_716 = tpu.vector_load %arg11[%swap3A_714, %swap3A_715] {strides = array<i32>} : memref<32x128xf32, #tpu.memory_space<vmem>>, vector<1x16xf32>,
    %swap3A_717 = vector.shape_cast %swap3A_716 : vector<1x16xf32> to vector<16xf32>
    %swap3A_718 = vector.shape_cast %broadcast_in_dim3A_5 : vector<16xf32> to vector<1x16xf32>
    tpu.vector_store %arg11[%swap3A_714, %swap3A_715], %swap3A_718 {strides = array<i32>} : memref<32x128xf32, #tpu.memory_space<vmem>>, vector<1x16xf32>,
    %swap3A_719 = arith.constant 14 : i32
    %swap3A_720 = arith.index_cast %swap3A_719 : i32 to index
    %swap3A_721 = arith.constant 112 : index
    %swap3A_722 = tpu.vector_load %arg11[%swap3A_720, %swap3A_721] {strides = array<i32>} : memref<32x128xf32, #tpu.memory_space<vmem>>, vector<1x16xf32>,
    %swap3A_723 = vector.shape_cast %swap3A_722 : vector<1x16xf32> to vector<16xf32>
    %swap3A_724 = vector.shape_cast %broadcast_in_dim3A_5 : vector<16xf32> to vector<1x16xf32>
    tpu.vector_store %arg11[%swap3A_720, %swap3A_721], %swap3A_724 {strides = array<i32>} : memref<32x128xf32, #tpu.memory_space<vmem>>, vector<1x16xf32>,
    %swap3A_725 = arith.constant 15 : i32
    %swap3A_726 = arith.index_cast %swap3A_725 : i32 to index
    %swap3A_727 = arith.constant 0 : index
    %swap3A_728 = tpu.vector_load %arg11[%swap3A_726, %swap3A_727] {strides = array<i32>} : memref<32x128xf32, #tpu.memory_space<vmem>>, vector<1x16xf32>,
    %swap3A_729 = vector.shape_cast %swap3A_728 : vector<1x16xf32> to vector<16xf32>
    %swap3A_730 = vector.shape_cast %broadcast_in_dim3A_5 : vector<16xf32> to vector<1x16xf32>
    tpu.vector_store %arg11[%swap3A_726, %swap3A_727], %swap3A_730 {strides = array<i32>} : memref<32x128xf32, #tpu.memory_space<vmem>>, vector<1x16xf32>,
    %swap3A_731 = arith.constant 15 : i32
    %swap3A_732 = arith.index_cast %swap3A_731 : i32 to index
    %swap3A_733 = arith.constant 16 : index
    %swap3A_734 = tpu.vector_load %arg11[%swap3A_732, %swap3A_733] {strides = array<i32>} : memref<32x128xf32, #tpu.memory_space<vmem>>, vector<1x16xf32>,
    %swap3A_735 = vector.shape_cast %swap3A_734 : vector<1x16xf32> to vector<16xf32>
    %swap3A_736 = vector.shape_cast %broadcast_in_dim3A_5 : vector<16xf32> to vector<1x16xf32>
    tpu.vector_store %arg11[%swap3A_732, %swap3A_733], %swap3A_736 {strides = array<i32>} : memref<32x128xf32, #tpu.memory_space<vmem>>, vector<1x16xf32>,
    %swap3A_737 = arith.constant 15 : i32
    %swap3A_738 = arith.index_cast %swap3A_737 : i32 to index
    %swap3A_739 = arith.constant 32 : index
    %swap3A_740 = tpu.vector_load %arg11[%swap3A_738, %swap3A_739] {strides = array<i32>} : memref<32x128xf32, #tpu.memory_space<vmem>>, vector<1x16xf32>,
    %swap3A_741 = vector.shape_cast %swap3A_740 : vector<1x16xf32> to vector<16xf32>
    %swap3A_742 = vector.shape_cast %broadcast_in_dim3A_5 : vector<16xf32> to vector<1x16xf32>
    tpu.vector_store %arg11[%swap3A_738, %swap3A_739], %swap3A_742 {strides = array<i32>} : memref<32x128xf32, #tpu.memory_space<vmem>>, vector<1x16xf32>,
    %swap3A_743 = arith.constant 15 : i32
    %swap3A_744 = arith.index_cast %swap3A_743 : i32 to index
    %swap3A_745 = arith.constant 48 : index
    %swap3A_746 = tpu.vector_load %arg11[%swap3A_744, %swap3A_745] {strides = array<i32>} : memref<32x128xf32, #tpu.memory_space<vmem>>, vector<1x16xf32>,
    %swap3A_747 = vector.shape_cast %swap3A_746 : vector<1x16xf32> to vector<16xf32>
    %swap3A_748 = vector.shape_cast %broadcast_in_dim3A_5 : vector<16xf32> to vector<1x16xf32>
    tpu.vector_store %arg11[%swap3A_744, %swap3A_745], %swap3A_748 {strides = array<i32>} : memref<32x128xf32, #tpu.memory_space<vmem>>, vector<1x16xf32>,
    %swap3A_749 = arith.constant 15 : i32
    %swap3A_750 = arith.index_cast %swap3A_749 : i32 to index
    %swap3A_751 = arith.constant 64 : index
    %swap3A_752 = tpu.vector_load %arg11[%swap3A_750, %swap3A_751] {strides = array<i32>} : memref<32x128xf32, #tpu.memory_space<vmem>>, vector<1x16xf32>,
    %swap3A_753 = vector.shape_cast %swap3A_752 : vector<1x16xf32> to vector<16xf32>
    %swap3A_754 = vector.shape_cast %broadcast_in_dim3A_5 : vector<16xf32> to vector<1x16xf32>
    tpu.vector_store %arg11[%swap3A_750, %swap3A_751], %swap3A_754 {strides = array<i32>} : memref<32x128xf32, #tpu.memory_space<vmem>>, vector<1x16xf32>,
    %swap3A_755 = arith.constant 15 : i32
    %swap3A_756 = arith.index_cast %swap3A_755 : i32 to index
    %swap3A_757 = arith.constant 80 : index
    %swap3A_758 = tpu.vector_load %arg11[%swap3A_756, %swap3A_757] {strides = array<i32>} : memref<32x128xf32, #tpu.memory_space<vmem>>, vector<1x16xf32>,
    %swap3A_759 = vector.shape_cast %swap3A_758 : vector<1x16xf32> to vector<16xf32>
    %swap3A_760 = vector.shape_cast %broadcast_in_dim3A_5 : vector<16xf32> to vector<1x16xf32>
    tpu.vector_store %arg11[%swap3A_756, %swap3A_757], %swap3A_760 {strides = array<i32>} : memref<32x128xf32, #tpu.memory_space<vmem>>, vector<1x16xf32>,
    %swap3A_761 = arith.constant 15 : i32
    %swap3A_762 = arith.index_cast %swap3A_761 : i32 to index
    %swap3A_763 = arith.constant 96 : index
    %swap3A_764 = tpu.vector_load %arg11[%swap3A_762, %swap3A_763] {strides = array<i32>} : memref<32x128xf32, #tpu.memory_space<vmem>>, vector<1x16xf32>,
    %swap3A_765 = vector.shape_cast %swap3A_764 : vector<1x16xf32> to vector<16xf32>
    %swap3A_766 = vector.shape_cast %broadcast_in_dim3A_5 : vector<16xf32> to vector<1x16xf32>
    tpu.vector_store %arg11[%swap3A_762, %swap3A_763], %swap3A_766 {strides = array<i32>} : memref<32x128xf32, #tpu.memory_space<vmem>>, vector<1x16xf32>,
    %swap3A_767 = arith.constant 15 : i32
    %swap3A_768 = arith.index_cast %swap3A_767 : i32 to index
    %swap3A_769 = arith.constant 112 : index
    %swap3A_770 = tpu.vector_load %arg11[%swap3A_768, %swap3A_769] {strides = array<i32>} : memref<32x128xf32, #tpu.memory_space<vmem>>, vector<1x16xf32>,
    %swap3A_771 = vector.shape_cast %swap3A_770 : vector<1x16xf32> to vector<16xf32>
    %swap3A_772 = vector.shape_cast %broadcast_in_dim3A_5 : vector<16xf32> to vector<1x16xf32>
    tpu.vector_store %arg11[%swap3A_768, %swap3A_769], %swap3A_772 {strides = array<i32>} : memref<32x128xf32, #tpu.memory_space<vmem>>, vector<1x16xf32>,
    %swap3A_773 = arith.constant 16 : i32
    %swap3A_774 = arith.index_cast %swap3A_773 : i32 to index
    %swap3A_775 = arith.constant 0 : index
    %swap3A_776 = tpu.vector_load %arg11[%swap3A_774, %swap3A_775] {strides = array<i32>} : memref<32x128xf32, #tpu.memory_space<vmem>>, vector<1x16xf32>,
    %swap3A_777 = vector.shape_cast %swap3A_776 : vector<1x16xf32> to vector<16xf32>
    %swap3A_778 = vector.shape_cast %broadcast_in_dim3A_5 : vector<16xf32> to vector<1x16xf32>
    tpu.vector_store %arg11[%swap3A_774, %swap3A_775], %swap3A_778 {strides = array<i32>} : memref<32x128xf32, #tpu.memory_space<vmem>>, vector<1x16xf32>,
    %swap3A_779 = arith.constant 16 : i32
    %swap3A_780 = arith.index_cast %swap3A_779 : i32 to index
    %swap3A_781 = arith.constant 16 : index
    %swap3A_782 = tpu.vector_load %arg11[%swap3A_780, %swap3A_781] {strides = array<i32>} : memref<32x128xf32, #tpu.memory_space<vmem>>, vector<1x16xf32>,
    %swap3A_783 = vector.shape_cast %swap3A_782 : vector<1x16xf32> to vector<16xf32>
    %swap3A_784 = vector.shape_cast %broadcast_in_dim3A_5 : vector<16xf32> to vector<1x16xf32>
    tpu.vector_store %arg11[%swap3A_780, %swap3A_781], %swap3A_784 {strides = array<i32>} : memref<32x128xf32, #tpu.memory_space<vmem>>, vector<1x16xf32>,
    %swap3A_785 = arith.constant 16 : i32
    %swap3A_786 = arith.index_cast %swap3A_785 : i32 to index
    %swap3A_787 = arith.constant 32 : index
    %swap3A_788 = tpu.vector_load %arg11[%swap3A_786, %swap3A_787] {strides = array<i32>} : memref<32x128xf32, #tpu.memory_space<vmem>>, vector<1x16xf32>,
    %swap3A_789 = vector.shape_cast %swap3A_788 : vector<1x16xf32> to vector<16xf32>
    %swap3A_790 = vector.shape_cast %broadcast_in_dim3A_5 : vector<16xf32> to vector<1x16xf32>
    tpu.vector_store %arg11[%swap3A_786, %swap3A_787], %swap3A_790 {strides = array<i32>} : memref<32x128xf32, #tpu.memory_space<vmem>>, vector<1x16xf32>,
    %swap3A_791 = arith.constant 16 : i32
    %swap3A_792 = arith.index_cast %swap3A_791 : i32 to index
    %swap3A_793 = arith.constant 48 : index
    %swap3A_794 = tpu.vector_load %arg11[%swap3A_792, %swap3A_793] {strides = array<i32>} : memref<32x128xf32, #tpu.memory_space<vmem>>, vector<1x16xf32>,
    %swap3A_795 = vector.shape_cast %swap3A_794 : vector<1x16xf32> to vector<16xf32>
    %swap3A_796 = vector.shape_cast %broadcast_in_dim3A_5 : vector<16xf32> to vector<1x16xf32>
    tpu.vector_store %arg11[%swap3A_792, %swap3A_793], %swap3A_796 {strides = array<i32>} : memref<32x128xf32, #tpu.memory_space<vmem>>, vector<1x16xf32>,
    %swap3A_797 = arith.constant 16 : i32
    %swap3A_798 = arith.index_cast %swap3A_797 : i32 to index
    %swap3A_799 = arith.constant 64 : index
    %swap3A_800 = tpu.vector_load %arg11[%swap3A_798, %swap3A_799] {strides = array<i32>} : memref<32x128xf32, #tpu.memory_space<vmem>>, vector<1x16xf32>,
    %swap3A_801 = vector.shape_cast %swap3A_800 : vector<1x16xf32> to vector<16xf32>
    %swap3A_802 = vector.shape_cast %broadcast_in_dim3A_5 : vector<16xf32> to vector<1x16xf32>
    tpu.vector_store %arg11[%swap3A_798, %swap3A_799], %swap3A_802 {strides = array<i32>} : memref<32x128xf32, #tpu.memory_space<vmem>>, vector<1x16xf32>,
    %swap3A_803 = arith.constant 16 : i32
    %swap3A_804 = arith.index_cast %swap3A_803 : i32 to index
    %swap3A_805 = arith.constant 80 : index
    %swap3A_806 = tpu.vector_load %arg11[%swap3A_804, %swap3A_805] {strides = array<i32>} : memref<32x128xf32, #tpu.memory_space<vmem>>, vector<1x16xf32>,
    %swap3A_807 = vector.shape_cast %swap3A_806 : vector<1x16xf32> to vector<16xf32>
    %swap3A_808 = vector.shape_cast %broadcast_in_dim3A_5 : vector<16xf32> to vector<1x16xf32>
    tpu.vector_store %arg11[%swap3A_804, %swap3A_805], %swap3A_808 {strides = array<i32>} : memref<32x128xf32, #tpu.memory_space<vmem>>, vector<1x16xf32>,
    %swap3A_809 = arith.constant 16 : i32
    %swap3A_810 = arith.index_cast %swap3A_809 : i32 to index
    %swap3A_811 = arith.constant 96 : index
    %swap3A_812 = tpu.vector_load %arg11[%swap3A_810, %swap3A_811] {strides = array<i32>} : memref<32x128xf32, #tpu.memory_space<vmem>>, vector<1x16xf32>,
    %swap3A_813 = vector.shape_cast %swap3A_812 : vector<1x16xf32> to vector<16xf32>
    %swap3A_814 = vector.shape_cast %broadcast_in_dim3A_5 : vector<16xf32> to vector<1x16xf32>
    tpu.vector_store %arg11[%swap3A_810, %swap3A_811], %swap3A_814 {strides = array<i32>} : memref<32x128xf32, #tpu.memory_space<vmem>>, vector<1x16xf32>,
    %swap3A_815 = arith.constant 16 : i32
    %swap3A_816 = arith.index_cast %swap3A_815 : i32 to index
    %swap3A_817 = arith.constant 112 : index
    %swap3A_818 = tpu.vector_load %arg11[%swap3A_816, %swap3A_817] {strides = array<i32>} : memref<32x128xf32, #tpu.memory_space<vmem>>, vector<1x16xf32>,
    %swap3A_819 = vector.shape_cast %swap3A_818 : vector<1x16xf32> to vector<16xf32>
    %swap3A_820 = vector.shape_cast %broadcast_in_dim3A_5 : vector<16xf32> to vector<1x16xf32>
    tpu.vector_store %arg11[%swap3A_816, %swap3A_817], %swap3A_820 {strides = array<i32>} : memref<32x128xf32, #tpu.memory_space<vmem>>, vector<1x16xf32>,
    %swap3A_821 = arith.constant 17 : i32
    %swap3A_822 = arith.index_cast %swap3A_821 : i32 to index
    %swap3A_823 = arith.constant 0 : index
    %swap3A_824 = tpu.vector_load %arg11[%swap3A_822, %swap3A_823] {strides = array<i32>} : memref<32x128xf32, #tpu.memory_space<vmem>>, vector<1x16xf32>,
    %swap3A_825 = vector.shape_cast %swap3A_824 : vector<1x16xf32> to vector<16xf32>
    %swap3A_826 = vector.shape_cast %broadcast_in_dim3A_5 : vector<16xf32> to vector<1x16xf32>
    tpu.vector_store %arg11[%swap3A_822, %swap3A_823], %swap3A_826 {strides = array<i32>} : memref<32x128xf32, #tpu.memory_space<vmem>>, vector<1x16xf32>,
    %swap3A_827 = arith.constant 17 : i32
    %swap3A_828 = arith.index_cast %swap3A_827 : i32 to index
    %swap3A_829 = arith.constant 16 : index
    %swap3A_830 = tpu.vector_load %arg11[%swap3A_828, %swap3A_829] {strides = array<i32>} : memref<32x128xf32, #tpu.memory_space<vmem>>, vector<1x16xf32>,
    %swap3A_831 = vector.shape_cast %swap3A_830 : vector<1x16xf32> to vector<16xf32>
    %swap3A_832 = vector.shape_cast %broadcast_in_dim3A_5 : vector<16xf32> to vector<1x16xf32>
    tpu.vector_store %arg11[%swap3A_828, %swap3A_829], %swap3A_832 {strides = array<i32>} : memref<32x128xf32, #tpu.memory_space<vmem>>, vector<1x16xf32>,
    %swap3A_833 = arith.constant 17 : i32
    %swap3A_834 = arith.index_cast %swap3A_833 : i32 to index
    %swap3A_835 = arith.constant 32 : index
    %swap3A_836 = tpu.vector_load %arg11[%swap3A_834, %swap3A_835] {strides = array<i32>} : memref<32x128xf32, #tpu.memory_space<vmem>>, vector<1x16xf32>,
    %swap3A_837 = vector.shape_cast %swap3A_836 : vector<1x16xf32> to vector<16xf32>
    %swap3A_838 = vector.shape_cast %broadcast_in_dim3A_5 : vector<16xf32> to vector<1x16xf32>
    tpu.vector_store %arg11[%swap3A_834, %swap3A_835], %swap3A_838 {strides = array<i32>} : memref<32x128xf32, #tpu.memory_space<vmem>>, vector<1x16xf32>,
    %swap3A_839 = arith.constant 17 : i32
    %swap3A_840 = arith.index_cast %swap3A_839 : i32 to index
    %swap3A_841 = arith.constant 48 : index
    %swap3A_842 = tpu.vector_load %arg11[%swap3A_840, %swap3A_841] {strides = array<i32>} : memref<32x128xf32, #tpu.memory_space<vmem>>, vector<1x16xf32>,
    %swap3A_843 = vector.shape_cast %swap3A_842 : vector<1x16xf32> to vector<16xf32>
    %swap3A_844 = vector.shape_cast %broadcast_in_dim3A_5 : vector<16xf32> to vector<1x16xf32>
    tpu.vector_store %arg11[%swap3A_840, %swap3A_841], %swap3A_844 {strides = array<i32>} : memref<32x128xf32, #tpu.memory_space<vmem>>, vector<1x16xf32>,
    %swap3A_845 = arith.constant 17 : i32
    %swap3A_846 = arith.index_cast %swap3A_845 : i32 to index
    %swap3A_847 = arith.constant 64 : index
    %swap3A_848 = tpu.vector_load %arg11[%swap3A_846, %swap3A_847] {strides = array<i32>} : memref<32x128xf32, #tpu.memory_space<vmem>>, vector<1x16xf32>,
    %swap3A_849 = vector.shape_cast %swap3A_848 : vector<1x16xf32> to vector<16xf32>
    %swap3A_850 = vector.shape_cast %broadcast_in_dim3A_5 : vector<16xf32> to vector<1x16xf32>
    tpu.vector_store %arg11[%swap3A_846, %swap3A_847], %swap3A_850 {strides = array<i32>} : memref<32x128xf32, #tpu.memory_space<vmem>>, vector<1x16xf32>,
    %swap3A_851 = arith.constant 17 : i32
    %swap3A_852 = arith.index_cast %swap3A_851 : i32 to index
    %swap3A_853 = arith.constant 80 : index
    %swap3A_854 = tpu.vector_load %arg11[%swap3A_852, %swap3A_853] {strides = array<i32>} : memref<32x128xf32, #tpu.memory_space<vmem>>, vector<1x16xf32>,
    %swap3A_855 = vector.shape_cast %swap3A_854 : vector<1x16xf32> to vector<16xf32>
    %swap3A_856 = vector.shape_cast %broadcast_in_dim3A_5 : vector<16xf32> to vector<1x16xf32>
    tpu.vector_store %arg11[%swap3A_852, %swap3A_853], %swap3A_856 {strides = array<i32>} : memref<32x128xf32, #tpu.memory_space<vmem>>, vector<1x16xf32>,
    %swap3A_857 = arith.constant 17 : i32
    %swap3A_858 = arith.index_cast %swap3A_857 : i32 to index
    %swap3A_859 = arith.constant 96 : index
    %swap3A_860 = tpu.vector_load %arg11[%swap3A_858, %swap3A_859] {strides = array<i32>} : memref<32x128xf32, #tpu.memory_space<vmem>>, vector<1x16xf32>,
    %swap3A_861 = vector.shape_cast %swap3A_860 : vector<1x16xf32> to vector<16xf32>
    %swap3A_862 = vector.shape_cast %broadcast_in_dim3A_5 : vector<16xf32> to vector<1x16xf32>
    tpu.vector_store %arg11[%swap3A_858, %swap3A_859], %swap3A_862 {strides = array<i32>} : memref<32x128xf32, #tpu.memory_space<vmem>>, vector<1x16xf32>,
    %swap3A_863 = arith.constant 17 : i32
    %swap3A_864 = arith.index_cast %swap3A_863 : i32 to index
    %swap3A_865 = arith.constant 112 : index
    %swap3A_866 = tpu.vector_load %arg11[%swap3A_864, %swap3A_865] {strides = array<i32>} : memref<32x128xf32, #tpu.memory_space<vmem>>, vector<1x16xf32>,
    %swap3A_867 = vector.shape_cast %swap3A_866 : vector<1x16xf32> to vector<16xf32>
    %swap3A_868 = vector.shape_cast %broadcast_in_dim3A_5 : vector<16xf32> to vector<1x16xf32>
    tpu.vector_store %arg11[%swap3A_864, %swap3A_865], %swap3A_868 {strides = array<i32>} : memref<32x128xf32, #tpu.memory_space<vmem>>, vector<1x16xf32>,
    %swap3A_869 = arith.constant 18 : i32
    %swap3A_870 = arith.index_cast %swap3A_869 : i32 to index
    %swap3A_871 = arith.constant 0 : index
    %swap3A_872 = tpu.vector_load %arg11[%swap3A_870, %swap3A_871] {strides = array<i32>} : memref<32x128xf32, #tpu.memory_space<vmem>>, vector<1x16xf32>,
    %swap3A_873 = vector.shape_cast %swap3A_872 : vector<1x16xf32> to vector<16xf32>
    %swap3A_874 = vector.shape_cast %broadcast_in_dim3A_5 : vector<16xf32> to vector<1x16xf32>
    tpu.vector_store %arg11[%swap3A_870, %swap3A_871], %swap3A_874 {strides = array<i32>} : memref<32x128xf32, #tpu.memory_space<vmem>>, vector<1x16xf32>,
    %swap3A_875 = arith.constant 18 : i32
    %swap3A_876 = arith.index_cast %swap3A_875 : i32 to index
    %swap3A_877 = arith.constant 16 : index
    %swap3A_878 = tpu.vector_load %arg11[%swap3A_876, %swap3A_877] {strides = array<i32>} : memref<32x128xf32, #tpu.memory_space<vmem>>, vector<1x16xf32>,
    %swap3A_879 = vector.shape_cast %swap3A_878 : vector<1x16xf32> to vector<16xf32>
    %swap3A_880 = vector.shape_cast %broadcast_in_dim3A_5 : vector<16xf32> to vector<1x16xf32>
    tpu.vector_store %arg11[%swap3A_876, %swap3A_877], %swap3A_880 {strides = array<i32>} : memref<32x128xf32, #tpu.memory_space<vmem>>, vector<1x16xf32>,
    %swap3A_881 = arith.constant 18 : i32
    %swap3A_882 = arith.index_cast %swap3A_881 : i32 to index
    %swap3A_883 = arith.constant 32 : index
    %swap3A_884 = tpu.vector_load %arg11[%swap3A_882, %swap3A_883] {strides = array<i32>} : memref<32x128xf32, #tpu.memory_space<vmem>>, vector<1x16xf32>,
    %swap3A_885 = vector.shape_cast %swap3A_884 : vector<1x16xf32> to vector<16xf32>
    %swap3A_886 = vector.shape_cast %broadcast_in_dim3A_5 : vector<16xf32> to vector<1x16xf32>
    tpu.vector_store %arg11[%swap3A_882, %swap3A_883], %swap3A_886 {strides = array<i32>} : memref<32x128xf32, #tpu.memory_space<vmem>>, vector<1x16xf32>,
    %swap3A_887 = arith.constant 18 : i32
    %swap3A_888 = arith.index_cast %swap3A_887 : i32 to index
    %swap3A_889 = arith.constant 48 : index
    %swap3A_890 = tpu.vector_load %arg11[%swap3A_888, %swap3A_889] {strides = array<i32>} : memref<32x128xf32, #tpu.memory_space<vmem>>, vector<1x16xf32>,
    %swap3A_891 = vector.shape_cast %swap3A_890 : vector<1x16xf32> to vector<16xf32>
    %swap3A_892 = vector.shape_cast %broadcast_in_dim3A_5 : vector<16xf32> to vector<1x16xf32>
    tpu.vector_store %arg11[%swap3A_888, %swap3A_889], %swap3A_892 {strides = array<i32>} : memref<32x128xf32, #tpu.memory_space<vmem>>, vector<1x16xf32>,
    %swap3A_893 = arith.constant 18 : i32
    %swap3A_894 = arith.index_cast %swap3A_893 : i32 to index
    %swap3A_895 = arith.constant 64 : index
    %swap3A_896 = tpu.vector_load %arg11[%swap3A_894, %swap3A_895] {strides = array<i32>} : memref<32x128xf32, #tpu.memory_space<vmem>>, vector<1x16xf32>,
    %swap3A_897 = vector.shape_cast %swap3A_896 : vector<1x16xf32> to vector<16xf32>
    %swap3A_898 = vector.shape_cast %broadcast_in_dim3A_5 : vector<16xf32> to vector<1x16xf32>
    tpu.vector_store %arg11[%swap3A_894, %swap3A_895], %swap3A_898 {strides = array<i32>} : memref<32x128xf32, #tpu.memory_space<vmem>>, vector<1x16xf32>,
    %swap3A_899 = arith.constant 18 : i32
    %swap3A_900 = arith.index_cast %swap3A_899 : i32 to index
    %swap3A_901 = arith.constant 80 : index
    %swap3A_902 = tpu.vector_load %arg11[%swap3A_900, %swap3A_901] {strides = array<i32>} : memref<32x128xf32, #tpu.memory_space<vmem>>, vector<1x16xf32>,
    %swap3A_903 = vector.shape_cast %swap3A_902 : vector<1x16xf32> to vector<16xf32>
    %swap3A_904 = vector.shape_cast %broadcast_in_dim3A_5 : vector<16xf32> to vector<1x16xf32>
    tpu.vector_store %arg11[%swap3A_900, %swap3A_901], %swap3A_904 {strides = array<i32>} : memref<32x128xf32, #tpu.memory_space<vmem>>, vector<1x16xf32>,
    %swap3A_905 = arith.constant 18 : i32
    %swap3A_906 = arith.index_cast %swap3A_905 : i32 to index
    %swap3A_907 = arith.constant 96 : index
    %swap3A_908 = tpu.vector_load %arg11[%swap3A_906, %swap3A_907] {strides = array<i32>} : memref<32x128xf32, #tpu.memory_space<vmem>>, vector<1x16xf32>,
    %swap3A_909 = vector.shape_cast %swap3A_908 : vector<1x16xf32> to vector<16xf32>
    %swap3A_910 = vector.shape_cast %broadcast_in_dim3A_5 : vector<16xf32> to vector<1x16xf32>
    tpu.vector_store %arg11[%swap3A_906, %swap3A_907], %swap3A_910 {strides = array<i32>} : memref<32x128xf32, #tpu.memory_space<vmem>>, vector<1x16xf32>,
    %swap3A_911 = arith.constant 18 : i32
    %swap3A_912 = arith.index_cast %swap3A_911 : i32 to index
    %swap3A_913 = arith.constant 112 : index
    %swap3A_914 = tpu.vector_load %arg11[%swap3A_912, %swap3A_913] {strides = array<i32>} : memref<32x128xf32, #tpu.memory_space<vmem>>, vector<1x16xf32>,
    %swap3A_915 = vector.shape_cast %swap3A_914 : vector<1x16xf32> to vector<16xf32>
    %swap3A_916 = vector.shape_cast %broadcast_in_dim3A_5 : vector<16xf32> to vector<1x16xf32>
    tpu.vector_store %arg11[%swap3A_912, %swap3A_913], %swap3A_916 {strides = array<i32>} : memref<32x128xf32, #tpu.memory_space<vmem>>, vector<1x16xf32>,
    %swap3A_917 = arith.constant 19 : i32
    %swap3A_918 = arith.index_cast %swap3A_917 : i32 to index
    %swap3A_919 = arith.constant 0 : index
    %swap3A_920 = tpu.vector_load %arg11[%swap3A_918, %swap3A_919] {strides = array<i32>} : memref<32x128xf32, #tpu.memory_space<vmem>>, vector<1x16xf32>,
    %swap3A_921 = vector.shape_cast %swap3A_920 : vector<1x16xf32> to vector<16xf32>
    %swap3A_922 = vector.shape_cast %broadcast_in_dim3A_5 : vector<16xf32> to vector<1x16xf32>
    tpu.vector_store %arg11[%swap3A_918, %swap3A_919], %swap3A_922 {strides = array<i32>} : memref<32x128xf32, #tpu.memory_space<vmem>>, vector<1x16xf32>,
    %swap3A_923 = arith.constant 19 : i32
    %swap3A_924 = arith.index_cast %swap3A_923 : i32 to index
    %swap3A_925 = arith.constant 16 : index
    %swap3A_926 = tpu.vector_load %arg11[%swap3A_924, %swap3A_925] {strides = array<i32>} : memref<32x128xf32, #tpu.memory_space<vmem>>, vector<1x16xf32>,
    %swap3A_927 = vector.shape_cast %swap3A_926 : vector<1x16xf32> to vector<16xf32>
    %swap3A_928 = vector.shape_cast %broadcast_in_dim3A_5 : vector<16xf32> to vector<1x16xf32>
    tpu.vector_store %arg11[%swap3A_924, %swap3A_925], %swap3A_928 {strides = array<i32>} : memref<32x128xf32, #tpu.memory_space<vmem>>, vector<1x16xf32>,
    %swap3A_929 = arith.constant 19 : i32
    %swap3A_930 = arith.index_cast %swap3A_929 : i32 to index
    %swap3A_931 = arith.constant 32 : index
    %swap3A_932 = tpu.vector_load %arg11[%swap3A_930, %swap3A_931] {strides = array<i32>} : memref<32x128xf32, #tpu.memory_space<vmem>>, vector<1x16xf32>,
    %swap3A_933 = vector.shape_cast %swap3A_932 : vector<1x16xf32> to vector<16xf32>
    %swap3A_934 = vector.shape_cast %broadcast_in_dim3A_5 : vector<16xf32> to vector<1x16xf32>
    tpu.vector_store %arg11[%swap3A_930, %swap3A_931], %swap3A_934 {strides = array<i32>} : memref<32x128xf32, #tpu.memory_space<vmem>>, vector<1x16xf32>,
    %swap3A_935 = arith.constant 19 : i32
    %swap3A_936 = arith.index_cast %swap3A_935 : i32 to index
    %swap3A_937 = arith.constant 48 : index
    %swap3A_938 = tpu.vector_load %arg11[%swap3A_936, %swap3A_937] {strides = array<i32>} : memref<32x128xf32, #tpu.memory_space<vmem>>, vector<1x16xf32>,
    %swap3A_939 = vector.shape_cast %swap3A_938 : vector<1x16xf32> to vector<16xf32>
    %swap3A_940 = vector.shape_cast %broadcast_in_dim3A_5 : vector<16xf32> to vector<1x16xf32>
    tpu.vector_store %arg11[%swap3A_936, %swap3A_937], %swap3A_940 {strides = array<i32>} : memref<32x128xf32, #tpu.memory_space<vmem>>, vector<1x16xf32>,
    %swap3A_941 = arith.constant 19 : i32
    %swap3A_942 = arith.index_cast %swap3A_941 : i32 to index
    %swap3A_943 = arith.constant 64 : index
    %swap3A_944 = tpu.vector_load %arg11[%swap3A_942, %swap3A_943] {strides = array<i32>} : memref<32x128xf32, #tpu.memory_space<vmem>>, vector<1x16xf32>,
    %swap3A_945 = vector.shape_cast %swap3A_944 : vector<1x16xf32> to vector<16xf32>
    %swap3A_946 = vector.shape_cast %broadcast_in_dim3A_5 : vector<16xf32> to vector<1x16xf32>
    tpu.vector_store %arg11[%swap3A_942, %swap3A_943], %swap3A_946 {strides = array<i32>} : memref<32x128xf32, #tpu.memory_space<vmem>>, vector<1x16xf32>,
    %swap3A_947 = arith.constant 19 : i32
    %swap3A_948 = arith.index_cast %swap3A_947 : i32 to index
    %swap3A_949 = arith.constant 80 : index
    %swap3A_950 = tpu.vector_load %arg11[%swap3A_948, %swap3A_949] {strides = array<i32>} : memref<32x128xf32, #tpu.memory_space<vmem>>, vector<1x16xf32>,
    %swap3A_951 = vector.shape_cast %swap3A_950 : vector<1x16xf32> to vector<16xf32>
    %swap3A_952 = vector.shape_cast %broadcast_in_dim3A_5 : vector<16xf32> to vector<1x16xf32>
    tpu.vector_store %arg11[%swap3A_948, %swap3A_949], %swap3A_952 {strides = array<i32>} : memref<32x128xf32, #tpu.memory_space<vmem>>, vector<1x16xf32>,
    %swap3A_953 = arith.constant 19 : i32
    %swap3A_954 = arith.index_cast %swap3A_953 : i32 to index
    %swap3A_955 = arith.constant 96 : index
    %swap3A_956 = tpu.vector_load %arg11[%swap3A_954, %swap3A_955] {strides = array<i32>} : memref<32x128xf32, #tpu.memory_space<vmem>>, vector<1x16xf32>,
    %swap3A_957 = vector.shape_cast %swap3A_956 : vector<1x16xf32> to vector<16xf32>
    %swap3A_958 = vector.shape_cast %broadcast_in_dim3A_5 : vector<16xf32> to vector<1x16xf32>
    tpu.vector_store %arg11[%swap3A_954, %swap3A_955], %swap3A_958 {strides = array<i32>} : memref<32x128xf32, #tpu.memory_space<vmem>>, vector<1x16xf32>,
    %swap3A_959 = arith.constant 19 : i32
    %swap3A_960 = arith.index_cast %swap3A_959 : i32 to index
    %swap3A_961 = arith.constant 112 : index
    %swap3A_962 = tpu.vector_load %arg11[%swap3A_960, %swap3A_961] {strides = array<i32>} : memref<32x128xf32, #tpu.memory_space<vmem>>, vector<1x16xf32>,
    %swap3A_963 = vector.shape_cast %swap3A_962 : vector<1x16xf32> to vector<16xf32>
    %swap3A_964 = vector.shape_cast %broadcast_in_dim3A_5 : vector<16xf32> to vector<1x16xf32>
    tpu.vector_store %arg11[%swap3A_960, %swap3A_961], %swap3A_964 {strides = array<i32>} : memref<32x128xf32, #tpu.memory_space<vmem>>, vector<1x16xf32>,
    %swap3A_965 = arith.constant 20 : i32
    %swap3A_966 = arith.index_cast %swap3A_965 : i32 to index
    %swap3A_967 = arith.constant 0 : index
    %swap3A_968 = tpu.vector_load %arg11[%swap3A_966, %swap3A_967] {strides = array<i32>} : memref<32x128xf32, #tpu.memory_space<vmem>>, vector<1x16xf32>,
    %swap3A_969 = vector.shape_cast %swap3A_968 : vector<1x16xf32> to vector<16xf32>
    %swap3A_970 = vector.shape_cast %broadcast_in_dim3A_5 : vector<16xf32> to vector<1x16xf32>
    tpu.vector_store %arg11[%swap3A_966, %swap3A_967], %swap3A_970 {strides = array<i32>} : memref<32x128xf32, #tpu.memory_space<vmem>>, vector<1x16xf32>,
    %swap3A_971 = arith.constant 20 : i32
    %swap3A_972 = arith.index_cast %swap3A_971 : i32 to index
    %swap3A_973 = arith.constant 16 : index
    %swap3A_974 = tpu.vector_load %arg11[%swap3A_972, %swap3A_973] {strides = array<i32>} : memref<32x128xf32, #tpu.memory_space<vmem>>, vector<1x16xf32>,
    %swap3A_975 = vector.shape_cast %swap3A_974 : vector<1x16xf32> to vector<16xf32>
    %swap3A_976 = vector.shape_cast %broadcast_in_dim3A_5 : vector<16xf32> to vector<1x16xf32>
    tpu.vector_store %arg11[%swap3A_972, %swap3A_973], %swap3A_976 {strides = array<i32>} : memref<32x128xf32, #tpu.memory_space<vmem>>, vector<1x16xf32>,
    %swap3A_977 = arith.constant 20 : i32
    %swap3A_978 = arith.index_cast %swap3A_977 : i32 to index
    %swap3A_979 = arith.constant 32 : index
    %swap3A_980 = tpu.vector_load %arg11[%swap3A_978, %swap3A_979] {strides = array<i32>} : memref<32x128xf32, #tpu.memory_space<vmem>>, vector<1x16xf32>,
    %swap3A_981 = vector.shape_cast %swap3A_980 : vector<1x16xf32> to vector<16xf32>
    %swap3A_982 = vector.shape_cast %broadcast_in_dim3A_5 : vector<16xf32> to vector<1x16xf32>
    tpu.vector_store %arg11[%swap3A_978, %swap3A_979], %swap3A_982 {strides = array<i32>} : memref<32x128xf32, #tpu.memory_space<vmem>>, vector<1x16xf32>,
    %swap3A_983 = arith.constant 20 : i32
    %swap3A_984 = arith.index_cast %swap3A_983 : i32 to index
    %swap3A_985 = arith.constant 48 : index
    %swap3A_986 = tpu.vector_load %arg11[%swap3A_984, %swap3A_985] {strides = array<i32>} : memref<32x128xf32, #tpu.memory_space<vmem>>, vector<1x16xf32>,
    %swap3A_987 = vector.shape_cast %swap3A_986 : vector<1x16xf32> to vector<16xf32>
    %swap3A_988 = vector.shape_cast %broadcast_in_dim3A_5 : vector<16xf32> to vector<1x16xf32>
    tpu.vector_store %arg11[%swap3A_984, %swap3A_985], %swap3A_988 {strides = array<i32>} : memref<32x128xf32, #tpu.memory_space<vmem>>, vector<1x16xf32>,
    %swap3A_989 = arith.constant 20 : i32
    %swap3A_990 = arith.index_cast %swap3A_989 : i32 to index
    %swap3A_991 = arith.constant 64 : index
    %swap3A_992 = tpu.vector_load %arg11[%swap3A_990, %swap3A_991] {strides = array<i32>} : memref<32x128xf32, #tpu.memory_space<vmem>>, vector<1x16xf32>,
    %swap3A_993 = vector.shape_cast %swap3A_992 : vector<1x16xf32> to vector<16xf32>
    %swap3A_994 = vector.shape_cast %broadcast_in_dim3A_5 : vector<16xf32> to vector<1x16xf32>
    tpu.vector_store %arg11[%swap3A_990, %swap3A_991], %swap3A_994 {strides = array<i32>} : memref<32x128xf32, #tpu.memory_space<vmem>>, vector<1x16xf32>,
    %swap3A_995 = arith.constant 20 : i32
    %swap3A_996 = arith.index_cast %swap3A_995 : i32 to index
    %swap3A_997 = arith.constant 80 : index
    %swap3A_998 = tpu.vector_load %arg11[%swap3A_996, %swap3A_997] {strides = array<i32>} : memref<32x128xf32, #tpu.memory_space<vmem>>, vector<1x16xf32>,
    %swap3A_999 = vector.shape_cast %swap3A_998 : vector<1x16xf32> to vector<16xf32>
    %swap3A_1000 = vector.shape_cast %broadcast_in_dim3A_5 : vector<16xf32> to vector<1x16xf32>
    tpu.vector_store %arg11[%swap3A_996, %swap3A_997], %swap3A_1000 {strides = array<i32>} : memref<32x128xf32, #tpu.memory_space<vmem>>, vector<1x16xf32>,
    %swap3A_1001 = arith.constant 20 : i32
    %swap3A_1002 = arith.index_cast %swap3A_1001 : i32 to index
    %swap3A_1003 = arith.constant 96 : index
    %swap3A_1004 = tpu.vector_load %arg11[%swap3A_1002, %swap3A_1003] {strides = array<i32>} : memref<32x128xf32, #tpu.memory_space<vmem>>, vector<1x16xf32>,
    %swap3A_1005 = vector.shape_cast %swap3A_1004 : vector<1x16xf32> to vector<16xf32>
    %swap3A_1006 = vector.shape_cast %broadcast_in_dim3A_5 : vector<16xf32> to vector<1x16xf32>
    tpu.vector_store %arg11[%swap3A_1002, %swap3A_1003], %swap3A_1006 {strides = array<i32>} : memref<32x128xf32, #tpu.memory_space<vmem>>, vector<1x16xf32>,
    %swap3A_1007 = arith.constant 20 : i32
    %swap3A_1008 = arith.index_cast %swap3A_1007 : i32 to index
    %swap3A_1009 = arith.constant 112 : index
    %swap3A_1010 = tpu.vector_load %arg11[%swap3A_1008, %swap3A_1009] {strides = array<i32>} : memref<32x128xf32, #tpu.memory_space<vmem>>, vector<1x16xf32>,
    %swap3A_1011 = vector.shape_cast %swap3A_1010 : vector<1x16xf32> to vector<16xf32>
    %swap3A_1012 = vector.shape_cast %broadcast_in_dim3A_5 : vector<16xf32> to vector<1x16xf32>
    tpu.vector_store %arg11[%swap3A_1008, %swap3A_1009], %swap3A_1012 {strides = array<i32>} : memref<32x128xf32, #tpu.memory_space<vmem>>, vector<1x16xf32>,
    %swap3A_1013 = arith.constant 21 : i32
    %swap3A_1014 = arith.index_cast %swap3A_1013 : i32 to index
    %swap3A_1015 = arith.constant 0 : index
    %swap3A_1016 = tpu.vector_load %arg11[%swap3A_1014, %swap3A_1015] {strides = array<i32>} : memref<32x128xf32, #tpu.memory_space<vmem>>, vector<1x16xf32>,
    %swap3A_1017 = vector.shape_cast %swap3A_1016 : vector<1x16xf32> to vector<16xf32>
    %swap3A_1018 = vector.shape_cast %broadcast_in_dim3A_5 : vector<16xf32> to vector<1x16xf32>
    tpu.vector_store %arg11[%swap3A_1014, %swap3A_1015], %swap3A_1018 {strides = array<i32>} : memref<32x128xf32, #tpu.memory_space<vmem>>, vector<1x16xf32>,
    %swap3A_1019 = arith.constant 21 : i32
    %swap3A_1020 = arith.index_cast %swap3A_1019 : i32 to index
    %swap3A_1021 = arith.constant 16 : index
    %swap3A_1022 = tpu.vector_load %arg11[%swap3A_1020, %swap3A_1021] {strides = array<i32>} : memref<32x128xf32, #tpu.memory_space<vmem>>, vector<1x16xf32>,
    %swap3A_1023 = vector.shape_cast %swap3A_1022 : vector<1x16xf32> to vector<16xf32>
    %swap3A_1024 = vector.shape_cast %broadcast_in_dim3A_5 : vector<16xf32> to vector<1x16xf32>
    tpu.vector_store %arg11[%swap3A_1020, %swap3A_1021], %swap3A_1024 {strides = array<i32>} : memref<32x128xf32, #tpu.memory_space<vmem>>, vector<1x16xf32>,
    %swap3A_1025 = arith.constant 21 : i32
    %swap3A_1026 = arith.index_cast %swap3A_1025 : i32 to index
    %swap3A_1027 = arith.constant 32 : index
    %swap3A_1028 = tpu.vector_load %arg11[%swap3A_1026, %swap3A_1027] {strides = array<i32>} : memref<32x128xf32, #tpu.memory_space<vmem>>, vector<1x16xf32>,
    %swap3A_1029 = vector.shape_cast %swap3A_1028 : vector<1x16xf32> to vector<16xf32>
    %swap3A_1030 = vector.shape_cast %broadcast_in_dim3A_5 : vector<16xf32> to vector<1x16xf32>
    tpu.vector_store %arg11[%swap3A_1026, %swap3A_1027], %swap3A_1030 {strides = array<i32>} : memref<32x128xf32, #tpu.memory_space<vmem>>, vector<1x16xf32>,
    %swap3A_1031 = arith.constant 21 : i32
    %swap3A_1032 = arith.index_cast %swap3A_1031 : i32 to index
    %swap3A_1033 = arith.constant 48 : index
    %swap3A_1034 = tpu.vector_load %arg11[%swap3A_1032, %swap3A_1033] {strides = array<i32>} : memref<32x128xf32, #tpu.memory_space<vmem>>, vector<1x16xf32>,
    %swap3A_1035 = vector.shape_cast %swap3A_1034 : vector<1x16xf32> to vector<16xf32>
    %swap3A_1036 = vector.shape_cast %broadcast_in_dim3A_5 : vector<16xf32> to vector<1x16xf32>
    tpu.vector_store %arg11[%swap3A_1032, %swap3A_1033], %swap3A_1036 {strides = array<i32>} : memref<32x128xf32, #tpu.memory_space<vmem>>, vector<1x16xf32>,
    %swap3A_1037 = arith.constant 21 : i32
    %swap3A_1038 = arith.index_cast %swap3A_1037 : i32 to index
    %swap3A_1039 = arith.constant 64 : index
    %swap3A_1040 = tpu.vector_load %arg11[%swap3A_1038, %swap3A_1039] {strides = array<i32>} : memref<32x128xf32, #tpu.memory_space<vmem>>, vector<1x16xf32>,
    %swap3A_1041 = vector.shape_cast %swap3A_1040 : vector<1x16xf32> to vector<16xf32>
    %swap3A_1042 = vector.shape_cast %broadcast_in_dim3A_5 : vector<16xf32> to vector<1x16xf32>
    tpu.vector_store %arg11[%swap3A_1038, %swap3A_1039], %swap3A_1042 {strides = array<i32>} : memref<32x128xf32, #tpu.memory_space<vmem>>, vector<1x16xf32>,
    %swap3A_1043 = arith.constant 21 : i32
    %swap3A_1044 = arith.index_cast %swap3A_1043 : i32 to index
    %swap3A_1045 = arith.constant 80 : index
    %swap3A_1046 = tpu.vector_load %arg11[%swap3A_1044, %swap3A_1045] {strides = array<i32>} : memref<32x128xf32, #tpu.memory_space<vmem>>, vector<1x16xf32>,
    %swap3A_1047 = vector.shape_cast %swap3A_1046 : vector<1x16xf32> to vector<16xf32>
    %swap3A_1048 = vector.shape_cast %broadcast_in_dim3A_5 : vector<16xf32> to vector<1x16xf32>
    tpu.vector_store %arg11[%swap3A_1044, %swap3A_1045], %swap3A_1048 {strides = array<i32>} : memref<32x128xf32, #tpu.memory_space<vmem>>, vector<1x16xf32>,
    %swap3A_1049 = arith.constant 21 : i32
    %swap3A_1050 = arith.index_cast %swap3A_1049 : i32 to index
    %swap3A_1051 = arith.constant 96 : index
    %swap3A_1052 = tpu.vector_load %arg11[%swap3A_1050, %swap3A_1051] {strides = array<i32>} : memref<32x128xf32, #tpu.memory_space<vmem>>, vector<1x16xf32>,
    %swap3A_1053 = vector.shape_cast %swap3A_1052 : vector<1x16xf32> to vector<16xf32>
    %swap3A_1054 = vector.shape_cast %broadcast_in_dim3A_5 : vector<16xf32> to vector<1x16xf32>
    tpu.vector_store %arg11[%swap3A_1050, %swap3A_1051], %swap3A_1054 {strides = array<i32>} : memref<32x128xf32, #tpu.memory_space<vmem>>, vector<1x16xf32>,
    %swap3A_1055 = arith.constant 21 : i32
    %swap3A_1056 = arith.index_cast %swap3A_1055 : i32 to index
    %swap3A_1057 = arith.constant 112 : index
    %swap3A_1058 = tpu.vector_load %arg11[%swap3A_1056, %swap3A_1057] {strides = array<i32>} : memref<32x128xf32, #tpu.memory_space<vmem>>, vector<1x16xf32>,
    %swap3A_1059 = vector.shape_cast %swap3A_1058 : vector<1x16xf32> to vector<16xf32>
    %swap3A_1060 = vector.shape_cast %broadcast_in_dim3A_5 : vector<16xf32> to vector<1x16xf32>
    tpu.vector_store %arg11[%swap3A_1056, %swap3A_1057], %swap3A_1060 {strides = array<i32>} : memref<32x128xf32, #tpu.memory_space<vmem>>, vector<1x16xf32>,
    %swap3A_1061 = arith.constant 22 : i32
    %swap3A_1062 = arith.index_cast %swap3A_1061 : i32 to index
    %swap3A_1063 = arith.constant 0 : index
    %swap3A_1064 = tpu.vector_load %arg11[%swap3A_1062, %swap3A_1063] {strides = array<i32>} : memref<32x128xf32, #tpu.memory_space<vmem>>, vector<1x16xf32>,
    %swap3A_1065 = vector.shape_cast %swap3A_1064 : vector<1x16xf32> to vector<16xf32>
    %swap3A_1066 = vector.shape_cast %broadcast_in_dim3A_5 : vector<16xf32> to vector<1x16xf32>
    tpu.vector_store %arg11[%swap3A_1062, %swap3A_1063], %swap3A_1066 {strides = array<i32>} : memref<32x128xf32, #tpu.memory_space<vmem>>, vector<1x16xf32>,
    %swap3A_1067 = arith.constant 22 : i32
    %swap3A_1068 = arith.index_cast %swap3A_1067 : i32 to index
    %swap3A_1069 = arith.constant 16 : index
    %swap3A_1070 = tpu.vector_load %arg11[%swap3A_1068, %swap3A_1069] {strides = array<i32>} : memref<32x128xf32, #tpu.memory_space<vmem>>, vector<1x16xf32>,
    %swap3A_1071 = vector.shape_cast %swap3A_1070 : vector<1x16xf32> to vector<16xf32>
    %swap3A_1072 = vector.shape_cast %broadcast_in_dim3A_5 : vector<16xf32> to vector<1x16xf32>
    tpu.vector_store %arg11[%swap3A_1068, %swap3A_1069], %swap3A_1072 {strides = array<i32>} : memref<32x128xf32, #tpu.memory_space<vmem>>, vector<1x16xf32>,
    %swap3A_1073 = arith.constant 22 : i32
    %swap3A_1074 = arith.index_cast %swap3A_1073 : i32 to index
    %swap3A_1075 = arith.constant 32 : index
    %swap3A_1076 = tpu.vector_load %arg11[%swap3A_1074, %swap3A_1075] {strides = array<i32>} : memref<32x128xf32, #tpu.memory_space<vmem>>, vector<1x16xf32>,
    %swap3A_1077 = vector.shape_cast %swap3A_1076 : vector<1x16xf32> to vector<16xf32>
    %swap3A_1078 = vector.shape_cast %broadcast_in_dim3A_5 : vector<16xf32> to vector<1x16xf32>
    tpu.vector_store %arg11[%swap3A_1074, %swap3A_1075], %swap3A_1078 {strides = array<i32>} : memref<32x128xf32, #tpu.memory_space<vmem>>, vector<1x16xf32>,
    %swap3A_1079 = arith.constant 22 : i32
    %swap3A_1080 = arith.index_cast %swap3A_1079 : i32 to index
    %swap3A_1081 = arith.constant 48 : index
    %swap3A_1082 = tpu.vector_load %arg11[%swap3A_1080, %swap3A_1081] {strides = array<i32>} : memref<32x128xf32, #tpu.memory_space<vmem>>, vector<1x16xf32>,
    %swap3A_1083 = vector.shape_cast %swap3A_1082 : vector<1x16xf32> to vector<16xf32>
    %swap3A_1084 = vector.shape_cast %broadcast_in_dim3A_5 : vector<16xf32> to vector<1x16xf32>
    tpu.vector_store %arg11[%swap3A_1080, %swap3A_1081], %swap3A_1084 {strides = array<i32>} : memref<32x128xf32, #tpu.memory_space<vmem>>, vector<1x16xf32>,
    %swap3A_1085 = arith.constant 22 : i32
    %swap3A_1086 = arith.index_cast %swap3A_1085 : i32 to index
    %swap3A_1087 = arith.constant 64 : index
    %swap3A_1088 = tpu.vector_load %arg11[%swap3A_1086, %swap3A_1087] {strides = array<i32>} : memref<32x128xf32, #tpu.memory_space<vmem>>, vector<1x16xf32>,
    %swap3A_1089 = vector.shape_cast %swap3A_1088 : vector<1x16xf32> to vector<16xf32>
    %swap3A_1090 = vector.shape_cast %broadcast_in_dim3A_5 : vector<16xf32> to vector<1x16xf32>
    tpu.vector_store %arg11[%swap3A_1086, %swap3A_1087], %swap3A_1090 {strides = array<i32>} : memref<32x128xf32, #tpu.memory_space<vmem>>, vector<1x16xf32>,
    %swap3A_1091 = arith.constant 22 : i32
    %swap3A_1092 = arith.index_cast %swap3A_1091 : i32 to index
    %swap3A_1093 = arith.constant 80 : index
    %swap3A_1094 = tpu.vector_load %arg11[%swap3A_1092, %swap3A_1093] {strides = array<i32>} : memref<32x128xf32, #tpu.memory_space<vmem>>, vector<1x16xf32>,
    %swap3A_1095 = vector.shape_cast %swap3A_1094 : vector<1x16xf32> to vector<16xf32>
    %swap3A_1096 = vector.shape_cast %broadcast_in_dim3A_5 : vector<16xf32> to vector<1x16xf32>
    tpu.vector_store %arg11[%swap3A_1092, %swap3A_1093], %swap3A_1096 {strides = array<i32>} : memref<32x128xf32, #tpu.memory_space<vmem>>, vector<1x16xf32>,
    %swap3A_1097 = arith.constant 22 : i32
    %swap3A_1098 = arith.index_cast %swap3A_1097 : i32 to index
    %swap3A_1099 = arith.constant 96 : index
    %swap3A_1100 = tpu.vector_load %arg11[%swap3A_1098, %swap3A_1099] {strides = array<i32>} : memref<32x128xf32, #tpu.memory_space<vmem>>, vector<1x16xf32>,
    %swap3A_1101 = vector.shape_cast %swap3A_1100 : vector<1x16xf32> to vector<16xf32>
    %swap3A_1102 = vector.shape_cast %broadcast_in_dim3A_5 : vector<16xf32> to vector<1x16xf32>
    tpu.vector_store %arg11[%swap3A_1098, %swap3A_1099], %swap3A_1102 {strides = array<i32>} : memref<32x128xf32, #tpu.memory_space<vmem>>, vector<1x16xf32>,
    %swap3A_1103 = arith.constant 22 : i32
    %swap3A_1104 = arith.index_cast %swap3A_1103 : i32 to index
    %swap3A_1105 = arith.constant 112 : index
    %swap3A_1106 = tpu.vector_load %arg11[%swap3A_1104, %swap3A_1105] {strides = array<i32>} : memref<32x128xf32, #tpu.memory_space<vmem>>, vector<1x16xf32>,
    %swap3A_1107 = vector.shape_cast %swap3A_1106 : vector<1x16xf32> to vector<16xf32>
    %swap3A_1108 = vector.shape_cast %broadcast_in_dim3A_5 : vector<16xf32> to vector<1x16xf32>
    tpu.vector_store %arg11[%swap3A_1104, %swap3A_1105], %swap3A_1108 {strides = array<i32>} : memref<32x128xf32, #tpu.memory_space<vmem>>, vector<1x16xf32>,
    %swap3A_1109 = arith.constant 23 : i32
    %swap3A_1110 = arith.index_cast %swap3A_1109 : i32 to index
    %swap3A_1111 = arith.constant 0 : index
    %swap3A_1112 = tpu.vector_load %arg11[%swap3A_1110, %swap3A_1111] {strides = array<i32>} : memref<32x128xf32, #tpu.memory_space<vmem>>, vector<1x16xf32>,
    %swap3A_1113 = vector.shape_cast %swap3A_1112 : vector<1x16xf32> to vector<16xf32>
    %swap3A_1114 = vector.shape_cast %broadcast_in_dim3A_5 : vector<16xf32> to vector<1x16xf32>
    tpu.vector_store %arg11[%swap3A_1110, %swap3A_1111], %swap3A_1114 {strides = array<i32>} : memref<32x128xf32, #tpu.memory_space<vmem>>, vector<1x16xf32>,
    %swap3A_1115 = arith.constant 23 : i32
    %swap3A_1116 = arith.index_cast %swap3A_1115 : i32 to index
    %swap3A_1117 = arith.constant 16 : index
    %swap3A_1118 = tpu.vector_load %arg11[%swap3A_1116, %swap3A_1117] {strides = array<i32>} : memref<32x128xf32, #tpu.memory_space<vmem>>, vector<1x16xf32>,
    %swap3A_1119 = vector.shape_cast %swap3A_1118 : vector<1x16xf32> to vector<16xf32>
    %swap3A_1120 = vector.shape_cast %broadcast_in_dim3A_5 : vector<16xf32> to vector<1x16xf32>
    tpu.vector_store %arg11[%swap3A_1116, %swap3A_1117], %swap3A_1120 {strides = array<i32>} : memref<32x128xf32, #tpu.memory_space<vmem>>, vector<1x16xf32>,
    %swap3A_1121 = arith.constant 23 : i32
    %swap3A_1122 = arith.index_cast %swap3A_1121 : i32 to index
    %swap3A_1123 = arith.constant 32 : index
    %swap3A_1124 = tpu.vector_load %arg11[%swap3A_1122, %swap3A_1123] {strides = array<i32>} : memref<32x128xf32, #tpu.memory_space<vmem>>, vector<1x16xf32>,
    %swap3A_1125 = vector.shape_cast %swap3A_1124 : vector<1x16xf32> to vector<16xf32>
    %swap3A_1126 = vector.shape_cast %broadcast_in_dim3A_5 : vector<16xf32> to vector<1x16xf32>
    tpu.vector_store %arg11[%swap3A_1122, %swap3A_1123], %swap3A_1126 {strides = array<i32>} : memref<32x128xf32, #tpu.memory_space<vmem>>, vector<1x16xf32>,
    %swap3A_1127 = arith.constant 23 : i32
    %swap3A_1128 = arith.index_cast %swap3A_1127 : i32 to index
    %swap3A_1129 = arith.constant 48 : index
    %swap3A_1130 = tpu.vector_load %arg11[%swap3A_1128, %swap3A_1129] {strides = array<i32>} : memref<32x128xf32, #tpu.memory_space<vmem>>, vector<1x16xf32>,
    %swap3A_1131 = vector.shape_cast %swap3A_1130 : vector<1x16xf32> to vector<16xf32>
    %swap3A_1132 = vector.shape_cast %broadcast_in_dim3A_5 : vector<16xf32> to vector<1x16xf32>
    tpu.vector_store %arg11[%swap3A_1128, %swap3A_1129], %swap3A_1132 {strides = array<i32>} : memref<32x128xf32, #tpu.memory_space<vmem>>, vector<1x16xf32>,
    %swap3A_1133 = arith.constant 23 : i32
    %swap3A_1134 = arith.index_cast %swap3A_1133 : i32 to index
    %swap3A_1135 = arith.constant 64 : index
    %swap3A_1136 = tpu.vector_load %arg11[%swap3A_1134, %swap3A_1135] {strides = array<i32>} : memref<32x128xf32, #tpu.memory_space<vmem>>, vector<1x16xf32>,
    %swap3A_1137 = vector.shape_cast %swap3A_1136 : vector<1x16xf32> to vector<16xf32>
    %swap3A_1138 = vector.shape_cast %broadcast_in_dim3A_5 : vector<16xf32> to vector<1x16xf32>
    tpu.vector_store %arg11[%swap3A_1134, %swap3A_1135], %swap3A_1138 {strides = array<i32>} : memref<32x128xf32, #tpu.memory_space<vmem>>, vector<1x16xf32>,
    %swap3A_1139 = arith.constant 23 : i32
    %swap3A_1140 = arith.index_cast %swap3A_1139 : i32 to index
    %swap3A_1141 = arith.constant 80 : index
    %swap3A_1142 = tpu.vector_load %arg11[%swap3A_1140, %swap3A_1141] {strides = array<i32>} : memref<32x128xf32, #tpu.memory_space<vmem>>, vector<1x16xf32>,
    %swap3A_1143 = vector.shape_cast %swap3A_1142 : vector<1x16xf32> to vector<16xf32>
    %swap3A_1144 = vector.shape_cast %broadcast_in_dim3A_5 : vector<16xf32> to vector<1x16xf32>
    tpu.vector_store %arg11[%swap3A_1140, %swap3A_1141], %swap3A_1144 {strides = array<i32>} : memref<32x128xf32, #tpu.memory_space<vmem>>, vector<1x16xf32>,
    %swap3A_1145 = arith.constant 23 : i32
    %swap3A_1146 = arith.index_cast %swap3A_1145 : i32 to index
    %swap3A_1147 = arith.constant 96 : index
    %swap3A_1148 = tpu.vector_load %arg11[%swap3A_1146, %swap3A_1147] {strides = array<i32>} : memref<32x128xf32, #tpu.memory_space<vmem>>, vector<1x16xf32>,
    %swap3A_1149 = vector.shape_cast %swap3A_1148 : vector<1x16xf32> to vector<16xf32>
    %swap3A_1150 = vector.shape_cast %broadcast_in_dim3A_5 : vector<16xf32> to vector<1x16xf32>
    tpu.vector_store %arg11[%swap3A_1146, %swap3A_1147], %swap3A_1150 {strides = array<i32>} : memref<32x128xf32, #tpu.memory_space<vmem>>, vector<1x16xf32>,
    %swap3A_1151 = arith.constant 23 : i32
    %swap3A_1152 = arith.index_cast %swap3A_1151 : i32 to index
    %swap3A_1153 = arith.constant 112 : index
    %swap3A_1154 = tpu.vector_load %arg11[%swap3A_1152, %swap3A_1153] {strides = array<i32>} : memref<32x128xf32, #tpu.memory_space<vmem>>, vector<1x16xf32>,
    %swap3A_1155 = vector.shape_cast %swap3A_1154 : vector<1x16xf32> to vector<16xf32>
    %swap3A_1156 = vector.shape_cast %broadcast_in_dim3A_5 : vector<16xf32> to vector<1x16xf32>
    tpu.vector_store %arg11[%swap3A_1152, %swap3A_1153], %swap3A_1156 {strides = array<i32>} : memref<32x128xf32, #tpu.memory_space<vmem>>, vector<1x16xf32>,
    %swap3A_1157 = arith.constant 24 : i32
    %swap3A_1158 = arith.index_cast %swap3A_1157 : i32 to index
    %swap3A_1159 = arith.constant 0 : index
    %swap3A_1160 = tpu.vector_load %arg11[%swap3A_1158, %swap3A_1159] {strides = array<i32>} : memref<32x128xf32, #tpu.memory_space<vmem>>, vector<1x16xf32>,
    %swap3A_1161 = vector.shape_cast %swap3A_1160 : vector<1x16xf32> to vector<16xf32>
    %swap3A_1162 = vector.shape_cast %broadcast_in_dim3A_5 : vector<16xf32> to vector<1x16xf32>
    tpu.vector_store %arg11[%swap3A_1158, %swap3A_1159], %swap3A_1162 {strides = array<i32>} : memref<32x128xf32, #tpu.memory_space<vmem>>, vector<1x16xf32>,
    %swap3A_1163 = arith.constant 24 : i32
    %swap3A_1164 = arith.index_cast %swap3A_1163 : i32 to index
    %swap3A_1165 = arith.constant 16 : index
    %swap3A_1166 = tpu.vector_load %arg11[%swap3A_1164, %swap3A_1165] {strides = array<i32>} : memref<32x128xf32, #tpu.memory_space<vmem>>, vector<1x16xf32>,
    %swap3A_1167 = vector.shape_cast %swap3A_1166 : vector<1x16xf32> to vector<16xf32>
    %swap3A_1168 = vector.shape_cast %broadcast_in_dim3A_5 : vector<16xf32> to vector<1x16xf32>
    tpu.vector_store %arg11[%swap3A_1164, %swap3A_1165], %swap3A_1168 {strides = array<i32>} : memref<32x128xf32, #tpu.memory_space<vmem>>, vector<1x16xf32>,
    %swap3A_1169 = arith.constant 24 : i32
    %swap3A_1170 = arith.index_cast %swap3A_1169 : i32 to index
    %swap3A_1171 = arith.constant 32 : index
    %swap3A_1172 = tpu.vector_load %arg11[%swap3A_1170, %swap3A_1171] {strides = array<i32>} : memref<32x128xf32, #tpu.memory_space<vmem>>, vector<1x16xf32>,
    %swap3A_1173 = vector.shape_cast %swap3A_1172 : vector<1x16xf32> to vector<16xf32>
    %swap3A_1174 = vector.shape_cast %broadcast_in_dim3A_5 : vector<16xf32> to vector<1x16xf32>
    tpu.vector_store %arg11[%swap3A_1170, %swap3A_1171], %swap3A_1174 {strides = array<i32>} : memref<32x128xf32, #tpu.memory_space<vmem>>, vector<1x16xf32>,
    %swap3A_1175 = arith.constant 24 : i32
    %swap3A_1176 = arith.index_cast %swap3A_1175 : i32 to index
    %swap3A_1177 = arith.constant 48 : index
    %swap3A_1178 = tpu.vector_load %arg11[%swap3A_1176, %swap3A_1177] {strides = array<i32>} : memref<32x128xf32, #tpu.memory_space<vmem>>, vector<1x16xf32>,
    %swap3A_1179 = vector.shape_cast %swap3A_1178 : vector<1x16xf32> to vector<16xf32>
    %swap3A_1180 = vector.shape_cast %broadcast_in_dim3A_5 : vector<16xf32> to vector<1x16xf32>
    tpu.vector_store %arg11[%swap3A_1176, %swap3A_1177], %swap3A_1180 {strides = array<i32>} : memref<32x128xf32, #tpu.memory_space<vmem>>, vector<1x16xf32>,
    %swap3A_1181 = arith.constant 24 : i32
    %swap3A_1182 = arith.index_cast %swap3A_1181 : i32 to index
    %swap3A_1183 = arith.constant 64 : index
    %swap3A_1184 = tpu.vector_load %arg11[%swap3A_1182, %swap3A_1183] {strides = array<i32>} : memref<32x128xf32, #tpu.memory_space<vmem>>, vector<1x16xf32>,
    %swap3A_1185 = vector.shape_cast %swap3A_1184 : vector<1x16xf32> to vector<16xf32>
    %swap3A_1186 = vector.shape_cast %broadcast_in_dim3A_5 : vector<16xf32> to vector<1x16xf32>
    tpu.vector_store %arg11[%swap3A_1182, %swap3A_1183], %swap3A_1186 {strides = array<i32>} : memref<32x128xf32, #tpu.memory_space<vmem>>, vector<1x16xf32>,
    %swap3A_1187 = arith.constant 24 : i32
    %swap3A_1188 = arith.index_cast %swap3A_1187 : i32 to index
    %swap3A_1189 = arith.constant 80 : index
    %swap3A_1190 = tpu.vector_load %arg11[%swap3A_1188, %swap3A_1189] {strides = array<i32>} : memref<32x128xf32, #tpu.memory_space<vmem>>, vector<1x16xf32>,
    %swap3A_1191 = vector.shape_cast %swap3A_1190 : vector<1x16xf32> to vector<16xf32>
    %swap3A_1192 = vector.shape_cast %broadcast_in_dim3A_5 : vector<16xf32> to vector<1x16xf32>
    tpu.vector_store %arg11[%swap3A_1188, %swap3A_1189], %swap3A_1192 {strides = array<i32>} : memref<32x128xf32, #tpu.memory_space<vmem>>, vector<1x16xf32>,
    %swap3A_1193 = arith.constant 24 : i32
    %swap3A_1194 = arith.index_cast %swap3A_1193 : i32 to index
    %swap3A_1195 = arith.constant 96 : index
    %swap3A_1196 = tpu.vector_load %arg11[%swap3A_1194, %swap3A_1195] {strides = array<i32>} : memref<32x128xf32, #tpu.memory_space<vmem>>, vector<1x16xf32>,
    %swap3A_1197 = vector.shape_cast %swap3A_1196 : vector<1x16xf32> to vector<16xf32>
    %swap3A_1198 = vector.shape_cast %broadcast_in_dim3A_5 : vector<16xf32> to vector<1x16xf32>
    tpu.vector_store %arg11[%swap3A_1194, %swap3A_1195], %swap3A_1198 {strides = array<i32>} : memref<32x128xf32, #tpu.memory_space<vmem>>, vector<1x16xf32>,
    %swap3A_1199 = arith.constant 24 : i32
    %swap3A_1200 = arith.index_cast %swap3A_1199 : i32 to index
    %swap3A_1201 = arith.constant 112 : index
    %swap3A_1202 = tpu.vector_load %arg11[%swap3A_1200, %swap3A_1201] {strides = array<i32>} : memref<32x128xf32, #tpu.memory_space<vmem>>, vector<1x16xf32>,
    %swap3A_1203 = vector.shape_cast %swap3A_1202 : vector<1x16xf32> to vector<16xf32>
    %swap3A_1204 = vector.shape_cast %broadcast_in_dim3A_5 : vector<16xf32> to vector<1x16xf32>
    tpu.vector_store %arg11[%swap3A_1200, %swap3A_1201], %swap3A_1204 {strides = array<i32>} : memref<32x128xf32, #tpu.memory_space<vmem>>, vector<1x16xf32>,
    %swap3A_1205 = arith.constant 25 : i32
    %swap3A_1206 = arith.index_cast %swap3A_1205 : i32 to index
    %swap3A_1207 = arith.constant 0 : index
    %swap3A_1208 = tpu.vector_load %arg11[%swap3A_1206, %swap3A_1207] {strides = array<i32>} : memref<32x128xf32, #tpu.memory_space<vmem>>, vector<1x16xf32>,
    %swap3A_1209 = vector.shape_cast %swap3A_1208 : vector<1x16xf32> to vector<16xf32>
    %swap3A_1210 = vector.shape_cast %broadcast_in_dim3A_5 : vector<16xf32> to vector<1x16xf32>
    tpu.vector_store %arg11[%swap3A_1206, %swap3A_1207], %swap3A_1210 {strides = array<i32>} : memref<32x128xf32, #tpu.memory_space<vmem>>, vector<1x16xf32>,
    %swap3A_1211 = arith.constant 25 : i32
    %swap3A_1212 = arith.index_cast %swap3A_1211 : i32 to index
    %swap3A_1213 = arith.constant 16 : index
    %swap3A_1214 = tpu.vector_load %arg11[%swap3A_1212, %swap3A_1213] {strides = array<i32>} : memref<32x128xf32, #tpu.memory_space<vmem>>, vector<1x16xf32>,
    %swap3A_1215 = vector.shape_cast %swap3A_1214 : vector<1x16xf32> to vector<16xf32>
    %swap3A_1216 = vector.shape_cast %broadcast_in_dim3A_5 : vector<16xf32> to vector<1x16xf32>
    tpu.vector_store %arg11[%swap3A_1212, %swap3A_1213], %swap3A_1216 {strides = array<i32>} : memref<32x128xf32, #tpu.memory_space<vmem>>, vector<1x16xf32>,
    %swap3A_1217 = arith.constant 25 : i32
    %swap3A_1218 = arith.index_cast %swap3A_1217 : i32 to index
    %swap3A_1219 = arith.constant 32 : index
    %swap3A_1220 = tpu.vector_load %arg11[%swap3A_1218, %swap3A_1219] {strides = array<i32>} : memref<32x128xf32, #tpu.memory_space<vmem>>, vector<1x16xf32>,
    %swap3A_1221 = vector.shape_cast %swap3A_1220 : vector<1x16xf32> to vector<16xf32>
    %swap3A_1222 = vector.shape_cast %broadcast_in_dim3A_5 : vector<16xf32> to vector<1x16xf32>
    tpu.vector_store %arg11[%swap3A_1218, %swap3A_1219], %swap3A_1222 {strides = array<i32>} : memref<32x128xf32, #tpu.memory_space<vmem>>, vector<1x16xf32>,
    %swap3A_1223 = arith.constant 25 : i32
    %swap3A_1224 = arith.index_cast %swap3A_1223 : i32 to index
    %swap3A_1225 = arith.constant 48 : index
    %swap3A_1226 = tpu.vector_load %arg11[%swap3A_1224, %swap3A_1225] {strides = array<i32>} : memref<32x128xf32, #tpu.memory_space<vmem>>, vector<1x16xf32>,
    %swap3A_1227 = vector.shape_cast %swap3A_1226 : vector<1x16xf32> to vector<16xf32>
    %swap3A_1228 = vector.shape_cast %broadcast_in_dim3A_5 : vector<16xf32> to vector<1x16xf32>
    tpu.vector_store %arg11[%swap3A_1224, %swap3A_1225], %swap3A_1228 {strides = array<i32>} : memref<32x128xf32, #tpu.memory_space<vmem>>, vector<1x16xf32>,
    %swap3A_1229 = arith.constant 25 : i32
    %swap3A_1230 = arith.index_cast %swap3A_1229 : i32 to index
    %swap3A_1231 = arith.constant 64 : index
    %swap3A_1232 = tpu.vector_load %arg11[%swap3A_1230, %swap3A_1231] {strides = array<i32>} : memref<32x128xf32, #tpu.memory_space<vmem>>, vector<1x16xf32>,
    %swap3A_1233 = vector.shape_cast %swap3A_1232 : vector<1x16xf32> to vector<16xf32>
    %swap3A_1234 = vector.shape_cast %broadcast_in_dim3A_5 : vector<16xf32> to vector<1x16xf32>
    tpu.vector_store %arg11[%swap3A_1230, %swap3A_1231], %swap3A_1234 {strides = array<i32>} : memref<32x128xf32, #tpu.memory_space<vmem>>, vector<1x16xf32>,
    %swap3A_1235 = arith.constant 25 : i32
    %swap3A_1236 = arith.index_cast %swap3A_1235 : i32 to index
    %swap3A_1237 = arith.constant 80 : index
    %swap3A_1238 = tpu.vector_load %arg11[%swap3A_1236, %swap3A_1237] {strides = array<i32>} : memref<32x128xf32, #tpu.memory_space<vmem>>, vector<1x16xf32>,
    %swap3A_1239 = vector.shape_cast %swap3A_1238 : vector<1x16xf32> to vector<16xf32>
    %swap3A_1240 = vector.shape_cast %broadcast_in_dim3A_5 : vector<16xf32> to vector<1x16xf32>
    tpu.vector_store %arg11[%swap3A_1236, %swap3A_1237], %swap3A_1240 {strides = array<i32>} : memref<32x128xf32, #tpu.memory_space<vmem>>, vector<1x16xf32>,
    %swap3A_1241 = arith.constant 25 : i32
    %swap3A_1242 = arith.index_cast %swap3A_1241 : i32 to index
    %swap3A_1243 = arith.constant 96 : index
    %swap3A_1244 = tpu.vector_load %arg11[%swap3A_1242, %swap3A_1243] {strides = array<i32>} : memref<32x128xf32, #tpu.memory_space<vmem>>, vector<1x16xf32>,
    %swap3A_1245 = vector.shape_cast %swap3A_1244 : vector<1x16xf32> to vector<16xf32>
    %swap3A_1246 = vector.shape_cast %broadcast_in_dim3A_5 : vector<16xf32> to vector<1x16xf32>
    tpu.vector_store %arg11[%swap3A_1242, %swap3A_1243], %swap3A_1246 {strides = array<i32>} : memref<32x128xf32, #tpu.memory_space<vmem>>, vector<1x16xf32>,
    %swap3A_1247 = arith.constant 25 : i32
    %swap3A_1248 = arith.index_cast %swap3A_1247 : i32 to index
    %swap3A_1249 = arith.constant 112 : index
    %swap3A_1250 = tpu.vector_load %arg11[%swap3A_1248, %swap3A_1249] {strides = array<i32>} : memref<32x128xf32, #tpu.memory_space<vmem>>, vector<1x16xf32>,
    %swap3A_1251 = vector.shape_cast %swap3A_1250 : vector<1x16xf32> to vector<16xf32>
    %swap3A_1252 = vector.shape_cast %broadcast_in_dim3A_5 : vector<16xf32> to vector<1x16xf32>
    tpu.vector_store %arg11[%swap3A_1248, %swap3A_1249], %swap3A_1252 {strides = array<i32>} : memref<32x128xf32, #tpu.memory_space<vmem>>, vector<1x16xf32>,
    %swap3A_1253 = arith.constant 26 : i32
    %swap3A_1254 = arith.index_cast %swap3A_1253 : i32 to index
    %swap3A_1255 = arith.constant 0 : index
    %swap3A_1256 = tpu.vector_load %arg11[%swap3A_1254, %swap3A_1255] {strides = array<i32>} : memref<32x128xf32, #tpu.memory_space<vmem>>, vector<1x16xf32>,
    %swap3A_1257 = vector.shape_cast %swap3A_1256 : vector<1x16xf32> to vector<16xf32>
    %swap3A_1258 = vector.shape_cast %broadcast_in_dim3A_5 : vector<16xf32> to vector<1x16xf32>
    tpu.vector_store %arg11[%swap3A_1254, %swap3A_1255], %swap3A_1258 {strides = array<i32>} : memref<32x128xf32, #tpu.memory_space<vmem>>, vector<1x16xf32>,
    %swap3A_1259 = arith.constant 26 : i32
    %swap3A_1260 = arith.index_cast %swap3A_1259 : i32 to index
    %swap3A_1261 = arith.constant 16 : index
    %swap3A_1262 = tpu.vector_load %arg11[%swap3A_1260, %swap3A_1261] {strides = array<i32>} : memref<32x128xf32, #tpu.memory_space<vmem>>, vector<1x16xf32>,
    %swap3A_1263 = vector.shape_cast %swap3A_1262 : vector<1x16xf32> to vector<16xf32>
    %swap3A_1264 = vector.shape_cast %broadcast_in_dim3A_5 : vector<16xf32> to vector<1x16xf32>
    tpu.vector_store %arg11[%swap3A_1260, %swap3A_1261], %swap3A_1264 {strides = array<i32>} : memref<32x128xf32, #tpu.memory_space<vmem>>, vector<1x16xf32>,
    %swap3A_1265 = arith.constant 26 : i32
    %swap3A_1266 = arith.index_cast %swap3A_1265 : i32 to index
    %swap3A_1267 = arith.constant 32 : index
    %swap3A_1268 = tpu.vector_load %arg11[%swap3A_1266, %swap3A_1267] {strides = array<i32>} : memref<32x128xf32, #tpu.memory_space<vmem>>, vector<1x16xf32>,
    %swap3A_1269 = vector.shape_cast %swap3A_1268 : vector<1x16xf32> to vector<16xf32>
    %swap3A_1270 = vector.shape_cast %broadcast_in_dim3A_5 : vector<16xf32> to vector<1x16xf32>
    tpu.vector_store %arg11[%swap3A_1266, %swap3A_1267], %swap3A_1270 {strides = array<i32>} : memref<32x128xf32, #tpu.memory_space<vmem>>, vector<1x16xf32>,
    %swap3A_1271 = arith.constant 26 : i32
    %swap3A_1272 = arith.index_cast %swap3A_1271 : i32 to index
    %swap3A_1273 = arith.constant 48 : index
    %swap3A_1274 = tpu.vector_load %arg11[%swap3A_1272, %swap3A_1273] {strides = array<i32>} : memref<32x128xf32, #tpu.memory_space<vmem>>, vector<1x16xf32>,
    %swap3A_1275 = vector.shape_cast %swap3A_1274 : vector<1x16xf32> to vector<16xf32>
    %swap3A_1276 = vector.shape_cast %broadcast_in_dim3A_5 : vector<16xf32> to vector<1x16xf32>
    tpu.vector_store %arg11[%swap3A_1272, %swap3A_1273], %swap3A_1276 {strides = array<i32>} : memref<32x128xf32, #tpu.memory_space<vmem>>, vector<1x16xf32>,
    %swap3A_1277 = arith.constant 26 : i32
    %swap3A_1278 = arith.index_cast %swap3A_1277 : i32 to index
    %swap3A_1279 = arith.constant 64 : index
    %swap3A_1280 = tpu.vector_load %arg11[%swap3A_1278, %swap3A_1279] {strides = array<i32>} : memref<32x128xf32, #tpu.memory_space<vmem>>, vector<1x16xf32>,
    %swap3A_1281 = vector.shape_cast %swap3A_1280 : vector<1x16xf32> to vector<16xf32>
    %swap3A_1282 = vector.shape_cast %broadcast_in_dim3A_5 : vector<16xf32> to vector<1x16xf32>
    tpu.vector_store %arg11[%swap3A_1278, %swap3A_1279], %swap3A_1282 {strides = array<i32>} : memref<32x128xf32, #tpu.memory_space<vmem>>, vector<1x16xf32>,
    %swap3A_1283 = arith.constant 26 : i32
    %swap3A_1284 = arith.index_cast %swap3A_1283 : i32 to index
    %swap3A_1285 = arith.constant 80 : index
    %swap3A_1286 = tpu.vector_load %arg11[%swap3A_1284, %swap3A_1285] {strides = array<i32>} : memref<32x128xf32, #tpu.memory_space<vmem>>, vector<1x16xf32>,
    %swap3A_1287 = vector.shape_cast %swap3A_1286 : vector<1x16xf32> to vector<16xf32>
    %swap3A_1288 = vector.shape_cast %broadcast_in_dim3A_5 : vector<16xf32> to vector<1x16xf32>
    tpu.vector_store %arg11[%swap3A_1284, %swap3A_1285], %swap3A_1288 {strides = array<i32>} : memref<32x128xf32, #tpu.memory_space<vmem>>, vector<1x16xf32>,
    %swap3A_1289 = arith.constant 26 : i32
    %swap3A_1290 = arith.index_cast %swap3A_1289 : i32 to index
    %swap3A_1291 = arith.constant 96 : index
    %swap3A_1292 = tpu.vector_load %arg11[%swap3A_1290, %swap3A_1291] {strides = array<i32>} : memref<32x128xf32, #tpu.memory_space<vmem>>, vector<1x16xf32>,
    %swap3A_1293 = vector.shape_cast %swap3A_1292 : vector<1x16xf32> to vector<16xf32>
    %swap3A_1294 = vector.shape_cast %broadcast_in_dim3A_5 : vector<16xf32> to vector<1x16xf32>
    tpu.vector_store %arg11[%swap3A_1290, %swap3A_1291], %swap3A_1294 {strides = array<i32>} : memref<32x128xf32, #tpu.memory_space<vmem>>, vector<1x16xf32>,
    %swap3A_1295 = arith.constant 26 : i32
    %swap3A_1296 = arith.index_cast %swap3A_1295 : i32 to index
    %swap3A_1297 = arith.constant 112 : index
    %swap3A_1298 = tpu.vector_load %arg11[%swap3A_1296, %swap3A_1297] {strides = array<i32>} : memref<32x128xf32, #tpu.memory_space<vmem>>, vector<1x16xf32>,
    %swap3A_1299 = vector.shape_cast %swap3A_1298 : vector<1x16xf32> to vector<16xf32>
    %swap3A_1300 = vector.shape_cast %broadcast_in_dim3A_5 : vector<16xf32> to vector<1x16xf32>
    tpu.vector_store %arg11[%swap3A_1296, %swap3A_1297], %swap3A_1300 {strides = array<i32>} : memref<32x128xf32, #tpu.memory_space<vmem>>, vector<1x16xf32>,
    %swap3A_1301 = arith.constant 27 : i32
    %swap3A_1302 = arith.index_cast %swap3A_1301 : i32 to index
    %swap3A_1303 = arith.constant 0 : index
    %swap3A_1304 = tpu.vector_load %arg11[%swap3A_1302, %swap3A_1303] {strides = array<i32>} : memref<32x128xf32, #tpu.memory_space<vmem>>, vector<1x16xf32>,
    %swap3A_1305 = vector.shape_cast %swap3A_1304 : vector<1x16xf32> to vector<16xf32>
    %swap3A_1306 = vector.shape_cast %broadcast_in_dim3A_5 : vector<16xf32> to vector<1x16xf32>
    tpu.vector_store %arg11[%swap3A_1302, %swap3A_1303], %swap3A_1306 {strides = array<i32>} : memref<32x128xf32, #tpu.memory_space<vmem>>, vector<1x16xf32>,
    %swap3A_1307 = arith.constant 27 : i32
    %swap3A_1308 = arith.index_cast %swap3A_1307 : i32 to index
    %swap3A_1309 = arith.constant 16 : index
    %swap3A_1310 = tpu.vector_load %arg11[%swap3A_1308, %swap3A_1309] {strides = array<i32>} : memref<32x128xf32, #tpu.memory_space<vmem>>, vector<1x16xf32>,
    %swap3A_1311 = vector.shape_cast %swap3A_1310 : vector<1x16xf32> to vector<16xf32>
    %swap3A_1312 = vector.shape_cast %broadcast_in_dim3A_5 : vector<16xf32> to vector<1x16xf32>
    tpu.vector_store %arg11[%swap3A_1308, %swap3A_1309], %swap3A_1312 {strides = array<i32>} : memref<32x128xf32, #tpu.memory_space<vmem>>, vector<1x16xf32>,
    %swap3A_1313 = arith.constant 27 : i32
    %swap3A_1314 = arith.index_cast %swap3A_1313 : i32 to index
    %swap3A_1315 = arith.constant 32 : index
    %swap3A_1316 = tpu.vector_load %arg11[%swap3A_1314, %swap3A_1315] {strides = array<i32>} : memref<32x128xf32, #tpu.memory_space<vmem>>, vector<1x16xf32>,
    %swap3A_1317 = vector.shape_cast %swap3A_1316 : vector<1x16xf32> to vector<16xf32>
    %swap3A_1318 = vector.shape_cast %broadcast_in_dim3A_5 : vector<16xf32> to vector<1x16xf32>
    tpu.vector_store %arg11[%swap3A_1314, %swap3A_1315], %swap3A_1318 {strides = array<i32>} : memref<32x128xf32, #tpu.memory_space<vmem>>, vector<1x16xf32>,
    %swap3A_1319 = arith.constant 27 : i32
    %swap3A_1320 = arith.index_cast %swap3A_1319 : i32 to index
    %swap3A_1321 = arith.constant 48 : index
    %swap3A_1322 = tpu.vector_load %arg11[%swap3A_1320, %swap3A_1321] {strides = array<i32>} : memref<32x128xf32, #tpu.memory_space<vmem>>, vector<1x16xf32>,
    %swap3A_1323 = vector.shape_cast %swap3A_1322 : vector<1x16xf32> to vector<16xf32>
    %swap3A_1324 = vector.shape_cast %broadcast_in_dim3A_5 : vector<16xf32> to vector<1x16xf32>
    tpu.vector_store %arg11[%swap3A_1320, %swap3A_1321], %swap3A_1324 {strides = array<i32>} : memref<32x128xf32, #tpu.memory_space<vmem>>, vector<1x16xf32>,
    %swap3A_1325 = arith.constant 27 : i32
    %swap3A_1326 = arith.index_cast %swap3A_1325 : i32 to index
    %swap3A_1327 = arith.constant 64 : index
    %swap3A_1328 = tpu.vector_load %arg11[%swap3A_1326, %swap3A_1327] {strides = array<i32>} : memref<32x128xf32, #tpu.memory_space<vmem>>, vector<1x16xf32>,
    %swap3A_1329 = vector.shape_cast %swap3A_1328 : vector<1x16xf32> to vector<16xf32>
    %swap3A_1330 = vector.shape_cast %broadcast_in_dim3A_5 : vector<16xf32> to vector<1x16xf32>
    tpu.vector_store %arg11[%swap3A_1326, %swap3A_1327], %swap3A_1330 {strides = array<i32>} : memref<32x128xf32, #tpu.memory_space<vmem>>, vector<1x16xf32>,
    %swap3A_1331 = arith.constant 27 : i32
    %swap3A_1332 = arith.index_cast %swap3A_1331 : i32 to index
    %swap3A_1333 = arith.constant 80 : index
    %swap3A_1334 = tpu.vector_load %arg11[%swap3A_1332, %swap3A_1333] {strides = array<i32>} : memref<32x128xf32, #tpu.memory_space<vmem>>, vector<1x16xf32>,
    %swap3A_1335 = vector.shape_cast %swap3A_1334 : vector<1x16xf32> to vector<16xf32>
    %swap3A_1336 = vector.shape_cast %broadcast_in_dim3A_5 : vector<16xf32> to vector<1x16xf32>
    tpu.vector_store %arg11[%swap3A_1332, %swap3A_1333], %swap3A_1336 {strides = array<i32>} : memref<32x128xf32, #tpu.memory_space<vmem>>, vector<1x16xf32>,
    %swap3A_1337 = arith.constant 27 : i32
    %swap3A_1338 = arith.index_cast %swap3A_1337 : i32 to index
    %swap3A_1339 = arith.constant 96 : index
    %swap3A_1340 = tpu.vector_load %arg11[%swap3A_1338, %swap3A_1339] {strides = array<i32>} : memref<32x128xf32, #tpu.memory_space<vmem>>, vector<1x16xf32>,
    %swap3A_1341 = vector.shape_cast %swap3A_1340 : vector<1x16xf32> to vector<16xf32>
    %swap3A_1342 = vector.shape_cast %broadcast_in_dim3A_5 : vector<16xf32> to vector<1x16xf32>
    tpu.vector_store %arg11[%swap3A_1338, %swap3A_1339], %swap3A_1342 {strides = array<i32>} : memref<32x128xf32, #tpu.memory_space<vmem>>, vector<1x16xf32>,
    %swap3A_1343 = arith.constant 27 : i32
    %swap3A_1344 = arith.index_cast %swap3A_1343 : i32 to index
    %swap3A_1345 = arith.constant 112 : index
    %swap3A_1346 = tpu.vector_load %arg11[%swap3A_1344, %swap3A_1345] {strides = array<i32>} : memref<32x128xf32, #tpu.memory_space<vmem>>, vector<1x16xf32>,
    %swap3A_1347 = vector.shape_cast %swap3A_1346 : vector<1x16xf32> to vector<16xf32>
    %swap3A_1348 = vector.shape_cast %broadcast_in_dim3A_5 : vector<16xf32> to vector<1x16xf32>
    tpu.vector_store %arg11[%swap3A_1344, %swap3A_1345], %swap3A_1348 {strides = array<i32>} : memref<32x128xf32, #tpu.memory_space<vmem>>, vector<1x16xf32>,
    %swap3A_1349 = arith.constant 28 : i32
    %swap3A_1350 = arith.index_cast %swap3A_1349 : i32 to index
    %swap3A_1351 = arith.constant 0 : index
    %swap3A_1352 = tpu.vector_load %arg11[%swap3A_1350, %swap3A_1351] {strides = array<i32>} : memref<32x128xf32, #tpu.memory_space<vmem>>, vector<1x16xf32>,
    %swap3A_1353 = vector.shape_cast %swap3A_1352 : vector<1x16xf32> to vector<16xf32>
    %swap3A_1354 = vector.shape_cast %broadcast_in_dim3A_5 : vector<16xf32> to vector<1x16xf32>
    tpu.vector_store %arg11[%swap3A_1350, %swap3A_1351], %swap3A_1354 {strides = array<i32>} : memref<32x128xf32, #tpu.memory_space<vmem>>, vector<1x16xf32>,
    %swap3A_1355 = arith.constant 28 : i32
    %swap3A_1356 = arith.index_cast %swap3A_1355 : i32 to index
    %swap3A_1357 = arith.constant 16 : index
    %swap3A_1358 = tpu.vector_load %arg11[%swap3A_1356, %swap3A_1357] {strides = array<i32>} : memref<32x128xf32, #tpu.memory_space<vmem>>, vector<1x16xf32>,
    %swap3A_1359 = vector.shape_cast %swap3A_1358 : vector<1x16xf32> to vector<16xf32>
    %swap3A_1360 = vector.shape_cast %broadcast_in_dim3A_5 : vector<16xf32> to vector<1x16xf32>
    tpu.vector_store %arg11[%swap3A_1356, %swap3A_1357], %swap3A_1360 {strides = array<i32>} : memref<32x128xf32, #tpu.memory_space<vmem>>, vector<1x16xf32>,
    %swap3A_1361 = arith.constant 28 : i32
    %swap3A_1362 = arith.index_cast %swap3A_1361 : i32 to index
    %swap3A_1363 = arith.constant 32 : index
    %swap3A_1364 = tpu.vector_load %arg11[%swap3A_1362, %swap3A_1363] {strides = array<i32>} : memref<32x128xf32, #tpu.memory_space<vmem>>, vector<1x16xf32>,
    %swap3A_1365 = vector.shape_cast %swap3A_1364 : vector<1x16xf32> to vector<16xf32>
    %swap3A_1366 = vector.shape_cast %broadcast_in_dim3A_5 : vector<16xf32> to vector<1x16xf32>
    tpu.vector_store %arg11[%swap3A_1362, %swap3A_1363], %swap3A_1366 {strides = array<i32>} : memref<32x128xf32, #tpu.memory_space<vmem>>, vector<1x16xf32>,
    %swap3A_1367 = arith.constant 28 : i32
    %swap3A_1368 = arith.index_cast %swap3A_1367 : i32 to index
    %swap3A_1369 = arith.constant 48 : index
    %swap3A_1370 = tpu.vector_load %arg11[%swap3A_1368, %swap3A_1369] {strides = array<i32>} : memref<32x128xf32, #tpu.memory_space<vmem>>, vector<1x16xf32>,
    %swap3A_1371 = vector.shape_cast %swap3A_1370 : vector<1x16xf32> to vector<16xf32>
    %swap3A_1372 = vector.shape_cast %broadcast_in_dim3A_5 : vector<16xf32> to vector<1x16xf32>
    tpu.vector_store %arg11[%swap3A_1368, %swap3A_1369], %swap3A_1372 {strides = array<i32>} : memref<32x128xf32, #tpu.memory_space<vmem>>, vector<1x16xf32>,
    %swap3A_1373 = arith.constant 28 : i32
    %swap3A_1374 = arith.index_cast %swap3A_1373 : i32 to index
    %swap3A_1375 = arith.constant 64 : index
    %swap3A_1376 = tpu.vector_load %arg11[%swap3A_1374, %swap3A_1375] {strides = array<i32>} : memref<32x128xf32, #tpu.memory_space<vmem>>, vector<1x16xf32>,
    %swap3A_1377 = vector.shape_cast %swap3A_1376 : vector<1x16xf32> to vector<16xf32>
    %swap3A_1378 = vector.shape_cast %broadcast_in_dim3A_5 : vector<16xf32> to vector<1x16xf32>
    tpu.vector_store %arg11[%swap3A_1374, %swap3A_1375], %swap3A_1378 {strides = array<i32>} : memref<32x128xf32, #tpu.memory_space<vmem>>, vector<1x16xf32>,
    %swap3A_1379 = arith.constant 28 : i32
    %swap3A_1380 = arith.index_cast %swap3A_1379 : i32 to index
    %swap3A_1381 = arith.constant 80 : index
    %swap3A_1382 = tpu.vector_load %arg11[%swap3A_1380, %swap3A_1381] {strides = array<i32>} : memref<32x128xf32, #tpu.memory_space<vmem>>, vector<1x16xf32>,
    %swap3A_1383 = vector.shape_cast %swap3A_1382 : vector<1x16xf32> to vector<16xf32>
    %swap3A_1384 = vector.shape_cast %broadcast_in_dim3A_5 : vector<16xf32> to vector<1x16xf32>
    tpu.vector_store %arg11[%swap3A_1380, %swap3A_1381], %swap3A_1384 {strides = array<i32>} : memref<32x128xf32, #tpu.memory_space<vmem>>, vector<1x16xf32>,
    %swap3A_1385 = arith.constant 28 : i32
    %swap3A_1386 = arith.index_cast %swap3A_1385 : i32 to index
    %swap3A_1387 = arith.constant 96 : index
    %swap3A_1388 = tpu.vector_load %arg11[%swap3A_1386, %swap3A_1387] {strides = array<i32>} : memref<32x128xf32, #tpu.memory_space<vmem>>, vector<1x16xf32>,
    %swap3A_1389 = vector.shape_cast %swap3A_1388 : vector<1x16xf32> to vector<16xf32>
    %swap3A_1390 = vector.shape_cast %broadcast_in_dim3A_5 : vector<16xf32> to vector<1x16xf32>
    tpu.vector_store %arg11[%swap3A_1386, %swap3A_1387], %swap3A_1390 {strides = array<i32>} : memref<32x128xf32, #tpu.memory_space<vmem>>, vector<1x16xf32>,
    %swap3A_1391 = arith.constant 28 : i32
    %swap3A_1392 = arith.index_cast %swap3A_1391 : i32 to index
    %swap3A_1393 = arith.constant 112 : index
    %swap3A_1394 = tpu.vector_load %arg11[%swap3A_1392, %swap3A_1393] {strides = array<i32>} : memref<32x128xf32, #tpu.memory_space<vmem>>, vector<1x16xf32>,
    %swap3A_1395 = vector.shape_cast %swap3A_1394 : vector<1x16xf32> to vector<16xf32>
    %swap3A_1396 = vector.shape_cast %broadcast_in_dim3A_5 : vector<16xf32> to vector<1x16xf32>
    tpu.vector_store %arg11[%swap3A_1392, %swap3A_1393], %swap3A_1396 {strides = array<i32>} : memref<32x128xf32, #tpu.memory_space<vmem>>, vector<1x16xf32>,
    %swap3A_1397 = arith.constant 29 : i32
    %swap3A_1398 = arith.index_cast %swap3A_1397 : i32 to index
    %swap3A_1399 = arith.constant 0 : index
    %swap3A_1400 = tpu.vector_load %arg11[%swap3A_1398, %swap3A_1399] {strides = array<i32>} : memref<32x128xf32, #tpu.memory_space<vmem>>, vector<1x16xf32>,
    %swap3A_1401 = vector.shape_cast %swap3A_1400 : vector<1x16xf32> to vector<16xf32>
    %swap3A_1402 = vector.shape_cast %broadcast_in_dim3A_5 : vector<16xf32> to vector<1x16xf32>
    tpu.vector_store %arg11[%swap3A_1398, %swap3A_1399], %swap3A_1402 {strides = array<i32>} : memref<32x128xf32, #tpu.memory_space<vmem>>, vector<1x16xf32>,
    %swap3A_1403 = arith.constant 29 : i32
    %swap3A_1404 = arith.index_cast %swap3A_1403 : i32 to index
    %swap3A_1405 = arith.constant 16 : index
    %swap3A_1406 = tpu.vector_load %arg11[%swap3A_1404, %swap3A_1405] {strides = array<i32>} : memref<32x128xf32, #tpu.memory_space<vmem>>, vector<1x16xf32>,
    %swap3A_1407 = vector.shape_cast %swap3A_1406 : vector<1x16xf32> to vector<16xf32>
    %swap3A_1408 = vector.shape_cast %broadcast_in_dim3A_5 : vector<16xf32> to vector<1x16xf32>
    tpu.vector_store %arg11[%swap3A_1404, %swap3A_1405], %swap3A_1408 {strides = array<i32>} : memref<32x128xf32, #tpu.memory_space<vmem>>, vector<1x16xf32>,
    %swap3A_1409 = arith.constant 29 : i32
    %swap3A_1410 = arith.index_cast %swap3A_1409 : i32 to index
    %swap3A_1411 = arith.constant 32 : index
    %swap3A_1412 = tpu.vector_load %arg11[%swap3A_1410, %swap3A_1411] {strides = array<i32>} : memref<32x128xf32, #tpu.memory_space<vmem>>, vector<1x16xf32>,
    %swap3A_1413 = vector.shape_cast %swap3A_1412 : vector<1x16xf32> to vector<16xf32>
    %swap3A_1414 = vector.shape_cast %broadcast_in_dim3A_5 : vector<16xf32> to vector<1x16xf32>
    tpu.vector_store %arg11[%swap3A_1410, %swap3A_1411], %swap3A_1414 {strides = array<i32>} : memref<32x128xf32, #tpu.memory_space<vmem>>, vector<1x16xf32>,
    %swap3A_1415 = arith.constant 29 : i32
    %swap3A_1416 = arith.index_cast %swap3A_1415 : i32 to index
    %swap3A_1417 = arith.constant 48 : index
    %swap3A_1418 = tpu.vector_load %arg11[%swap3A_1416, %swap3A_1417] {strides = array<i32>} : memref<32x128xf32, #tpu.memory_space<vmem>>, vector<1x16xf32>,
    %swap3A_1419 = vector.shape_cast %swap3A_1418 : vector<1x16xf32> to vector<16xf32>
    %swap3A_1420 = vector.shape_cast %broadcast_in_dim3A_5 : vector<16xf32> to vector<1x16xf32>
    tpu.vector_store %arg11[%swap3A_1416, %swap3A_1417], %swap3A_1420 {strides = array<i32>} : memref<32x128xf32, #tpu.memory_space<vmem>>, vector<1x16xf32>,
    %swap3A_1421 = arith.constant 29 : i32
    %swap3A_1422 = arith.index_cast %swap3A_1421 : i32 to index
    %swap3A_1423 = arith.constant 64 : index
    %swap3A_1424 = tpu.vector_load %arg11[%swap3A_1422, %swap3A_1423] {strides = array<i32>} : memref<32x128xf32, #tpu.memory_space<vmem>>, vector<1x16xf32>,
    %swap3A_1425 = vector.shape_cast %swap3A_1424 : vector<1x16xf32> to vector<16xf32>
    %swap3A_1426 = vector.shape_cast %broadcast_in_dim3A_5 : vector<16xf32> to vector<1x16xf32>
    tpu.vector_store %arg11[%swap3A_1422, %swap3A_1423], %swap3A_1426 {strides = array<i32>} : memref<32x128xf32, #tpu.memory_space<vmem>>, vector<1x16xf32>,
    %swap3A_1427 = arith.constant 29 : i32
    %swap3A_1428 = arith.index_cast %swap3A_1427 : i32 to index
    %swap3A_1429 = arith.constant 80 : index
    %swap3A_1430 = tpu.vector_load %arg11[%swap3A_1428, %swap3A_1429] {strides = array<i32>} : memref<32x128xf32, #tpu.memory_space<vmem>>, vector<1x16xf32>,
    %swap3A_1431 = vector.shape_cast %swap3A_1430 : vector<1x16xf32> to vector<16xf32>
    %swap3A_1432 = vector.shape_cast %broadcast_in_dim3A_5 : vector<16xf32> to vector<1x16xf32>
    tpu.vector_store %arg11[%swap3A_1428, %swap3A_1429], %swap3A_1432 {strides = array<i32>} : memref<32x128xf32, #tpu.memory_space<vmem>>, vector<1x16xf32>,
    %swap3A_1433 = arith.constant 29 : i32
    %swap3A_1434 = arith.index_cast %swap3A_1433 : i32 to index
    %swap3A_1435 = arith.constant 96 : index
    %swap3A_1436 = tpu.vector_load %arg11[%swap3A_1434, %swap3A_1435] {strides = array<i32>} : memref<32x128xf32, #tpu.memory_space<vmem>>, vector<1x16xf32>,
    %swap3A_1437 = vector.shape_cast %swap3A_1436 : vector<1x16xf32> to vector<16xf32>
    %swap3A_1438 = vector.shape_cast %broadcast_in_dim3A_5 : vector<16xf32> to vector<1x16xf32>
    tpu.vector_store %arg11[%swap3A_1434, %swap3A_1435], %swap3A_1438 {strides = array<i32>} : memref<32x128xf32, #tpu.memory_space<vmem>>, vector<1x16xf32>,
    %swap3A_1439 = arith.constant 29 : i32
    %swap3A_1440 = arith.index_cast %swap3A_1439 : i32 to index
    %swap3A_1441 = arith.constant 112 : index
    %swap3A_1442 = tpu.vector_load %arg11[%swap3A_1440, %swap3A_1441] {strides = array<i32>} : memref<32x128xf32, #tpu.memory_space<vmem>>, vector<1x16xf32>,
    %swap3A_1443 = vector.shape_cast %swap3A_1442 : vector<1x16xf32> to vector<16xf32>
    %swap3A_1444 = vector.shape_cast %broadcast_in_dim3A_5 : vector<16xf32> to vector<1x16xf32>
    tpu.vector_store %arg11[%swap3A_1440, %swap3A_1441], %swap3A_1444 {strides = array<i32>} : memref<32x128xf32, #tpu.memory_space<vmem>>, vector<1x16xf32>,
    %swap3A_1445 = arith.constant 30 : i32
    %swap3A_1446 = arith.index_cast %swap3A_1445 : i32 to index
    %swap3A_1447 = arith.constant 0 : index
    %swap3A_1448 = tpu.vector_load %arg11[%swap3A_1446, %swap3A_1447] {strides = array<i32>} : memref<32x128xf32, #tpu.memory_space<vmem>>, vector<1x16xf32>,
    %swap3A_1449 = vector.shape_cast %swap3A_1448 : vector<1x16xf32> to vector<16xf32>
    %swap3A_1450 = vector.shape_cast %broadcast_in_dim3A_5 : vector<16xf32> to vector<1x16xf32>
    tpu.vector_store %arg11[%swap3A_1446, %swap3A_1447], %swap3A_1450 {strides = array<i32>} : memref<32x128xf32, #tpu.memory_space<vmem>>, vector<1x16xf32>,
    %swap3A_1451 = arith.constant 30 : i32
    %swap3A_1452 = arith.index_cast %swap3A_1451 : i32 to index
    %swap3A_1453 = arith.constant 16 : index
    %swap3A_1454 = tpu.vector_load %arg11[%swap3A_1452, %swap3A_1453] {strides = array<i32>} : memref<32x128xf32, #tpu.memory_space<vmem>>, vector<1x16xf32>,
    %swap3A_1455 = vector.shape_cast %swap3A_1454 : vector<1x16xf32> to vector<16xf32>
    %swap3A_1456 = vector.shape_cast %broadcast_in_dim3A_5 : vector<16xf32> to vector<1x16xf32>
    tpu.vector_store %arg11[%swap3A_1452, %swap3A_1453], %swap3A_1456 {strides = array<i32>} : memref<32x128xf32, #tpu.memory_space<vmem>>, vector<1x16xf32>,
    %swap3A_1457 = arith.constant 30 : i32
    %swap3A_1458 = arith.index_cast %swap3A_1457 : i32 to index
    %swap3A_1459 = arith.constant 32 : index
    %swap3A_1460 = tpu.vector_load %arg11[%swap3A_1458, %swap3A_1459] {strides = array<i32>} : memref<32x128xf32, #tpu.memory_space<vmem>>, vector<1x16xf32>,
    %swap3A_1461 = vector.shape_cast %swap3A_1460 : vector<1x16xf32> to vector<16xf32>
    %swap3A_1462 = vector.shape_cast %broadcast_in_dim3A_5 : vector<16xf32> to vector<1x16xf32>
    tpu.vector_store %arg11[%swap3A_1458, %swap3A_1459], %swap3A_1462 {strides = array<i32>} : memref<32x128xf32, #tpu.memory_space<vmem>>, vector<1x16xf32>,
    %swap3A_1463 = arith.constant 30 : i32
    %swap3A_1464 = arith.index_cast %swap3A_1463 : i32 to index
    %swap3A_1465 = arith.constant 48 : index
    %swap3A_1466 = tpu.vector_load %arg11[%swap3A_1464, %swap3A_1465] {strides = array<i32>} : memref<32x128xf32, #tpu.memory_space<vmem>>, vector<1x16xf32>,
    %swap3A_1467 = vector.shape_cast %swap3A_1466 : vector<1x16xf32> to vector<16xf32>
    %swap3A_1468 = vector.shape_cast %broadcast_in_dim3A_5 : vector<16xf32> to vector<1x16xf32>
    tpu.vector_store %arg11[%swap3A_1464, %swap3A_1465], %swap3A_1468 {strides = array<i32>} : memref<32x128xf32, #tpu.memory_space<vmem>>, vector<1x16xf32>,
    %swap3A_1469 = arith.constant 30 : i32
    %swap3A_1470 = arith.index_cast %swap3A_1469 : i32 to index
    %swap3A_1471 = arith.constant 64 : index
    %swap3A_1472 = tpu.vector_load %arg11[%swap3A_1470, %swap3A_1471] {strides = array<i32>} : memref<32x128xf32, #tpu.memory_space<vmem>>, vector<1x16xf32>,
    %swap3A_1473 = vector.shape_cast %swap3A_1472 : vector<1x16xf32> to vector<16xf32>
    %swap3A_1474 = vector.shape_cast %broadcast_in_dim3A_5 : vector<16xf32> to vector<1x16xf32>
    tpu.vector_store %arg11[%swap3A_1470, %swap3A_1471], %swap3A_1474 {strides = array<i32>} : memref<32x128xf32, #tpu.memory_space<vmem>>, vector<1x16xf32>,
    %swap3A_1475 = arith.constant 30 : i32
    %swap3A_1476 = arith.index_cast %swap3A_1475 : i32 to index
    %swap3A_1477 = arith.constant 80 : index
    %swap3A_1478 = tpu.vector_load %arg11[%swap3A_1476, %swap3A_1477] {strides = array<i32>} : memref<32x128xf32, #tpu.memory_space<vmem>>, vector<1x16xf32>,
    %swap3A_1479 = vector.shape_cast %swap3A_1478 : vector<1x16xf32> to vector<16xf32>
    %swap3A_1480 = vector.shape_cast %broadcast_in_dim3A_5 : vector<16xf32> to vector<1x16xf32>
    tpu.vector_store %arg11[%swap3A_1476, %swap3A_1477], %swap3A_1480 {strides = array<i32>} : memref<32x128xf32, #tpu.memory_space<vmem>>, vector<1x16xf32>,
    %swap3A_1481 = arith.constant 30 : i32
    %swap3A_1482 = arith.index_cast %swap3A_1481 : i32 to index
    %swap3A_1483 = arith.constant 96 : index
    %swap3A_1484 = tpu.vector_load %arg11[%swap3A_1482, %swap3A_1483] {strides = array<i32>} : memref<32x128xf32, #tpu.memory_space<vmem>>, vector<1x16xf32>,
    %swap3A_1485 = vector.shape_cast %swap3A_1484 : vector<1x16xf32> to vector<16xf32>
    %swap3A_1486 = vector.shape_cast %broadcast_in_dim3A_5 : vector<16xf32> to vector<1x16xf32>
    tpu.vector_store %arg11[%swap3A_1482, %swap3A_1483], %swap3A_1486 {strides = array<i32>} : memref<32x128xf32, #tpu.memory_space<vmem>>, vector<1x16xf32>,
    %swap3A_1487 = arith.constant 30 : i32
    %swap3A_1488 = arith.index_cast %swap3A_1487 : i32 to index
    %swap3A_1489 = arith.constant 112 : index
    %swap3A_1490 = tpu.vector_load %arg11[%swap3A_1488, %swap3A_1489] {strides = array<i32>} : memref<32x128xf32, #tpu.memory_space<vmem>>, vector<1x16xf32>,
    %swap3A_1491 = vector.shape_cast %swap3A_1490 : vector<1x16xf32> to vector<16xf32>
    %swap3A_1492 = vector.shape_cast %broadcast_in_dim3A_5 : vector<16xf32> to vector<1x16xf32>
    tpu.vector_store %arg11[%swap3A_1488, %swap3A_1489], %swap3A_1492 {strides = array<i32>} : memref<32x128xf32, #tpu.memory_space<vmem>>, vector<1x16xf32>,
    %swap3A_1493 = arith.constant 31 : i32
    %swap3A_1494 = arith.index_cast %swap3A_1493 : i32 to index
    %swap3A_1495 = arith.constant 0 : index
    %swap3A_1496 = tpu.vector_load %arg11[%swap3A_1494, %swap3A_1495] {strides = array<i32>} : memref<32x128xf32, #tpu.memory_space<vmem>>, vector<1x16xf32>,
    %swap3A_1497 = vector.shape_cast %swap3A_1496 : vector<1x16xf32> to vector<16xf32>
    %swap3A_1498 = vector.shape_cast %broadcast_in_dim3A_5 : vector<16xf32> to vector<1x16xf32>
    tpu.vector_store %arg11[%swap3A_1494, %swap3A_1495], %swap3A_1498 {strides = array<i32>} : memref<32x128xf32, #tpu.memory_space<vmem>>, vector<1x16xf32>,
    %swap3A_1499 = arith.constant 31 : i32
    %swap3A_1500 = arith.index_cast %swap3A_1499 : i32 to index
    %swap3A_1501 = arith.constant 16 : index
    %swap3A_1502 = tpu.vector_load %arg11[%swap3A_1500, %swap3A_1501] {strides = array<i32>} : memref<32x128xf32, #tpu.memory_space<vmem>>, vector<1x16xf32>,
    %swap3A_1503 = vector.shape_cast %swap3A_1502 : vector<1x16xf32> to vector<16xf32>
    %swap3A_1504 = vector.shape_cast %broadcast_in_dim3A_5 : vector<16xf32> to vector<1x16xf32>
    tpu.vector_store %arg11[%swap3A_1500, %swap3A_1501], %swap3A_1504 {strides = array<i32>} : memref<32x128xf32, #tpu.memory_space<vmem>>, vector<1x16xf32>,
    %swap3A_1505 = arith.constant 31 : i32
    %swap3A_1506 = arith.index_cast %swap3A_1505 : i32 to index
    %swap3A_1507 = arith.constant 32 : index
    %swap3A_1508 = tpu.vector_load %arg11[%swap3A_1506, %swap3A_1507] {strides = array<i32>} : memref<32x128xf32, #tpu.memory_space<vmem>>, vector<1x16xf32>,
    %swap3A_1509 = vector.shape_cast %swap3A_1508 : vector<1x16xf32> to vector<16xf32>
    %swap3A_1510 = vector.shape_cast %broadcast_in_dim3A_5 : vector<16xf32> to vector<1x16xf32>
    tpu.vector_store %arg11[%swap3A_1506, %swap3A_1507], %swap3A_1510 {strides = array<i32>} : memref<32x128xf32, #tpu.memory_space<vmem>>, vector<1x16xf32>,
    %swap3A_1511 = arith.constant 31 : i32
    %swap3A_1512 = arith.index_cast %swap3A_1511 : i32 to index
    %swap3A_1513 = arith.constant 48 : index
    %swap3A_1514 = tpu.vector_load %arg11[%swap3A_1512, %swap3A_1513] {strides = array<i32>} : memref<32x128xf32, #tpu.memory_space<vmem>>, vector<1x16xf32>,
    %swap3A_1515 = vector.shape_cast %swap3A_1514 : vector<1x16xf32> to vector<16xf32>
    %swap3A_1516 = vector.shape_cast %broadcast_in_dim3A_5 : vector<16xf32> to vector<1x16xf32>
    tpu.vector_store %arg11[%swap3A_1512, %swap3A_1513], %swap3A_1516 {strides = array<i32>} : memref<32x128xf32, #tpu.memory_space<vmem>>, vector<1x16xf32>,
    %swap3A_1517 = arith.constant 31 : i32
    %swap3A_1518 = arith.index_cast %swap3A_1517 : i32 to index
    %swap3A_1519 = arith.constant 64 : index
    %swap3A_1520 = tpu.vector_load %arg11[%swap3A_1518, %swap3A_1519] {strides = array<i32>} : memref<32x128xf32, #tpu.memory_space<vmem>>, vector<1x16xf32>,
    %swap3A_1521 = vector.shape_cast %swap3A_1520 : vector<1x16xf32> to vector<16xf32>
    %swap3A_1522 = vector.shape_cast %broadcast_in_dim3A_5 : vector<16xf32> to vector<1x16xf32>
    tpu.vector_store %arg11[%swap3A_1518, %swap3A_1519], %swap3A_1522 {strides = array<i32>} : memref<32x128xf32, #tpu.memory_space<vmem>>, vector<1x16xf32>,
    %swap3A_1523 = arith.constant 31 : i32
    %swap3A_1524 = arith.index_cast %swap3A_1523 : i32 to index
    %swap3A_1525 = arith.constant 80 : index
    %swap3A_1526 = tpu.vector_load %arg11[%swap3A_1524, %swap3A_1525] {strides = array<i32>} : memref<32x128xf32, #tpu.memory_space<vmem>>, vector<1x16xf32>,
    %swap3A_1527 = vector.shape_cast %swap3A_1526 : vector<1x16xf32> to vector<16xf32>
    %swap3A_1528 = vector.shape_cast %broadcast_in_dim3A_5 : vector<16xf32> to vector<1x16xf32>
    tpu.vector_store %arg11[%swap3A_1524, %swap3A_1525], %swap3A_1528 {strides = array<i32>} : memref<32x128xf32, #tpu.memory_space<vmem>>, vector<1x16xf32>,
    %swap3A_1529 = arith.constant 31 : i32
    %swap3A_1530 = arith.index_cast %swap3A_1529 : i32 to index
    %swap3A_1531 = arith.constant 96 : index
    %swap3A_1532 = tpu.vector_load %arg11[%swap3A_1530, %swap3A_1531] {strides = array<i32>} : memref<32x128xf32, #tpu.memory_space<vmem>>, vector<1x16xf32>,
    %swap3A_1533 = vector.shape_cast %swap3A_1532 : vector<1x16xf32> to vector<16xf32>
    %swap3A_1534 = vector.shape_cast %broadcast_in_dim3A_5 : vector<16xf32> to vector<1x16xf32>
    tpu.vector_store %arg11[%swap3A_1530, %swap3A_1531], %swap3A_1534 {strides = array<i32>} : memref<32x128xf32, #tpu.memory_space<vmem>>, vector<1x16xf32>,
    %swap3A_1535 = arith.constant 31 : i32
    %swap3A_1536 = arith.index_cast %swap3A_1535 : i32 to index
    %swap3A_1537 = arith.constant 112 : index
    %swap3A_1538 = tpu.vector_load %arg11[%swap3A_1536, %swap3A_1537] {strides = array<i32>} : memref<32x128xf32, #tpu.memory_space<vmem>>, vector<1x16xf32>,
    %swap3A_1539 = vector.shape_cast %swap3A_1538 : vector<1x16xf32> to vector<16xf32>
    %swap3A_1540 = vector.shape_cast %broadcast_in_dim3A_5 : vector<16xf32> to vector<1x16xf32>
    tpu.vector_store %arg11[%swap3A_1536, %swap3A_1537], %swap3A_1540 {strides = array<i32>} : memref<32x128xf32, #tpu.memory_space<vmem>>, vector<1x16xf32>,
    %scan3A = arith.constant 0 : i32
    %scan3A_1541 = arith.constant 0 : i32
    %scan3A_1542 = arith.constant 20 : i32
    %scan3A_1543 = arith.addi %scan3A_1541, %scan3A_1542 : i32
    %scan3A_1544 = arith.constant 1 : i32
    scf.for %scan3A_1557 = %scan3A_1541 to %scan3A_1543 step %scan3A_1544  : i32 {
      %mul3A_1558 = arith.constant 640 : i32
      %mul3A_1559 = arith.muli %arg1, %mul3A_1558 : i32
      %mul3A_1560 = arith.constant 32 : i32
      %mul3A_1561 = arith.muli %scan3A_1557, %mul3A_1560 : i32
      %add3A_1562 = arith.addi %mul3A_1559, %mul3A_1561 : i32
      "tpu.region"() ({
        %run_scoped3A = tpu.sem_alloc : memref<!tpu.dma_semaphore, #tpu.memory_space<semaphore_mem>>
        %dma_start3A = arith.constant 0 : i32
        %dma_start3A_1563 = tpu.memref_slice %arg12[%add3A_1562, %dma_start3A] : memref<10240x128xf32, #tpu.memory_space<vmem_shared>> -> memref<32x128xf32, #tpu.memory_space<vmem_shared>>
        %dma_start3A_1564 = arith.constant 0 : i32
        %dma_start3A_1565 = tpu.memref_slice %arg12[%add3A_1562, %dma_start3A_1564] : memref<10240x128xf32, #tpu.memory_space<vmem_shared>> -> memref<32x128xf32, #tpu.memory_space<vmem_shared>>
        tpu.enqueue_dma source(%arg11 : memref<32x128xf32, #tpu.memory_space<vmem>>) target(%dma_start3A_1565 : memref<32x128xf32, #tpu.memory_space<vmem_shared>>) target_semaphore(%run_scoped3A : memref<!tpu.dma_semaphore, #tpu.memory_space<semaphore_mem>>)
        %dma_wait3A = arith.constant 0 : i32
        %dma_wait3A_1566 = tpu.memref_slice %arg12[%add3A_1562, %dma_wait3A] : memref<10240x128xf32, #tpu.memory_space<vmem_shared>> -> memref<32x128xf32, #tpu.memory_space<vmem_shared>>
        %dma_wait3A_1567 = arith.constant 0 : i32
        %dma_wait3A_1568 = tpu.memref_slice %arg12[%add3A_1562, %dma_wait3A_1567] : memref<10240x128xf32, #tpu.memory_space<vmem_shared>> -> memref<32x128xf32, #tpu.memory_space<vmem_shared>>
        tpu.wait_dma2 semaphore(%run_scoped3A : memref<!tpu.dma_semaphore, #tpu.memory_space<semaphore_mem>>) src(%arg11 : memref<32x128xf32, #tpu.memory_space<vmem>>) dst(%dma_wait3A_1568 : memref<32x128xf32, #tpu.memory_space<vmem_shared>>)
        tpu.yield
      }) : () -> ()
    }
    %scan3A_1545 = arith.constant 20 : i32
    %barrier3A = arith.constant 0 : index
    tpu.barrier barrier_id(%barrier3A)
    %scan3A_1546 = arith.constant 0 : i32
    %scan3A_1547 = arith.constant 0 : i32
    %scan3A_1548 = arith.constant 80 : i32
    %scan3A_1549 = arith.addi %scan3A_1547, %scan3A_1548 : i32
    %scan3A_1550 = arith.constant 1 : i32
    scf.for %scan3A_1557 = %scan3A_1547 to %scan3A_1549 step %scan3A_1550  : i32 {
      %mul3A_1558 = arith.constant 80 : i32
      %mul3A_1559 = arith.muli %add3A, %mul3A_1558 : i32
      %add3A_1560 = arith.addi %mul3A_1559, %scan3A_1557 : i32
      %dma_start3A = arith.constant 0 : i32
      %dma_start3A_1561 = arith.constant 0 : i32
      %dma_start3A_1562 = tpu.memref_slice %arg5[%add3A_1560, %dma_start3A, %dma_start3A_1561] : memref<2560x128x16xf32, #tpu.memory_space<hbm>> -> memref<1x128x16xf32, #tpu.memory_space<hbm>>
      %dma_start3A_1563 = tpu.memref_squeeze %dma_start3A_1562 : memref<1x128x16xf32, #tpu.memory_space<hbm>> -> memref<128x16xf32, #tpu.memory_space<hbm>>
      %dma_start3A_1564 = arith.constant 0 : i32
      %dma_start3A_1565 = arith.constant 0 : i32
      %dma_start3A_1566 = tpu.memref_slice %arg5[%add3A_1560, %dma_start3A_1564, %dma_start3A_1565] : memref<2560x128x16xf32, #tpu.memory_space<hbm>> -> memref<1x128x16xf32, #tpu.memory_space<hbm>>
      %dma_start3A_1567 = tpu.memref_squeeze %dma_start3A_1566 : memref<1x128x16xf32, #tpu.memory_space<hbm>> -> memref<128x16xf32, #tpu.memory_space<hbm>>
      tpu.enqueue_dma source(%dma_start3A_1567 : memref<128x16xf32, #tpu.memory_space<hbm>>) target(%arg9 : memref<128x16xf32, #tpu.memory_space<vmem>>) target_semaphore(%arg13 : memref<!tpu.dma_semaphore, #tpu.memory_space<semaphore_mem>>)
      %dma_start3A_1568 = arith.constant 0 : i32
      %dma_start3A_1569 = tpu.memref_slice %arg7[%scan3A_1557, %dma_start3A_1568] : memref<80x128xi32, #tpu.memory_space<vmem>> -> memref<1x128xi32, #tpu.memory_space<vmem>>
      %dma_start3A_1570 = tpu.memref_squeeze %dma_start3A_1569 : memref<1x128xi32, #tpu.memory_space<vmem>> -> memref<128xi32, #tpu.memory_space<vmem>>
      %dma_start3A_1571 = arith.constant 0 : i32
      %dma_start3A_1572 = arith.constant 0 : i32
      %dma_start3A_1573 = tpu.memref_slice %arg2[%dma_start3A_1571, %dma_start3A_1572] : memref<10240x128xf32, #tpu.memory_space<hbm>> -> memref<10240x128xf32, #tpu.memory_space<hbm>>
      tpu.enqueue_indirect_dma source(%dma_start3A_1573 : memref<10240x128xf32, #tpu.memory_space<hbm>>) target(%arg10 : memref<128x128xf32, #tpu.memory_space<vmem>>) offsets(%dma_start3A_1570 : memref<128xi32, #tpu.memory_space<vmem>>) semaphore(%arg13 : memref<!tpu.dma_semaphore, #tpu.memory_space<semaphore_mem>>)
      %dma_wait3A = arith.constant 0 : i32
      %dma_wait3A_1574 = arith.constant 0 : i32
      %dma_wait3A_1575 = tpu.memref_slice %arg5[%add3A_1560, %dma_wait3A, %dma_wait3A_1574] : memref<2560x128x16xf32, #tpu.memory_space<hbm>> -> memref<1x128x16xf32, #tpu.memory_space<hbm>>
      %dma_wait3A_1576 = tpu.memref_squeeze %dma_wait3A_1575 : memref<1x128x16xf32, #tpu.memory_space<hbm>> -> memref<128x16xf32, #tpu.memory_space<hbm>>
      %dma_wait3A_1577 = arith.constant 0 : i32
      %dma_wait3A_1578 = arith.constant 0 : i32
      %dma_wait3A_1579 = tpu.memref_slice %arg5[%add3A_1560, %dma_wait3A_1577, %dma_wait3A_1578] : memref<2560x128x16xf32, #tpu.memory_space<hbm>> -> memref<1x128x16xf32, #tpu.memory_space<hbm>>
      %dma_wait3A_1580 = tpu.memref_squeeze %dma_wait3A_1579 : memref<1x128x16xf32, #tpu.memory_space<hbm>> -> memref<128x16xf32, #tpu.memory_space<hbm>>
      tpu.wait_dma2 semaphore(%arg13 : memref<!tpu.dma_semaphore, #tpu.memory_space<semaphore_mem>>) src(%dma_wait3A_1580 : memref<128x16xf32, #tpu.memory_space<hbm>>) dst(%arg9 : memref<128x16xf32, #tpu.memory_space<vmem>>)
      %dma_wait3A_1581 = arith.constant 0 : i32
      %dma_wait3A_1582 = tpu.memref_slice %arg7[%scan3A_1557, %dma_wait3A_1581] : memref<80x128xi32, #tpu.memory_space<vmem>> -> memref<1x128xi32, #tpu.memory_space<vmem>>
      %dma_wait3A_1583 = tpu.memref_squeeze %dma_wait3A_1582 : memref<1x128xi32, #tpu.memory_space<vmem>> -> memref<128xi32, #tpu.memory_space<vmem>>
      %dma_wait3A_1584 = arith.constant 0 : i32
      %dma_wait3A_1585 = arith.constant 0 : i32
      %dma_wait3A_1586 = tpu.memref_slice %arg2[%dma_wait3A_1584, %dma_wait3A_1585] : memref<10240x128xf32, #tpu.memory_space<hbm>> -> memref<10240x128xf32, #tpu.memory_space<hbm>>
      tpu.wait_indirect_dma semaphore(%arg13 : memref<!tpu.dma_semaphore, #tpu.memory_space<semaphore_mem>>) src(%dma_wait3A_1586 : memref<10240x128xf32, #tpu.memory_space<hbm>>) dst(%arg10 : memref<128x128xf32, #tpu.memory_space<vmem>>)
      %scan3A_1587 = arith.constant 0 : i32
      %scan3A_1588 = arith.constant 0 : i32
      %scan3A_1589 = arith.constant 128 : i32
      %scan3A_1590 = arith.addi %scan3A_1588, %scan3A_1589 : i32
      %scan3A_1591 = arith.constant 1 : i32
      scf.for %scan3A_1593 = %scan3A_1588 to %scan3A_1590 step %scan3A_1591  : i32 {
        %get3A = arith.index_cast %scan3A_1593 : i32 to index
        %get3A_1594 = arith.constant 0 : index
        %get3A_1595 = tpu.vector_load %arg9[%get3A, %get3A_1594] {strides = array<i32>} : memref<128x16xf32, #tpu.memory_space<vmem>>, vector<1x16xf32>,
        %get3A_1596 = vector.shape_cast %get3A_1595 : vector<1x16xf32> to vector<16xf32>
        %get3A_1597 = arith.index_cast %scan3A_1593 : i32 to index
        %get3A_1598 = arith.constant 0 : index
        %get3A_1599 = tpu.vector_load %arg10[%get3A_1597, %get3A_1598] {strides = array<i32>} : memref<128x128xf32, #tpu.memory_space<vmem>>, vector<1x16xf32>,
        %get3A_1600 = vector.shape_cast %get3A_1599 : vector<1x16xf32> to vector<16xf32>
        %mul3A_1601 = arith.mulf %get3A_1600, %get3A_1596 : vector<16xf32>
        %swap3A_1602 = arith.index_cast %scan3A_1593 : i32 to index
        %swap3A_1603 = arith.constant 0 : index
        %swap3A_1604 = tpu.vector_load %arg10[%swap3A_1602, %swap3A_1603] {strides = array<i32>} : memref<128x128xf32, #tpu.memory_space<vmem>>, vector<1x16xf32>,
        %swap3A_1605 = vector.shape_cast %swap3A_1604 : vector<1x16xf32> to vector<16xf32>
        %swap3A_1606 = vector.shape_cast %mul3A_1601 : vector<16xf32> to vector<1x16xf32>
        tpu.vector_store %arg10[%swap3A_1602, %swap3A_1603], %swap3A_1606 {strides = array<i32>} : memref<128x128xf32, #tpu.memory_space<vmem>>, vector<1x16xf32>,
        %get3A_1607 = arith.index_cast %scan3A_1593 : i32 to index
        %get3A_1608 = arith.constant 16 : index
        %get3A_1609 = tpu.vector_load %arg10[%get3A_1607, %get3A_1608] {strides = array<i32>} : memref<128x128xf32, #tpu.memory_space<vmem>>, vector<1x16xf32>,
        %get3A_1610 = vector.shape_cast %get3A_1609 : vector<1x16xf32> to vector<16xf32>
        %mul3A_1611 = arith.mulf %get3A_1610, %get3A_1596 : vector<16xf32>
        %swap3A_1612 = arith.index_cast %scan3A_1593 : i32 to index
        %swap3A_1613 = arith.constant 16 : index
        %swap3A_1614 = tpu.vector_load %arg10[%swap3A_1612, %swap3A_1613] {strides = array<i32>} : memref<128x128xf32, #tpu.memory_space<vmem>>, vector<1x16xf32>,
        %swap3A_1615 = vector.shape_cast %swap3A_1614 : vector<1x16xf32> to vector<16xf32>
        %swap3A_1616 = vector.shape_cast %mul3A_1611 : vector<16xf32> to vector<1x16xf32>
        tpu.vector_store %arg10[%swap3A_1612, %swap3A_1613], %swap3A_1616 {strides = array<i32>} : memref<128x128xf32, #tpu.memory_space<vmem>>, vector<1x16xf32>,
        %get3A_1617 = arith.index_cast %scan3A_1593 : i32 to index
        %get3A_1618 = arith.constant 32 : index
        %get3A_1619 = tpu.vector_load %arg10[%get3A_1617, %get3A_1618] {strides = array<i32>} : memref<128x128xf32, #tpu.memory_space<vmem>>, vector<1x16xf32>,
        %get3A_1620 = vector.shape_cast %get3A_1619 : vector<1x16xf32> to vector<16xf32>
        %mul3A_1621 = arith.mulf %get3A_1620, %get3A_1596 : vector<16xf32>
        %swap3A_1622 = arith.index_cast %scan3A_1593 : i32 to index
        %swap3A_1623 = arith.constant 32 : index
        %swap3A_1624 = tpu.vector_load %arg10[%swap3A_1622, %swap3A_1623] {strides = array<i32>} : memref<128x128xf32, #tpu.memory_space<vmem>>, vector<1x16xf32>,
        %swap3A_1625 = vector.shape_cast %swap3A_1624 : vector<1x16xf32> to vector<16xf32>
        %swap3A_1626 = vector.shape_cast %mul3A_1621 : vector<16xf32> to vector<1x16xf32>
        tpu.vector_store %arg10[%swap3A_1622, %swap3A_1623], %swap3A_1626 {strides = array<i32>} : memref<128x128xf32, #tpu.memory_space<vmem>>, vector<1x16xf32>,
        %get3A_1627 = arith.index_cast %scan3A_1593 : i32 to index
        %get3A_1628 = arith.constant 48 : index
        %get3A_1629 = tpu.vector_load %arg10[%get3A_1627, %get3A_1628] {strides = array<i32>} : memref<128x128xf32, #tpu.memory_space<vmem>>, vector<1x16xf32>,
        %get3A_1630 = vector.shape_cast %get3A_1629 : vector<1x16xf32> to vector<16xf32>
        %mul3A_1631 = arith.mulf %get3A_1630, %get3A_1596 : vector<16xf32>
        %swap3A_1632 = arith.index_cast %scan3A_1593 : i32 to index
        %swap3A_1633 = arith.constant 48 : index
        %swap3A_1634 = tpu.vector_load %arg10[%swap3A_1632, %swap3A_1633] {strides = array<i32>} : memref<128x128xf32, #tpu.memory_space<vmem>>, vector<1x16xf32>,
        %swap3A_1635 = vector.shape_cast %swap3A_1634 : vector<1x16xf32> to vector<16xf32>
        %swap3A_1636 = vector.shape_cast %mul3A_1631 : vector<16xf32> to vector<1x16xf32>
        tpu.vector_store %arg10[%swap3A_1632, %swap3A_1633], %swap3A_1636 {strides = array<i32>} : memref<128x128xf32, #tpu.memory_space<vmem>>, vector<1x16xf32>,
        %get3A_1637 = arith.index_cast %scan3A_1593 : i32 to index
        %get3A_1638 = arith.constant 64 : index
        %get3A_1639 = tpu.vector_load %arg10[%get3A_1637, %get3A_1638] {strides = array<i32>} : memref<128x128xf32, #tpu.memory_space<vmem>>, vector<1x16xf32>,
        %get3A_1640 = vector.shape_cast %get3A_1639 : vector<1x16xf32> to vector<16xf32>
        %mul3A_1641 = arith.mulf %get3A_1640, %get3A_1596 : vector<16xf32>
        %swap3A_1642 = arith.index_cast %scan3A_1593 : i32 to index
        %swap3A_1643 = arith.constant 64 : index
        %swap3A_1644 = tpu.vector_load %arg10[%swap3A_1642, %swap3A_1643] {strides = array<i32>} : memref<128x128xf32, #tpu.memory_space<vmem>>, vector<1x16xf32>,
        %swap3A_1645 = vector.shape_cast %swap3A_1644 : vector<1x16xf32> to vector<16xf32>
        %swap3A_1646 = vector.shape_cast %mul3A_1641 : vector<16xf32> to vector<1x16xf32>
        tpu.vector_store %arg10[%swap3A_1642, %swap3A_1643], %swap3A_1646 {strides = array<i32>} : memref<128x128xf32, #tpu.memory_space<vmem>>, vector<1x16xf32>,
        %get3A_1647 = arith.index_cast %scan3A_1593 : i32 to index
        %get3A_1648 = arith.constant 80 : index
        %get3A_1649 = tpu.vector_load %arg10[%get3A_1647, %get3A_1648] {strides = array<i32>} : memref<128x128xf32, #tpu.memory_space<vmem>>, vector<1x16xf32>,
        %get3A_1650 = vector.shape_cast %get3A_1649 : vector<1x16xf32> to vector<16xf32>
        %mul3A_1651 = arith.mulf %get3A_1650, %get3A_1596 : vector<16xf32>
        %swap3A_1652 = arith.index_cast %scan3A_1593 : i32 to index
        %swap3A_1653 = arith.constant 80 : index
        %swap3A_1654 = tpu.vector_load %arg10[%swap3A_1652, %swap3A_1653] {strides = array<i32>} : memref<128x128xf32, #tpu.memory_space<vmem>>, vector<1x16xf32>,
        %swap3A_1655 = vector.shape_cast %swap3A_1654 : vector<1x16xf32> to vector<16xf32>
        %swap3A_1656 = vector.shape_cast %mul3A_1651 : vector<16xf32> to vector<1x16xf32>
        tpu.vector_store %arg10[%swap3A_1652, %swap3A_1653], %swap3A_1656 {strides = array<i32>} : memref<128x128xf32, #tpu.memory_space<vmem>>, vector<1x16xf32>,
        %get3A_1657 = arith.index_cast %scan3A_1593 : i32 to index
        %get3A_1658 = arith.constant 96 : index
        %get3A_1659 = tpu.vector_load %arg10[%get3A_1657, %get3A_1658] {strides = array<i32>} : memref<128x128xf32, #tpu.memory_space<vmem>>, vector<1x16xf32>,
        %get3A_1660 = vector.shape_cast %get3A_1659 : vector<1x16xf32> to vector<16xf32>
        %mul3A_1661 = arith.mulf %get3A_1660, %get3A_1596 : vector<16xf32>
        %swap3A_1662 = arith.index_cast %scan3A_1593 : i32 to index
        %swap3A_1663 = arith.constant 96 : index
        %swap3A_1664 = tpu.vector_load %arg10[%swap3A_1662, %swap3A_1663] {strides = array<i32>} : memref<128x128xf32, #tpu.memory_space<vmem>>, vector<1x16xf32>,
        %swap3A_1665 = vector.shape_cast %swap3A_1664 : vector<1x16xf32> to vector<16xf32>
        %swap3A_1666 = vector.shape_cast %mul3A_1661 : vector<16xf32> to vector<1x16xf32>
        tpu.vector_store %arg10[%swap3A_1662, %swap3A_1663], %swap3A_1666 {strides = array<i32>} : memref<128x128xf32, #tpu.memory_space<vmem>>, vector<1x16xf32>,
        %get3A_1667 = arith.index_cast %scan3A_1593 : i32 to index
        %get3A_1668 = arith.constant 112 : index
        %get3A_1669 = tpu.vector_load %arg10[%get3A_1667, %get3A_1668] {strides = array<i32>} : memref<128x128xf32, #tpu.memory_space<vmem>>, vector<1x16xf32>,
        %get3A_1670 = vector.shape_cast %get3A_1669 : vector<1x16xf32> to vector<16xf32>
        %mul3A_1671 = arith.mulf %get3A_1670, %get3A_1596 : vector<16xf32>
        %swap3A_1672 = arith.index_cast %scan3A_1593 : i32 to index
        %swap3A_1673 = arith.constant 112 : index
        %swap3A_1674 = tpu.vector_load %arg10[%swap3A_1672, %swap3A_1673] {strides = array<i32>} : memref<128x128xf32, #tpu.memory_space<vmem>>, vector<1x16xf32>,
        %swap3A_1675 = vector.shape_cast %swap3A_1674 : vector<1x16xf32> to vector<16xf32>
        %swap3A_1676 = vector.shape_cast %mul3A_1671 : vector<16xf32> to vector<1x16xf32>
        tpu.vector_store %arg10[%swap3A_1672, %swap3A_1673], %swap3A_1676 {strides = array<i32>} : memref<128x128xf32, #tpu.memory_space<vmem>>, vector<1x16xf32>,
      }
      %scan3A_1592 = arith.constant 128 : i32
      "tpu.region"() ({
        %run_scoped3A = tpu.sem_alloc : memref<!tpu.dma_semaphore, #tpu.memory_space<semaphore_mem>>
        %dma_start3A_1593 = arith.constant 0 : i32
        %dma_start3A_1594 = tpu.memref_slice %arg8[%scan3A_1557, %dma_start3A_1593] : memref<80x128xi32, #tpu.memory_space<vmem>> -> memref<1x128xi32, #tpu.memory_space<vmem>>
        %dma_start3A_1595 = tpu.memref_squeeze %dma_start3A_1594 : memref<1x128xi32, #tpu.memory_space<vmem>> -> memref<128xi32, #tpu.memory_space<vmem>>
        %dma_start3A_1596 = arith.constant 0 : i32
        %dma_start3A_1597 = arith.constant 0 : i32
        %dma_start3A_1598 = tpu.memref_slice %arg12[%dma_start3A_1596, %dma_start3A_1597] : memref<10240x128xf32, #tpu.memory_space<vmem_shared>> -> memref<10240x128xf32, #tpu.memory_space<vmem_shared>>
        tpu.enqueue_indirect_dma source(%arg10 : memref<128x128xf32, #tpu.memory_space<vmem>>) target(%dma_start3A_1598 : memref<10240x128xf32, #tpu.memory_space<vmem_shared>>) offsets(%dma_start3A_1595 : memref<128xi32, #tpu.memory_space<vmem>>) semaphore(%run_scoped3A : memref<!tpu.dma_semaphore, #tpu.memory_space<semaphore_mem>>) {add = true}
        %dma_wait3A_1599 = arith.constant 0 : i32
        %dma_wait3A_1600 = tpu.memref_slice %arg8[%scan3A_1557, %dma_wait3A_1599] : memref<80x128xi32, #tpu.memory_space<vmem>> -> memref<1x128xi32, #tpu.memory_space<vmem>>
        %dma_wait3A_1601 = tpu.memref_squeeze %dma_wait3A_1600 : memref<1x128xi32, #tpu.memory_space<vmem>> -> memref<128xi32, #tpu.memory_space<vmem>>
        %dma_wait3A_1602 = arith.constant 0 : i32
        %dma_wait3A_1603 = arith.constant 0 : i32
        %dma_wait3A_1604 = tpu.memref_slice %arg12[%dma_wait3A_1602, %dma_wait3A_1603] : memref<10240x128xf32, #tpu.memory_space<vmem_shared>> -> memref<10240x128xf32, #tpu.memory_space<vmem_shared>>
        tpu.wait_indirect_dma semaphore(%run_scoped3A : memref<!tpu.dma_semaphore, #tpu.memory_space<semaphore_mem>>) src(%arg10 : memref<128x128xf32, #tpu.memory_space<vmem>>) dst(%dma_wait3A_1604 : memref<10240x128xf32, #tpu.memory_space<vmem_shared>>)
        tpu.yield
      }) : () -> ()
    }
    %scan3A_1551 = arith.constant 80 : i32
    %barrier3A_1552 = arith.constant 0 : index
    tpu.barrier barrier_id(%barrier3A_1552)
    %mul3A_1553 = arith.constant 640 : i32
    %mul3A_1554 = arith.muli %arg1, %mul3A_1553 : i32
    %mul3A_1555 = arith.constant 640 : i32
    %mul3A_1556 = arith.muli %arg1, %mul3A_1555 : i32
    "tpu.region"() ({
      %run_scoped3A = tpu.sem_alloc : memref<!tpu.dma_semaphore, #tpu.memory_space<semaphore_mem>>
      %dma_start3A = arith.constant 0 : i32
      %dma_start3A_1557 = tpu.memref_slice %arg6[%arg0, %mul3A_1556, %dma_start3A] : memref<2x10240x128xf32, #tpu.memory_space<hbm>> -> memref<1x640x128xf32, #tpu.memory_space<hbm>>
      %dma_start3A_1558 = tpu.memref_squeeze %dma_start3A_1557 : memref<1x640x128xf32, #tpu.memory_space<hbm>> -> memref<640x128xf32, #tpu.memory_space<hbm>>
      %dma_start3A_1559 = arith.constant 0 : i32
      %dma_start3A_1560 = tpu.memref_slice %arg12[%mul3A_1554, %dma_start3A_1559] : memref<10240x128xf32, #tpu.memory_space<vmem_shared>> -> memref<640x128xf32, #tpu.memory_space<vmem_shared>>
      tpu.enqueue_dma source(%dma_start3A_1560 : memref<640x128xf32, #tpu.memory_space<vmem_shared>>) target(%dma_start3A_1558 : memref<640x128xf32, #tpu.memory_space<hbm>>) target_semaphore(%run_scoped3A : memref<!tpu.dma_semaphore, #tpu.memory_space<semaphore_mem>>)
      %dma_wait3A = arith.constant 0 : i32
      %dma_wait3A_1561 = tpu.memref_slice %arg6[%arg0, %mul3A_1556, %dma_wait3A] : memref<2x10240x128xf32, #tpu.memory_space<hbm>> -> memref<1x640x128xf32, #tpu.memory_space<hbm>>
      %dma_wait3A_1562 = tpu.memref_squeeze %dma_wait3A_1561 : memref<1x640x128xf32, #tpu.memory_space<hbm>> -> memref<640x128xf32, #tpu.memory_space<hbm>>
      %dma_wait3A_1563 = arith.constant 0 : i32
      %dma_wait3A_1564 = tpu.memref_slice %arg12[%mul3A_1554, %dma_wait3A_1563] : memref<10240x128xf32, #tpu.memory_space<vmem_shared>> -> memref<640x128xf32, #tpu.memory_space<vmem_shared>>
      tpu.wait_dma2 semaphore(%run_scoped3A : memref<!tpu.dma_semaphore, #tpu.memory_space<semaphore_mem>>) src(%dma_wait3A_1564 : memref<640x128xf32, #tpu.memory_space<vmem_shared>>) dst(%dma_wait3A_1562 : memref<640x128xf32, #tpu.memory_space<hbm>>)
      tpu.yield
    }) : () -> ()
    return
  }
}

#map = affine_map<(d0, d1) -> (0, 0)>
#map1 = affine_map<(d0, d1) -> (0, 0, 0)>
module attributes {stable_mosaic.version = 14 : i64} {
  func.func @_spmm_sc_body(%arg0: i32, %arg1: i32, %arg2: memref<10240x48xf32, #tpu.memory_space<hbm>>, %arg3: memref<2560x128xi32, #tpu.memory_space<hbm>>, %arg4: memref<2560x128xi32, #tpu.memory_space<hbm>>, %arg5: memref<2560x128x16xf32, #tpu.memory_space<hbm>>, %arg6: memref<2x10240x48xf32, #tpu.memory_space<hbm>>, %arg7: memref<80x128xi32, #tpu.memory_space<vmem>>, %arg8: memref<80x128xi32, #tpu.memory_space<vmem>>, %arg9: memref<128x16xf32, #tpu.memory_space<vmem>>, %arg10: memref<128x48xf32, #tpu.memory_space<vmem>>, %arg11: memref<32x48xf32, #tpu.memory_space<vmem>>, %arg12: memref<10240x48xf32, #tpu.memory_space<vmem_shared>>, %arg13: memref<!tpu.dma_semaphore, #tpu.memory_space<semaphore_mem>>) attributes {dimension_semantics = [#tpu.dimension_semantics<core_parallel>, #tpu.dimension_semantics<subcore_parallel>], iteration_bounds = array<i64: 2, 16>, scalar_prefetch = 0 : i64, scratch_operands = 7 : i64, tpu.core_type = #tpu.core_type<sc_vector_subcore>, window_params = [{transform_indices = #map}, {transform_indices = #map}, {transform_indices = #map}, {transform_indices = #map1}, {transform_indices = #map1}]} {
    %mul3A = arith.constant 16 : i32
    %mul3A_0 = arith.muli %arg0, %mul3A : i32
    %add3A = arith.addi %mul3A_0, %arg1 : i32
    %mul3A_1 = arith.constant 80 : i32
    %mul3A_2 = arith.muli %add3A, %mul3A_1 : i32
    "tpu.region"() ({
      %run_scoped3A = tpu.sem_alloc : memref<!tpu.dma_semaphore, #tpu.memory_space<semaphore_mem>>
      %dma_start3A = arith.constant 0 : i32
      %dma_start3A_597 = tpu.memref_slice %arg3[%mul3A_2, %dma_start3A] : memref<2560x128xi32, #tpu.memory_space<hbm>> -> memref<80x128xi32, #tpu.memory_space<hbm>>
      %dma_start3A_598 = arith.constant 0 : i32
      %dma_start3A_599 = tpu.memref_slice %arg3[%mul3A_2, %dma_start3A_598] : memref<2560x128xi32, #tpu.memory_space<hbm>> -> memref<80x128xi32, #tpu.memory_space<hbm>>
      tpu.enqueue_dma source(%dma_start3A_599 : memref<80x128xi32, #tpu.memory_space<hbm>>) target(%arg7 : memref<80x128xi32, #tpu.memory_space<vmem>>) target_semaphore(%run_scoped3A : memref<!tpu.dma_semaphore, #tpu.memory_space<semaphore_mem>>)
      %dma_wait3A = arith.constant 0 : i32
      %dma_wait3A_600 = tpu.memref_slice %arg3[%mul3A_2, %dma_wait3A] : memref<2560x128xi32, #tpu.memory_space<hbm>> -> memref<80x128xi32, #tpu.memory_space<hbm>>
      %dma_wait3A_601 = arith.constant 0 : i32
      %dma_wait3A_602 = tpu.memref_slice %arg3[%mul3A_2, %dma_wait3A_601] : memref<2560x128xi32, #tpu.memory_space<hbm>> -> memref<80x128xi32, #tpu.memory_space<hbm>>
      tpu.wait_dma2 semaphore(%run_scoped3A : memref<!tpu.dma_semaphore, #tpu.memory_space<semaphore_mem>>) src(%dma_wait3A_602 : memref<80x128xi32, #tpu.memory_space<hbm>>) dst(%arg7 : memref<80x128xi32, #tpu.memory_space<vmem>>)
      tpu.yield
    }) : () -> ()
    %mul3A_3 = arith.constant 80 : i32
    %mul3A_4 = arith.muli %add3A, %mul3A_3 : i32
    "tpu.region"() ({
      %run_scoped3A = tpu.sem_alloc : memref<!tpu.dma_semaphore, #tpu.memory_space<semaphore_mem>>
      %dma_start3A = arith.constant 0 : i32
      %dma_start3A_597 = tpu.memref_slice %arg4[%mul3A_4, %dma_start3A] : memref<2560x128xi32, #tpu.memory_space<hbm>> -> memref<80x128xi32, #tpu.memory_space<hbm>>
      %dma_start3A_598 = arith.constant 0 : i32
      %dma_start3A_599 = tpu.memref_slice %arg4[%mul3A_4, %dma_start3A_598] : memref<2560x128xi32, #tpu.memory_space<hbm>> -> memref<80x128xi32, #tpu.memory_space<hbm>>
      tpu.enqueue_dma source(%dma_start3A_599 : memref<80x128xi32, #tpu.memory_space<hbm>>) target(%arg8 : memref<80x128xi32, #tpu.memory_space<vmem>>) target_semaphore(%run_scoped3A : memref<!tpu.dma_semaphore, #tpu.memory_space<semaphore_mem>>)
      %dma_wait3A = arith.constant 0 : i32
      %dma_wait3A_600 = tpu.memref_slice %arg4[%mul3A_4, %dma_wait3A] : memref<2560x128xi32, #tpu.memory_space<hbm>> -> memref<80x128xi32, #tpu.memory_space<hbm>>
      %dma_wait3A_601 = arith.constant 0 : i32
      %dma_wait3A_602 = tpu.memref_slice %arg4[%mul3A_4, %dma_wait3A_601] : memref<2560x128xi32, #tpu.memory_space<hbm>> -> memref<80x128xi32, #tpu.memory_space<hbm>>
      tpu.wait_dma2 semaphore(%run_scoped3A : memref<!tpu.dma_semaphore, #tpu.memory_space<semaphore_mem>>) src(%dma_wait3A_602 : memref<80x128xi32, #tpu.memory_space<hbm>>) dst(%arg8 : memref<80x128xi32, #tpu.memory_space<vmem>>)
      tpu.yield
    }) : () -> ()
    %broadcast_in_dim3A = arith.constant 0.000000e+00 : f32
    %broadcast_in_dim3A_5 = vector.broadcast %broadcast_in_dim3A : f32 to vector<16xf32>
    %swap3A = arith.constant 0 : i32
    %swap3A_6 = arith.index_cast %swap3A : i32 to index
    %swap3A_7 = arith.constant 0 : index
    %swap3A_8 = tpu.vector_load %arg11[%swap3A_6, %swap3A_7] {strides = array<i32>} : memref<32x48xf32, #tpu.memory_space<vmem>>, vector<1x16xf32>,
    %swap3A_9 = vector.shape_cast %swap3A_8 : vector<1x16xf32> to vector<16xf32>
    %swap3A_10 = vector.shape_cast %broadcast_in_dim3A_5 : vector<16xf32> to vector<1x16xf32>
    tpu.vector_store %arg11[%swap3A_6, %swap3A_7], %swap3A_10 {strides = array<i32>} : memref<32x48xf32, #tpu.memory_space<vmem>>, vector<1x16xf32>,
    %swap3A_11 = arith.constant 0 : i32
    %swap3A_12 = arith.index_cast %swap3A_11 : i32 to index
    %swap3A_13 = arith.constant 16 : index
    %swap3A_14 = tpu.vector_load %arg11[%swap3A_12, %swap3A_13] {strides = array<i32>} : memref<32x48xf32, #tpu.memory_space<vmem>>, vector<1x16xf32>,
    %swap3A_15 = vector.shape_cast %swap3A_14 : vector<1x16xf32> to vector<16xf32>
    %swap3A_16 = vector.shape_cast %broadcast_in_dim3A_5 : vector<16xf32> to vector<1x16xf32>
    tpu.vector_store %arg11[%swap3A_12, %swap3A_13], %swap3A_16 {strides = array<i32>} : memref<32x48xf32, #tpu.memory_space<vmem>>, vector<1x16xf32>,
    %swap3A_17 = arith.constant 0 : i32
    %swap3A_18 = arith.index_cast %swap3A_17 : i32 to index
    %swap3A_19 = arith.constant 32 : index
    %swap3A_20 = tpu.vector_load %arg11[%swap3A_18, %swap3A_19] {strides = array<i32>} : memref<32x48xf32, #tpu.memory_space<vmem>>, vector<1x16xf32>,
    %swap3A_21 = vector.shape_cast %swap3A_20 : vector<1x16xf32> to vector<16xf32>
    %swap3A_22 = vector.shape_cast %broadcast_in_dim3A_5 : vector<16xf32> to vector<1x16xf32>
    tpu.vector_store %arg11[%swap3A_18, %swap3A_19], %swap3A_22 {strides = array<i32>} : memref<32x48xf32, #tpu.memory_space<vmem>>, vector<1x16xf32>,
    %swap3A_23 = arith.constant 1 : i32
    %swap3A_24 = arith.index_cast %swap3A_23 : i32 to index
    %swap3A_25 = arith.constant 0 : index
    %swap3A_26 = tpu.vector_load %arg11[%swap3A_24, %swap3A_25] {strides = array<i32>} : memref<32x48xf32, #tpu.memory_space<vmem>>, vector<1x16xf32>,
    %swap3A_27 = vector.shape_cast %swap3A_26 : vector<1x16xf32> to vector<16xf32>
    %swap3A_28 = vector.shape_cast %broadcast_in_dim3A_5 : vector<16xf32> to vector<1x16xf32>
    tpu.vector_store %arg11[%swap3A_24, %swap3A_25], %swap3A_28 {strides = array<i32>} : memref<32x48xf32, #tpu.memory_space<vmem>>, vector<1x16xf32>,
    %swap3A_29 = arith.constant 1 : i32
    %swap3A_30 = arith.index_cast %swap3A_29 : i32 to index
    %swap3A_31 = arith.constant 16 : index
    %swap3A_32 = tpu.vector_load %arg11[%swap3A_30, %swap3A_31] {strides = array<i32>} : memref<32x48xf32, #tpu.memory_space<vmem>>, vector<1x16xf32>,
    %swap3A_33 = vector.shape_cast %swap3A_32 : vector<1x16xf32> to vector<16xf32>
    %swap3A_34 = vector.shape_cast %broadcast_in_dim3A_5 : vector<16xf32> to vector<1x16xf32>
    tpu.vector_store %arg11[%swap3A_30, %swap3A_31], %swap3A_34 {strides = array<i32>} : memref<32x48xf32, #tpu.memory_space<vmem>>, vector<1x16xf32>,
    %swap3A_35 = arith.constant 1 : i32
    %swap3A_36 = arith.index_cast %swap3A_35 : i32 to index
    %swap3A_37 = arith.constant 32 : index
    %swap3A_38 = tpu.vector_load %arg11[%swap3A_36, %swap3A_37] {strides = array<i32>} : memref<32x48xf32, #tpu.memory_space<vmem>>, vector<1x16xf32>,
    %swap3A_39 = vector.shape_cast %swap3A_38 : vector<1x16xf32> to vector<16xf32>
    %swap3A_40 = vector.shape_cast %broadcast_in_dim3A_5 : vector<16xf32> to vector<1x16xf32>
    tpu.vector_store %arg11[%swap3A_36, %swap3A_37], %swap3A_40 {strides = array<i32>} : memref<32x48xf32, #tpu.memory_space<vmem>>, vector<1x16xf32>,
    %swap3A_41 = arith.constant 2 : i32
    %swap3A_42 = arith.index_cast %swap3A_41 : i32 to index
    %swap3A_43 = arith.constant 0 : index
    %swap3A_44 = tpu.vector_load %arg11[%swap3A_42, %swap3A_43] {strides = array<i32>} : memref<32x48xf32, #tpu.memory_space<vmem>>, vector<1x16xf32>,
    %swap3A_45 = vector.shape_cast %swap3A_44 : vector<1x16xf32> to vector<16xf32>
    %swap3A_46 = vector.shape_cast %broadcast_in_dim3A_5 : vector<16xf32> to vector<1x16xf32>
    tpu.vector_store %arg11[%swap3A_42, %swap3A_43], %swap3A_46 {strides = array<i32>} : memref<32x48xf32, #tpu.memory_space<vmem>>, vector<1x16xf32>,
    %swap3A_47 = arith.constant 2 : i32
    %swap3A_48 = arith.index_cast %swap3A_47 : i32 to index
    %swap3A_49 = arith.constant 16 : index
    %swap3A_50 = tpu.vector_load %arg11[%swap3A_48, %swap3A_49] {strides = array<i32>} : memref<32x48xf32, #tpu.memory_space<vmem>>, vector<1x16xf32>,
    %swap3A_51 = vector.shape_cast %swap3A_50 : vector<1x16xf32> to vector<16xf32>
    %swap3A_52 = vector.shape_cast %broadcast_in_dim3A_5 : vector<16xf32> to vector<1x16xf32>
    tpu.vector_store %arg11[%swap3A_48, %swap3A_49], %swap3A_52 {strides = array<i32>} : memref<32x48xf32, #tpu.memory_space<vmem>>, vector<1x16xf32>,
    %swap3A_53 = arith.constant 2 : i32
    %swap3A_54 = arith.index_cast %swap3A_53 : i32 to index
    %swap3A_55 = arith.constant 32 : index
    %swap3A_56 = tpu.vector_load %arg11[%swap3A_54, %swap3A_55] {strides = array<i32>} : memref<32x48xf32, #tpu.memory_space<vmem>>, vector<1x16xf32>,
    %swap3A_57 = vector.shape_cast %swap3A_56 : vector<1x16xf32> to vector<16xf32>
    %swap3A_58 = vector.shape_cast %broadcast_in_dim3A_5 : vector<16xf32> to vector<1x16xf32>
    tpu.vector_store %arg11[%swap3A_54, %swap3A_55], %swap3A_58 {strides = array<i32>} : memref<32x48xf32, #tpu.memory_space<vmem>>, vector<1x16xf32>,
    %swap3A_59 = arith.constant 3 : i32
    %swap3A_60 = arith.index_cast %swap3A_59 : i32 to index
    %swap3A_61 = arith.constant 0 : index
    %swap3A_62 = tpu.vector_load %arg11[%swap3A_60, %swap3A_61] {strides = array<i32>} : memref<32x48xf32, #tpu.memory_space<vmem>>, vector<1x16xf32>,
    %swap3A_63 = vector.shape_cast %swap3A_62 : vector<1x16xf32> to vector<16xf32>
    %swap3A_64 = vector.shape_cast %broadcast_in_dim3A_5 : vector<16xf32> to vector<1x16xf32>
    tpu.vector_store %arg11[%swap3A_60, %swap3A_61], %swap3A_64 {strides = array<i32>} : memref<32x48xf32, #tpu.memory_space<vmem>>, vector<1x16xf32>,
    %swap3A_65 = arith.constant 3 : i32
    %swap3A_66 = arith.index_cast %swap3A_65 : i32 to index
    %swap3A_67 = arith.constant 16 : index
    %swap3A_68 = tpu.vector_load %arg11[%swap3A_66, %swap3A_67] {strides = array<i32>} : memref<32x48xf32, #tpu.memory_space<vmem>>, vector<1x16xf32>,
    %swap3A_69 = vector.shape_cast %swap3A_68 : vector<1x16xf32> to vector<16xf32>
    %swap3A_70 = vector.shape_cast %broadcast_in_dim3A_5 : vector<16xf32> to vector<1x16xf32>
    tpu.vector_store %arg11[%swap3A_66, %swap3A_67], %swap3A_70 {strides = array<i32>} : memref<32x48xf32, #tpu.memory_space<vmem>>, vector<1x16xf32>,
    %swap3A_71 = arith.constant 3 : i32
    %swap3A_72 = arith.index_cast %swap3A_71 : i32 to index
    %swap3A_73 = arith.constant 32 : index
    %swap3A_74 = tpu.vector_load %arg11[%swap3A_72, %swap3A_73] {strides = array<i32>} : memref<32x48xf32, #tpu.memory_space<vmem>>, vector<1x16xf32>,
    %swap3A_75 = vector.shape_cast %swap3A_74 : vector<1x16xf32> to vector<16xf32>
    %swap3A_76 = vector.shape_cast %broadcast_in_dim3A_5 : vector<16xf32> to vector<1x16xf32>
    tpu.vector_store %arg11[%swap3A_72, %swap3A_73], %swap3A_76 {strides = array<i32>} : memref<32x48xf32, #tpu.memory_space<vmem>>, vector<1x16xf32>,
    %swap3A_77 = arith.constant 4 : i32
    %swap3A_78 = arith.index_cast %swap3A_77 : i32 to index
    %swap3A_79 = arith.constant 0 : index
    %swap3A_80 = tpu.vector_load %arg11[%swap3A_78, %swap3A_79] {strides = array<i32>} : memref<32x48xf32, #tpu.memory_space<vmem>>, vector<1x16xf32>,
    %swap3A_81 = vector.shape_cast %swap3A_80 : vector<1x16xf32> to vector<16xf32>
    %swap3A_82 = vector.shape_cast %broadcast_in_dim3A_5 : vector<16xf32> to vector<1x16xf32>
    tpu.vector_store %arg11[%swap3A_78, %swap3A_79], %swap3A_82 {strides = array<i32>} : memref<32x48xf32, #tpu.memory_space<vmem>>, vector<1x16xf32>,
    %swap3A_83 = arith.constant 4 : i32
    %swap3A_84 = arith.index_cast %swap3A_83 : i32 to index
    %swap3A_85 = arith.constant 16 : index
    %swap3A_86 = tpu.vector_load %arg11[%swap3A_84, %swap3A_85] {strides = array<i32>} : memref<32x48xf32, #tpu.memory_space<vmem>>, vector<1x16xf32>,
    %swap3A_87 = vector.shape_cast %swap3A_86 : vector<1x16xf32> to vector<16xf32>
    %swap3A_88 = vector.shape_cast %broadcast_in_dim3A_5 : vector<16xf32> to vector<1x16xf32>
    tpu.vector_store %arg11[%swap3A_84, %swap3A_85], %swap3A_88 {strides = array<i32>} : memref<32x48xf32, #tpu.memory_space<vmem>>, vector<1x16xf32>,
    %swap3A_89 = arith.constant 4 : i32
    %swap3A_90 = arith.index_cast %swap3A_89 : i32 to index
    %swap3A_91 = arith.constant 32 : index
    %swap3A_92 = tpu.vector_load %arg11[%swap3A_90, %swap3A_91] {strides = array<i32>} : memref<32x48xf32, #tpu.memory_space<vmem>>, vector<1x16xf32>,
    %swap3A_93 = vector.shape_cast %swap3A_92 : vector<1x16xf32> to vector<16xf32>
    %swap3A_94 = vector.shape_cast %broadcast_in_dim3A_5 : vector<16xf32> to vector<1x16xf32>
    tpu.vector_store %arg11[%swap3A_90, %swap3A_91], %swap3A_94 {strides = array<i32>} : memref<32x48xf32, #tpu.memory_space<vmem>>, vector<1x16xf32>,
    %swap3A_95 = arith.constant 5 : i32
    %swap3A_96 = arith.index_cast %swap3A_95 : i32 to index
    %swap3A_97 = arith.constant 0 : index
    %swap3A_98 = tpu.vector_load %arg11[%swap3A_96, %swap3A_97] {strides = array<i32>} : memref<32x48xf32, #tpu.memory_space<vmem>>, vector<1x16xf32>,
    %swap3A_99 = vector.shape_cast %swap3A_98 : vector<1x16xf32> to vector<16xf32>
    %swap3A_100 = vector.shape_cast %broadcast_in_dim3A_5 : vector<16xf32> to vector<1x16xf32>
    tpu.vector_store %arg11[%swap3A_96, %swap3A_97], %swap3A_100 {strides = array<i32>} : memref<32x48xf32, #tpu.memory_space<vmem>>, vector<1x16xf32>,
    %swap3A_101 = arith.constant 5 : i32
    %swap3A_102 = arith.index_cast %swap3A_101 : i32 to index
    %swap3A_103 = arith.constant 16 : index
    %swap3A_104 = tpu.vector_load %arg11[%swap3A_102, %swap3A_103] {strides = array<i32>} : memref<32x48xf32, #tpu.memory_space<vmem>>, vector<1x16xf32>,
    %swap3A_105 = vector.shape_cast %swap3A_104 : vector<1x16xf32> to vector<16xf32>
    %swap3A_106 = vector.shape_cast %broadcast_in_dim3A_5 : vector<16xf32> to vector<1x16xf32>
    tpu.vector_store %arg11[%swap3A_102, %swap3A_103], %swap3A_106 {strides = array<i32>} : memref<32x48xf32, #tpu.memory_space<vmem>>, vector<1x16xf32>,
    %swap3A_107 = arith.constant 5 : i32
    %swap3A_108 = arith.index_cast %swap3A_107 : i32 to index
    %swap3A_109 = arith.constant 32 : index
    %swap3A_110 = tpu.vector_load %arg11[%swap3A_108, %swap3A_109] {strides = array<i32>} : memref<32x48xf32, #tpu.memory_space<vmem>>, vector<1x16xf32>,
    %swap3A_111 = vector.shape_cast %swap3A_110 : vector<1x16xf32> to vector<16xf32>
    %swap3A_112 = vector.shape_cast %broadcast_in_dim3A_5 : vector<16xf32> to vector<1x16xf32>
    tpu.vector_store %arg11[%swap3A_108, %swap3A_109], %swap3A_112 {strides = array<i32>} : memref<32x48xf32, #tpu.memory_space<vmem>>, vector<1x16xf32>,
    %swap3A_113 = arith.constant 6 : i32
    %swap3A_114 = arith.index_cast %swap3A_113 : i32 to index
    %swap3A_115 = arith.constant 0 : index
    %swap3A_116 = tpu.vector_load %arg11[%swap3A_114, %swap3A_115] {strides = array<i32>} : memref<32x48xf32, #tpu.memory_space<vmem>>, vector<1x16xf32>,
    %swap3A_117 = vector.shape_cast %swap3A_116 : vector<1x16xf32> to vector<16xf32>
    %swap3A_118 = vector.shape_cast %broadcast_in_dim3A_5 : vector<16xf32> to vector<1x16xf32>
    tpu.vector_store %arg11[%swap3A_114, %swap3A_115], %swap3A_118 {strides = array<i32>} : memref<32x48xf32, #tpu.memory_space<vmem>>, vector<1x16xf32>,
    %swap3A_119 = arith.constant 6 : i32
    %swap3A_120 = arith.index_cast %swap3A_119 : i32 to index
    %swap3A_121 = arith.constant 16 : index
    %swap3A_122 = tpu.vector_load %arg11[%swap3A_120, %swap3A_121] {strides = array<i32>} : memref<32x48xf32, #tpu.memory_space<vmem>>, vector<1x16xf32>,
    %swap3A_123 = vector.shape_cast %swap3A_122 : vector<1x16xf32> to vector<16xf32>
    %swap3A_124 = vector.shape_cast %broadcast_in_dim3A_5 : vector<16xf32> to vector<1x16xf32>
    tpu.vector_store %arg11[%swap3A_120, %swap3A_121], %swap3A_124 {strides = array<i32>} : memref<32x48xf32, #tpu.memory_space<vmem>>, vector<1x16xf32>,
    %swap3A_125 = arith.constant 6 : i32
    %swap3A_126 = arith.index_cast %swap3A_125 : i32 to index
    %swap3A_127 = arith.constant 32 : index
    %swap3A_128 = tpu.vector_load %arg11[%swap3A_126, %swap3A_127] {strides = array<i32>} : memref<32x48xf32, #tpu.memory_space<vmem>>, vector<1x16xf32>,
    %swap3A_129 = vector.shape_cast %swap3A_128 : vector<1x16xf32> to vector<16xf32>
    %swap3A_130 = vector.shape_cast %broadcast_in_dim3A_5 : vector<16xf32> to vector<1x16xf32>
    tpu.vector_store %arg11[%swap3A_126, %swap3A_127], %swap3A_130 {strides = array<i32>} : memref<32x48xf32, #tpu.memory_space<vmem>>, vector<1x16xf32>,
    %swap3A_131 = arith.constant 7 : i32
    %swap3A_132 = arith.index_cast %swap3A_131 : i32 to index
    %swap3A_133 = arith.constant 0 : index
    %swap3A_134 = tpu.vector_load %arg11[%swap3A_132, %swap3A_133] {strides = array<i32>} : memref<32x48xf32, #tpu.memory_space<vmem>>, vector<1x16xf32>,
    %swap3A_135 = vector.shape_cast %swap3A_134 : vector<1x16xf32> to vector<16xf32>
    %swap3A_136 = vector.shape_cast %broadcast_in_dim3A_5 : vector<16xf32> to vector<1x16xf32>
    tpu.vector_store %arg11[%swap3A_132, %swap3A_133], %swap3A_136 {strides = array<i32>} : memref<32x48xf32, #tpu.memory_space<vmem>>, vector<1x16xf32>,
    %swap3A_137 = arith.constant 7 : i32
    %swap3A_138 = arith.index_cast %swap3A_137 : i32 to index
    %swap3A_139 = arith.constant 16 : index
    %swap3A_140 = tpu.vector_load %arg11[%swap3A_138, %swap3A_139] {strides = array<i32>} : memref<32x48xf32, #tpu.memory_space<vmem>>, vector<1x16xf32>,
    %swap3A_141 = vector.shape_cast %swap3A_140 : vector<1x16xf32> to vector<16xf32>
    %swap3A_142 = vector.shape_cast %broadcast_in_dim3A_5 : vector<16xf32> to vector<1x16xf32>
    tpu.vector_store %arg11[%swap3A_138, %swap3A_139], %swap3A_142 {strides = array<i32>} : memref<32x48xf32, #tpu.memory_space<vmem>>, vector<1x16xf32>,
    %swap3A_143 = arith.constant 7 : i32
    %swap3A_144 = arith.index_cast %swap3A_143 : i32 to index
    %swap3A_145 = arith.constant 32 : index
    %swap3A_146 = tpu.vector_load %arg11[%swap3A_144, %swap3A_145] {strides = array<i32>} : memref<32x48xf32, #tpu.memory_space<vmem>>, vector<1x16xf32>,
    %swap3A_147 = vector.shape_cast %swap3A_146 : vector<1x16xf32> to vector<16xf32>
    %swap3A_148 = vector.shape_cast %broadcast_in_dim3A_5 : vector<16xf32> to vector<1x16xf32>
    tpu.vector_store %arg11[%swap3A_144, %swap3A_145], %swap3A_148 {strides = array<i32>} : memref<32x48xf32, #tpu.memory_space<vmem>>, vector<1x16xf32>,
    %swap3A_149 = arith.constant 8 : i32
    %swap3A_150 = arith.index_cast %swap3A_149 : i32 to index
    %swap3A_151 = arith.constant 0 : index
    %swap3A_152 = tpu.vector_load %arg11[%swap3A_150, %swap3A_151] {strides = array<i32>} : memref<32x48xf32, #tpu.memory_space<vmem>>, vector<1x16xf32>,
    %swap3A_153 = vector.shape_cast %swap3A_152 : vector<1x16xf32> to vector<16xf32>
    %swap3A_154 = vector.shape_cast %broadcast_in_dim3A_5 : vector<16xf32> to vector<1x16xf32>
    tpu.vector_store %arg11[%swap3A_150, %swap3A_151], %swap3A_154 {strides = array<i32>} : memref<32x48xf32, #tpu.memory_space<vmem>>, vector<1x16xf32>,
    %swap3A_155 = arith.constant 8 : i32
    %swap3A_156 = arith.index_cast %swap3A_155 : i32 to index
    %swap3A_157 = arith.constant 16 : index
    %swap3A_158 = tpu.vector_load %arg11[%swap3A_156, %swap3A_157] {strides = array<i32>} : memref<32x48xf32, #tpu.memory_space<vmem>>, vector<1x16xf32>,
    %swap3A_159 = vector.shape_cast %swap3A_158 : vector<1x16xf32> to vector<16xf32>
    %swap3A_160 = vector.shape_cast %broadcast_in_dim3A_5 : vector<16xf32> to vector<1x16xf32>
    tpu.vector_store %arg11[%swap3A_156, %swap3A_157], %swap3A_160 {strides = array<i32>} : memref<32x48xf32, #tpu.memory_space<vmem>>, vector<1x16xf32>,
    %swap3A_161 = arith.constant 8 : i32
    %swap3A_162 = arith.index_cast %swap3A_161 : i32 to index
    %swap3A_163 = arith.constant 32 : index
    %swap3A_164 = tpu.vector_load %arg11[%swap3A_162, %swap3A_163] {strides = array<i32>} : memref<32x48xf32, #tpu.memory_space<vmem>>, vector<1x16xf32>,
    %swap3A_165 = vector.shape_cast %swap3A_164 : vector<1x16xf32> to vector<16xf32>
    %swap3A_166 = vector.shape_cast %broadcast_in_dim3A_5 : vector<16xf32> to vector<1x16xf32>
    tpu.vector_store %arg11[%swap3A_162, %swap3A_163], %swap3A_166 {strides = array<i32>} : memref<32x48xf32, #tpu.memory_space<vmem>>, vector<1x16xf32>,
    %swap3A_167 = arith.constant 9 : i32
    %swap3A_168 = arith.index_cast %swap3A_167 : i32 to index
    %swap3A_169 = arith.constant 0 : index
    %swap3A_170 = tpu.vector_load %arg11[%swap3A_168, %swap3A_169] {strides = array<i32>} : memref<32x48xf32, #tpu.memory_space<vmem>>, vector<1x16xf32>,
    %swap3A_171 = vector.shape_cast %swap3A_170 : vector<1x16xf32> to vector<16xf32>
    %swap3A_172 = vector.shape_cast %broadcast_in_dim3A_5 : vector<16xf32> to vector<1x16xf32>
    tpu.vector_store %arg11[%swap3A_168, %swap3A_169], %swap3A_172 {strides = array<i32>} : memref<32x48xf32, #tpu.memory_space<vmem>>, vector<1x16xf32>,
    %swap3A_173 = arith.constant 9 : i32
    %swap3A_174 = arith.index_cast %swap3A_173 : i32 to index
    %swap3A_175 = arith.constant 16 : index
    %swap3A_176 = tpu.vector_load %arg11[%swap3A_174, %swap3A_175] {strides = array<i32>} : memref<32x48xf32, #tpu.memory_space<vmem>>, vector<1x16xf32>,
    %swap3A_177 = vector.shape_cast %swap3A_176 : vector<1x16xf32> to vector<16xf32>
    %swap3A_178 = vector.shape_cast %broadcast_in_dim3A_5 : vector<16xf32> to vector<1x16xf32>
    tpu.vector_store %arg11[%swap3A_174, %swap3A_175], %swap3A_178 {strides = array<i32>} : memref<32x48xf32, #tpu.memory_space<vmem>>, vector<1x16xf32>,
    %swap3A_179 = arith.constant 9 : i32
    %swap3A_180 = arith.index_cast %swap3A_179 : i32 to index
    %swap3A_181 = arith.constant 32 : index
    %swap3A_182 = tpu.vector_load %arg11[%swap3A_180, %swap3A_181] {strides = array<i32>} : memref<32x48xf32, #tpu.memory_space<vmem>>, vector<1x16xf32>,
    %swap3A_183 = vector.shape_cast %swap3A_182 : vector<1x16xf32> to vector<16xf32>
    %swap3A_184 = vector.shape_cast %broadcast_in_dim3A_5 : vector<16xf32> to vector<1x16xf32>
    tpu.vector_store %arg11[%swap3A_180, %swap3A_181], %swap3A_184 {strides = array<i32>} : memref<32x48xf32, #tpu.memory_space<vmem>>, vector<1x16xf32>,
    %swap3A_185 = arith.constant 10 : i32
    %swap3A_186 = arith.index_cast %swap3A_185 : i32 to index
    %swap3A_187 = arith.constant 0 : index
    %swap3A_188 = tpu.vector_load %arg11[%swap3A_186, %swap3A_187] {strides = array<i32>} : memref<32x48xf32, #tpu.memory_space<vmem>>, vector<1x16xf32>,
    %swap3A_189 = vector.shape_cast %swap3A_188 : vector<1x16xf32> to vector<16xf32>
    %swap3A_190 = vector.shape_cast %broadcast_in_dim3A_5 : vector<16xf32> to vector<1x16xf32>
    tpu.vector_store %arg11[%swap3A_186, %swap3A_187], %swap3A_190 {strides = array<i32>} : memref<32x48xf32, #tpu.memory_space<vmem>>, vector<1x16xf32>,
    %swap3A_191 = arith.constant 10 : i32
    %swap3A_192 = arith.index_cast %swap3A_191 : i32 to index
    %swap3A_193 = arith.constant 16 : index
    %swap3A_194 = tpu.vector_load %arg11[%swap3A_192, %swap3A_193] {strides = array<i32>} : memref<32x48xf32, #tpu.memory_space<vmem>>, vector<1x16xf32>,
    %swap3A_195 = vector.shape_cast %swap3A_194 : vector<1x16xf32> to vector<16xf32>
    %swap3A_196 = vector.shape_cast %broadcast_in_dim3A_5 : vector<16xf32> to vector<1x16xf32>
    tpu.vector_store %arg11[%swap3A_192, %swap3A_193], %swap3A_196 {strides = array<i32>} : memref<32x48xf32, #tpu.memory_space<vmem>>, vector<1x16xf32>,
    %swap3A_197 = arith.constant 10 : i32
    %swap3A_198 = arith.index_cast %swap3A_197 : i32 to index
    %swap3A_199 = arith.constant 32 : index
    %swap3A_200 = tpu.vector_load %arg11[%swap3A_198, %swap3A_199] {strides = array<i32>} : memref<32x48xf32, #tpu.memory_space<vmem>>, vector<1x16xf32>,
    %swap3A_201 = vector.shape_cast %swap3A_200 : vector<1x16xf32> to vector<16xf32>
    %swap3A_202 = vector.shape_cast %broadcast_in_dim3A_5 : vector<16xf32> to vector<1x16xf32>
    tpu.vector_store %arg11[%swap3A_198, %swap3A_199], %swap3A_202 {strides = array<i32>} : memref<32x48xf32, #tpu.memory_space<vmem>>, vector<1x16xf32>,
    %swap3A_203 = arith.constant 11 : i32
    %swap3A_204 = arith.index_cast %swap3A_203 : i32 to index
    %swap3A_205 = arith.constant 0 : index
    %swap3A_206 = tpu.vector_load %arg11[%swap3A_204, %swap3A_205] {strides = array<i32>} : memref<32x48xf32, #tpu.memory_space<vmem>>, vector<1x16xf32>,
    %swap3A_207 = vector.shape_cast %swap3A_206 : vector<1x16xf32> to vector<16xf32>
    %swap3A_208 = vector.shape_cast %broadcast_in_dim3A_5 : vector<16xf32> to vector<1x16xf32>
    tpu.vector_store %arg11[%swap3A_204, %swap3A_205], %swap3A_208 {strides = array<i32>} : memref<32x48xf32, #tpu.memory_space<vmem>>, vector<1x16xf32>,
    %swap3A_209 = arith.constant 11 : i32
    %swap3A_210 = arith.index_cast %swap3A_209 : i32 to index
    %swap3A_211 = arith.constant 16 : index
    %swap3A_212 = tpu.vector_load %arg11[%swap3A_210, %swap3A_211] {strides = array<i32>} : memref<32x48xf32, #tpu.memory_space<vmem>>, vector<1x16xf32>,
    %swap3A_213 = vector.shape_cast %swap3A_212 : vector<1x16xf32> to vector<16xf32>
    %swap3A_214 = vector.shape_cast %broadcast_in_dim3A_5 : vector<16xf32> to vector<1x16xf32>
    tpu.vector_store %arg11[%swap3A_210, %swap3A_211], %swap3A_214 {strides = array<i32>} : memref<32x48xf32, #tpu.memory_space<vmem>>, vector<1x16xf32>,
    %swap3A_215 = arith.constant 11 : i32
    %swap3A_216 = arith.index_cast %swap3A_215 : i32 to index
    %swap3A_217 = arith.constant 32 : index
    %swap3A_218 = tpu.vector_load %arg11[%swap3A_216, %swap3A_217] {strides = array<i32>} : memref<32x48xf32, #tpu.memory_space<vmem>>, vector<1x16xf32>,
    %swap3A_219 = vector.shape_cast %swap3A_218 : vector<1x16xf32> to vector<16xf32>
    %swap3A_220 = vector.shape_cast %broadcast_in_dim3A_5 : vector<16xf32> to vector<1x16xf32>
    tpu.vector_store %arg11[%swap3A_216, %swap3A_217], %swap3A_220 {strides = array<i32>} : memref<32x48xf32, #tpu.memory_space<vmem>>, vector<1x16xf32>,
    %swap3A_221 = arith.constant 12 : i32
    %swap3A_222 = arith.index_cast %swap3A_221 : i32 to index
    %swap3A_223 = arith.constant 0 : index
    %swap3A_224 = tpu.vector_load %arg11[%swap3A_222, %swap3A_223] {strides = array<i32>} : memref<32x48xf32, #tpu.memory_space<vmem>>, vector<1x16xf32>,
    %swap3A_225 = vector.shape_cast %swap3A_224 : vector<1x16xf32> to vector<16xf32>
    %swap3A_226 = vector.shape_cast %broadcast_in_dim3A_5 : vector<16xf32> to vector<1x16xf32>
    tpu.vector_store %arg11[%swap3A_222, %swap3A_223], %swap3A_226 {strides = array<i32>} : memref<32x48xf32, #tpu.memory_space<vmem>>, vector<1x16xf32>,
    %swap3A_227 = arith.constant 12 : i32
    %swap3A_228 = arith.index_cast %swap3A_227 : i32 to index
    %swap3A_229 = arith.constant 16 : index
    %swap3A_230 = tpu.vector_load %arg11[%swap3A_228, %swap3A_229] {strides = array<i32>} : memref<32x48xf32, #tpu.memory_space<vmem>>, vector<1x16xf32>,
    %swap3A_231 = vector.shape_cast %swap3A_230 : vector<1x16xf32> to vector<16xf32>
    %swap3A_232 = vector.shape_cast %broadcast_in_dim3A_5 : vector<16xf32> to vector<1x16xf32>
    tpu.vector_store %arg11[%swap3A_228, %swap3A_229], %swap3A_232 {strides = array<i32>} : memref<32x48xf32, #tpu.memory_space<vmem>>, vector<1x16xf32>,
    %swap3A_233 = arith.constant 12 : i32
    %swap3A_234 = arith.index_cast %swap3A_233 : i32 to index
    %swap3A_235 = arith.constant 32 : index
    %swap3A_236 = tpu.vector_load %arg11[%swap3A_234, %swap3A_235] {strides = array<i32>} : memref<32x48xf32, #tpu.memory_space<vmem>>, vector<1x16xf32>,
    %swap3A_237 = vector.shape_cast %swap3A_236 : vector<1x16xf32> to vector<16xf32>
    %swap3A_238 = vector.shape_cast %broadcast_in_dim3A_5 : vector<16xf32> to vector<1x16xf32>
    tpu.vector_store %arg11[%swap3A_234, %swap3A_235], %swap3A_238 {strides = array<i32>} : memref<32x48xf32, #tpu.memory_space<vmem>>, vector<1x16xf32>,
    %swap3A_239 = arith.constant 13 : i32
    %swap3A_240 = arith.index_cast %swap3A_239 : i32 to index
    %swap3A_241 = arith.constant 0 : index
    %swap3A_242 = tpu.vector_load %arg11[%swap3A_240, %swap3A_241] {strides = array<i32>} : memref<32x48xf32, #tpu.memory_space<vmem>>, vector<1x16xf32>,
    %swap3A_243 = vector.shape_cast %swap3A_242 : vector<1x16xf32> to vector<16xf32>
    %swap3A_244 = vector.shape_cast %broadcast_in_dim3A_5 : vector<16xf32> to vector<1x16xf32>
    tpu.vector_store %arg11[%swap3A_240, %swap3A_241], %swap3A_244 {strides = array<i32>} : memref<32x48xf32, #tpu.memory_space<vmem>>, vector<1x16xf32>,
    %swap3A_245 = arith.constant 13 : i32
    %swap3A_246 = arith.index_cast %swap3A_245 : i32 to index
    %swap3A_247 = arith.constant 16 : index
    %swap3A_248 = tpu.vector_load %arg11[%swap3A_246, %swap3A_247] {strides = array<i32>} : memref<32x48xf32, #tpu.memory_space<vmem>>, vector<1x16xf32>,
    %swap3A_249 = vector.shape_cast %swap3A_248 : vector<1x16xf32> to vector<16xf32>
    %swap3A_250 = vector.shape_cast %broadcast_in_dim3A_5 : vector<16xf32> to vector<1x16xf32>
    tpu.vector_store %arg11[%swap3A_246, %swap3A_247], %swap3A_250 {strides = array<i32>} : memref<32x48xf32, #tpu.memory_space<vmem>>, vector<1x16xf32>,
    %swap3A_251 = arith.constant 13 : i32
    %swap3A_252 = arith.index_cast %swap3A_251 : i32 to index
    %swap3A_253 = arith.constant 32 : index
    %swap3A_254 = tpu.vector_load %arg11[%swap3A_252, %swap3A_253] {strides = array<i32>} : memref<32x48xf32, #tpu.memory_space<vmem>>, vector<1x16xf32>,
    %swap3A_255 = vector.shape_cast %swap3A_254 : vector<1x16xf32> to vector<16xf32>
    %swap3A_256 = vector.shape_cast %broadcast_in_dim3A_5 : vector<16xf32> to vector<1x16xf32>
    tpu.vector_store %arg11[%swap3A_252, %swap3A_253], %swap3A_256 {strides = array<i32>} : memref<32x48xf32, #tpu.memory_space<vmem>>, vector<1x16xf32>,
    %swap3A_257 = arith.constant 14 : i32
    %swap3A_258 = arith.index_cast %swap3A_257 : i32 to index
    %swap3A_259 = arith.constant 0 : index
    %swap3A_260 = tpu.vector_load %arg11[%swap3A_258, %swap3A_259] {strides = array<i32>} : memref<32x48xf32, #tpu.memory_space<vmem>>, vector<1x16xf32>,
    %swap3A_261 = vector.shape_cast %swap3A_260 : vector<1x16xf32> to vector<16xf32>
    %swap3A_262 = vector.shape_cast %broadcast_in_dim3A_5 : vector<16xf32> to vector<1x16xf32>
    tpu.vector_store %arg11[%swap3A_258, %swap3A_259], %swap3A_262 {strides = array<i32>} : memref<32x48xf32, #tpu.memory_space<vmem>>, vector<1x16xf32>,
    %swap3A_263 = arith.constant 14 : i32
    %swap3A_264 = arith.index_cast %swap3A_263 : i32 to index
    %swap3A_265 = arith.constant 16 : index
    %swap3A_266 = tpu.vector_load %arg11[%swap3A_264, %swap3A_265] {strides = array<i32>} : memref<32x48xf32, #tpu.memory_space<vmem>>, vector<1x16xf32>,
    %swap3A_267 = vector.shape_cast %swap3A_266 : vector<1x16xf32> to vector<16xf32>
    %swap3A_268 = vector.shape_cast %broadcast_in_dim3A_5 : vector<16xf32> to vector<1x16xf32>
    tpu.vector_store %arg11[%swap3A_264, %swap3A_265], %swap3A_268 {strides = array<i32>} : memref<32x48xf32, #tpu.memory_space<vmem>>, vector<1x16xf32>,
    %swap3A_269 = arith.constant 14 : i32
    %swap3A_270 = arith.index_cast %swap3A_269 : i32 to index
    %swap3A_271 = arith.constant 32 : index
    %swap3A_272 = tpu.vector_load %arg11[%swap3A_270, %swap3A_271] {strides = array<i32>} : memref<32x48xf32, #tpu.memory_space<vmem>>, vector<1x16xf32>,
    %swap3A_273 = vector.shape_cast %swap3A_272 : vector<1x16xf32> to vector<16xf32>
    %swap3A_274 = vector.shape_cast %broadcast_in_dim3A_5 : vector<16xf32> to vector<1x16xf32>
    tpu.vector_store %arg11[%swap3A_270, %swap3A_271], %swap3A_274 {strides = array<i32>} : memref<32x48xf32, #tpu.memory_space<vmem>>, vector<1x16xf32>,
    %swap3A_275 = arith.constant 15 : i32
    %swap3A_276 = arith.index_cast %swap3A_275 : i32 to index
    %swap3A_277 = arith.constant 0 : index
    %swap3A_278 = tpu.vector_load %arg11[%swap3A_276, %swap3A_277] {strides = array<i32>} : memref<32x48xf32, #tpu.memory_space<vmem>>, vector<1x16xf32>,
    %swap3A_279 = vector.shape_cast %swap3A_278 : vector<1x16xf32> to vector<16xf32>
    %swap3A_280 = vector.shape_cast %broadcast_in_dim3A_5 : vector<16xf32> to vector<1x16xf32>
    tpu.vector_store %arg11[%swap3A_276, %swap3A_277], %swap3A_280 {strides = array<i32>} : memref<32x48xf32, #tpu.memory_space<vmem>>, vector<1x16xf32>,
    %swap3A_281 = arith.constant 15 : i32
    %swap3A_282 = arith.index_cast %swap3A_281 : i32 to index
    %swap3A_283 = arith.constant 16 : index
    %swap3A_284 = tpu.vector_load %arg11[%swap3A_282, %swap3A_283] {strides = array<i32>} : memref<32x48xf32, #tpu.memory_space<vmem>>, vector<1x16xf32>,
    %swap3A_285 = vector.shape_cast %swap3A_284 : vector<1x16xf32> to vector<16xf32>
    %swap3A_286 = vector.shape_cast %broadcast_in_dim3A_5 : vector<16xf32> to vector<1x16xf32>
    tpu.vector_store %arg11[%swap3A_282, %swap3A_283], %swap3A_286 {strides = array<i32>} : memref<32x48xf32, #tpu.memory_space<vmem>>, vector<1x16xf32>,
    %swap3A_287 = arith.constant 15 : i32
    %swap3A_288 = arith.index_cast %swap3A_287 : i32 to index
    %swap3A_289 = arith.constant 32 : index
    %swap3A_290 = tpu.vector_load %arg11[%swap3A_288, %swap3A_289] {strides = array<i32>} : memref<32x48xf32, #tpu.memory_space<vmem>>, vector<1x16xf32>,
    %swap3A_291 = vector.shape_cast %swap3A_290 : vector<1x16xf32> to vector<16xf32>
    %swap3A_292 = vector.shape_cast %broadcast_in_dim3A_5 : vector<16xf32> to vector<1x16xf32>
    tpu.vector_store %arg11[%swap3A_288, %swap3A_289], %swap3A_292 {strides = array<i32>} : memref<32x48xf32, #tpu.memory_space<vmem>>, vector<1x16xf32>,
    %swap3A_293 = arith.constant 16 : i32
    %swap3A_294 = arith.index_cast %swap3A_293 : i32 to index
    %swap3A_295 = arith.constant 0 : index
    %swap3A_296 = tpu.vector_load %arg11[%swap3A_294, %swap3A_295] {strides = array<i32>} : memref<32x48xf32, #tpu.memory_space<vmem>>, vector<1x16xf32>,
    %swap3A_297 = vector.shape_cast %swap3A_296 : vector<1x16xf32> to vector<16xf32>
    %swap3A_298 = vector.shape_cast %broadcast_in_dim3A_5 : vector<16xf32> to vector<1x16xf32>
    tpu.vector_store %arg11[%swap3A_294, %swap3A_295], %swap3A_298 {strides = array<i32>} : memref<32x48xf32, #tpu.memory_space<vmem>>, vector<1x16xf32>,
    %swap3A_299 = arith.constant 16 : i32
    %swap3A_300 = arith.index_cast %swap3A_299 : i32 to index
    %swap3A_301 = arith.constant 16 : index
    %swap3A_302 = tpu.vector_load %arg11[%swap3A_300, %swap3A_301] {strides = array<i32>} : memref<32x48xf32, #tpu.memory_space<vmem>>, vector<1x16xf32>,
    %swap3A_303 = vector.shape_cast %swap3A_302 : vector<1x16xf32> to vector<16xf32>
    %swap3A_304 = vector.shape_cast %broadcast_in_dim3A_5 : vector<16xf32> to vector<1x16xf32>
    tpu.vector_store %arg11[%swap3A_300, %swap3A_301], %swap3A_304 {strides = array<i32>} : memref<32x48xf32, #tpu.memory_space<vmem>>, vector<1x16xf32>,
    %swap3A_305 = arith.constant 16 : i32
    %swap3A_306 = arith.index_cast %swap3A_305 : i32 to index
    %swap3A_307 = arith.constant 32 : index
    %swap3A_308 = tpu.vector_load %arg11[%swap3A_306, %swap3A_307] {strides = array<i32>} : memref<32x48xf32, #tpu.memory_space<vmem>>, vector<1x16xf32>,
    %swap3A_309 = vector.shape_cast %swap3A_308 : vector<1x16xf32> to vector<16xf32>
    %swap3A_310 = vector.shape_cast %broadcast_in_dim3A_5 : vector<16xf32> to vector<1x16xf32>
    tpu.vector_store %arg11[%swap3A_306, %swap3A_307], %swap3A_310 {strides = array<i32>} : memref<32x48xf32, #tpu.memory_space<vmem>>, vector<1x16xf32>,
    %swap3A_311 = arith.constant 17 : i32
    %swap3A_312 = arith.index_cast %swap3A_311 : i32 to index
    %swap3A_313 = arith.constant 0 : index
    %swap3A_314 = tpu.vector_load %arg11[%swap3A_312, %swap3A_313] {strides = array<i32>} : memref<32x48xf32, #tpu.memory_space<vmem>>, vector<1x16xf32>,
    %swap3A_315 = vector.shape_cast %swap3A_314 : vector<1x16xf32> to vector<16xf32>
    %swap3A_316 = vector.shape_cast %broadcast_in_dim3A_5 : vector<16xf32> to vector<1x16xf32>
    tpu.vector_store %arg11[%swap3A_312, %swap3A_313], %swap3A_316 {strides = array<i32>} : memref<32x48xf32, #tpu.memory_space<vmem>>, vector<1x16xf32>,
    %swap3A_317 = arith.constant 17 : i32
    %swap3A_318 = arith.index_cast %swap3A_317 : i32 to index
    %swap3A_319 = arith.constant 16 : index
    %swap3A_320 = tpu.vector_load %arg11[%swap3A_318, %swap3A_319] {strides = array<i32>} : memref<32x48xf32, #tpu.memory_space<vmem>>, vector<1x16xf32>,
    %swap3A_321 = vector.shape_cast %swap3A_320 : vector<1x16xf32> to vector<16xf32>
    %swap3A_322 = vector.shape_cast %broadcast_in_dim3A_5 : vector<16xf32> to vector<1x16xf32>
    tpu.vector_store %arg11[%swap3A_318, %swap3A_319], %swap3A_322 {strides = array<i32>} : memref<32x48xf32, #tpu.memory_space<vmem>>, vector<1x16xf32>,
    %swap3A_323 = arith.constant 17 : i32
    %swap3A_324 = arith.index_cast %swap3A_323 : i32 to index
    %swap3A_325 = arith.constant 32 : index
    %swap3A_326 = tpu.vector_load %arg11[%swap3A_324, %swap3A_325] {strides = array<i32>} : memref<32x48xf32, #tpu.memory_space<vmem>>, vector<1x16xf32>,
    %swap3A_327 = vector.shape_cast %swap3A_326 : vector<1x16xf32> to vector<16xf32>
    %swap3A_328 = vector.shape_cast %broadcast_in_dim3A_5 : vector<16xf32> to vector<1x16xf32>
    tpu.vector_store %arg11[%swap3A_324, %swap3A_325], %swap3A_328 {strides = array<i32>} : memref<32x48xf32, #tpu.memory_space<vmem>>, vector<1x16xf32>,
    %swap3A_329 = arith.constant 18 : i32
    %swap3A_330 = arith.index_cast %swap3A_329 : i32 to index
    %swap3A_331 = arith.constant 0 : index
    %swap3A_332 = tpu.vector_load %arg11[%swap3A_330, %swap3A_331] {strides = array<i32>} : memref<32x48xf32, #tpu.memory_space<vmem>>, vector<1x16xf32>,
    %swap3A_333 = vector.shape_cast %swap3A_332 : vector<1x16xf32> to vector<16xf32>
    %swap3A_334 = vector.shape_cast %broadcast_in_dim3A_5 : vector<16xf32> to vector<1x16xf32>
    tpu.vector_store %arg11[%swap3A_330, %swap3A_331], %swap3A_334 {strides = array<i32>} : memref<32x48xf32, #tpu.memory_space<vmem>>, vector<1x16xf32>,
    %swap3A_335 = arith.constant 18 : i32
    %swap3A_336 = arith.index_cast %swap3A_335 : i32 to index
    %swap3A_337 = arith.constant 16 : index
    %swap3A_338 = tpu.vector_load %arg11[%swap3A_336, %swap3A_337] {strides = array<i32>} : memref<32x48xf32, #tpu.memory_space<vmem>>, vector<1x16xf32>,
    %swap3A_339 = vector.shape_cast %swap3A_338 : vector<1x16xf32> to vector<16xf32>
    %swap3A_340 = vector.shape_cast %broadcast_in_dim3A_5 : vector<16xf32> to vector<1x16xf32>
    tpu.vector_store %arg11[%swap3A_336, %swap3A_337], %swap3A_340 {strides = array<i32>} : memref<32x48xf32, #tpu.memory_space<vmem>>, vector<1x16xf32>,
    %swap3A_341 = arith.constant 18 : i32
    %swap3A_342 = arith.index_cast %swap3A_341 : i32 to index
    %swap3A_343 = arith.constant 32 : index
    %swap3A_344 = tpu.vector_load %arg11[%swap3A_342, %swap3A_343] {strides = array<i32>} : memref<32x48xf32, #tpu.memory_space<vmem>>, vector<1x16xf32>,
    %swap3A_345 = vector.shape_cast %swap3A_344 : vector<1x16xf32> to vector<16xf32>
    %swap3A_346 = vector.shape_cast %broadcast_in_dim3A_5 : vector<16xf32> to vector<1x16xf32>
    tpu.vector_store %arg11[%swap3A_342, %swap3A_343], %swap3A_346 {strides = array<i32>} : memref<32x48xf32, #tpu.memory_space<vmem>>, vector<1x16xf32>,
    %swap3A_347 = arith.constant 19 : i32
    %swap3A_348 = arith.index_cast %swap3A_347 : i32 to index
    %swap3A_349 = arith.constant 0 : index
    %swap3A_350 = tpu.vector_load %arg11[%swap3A_348, %swap3A_349] {strides = array<i32>} : memref<32x48xf32, #tpu.memory_space<vmem>>, vector<1x16xf32>,
    %swap3A_351 = vector.shape_cast %swap3A_350 : vector<1x16xf32> to vector<16xf32>
    %swap3A_352 = vector.shape_cast %broadcast_in_dim3A_5 : vector<16xf32> to vector<1x16xf32>
    tpu.vector_store %arg11[%swap3A_348, %swap3A_349], %swap3A_352 {strides = array<i32>} : memref<32x48xf32, #tpu.memory_space<vmem>>, vector<1x16xf32>,
    %swap3A_353 = arith.constant 19 : i32
    %swap3A_354 = arith.index_cast %swap3A_353 : i32 to index
    %swap3A_355 = arith.constant 16 : index
    %swap3A_356 = tpu.vector_load %arg11[%swap3A_354, %swap3A_355] {strides = array<i32>} : memref<32x48xf32, #tpu.memory_space<vmem>>, vector<1x16xf32>,
    %swap3A_357 = vector.shape_cast %swap3A_356 : vector<1x16xf32> to vector<16xf32>
    %swap3A_358 = vector.shape_cast %broadcast_in_dim3A_5 : vector<16xf32> to vector<1x16xf32>
    tpu.vector_store %arg11[%swap3A_354, %swap3A_355], %swap3A_358 {strides = array<i32>} : memref<32x48xf32, #tpu.memory_space<vmem>>, vector<1x16xf32>,
    %swap3A_359 = arith.constant 19 : i32
    %swap3A_360 = arith.index_cast %swap3A_359 : i32 to index
    %swap3A_361 = arith.constant 32 : index
    %swap3A_362 = tpu.vector_load %arg11[%swap3A_360, %swap3A_361] {strides = array<i32>} : memref<32x48xf32, #tpu.memory_space<vmem>>, vector<1x16xf32>,
    %swap3A_363 = vector.shape_cast %swap3A_362 : vector<1x16xf32> to vector<16xf32>
    %swap3A_364 = vector.shape_cast %broadcast_in_dim3A_5 : vector<16xf32> to vector<1x16xf32>
    tpu.vector_store %arg11[%swap3A_360, %swap3A_361], %swap3A_364 {strides = array<i32>} : memref<32x48xf32, #tpu.memory_space<vmem>>, vector<1x16xf32>,
    %swap3A_365 = arith.constant 20 : i32
    %swap3A_366 = arith.index_cast %swap3A_365 : i32 to index
    %swap3A_367 = arith.constant 0 : index
    %swap3A_368 = tpu.vector_load %arg11[%swap3A_366, %swap3A_367] {strides = array<i32>} : memref<32x48xf32, #tpu.memory_space<vmem>>, vector<1x16xf32>,
    %swap3A_369 = vector.shape_cast %swap3A_368 : vector<1x16xf32> to vector<16xf32>
    %swap3A_370 = vector.shape_cast %broadcast_in_dim3A_5 : vector<16xf32> to vector<1x16xf32>
    tpu.vector_store %arg11[%swap3A_366, %swap3A_367], %swap3A_370 {strides = array<i32>} : memref<32x48xf32, #tpu.memory_space<vmem>>, vector<1x16xf32>,
    %swap3A_371 = arith.constant 20 : i32
    %swap3A_372 = arith.index_cast %swap3A_371 : i32 to index
    %swap3A_373 = arith.constant 16 : index
    %swap3A_374 = tpu.vector_load %arg11[%swap3A_372, %swap3A_373] {strides = array<i32>} : memref<32x48xf32, #tpu.memory_space<vmem>>, vector<1x16xf32>,
    %swap3A_375 = vector.shape_cast %swap3A_374 : vector<1x16xf32> to vector<16xf32>
    %swap3A_376 = vector.shape_cast %broadcast_in_dim3A_5 : vector<16xf32> to vector<1x16xf32>
    tpu.vector_store %arg11[%swap3A_372, %swap3A_373], %swap3A_376 {strides = array<i32>} : memref<32x48xf32, #tpu.memory_space<vmem>>, vector<1x16xf32>,
    %swap3A_377 = arith.constant 20 : i32
    %swap3A_378 = arith.index_cast %swap3A_377 : i32 to index
    %swap3A_379 = arith.constant 32 : index
    %swap3A_380 = tpu.vector_load %arg11[%swap3A_378, %swap3A_379] {strides = array<i32>} : memref<32x48xf32, #tpu.memory_space<vmem>>, vector<1x16xf32>,
    %swap3A_381 = vector.shape_cast %swap3A_380 : vector<1x16xf32> to vector<16xf32>
    %swap3A_382 = vector.shape_cast %broadcast_in_dim3A_5 : vector<16xf32> to vector<1x16xf32>
    tpu.vector_store %arg11[%swap3A_378, %swap3A_379], %swap3A_382 {strides = array<i32>} : memref<32x48xf32, #tpu.memory_space<vmem>>, vector<1x16xf32>,
    %swap3A_383 = arith.constant 21 : i32
    %swap3A_384 = arith.index_cast %swap3A_383 : i32 to index
    %swap3A_385 = arith.constant 0 : index
    %swap3A_386 = tpu.vector_load %arg11[%swap3A_384, %swap3A_385] {strides = array<i32>} : memref<32x48xf32, #tpu.memory_space<vmem>>, vector<1x16xf32>,
    %swap3A_387 = vector.shape_cast %swap3A_386 : vector<1x16xf32> to vector<16xf32>
    %swap3A_388 = vector.shape_cast %broadcast_in_dim3A_5 : vector<16xf32> to vector<1x16xf32>
    tpu.vector_store %arg11[%swap3A_384, %swap3A_385], %swap3A_388 {strides = array<i32>} : memref<32x48xf32, #tpu.memory_space<vmem>>, vector<1x16xf32>,
    %swap3A_389 = arith.constant 21 : i32
    %swap3A_390 = arith.index_cast %swap3A_389 : i32 to index
    %swap3A_391 = arith.constant 16 : index
    %swap3A_392 = tpu.vector_load %arg11[%swap3A_390, %swap3A_391] {strides = array<i32>} : memref<32x48xf32, #tpu.memory_space<vmem>>, vector<1x16xf32>,
    %swap3A_393 = vector.shape_cast %swap3A_392 : vector<1x16xf32> to vector<16xf32>
    %swap3A_394 = vector.shape_cast %broadcast_in_dim3A_5 : vector<16xf32> to vector<1x16xf32>
    tpu.vector_store %arg11[%swap3A_390, %swap3A_391], %swap3A_394 {strides = array<i32>} : memref<32x48xf32, #tpu.memory_space<vmem>>, vector<1x16xf32>,
    %swap3A_395 = arith.constant 21 : i32
    %swap3A_396 = arith.index_cast %swap3A_395 : i32 to index
    %swap3A_397 = arith.constant 32 : index
    %swap3A_398 = tpu.vector_load %arg11[%swap3A_396, %swap3A_397] {strides = array<i32>} : memref<32x48xf32, #tpu.memory_space<vmem>>, vector<1x16xf32>,
    %swap3A_399 = vector.shape_cast %swap3A_398 : vector<1x16xf32> to vector<16xf32>
    %swap3A_400 = vector.shape_cast %broadcast_in_dim3A_5 : vector<16xf32> to vector<1x16xf32>
    tpu.vector_store %arg11[%swap3A_396, %swap3A_397], %swap3A_400 {strides = array<i32>} : memref<32x48xf32, #tpu.memory_space<vmem>>, vector<1x16xf32>,
    %swap3A_401 = arith.constant 22 : i32
    %swap3A_402 = arith.index_cast %swap3A_401 : i32 to index
    %swap3A_403 = arith.constant 0 : index
    %swap3A_404 = tpu.vector_load %arg11[%swap3A_402, %swap3A_403] {strides = array<i32>} : memref<32x48xf32, #tpu.memory_space<vmem>>, vector<1x16xf32>,
    %swap3A_405 = vector.shape_cast %swap3A_404 : vector<1x16xf32> to vector<16xf32>
    %swap3A_406 = vector.shape_cast %broadcast_in_dim3A_5 : vector<16xf32> to vector<1x16xf32>
    tpu.vector_store %arg11[%swap3A_402, %swap3A_403], %swap3A_406 {strides = array<i32>} : memref<32x48xf32, #tpu.memory_space<vmem>>, vector<1x16xf32>,
    %swap3A_407 = arith.constant 22 : i32
    %swap3A_408 = arith.index_cast %swap3A_407 : i32 to index
    %swap3A_409 = arith.constant 16 : index
    %swap3A_410 = tpu.vector_load %arg11[%swap3A_408, %swap3A_409] {strides = array<i32>} : memref<32x48xf32, #tpu.memory_space<vmem>>, vector<1x16xf32>,
    %swap3A_411 = vector.shape_cast %swap3A_410 : vector<1x16xf32> to vector<16xf32>
    %swap3A_412 = vector.shape_cast %broadcast_in_dim3A_5 : vector<16xf32> to vector<1x16xf32>
    tpu.vector_store %arg11[%swap3A_408, %swap3A_409], %swap3A_412 {strides = array<i32>} : memref<32x48xf32, #tpu.memory_space<vmem>>, vector<1x16xf32>,
    %swap3A_413 = arith.constant 22 : i32
    %swap3A_414 = arith.index_cast %swap3A_413 : i32 to index
    %swap3A_415 = arith.constant 32 : index
    %swap3A_416 = tpu.vector_load %arg11[%swap3A_414, %swap3A_415] {strides = array<i32>} : memref<32x48xf32, #tpu.memory_space<vmem>>, vector<1x16xf32>,
    %swap3A_417 = vector.shape_cast %swap3A_416 : vector<1x16xf32> to vector<16xf32>
    %swap3A_418 = vector.shape_cast %broadcast_in_dim3A_5 : vector<16xf32> to vector<1x16xf32>
    tpu.vector_store %arg11[%swap3A_414, %swap3A_415], %swap3A_418 {strides = array<i32>} : memref<32x48xf32, #tpu.memory_space<vmem>>, vector<1x16xf32>,
    %swap3A_419 = arith.constant 23 : i32
    %swap3A_420 = arith.index_cast %swap3A_419 : i32 to index
    %swap3A_421 = arith.constant 0 : index
    %swap3A_422 = tpu.vector_load %arg11[%swap3A_420, %swap3A_421] {strides = array<i32>} : memref<32x48xf32, #tpu.memory_space<vmem>>, vector<1x16xf32>,
    %swap3A_423 = vector.shape_cast %swap3A_422 : vector<1x16xf32> to vector<16xf32>
    %swap3A_424 = vector.shape_cast %broadcast_in_dim3A_5 : vector<16xf32> to vector<1x16xf32>
    tpu.vector_store %arg11[%swap3A_420, %swap3A_421], %swap3A_424 {strides = array<i32>} : memref<32x48xf32, #tpu.memory_space<vmem>>, vector<1x16xf32>,
    %swap3A_425 = arith.constant 23 : i32
    %swap3A_426 = arith.index_cast %swap3A_425 : i32 to index
    %swap3A_427 = arith.constant 16 : index
    %swap3A_428 = tpu.vector_load %arg11[%swap3A_426, %swap3A_427] {strides = array<i32>} : memref<32x48xf32, #tpu.memory_space<vmem>>, vector<1x16xf32>,
    %swap3A_429 = vector.shape_cast %swap3A_428 : vector<1x16xf32> to vector<16xf32>
    %swap3A_430 = vector.shape_cast %broadcast_in_dim3A_5 : vector<16xf32> to vector<1x16xf32>
    tpu.vector_store %arg11[%swap3A_426, %swap3A_427], %swap3A_430 {strides = array<i32>} : memref<32x48xf32, #tpu.memory_space<vmem>>, vector<1x16xf32>,
    %swap3A_431 = arith.constant 23 : i32
    %swap3A_432 = arith.index_cast %swap3A_431 : i32 to index
    %swap3A_433 = arith.constant 32 : index
    %swap3A_434 = tpu.vector_load %arg11[%swap3A_432, %swap3A_433] {strides = array<i32>} : memref<32x48xf32, #tpu.memory_space<vmem>>, vector<1x16xf32>,
    %swap3A_435 = vector.shape_cast %swap3A_434 : vector<1x16xf32> to vector<16xf32>
    %swap3A_436 = vector.shape_cast %broadcast_in_dim3A_5 : vector<16xf32> to vector<1x16xf32>
    tpu.vector_store %arg11[%swap3A_432, %swap3A_433], %swap3A_436 {strides = array<i32>} : memref<32x48xf32, #tpu.memory_space<vmem>>, vector<1x16xf32>,
    %swap3A_437 = arith.constant 24 : i32
    %swap3A_438 = arith.index_cast %swap3A_437 : i32 to index
    %swap3A_439 = arith.constant 0 : index
    %swap3A_440 = tpu.vector_load %arg11[%swap3A_438, %swap3A_439] {strides = array<i32>} : memref<32x48xf32, #tpu.memory_space<vmem>>, vector<1x16xf32>,
    %swap3A_441 = vector.shape_cast %swap3A_440 : vector<1x16xf32> to vector<16xf32>
    %swap3A_442 = vector.shape_cast %broadcast_in_dim3A_5 : vector<16xf32> to vector<1x16xf32>
    tpu.vector_store %arg11[%swap3A_438, %swap3A_439], %swap3A_442 {strides = array<i32>} : memref<32x48xf32, #tpu.memory_space<vmem>>, vector<1x16xf32>,
    %swap3A_443 = arith.constant 24 : i32
    %swap3A_444 = arith.index_cast %swap3A_443 : i32 to index
    %swap3A_445 = arith.constant 16 : index
    %swap3A_446 = tpu.vector_load %arg11[%swap3A_444, %swap3A_445] {strides = array<i32>} : memref<32x48xf32, #tpu.memory_space<vmem>>, vector<1x16xf32>,
    %swap3A_447 = vector.shape_cast %swap3A_446 : vector<1x16xf32> to vector<16xf32>
    %swap3A_448 = vector.shape_cast %broadcast_in_dim3A_5 : vector<16xf32> to vector<1x16xf32>
    tpu.vector_store %arg11[%swap3A_444, %swap3A_445], %swap3A_448 {strides = array<i32>} : memref<32x48xf32, #tpu.memory_space<vmem>>, vector<1x16xf32>,
    %swap3A_449 = arith.constant 24 : i32
    %swap3A_450 = arith.index_cast %swap3A_449 : i32 to index
    %swap3A_451 = arith.constant 32 : index
    %swap3A_452 = tpu.vector_load %arg11[%swap3A_450, %swap3A_451] {strides = array<i32>} : memref<32x48xf32, #tpu.memory_space<vmem>>, vector<1x16xf32>,
    %swap3A_453 = vector.shape_cast %swap3A_452 : vector<1x16xf32> to vector<16xf32>
    %swap3A_454 = vector.shape_cast %broadcast_in_dim3A_5 : vector<16xf32> to vector<1x16xf32>
    tpu.vector_store %arg11[%swap3A_450, %swap3A_451], %swap3A_454 {strides = array<i32>} : memref<32x48xf32, #tpu.memory_space<vmem>>, vector<1x16xf32>,
    %swap3A_455 = arith.constant 25 : i32
    %swap3A_456 = arith.index_cast %swap3A_455 : i32 to index
    %swap3A_457 = arith.constant 0 : index
    %swap3A_458 = tpu.vector_load %arg11[%swap3A_456, %swap3A_457] {strides = array<i32>} : memref<32x48xf32, #tpu.memory_space<vmem>>, vector<1x16xf32>,
    %swap3A_459 = vector.shape_cast %swap3A_458 : vector<1x16xf32> to vector<16xf32>
    %swap3A_460 = vector.shape_cast %broadcast_in_dim3A_5 : vector<16xf32> to vector<1x16xf32>
    tpu.vector_store %arg11[%swap3A_456, %swap3A_457], %swap3A_460 {strides = array<i32>} : memref<32x48xf32, #tpu.memory_space<vmem>>, vector<1x16xf32>,
    %swap3A_461 = arith.constant 25 : i32
    %swap3A_462 = arith.index_cast %swap3A_461 : i32 to index
    %swap3A_463 = arith.constant 16 : index
    %swap3A_464 = tpu.vector_load %arg11[%swap3A_462, %swap3A_463] {strides = array<i32>} : memref<32x48xf32, #tpu.memory_space<vmem>>, vector<1x16xf32>,
    %swap3A_465 = vector.shape_cast %swap3A_464 : vector<1x16xf32> to vector<16xf32>
    %swap3A_466 = vector.shape_cast %broadcast_in_dim3A_5 : vector<16xf32> to vector<1x16xf32>
    tpu.vector_store %arg11[%swap3A_462, %swap3A_463], %swap3A_466 {strides = array<i32>} : memref<32x48xf32, #tpu.memory_space<vmem>>, vector<1x16xf32>,
    %swap3A_467 = arith.constant 25 : i32
    %swap3A_468 = arith.index_cast %swap3A_467 : i32 to index
    %swap3A_469 = arith.constant 32 : index
    %swap3A_470 = tpu.vector_load %arg11[%swap3A_468, %swap3A_469] {strides = array<i32>} : memref<32x48xf32, #tpu.memory_space<vmem>>, vector<1x16xf32>,
    %swap3A_471 = vector.shape_cast %swap3A_470 : vector<1x16xf32> to vector<16xf32>
    %swap3A_472 = vector.shape_cast %broadcast_in_dim3A_5 : vector<16xf32> to vector<1x16xf32>
    tpu.vector_store %arg11[%swap3A_468, %swap3A_469], %swap3A_472 {strides = array<i32>} : memref<32x48xf32, #tpu.memory_space<vmem>>, vector<1x16xf32>,
    %swap3A_473 = arith.constant 26 : i32
    %swap3A_474 = arith.index_cast %swap3A_473 : i32 to index
    %swap3A_475 = arith.constant 0 : index
    %swap3A_476 = tpu.vector_load %arg11[%swap3A_474, %swap3A_475] {strides = array<i32>} : memref<32x48xf32, #tpu.memory_space<vmem>>, vector<1x16xf32>,
    %swap3A_477 = vector.shape_cast %swap3A_476 : vector<1x16xf32> to vector<16xf32>
    %swap3A_478 = vector.shape_cast %broadcast_in_dim3A_5 : vector<16xf32> to vector<1x16xf32>
    tpu.vector_store %arg11[%swap3A_474, %swap3A_475], %swap3A_478 {strides = array<i32>} : memref<32x48xf32, #tpu.memory_space<vmem>>, vector<1x16xf32>,
    %swap3A_479 = arith.constant 26 : i32
    %swap3A_480 = arith.index_cast %swap3A_479 : i32 to index
    %swap3A_481 = arith.constant 16 : index
    %swap3A_482 = tpu.vector_load %arg11[%swap3A_480, %swap3A_481] {strides = array<i32>} : memref<32x48xf32, #tpu.memory_space<vmem>>, vector<1x16xf32>,
    %swap3A_483 = vector.shape_cast %swap3A_482 : vector<1x16xf32> to vector<16xf32>
    %swap3A_484 = vector.shape_cast %broadcast_in_dim3A_5 : vector<16xf32> to vector<1x16xf32>
    tpu.vector_store %arg11[%swap3A_480, %swap3A_481], %swap3A_484 {strides = array<i32>} : memref<32x48xf32, #tpu.memory_space<vmem>>, vector<1x16xf32>,
    %swap3A_485 = arith.constant 26 : i32
    %swap3A_486 = arith.index_cast %swap3A_485 : i32 to index
    %swap3A_487 = arith.constant 32 : index
    %swap3A_488 = tpu.vector_load %arg11[%swap3A_486, %swap3A_487] {strides = array<i32>} : memref<32x48xf32, #tpu.memory_space<vmem>>, vector<1x16xf32>,
    %swap3A_489 = vector.shape_cast %swap3A_488 : vector<1x16xf32> to vector<16xf32>
    %swap3A_490 = vector.shape_cast %broadcast_in_dim3A_5 : vector<16xf32> to vector<1x16xf32>
    tpu.vector_store %arg11[%swap3A_486, %swap3A_487], %swap3A_490 {strides = array<i32>} : memref<32x48xf32, #tpu.memory_space<vmem>>, vector<1x16xf32>,
    %swap3A_491 = arith.constant 27 : i32
    %swap3A_492 = arith.index_cast %swap3A_491 : i32 to index
    %swap3A_493 = arith.constant 0 : index
    %swap3A_494 = tpu.vector_load %arg11[%swap3A_492, %swap3A_493] {strides = array<i32>} : memref<32x48xf32, #tpu.memory_space<vmem>>, vector<1x16xf32>,
    %swap3A_495 = vector.shape_cast %swap3A_494 : vector<1x16xf32> to vector<16xf32>
    %swap3A_496 = vector.shape_cast %broadcast_in_dim3A_5 : vector<16xf32> to vector<1x16xf32>
    tpu.vector_store %arg11[%swap3A_492, %swap3A_493], %swap3A_496 {strides = array<i32>} : memref<32x48xf32, #tpu.memory_space<vmem>>, vector<1x16xf32>,
    %swap3A_497 = arith.constant 27 : i32
    %swap3A_498 = arith.index_cast %swap3A_497 : i32 to index
    %swap3A_499 = arith.constant 16 : index
    %swap3A_500 = tpu.vector_load %arg11[%swap3A_498, %swap3A_499] {strides = array<i32>} : memref<32x48xf32, #tpu.memory_space<vmem>>, vector<1x16xf32>,
    %swap3A_501 = vector.shape_cast %swap3A_500 : vector<1x16xf32> to vector<16xf32>
    %swap3A_502 = vector.shape_cast %broadcast_in_dim3A_5 : vector<16xf32> to vector<1x16xf32>
    tpu.vector_store %arg11[%swap3A_498, %swap3A_499], %swap3A_502 {strides = array<i32>} : memref<32x48xf32, #tpu.memory_space<vmem>>, vector<1x16xf32>,
    %swap3A_503 = arith.constant 27 : i32
    %swap3A_504 = arith.index_cast %swap3A_503 : i32 to index
    %swap3A_505 = arith.constant 32 : index
    %swap3A_506 = tpu.vector_load %arg11[%swap3A_504, %swap3A_505] {strides = array<i32>} : memref<32x48xf32, #tpu.memory_space<vmem>>, vector<1x16xf32>,
    %swap3A_507 = vector.shape_cast %swap3A_506 : vector<1x16xf32> to vector<16xf32>
    %swap3A_508 = vector.shape_cast %broadcast_in_dim3A_5 : vector<16xf32> to vector<1x16xf32>
    tpu.vector_store %arg11[%swap3A_504, %swap3A_505], %swap3A_508 {strides = array<i32>} : memref<32x48xf32, #tpu.memory_space<vmem>>, vector<1x16xf32>,
    %swap3A_509 = arith.constant 28 : i32
    %swap3A_510 = arith.index_cast %swap3A_509 : i32 to index
    %swap3A_511 = arith.constant 0 : index
    %swap3A_512 = tpu.vector_load %arg11[%swap3A_510, %swap3A_511] {strides = array<i32>} : memref<32x48xf32, #tpu.memory_space<vmem>>, vector<1x16xf32>,
    %swap3A_513 = vector.shape_cast %swap3A_512 : vector<1x16xf32> to vector<16xf32>
    %swap3A_514 = vector.shape_cast %broadcast_in_dim3A_5 : vector<16xf32> to vector<1x16xf32>
    tpu.vector_store %arg11[%swap3A_510, %swap3A_511], %swap3A_514 {strides = array<i32>} : memref<32x48xf32, #tpu.memory_space<vmem>>, vector<1x16xf32>,
    %swap3A_515 = arith.constant 28 : i32
    %swap3A_516 = arith.index_cast %swap3A_515 : i32 to index
    %swap3A_517 = arith.constant 16 : index
    %swap3A_518 = tpu.vector_load %arg11[%swap3A_516, %swap3A_517] {strides = array<i32>} : memref<32x48xf32, #tpu.memory_space<vmem>>, vector<1x16xf32>,
    %swap3A_519 = vector.shape_cast %swap3A_518 : vector<1x16xf32> to vector<16xf32>
    %swap3A_520 = vector.shape_cast %broadcast_in_dim3A_5 : vector<16xf32> to vector<1x16xf32>
    tpu.vector_store %arg11[%swap3A_516, %swap3A_517], %swap3A_520 {strides = array<i32>} : memref<32x48xf32, #tpu.memory_space<vmem>>, vector<1x16xf32>,
    %swap3A_521 = arith.constant 28 : i32
    %swap3A_522 = arith.index_cast %swap3A_521 : i32 to index
    %swap3A_523 = arith.constant 32 : index
    %swap3A_524 = tpu.vector_load %arg11[%swap3A_522, %swap3A_523] {strides = array<i32>} : memref<32x48xf32, #tpu.memory_space<vmem>>, vector<1x16xf32>,
    %swap3A_525 = vector.shape_cast %swap3A_524 : vector<1x16xf32> to vector<16xf32>
    %swap3A_526 = vector.shape_cast %broadcast_in_dim3A_5 : vector<16xf32> to vector<1x16xf32>
    tpu.vector_store %arg11[%swap3A_522, %swap3A_523], %swap3A_526 {strides = array<i32>} : memref<32x48xf32, #tpu.memory_space<vmem>>, vector<1x16xf32>,
    %swap3A_527 = arith.constant 29 : i32
    %swap3A_528 = arith.index_cast %swap3A_527 : i32 to index
    %swap3A_529 = arith.constant 0 : index
    %swap3A_530 = tpu.vector_load %arg11[%swap3A_528, %swap3A_529] {strides = array<i32>} : memref<32x48xf32, #tpu.memory_space<vmem>>, vector<1x16xf32>,
    %swap3A_531 = vector.shape_cast %swap3A_530 : vector<1x16xf32> to vector<16xf32>
    %swap3A_532 = vector.shape_cast %broadcast_in_dim3A_5 : vector<16xf32> to vector<1x16xf32>
    tpu.vector_store %arg11[%swap3A_528, %swap3A_529], %swap3A_532 {strides = array<i32>} : memref<32x48xf32, #tpu.memory_space<vmem>>, vector<1x16xf32>,
    %swap3A_533 = arith.constant 29 : i32
    %swap3A_534 = arith.index_cast %swap3A_533 : i32 to index
    %swap3A_535 = arith.constant 16 : index
    %swap3A_536 = tpu.vector_load %arg11[%swap3A_534, %swap3A_535] {strides = array<i32>} : memref<32x48xf32, #tpu.memory_space<vmem>>, vector<1x16xf32>,
    %swap3A_537 = vector.shape_cast %swap3A_536 : vector<1x16xf32> to vector<16xf32>
    %swap3A_538 = vector.shape_cast %broadcast_in_dim3A_5 : vector<16xf32> to vector<1x16xf32>
    tpu.vector_store %arg11[%swap3A_534, %swap3A_535], %swap3A_538 {strides = array<i32>} : memref<32x48xf32, #tpu.memory_space<vmem>>, vector<1x16xf32>,
    %swap3A_539 = arith.constant 29 : i32
    %swap3A_540 = arith.index_cast %swap3A_539 : i32 to index
    %swap3A_541 = arith.constant 32 : index
    %swap3A_542 = tpu.vector_load %arg11[%swap3A_540, %swap3A_541] {strides = array<i32>} : memref<32x48xf32, #tpu.memory_space<vmem>>, vector<1x16xf32>,
    %swap3A_543 = vector.shape_cast %swap3A_542 : vector<1x16xf32> to vector<16xf32>
    %swap3A_544 = vector.shape_cast %broadcast_in_dim3A_5 : vector<16xf32> to vector<1x16xf32>
    tpu.vector_store %arg11[%swap3A_540, %swap3A_541], %swap3A_544 {strides = array<i32>} : memref<32x48xf32, #tpu.memory_space<vmem>>, vector<1x16xf32>,
    %swap3A_545 = arith.constant 30 : i32
    %swap3A_546 = arith.index_cast %swap3A_545 : i32 to index
    %swap3A_547 = arith.constant 0 : index
    %swap3A_548 = tpu.vector_load %arg11[%swap3A_546, %swap3A_547] {strides = array<i32>} : memref<32x48xf32, #tpu.memory_space<vmem>>, vector<1x16xf32>,
    %swap3A_549 = vector.shape_cast %swap3A_548 : vector<1x16xf32> to vector<16xf32>
    %swap3A_550 = vector.shape_cast %broadcast_in_dim3A_5 : vector<16xf32> to vector<1x16xf32>
    tpu.vector_store %arg11[%swap3A_546, %swap3A_547], %swap3A_550 {strides = array<i32>} : memref<32x48xf32, #tpu.memory_space<vmem>>, vector<1x16xf32>,
    %swap3A_551 = arith.constant 30 : i32
    %swap3A_552 = arith.index_cast %swap3A_551 : i32 to index
    %swap3A_553 = arith.constant 16 : index
    %swap3A_554 = tpu.vector_load %arg11[%swap3A_552, %swap3A_553] {strides = array<i32>} : memref<32x48xf32, #tpu.memory_space<vmem>>, vector<1x16xf32>,
    %swap3A_555 = vector.shape_cast %swap3A_554 : vector<1x16xf32> to vector<16xf32>
    %swap3A_556 = vector.shape_cast %broadcast_in_dim3A_5 : vector<16xf32> to vector<1x16xf32>
    tpu.vector_store %arg11[%swap3A_552, %swap3A_553], %swap3A_556 {strides = array<i32>} : memref<32x48xf32, #tpu.memory_space<vmem>>, vector<1x16xf32>,
    %swap3A_557 = arith.constant 30 : i32
    %swap3A_558 = arith.index_cast %swap3A_557 : i32 to index
    %swap3A_559 = arith.constant 32 : index
    %swap3A_560 = tpu.vector_load %arg11[%swap3A_558, %swap3A_559] {strides = array<i32>} : memref<32x48xf32, #tpu.memory_space<vmem>>, vector<1x16xf32>,
    %swap3A_561 = vector.shape_cast %swap3A_560 : vector<1x16xf32> to vector<16xf32>
    %swap3A_562 = vector.shape_cast %broadcast_in_dim3A_5 : vector<16xf32> to vector<1x16xf32>
    tpu.vector_store %arg11[%swap3A_558, %swap3A_559], %swap3A_562 {strides = array<i32>} : memref<32x48xf32, #tpu.memory_space<vmem>>, vector<1x16xf32>,
    %swap3A_563 = arith.constant 31 : i32
    %swap3A_564 = arith.index_cast %swap3A_563 : i32 to index
    %swap3A_565 = arith.constant 0 : index
    %swap3A_566 = tpu.vector_load %arg11[%swap3A_564, %swap3A_565] {strides = array<i32>} : memref<32x48xf32, #tpu.memory_space<vmem>>, vector<1x16xf32>,
    %swap3A_567 = vector.shape_cast %swap3A_566 : vector<1x16xf32> to vector<16xf32>
    %swap3A_568 = vector.shape_cast %broadcast_in_dim3A_5 : vector<16xf32> to vector<1x16xf32>
    tpu.vector_store %arg11[%swap3A_564, %swap3A_565], %swap3A_568 {strides = array<i32>} : memref<32x48xf32, #tpu.memory_space<vmem>>, vector<1x16xf32>,
    %swap3A_569 = arith.constant 31 : i32
    %swap3A_570 = arith.index_cast %swap3A_569 : i32 to index
    %swap3A_571 = arith.constant 16 : index
    %swap3A_572 = tpu.vector_load %arg11[%swap3A_570, %swap3A_571] {strides = array<i32>} : memref<32x48xf32, #tpu.memory_space<vmem>>, vector<1x16xf32>,
    %swap3A_573 = vector.shape_cast %swap3A_572 : vector<1x16xf32> to vector<16xf32>
    %swap3A_574 = vector.shape_cast %broadcast_in_dim3A_5 : vector<16xf32> to vector<1x16xf32>
    tpu.vector_store %arg11[%swap3A_570, %swap3A_571], %swap3A_574 {strides = array<i32>} : memref<32x48xf32, #tpu.memory_space<vmem>>, vector<1x16xf32>,
    %swap3A_575 = arith.constant 31 : i32
    %swap3A_576 = arith.index_cast %swap3A_575 : i32 to index
    %swap3A_577 = arith.constant 32 : index
    %swap3A_578 = tpu.vector_load %arg11[%swap3A_576, %swap3A_577] {strides = array<i32>} : memref<32x48xf32, #tpu.memory_space<vmem>>, vector<1x16xf32>,
    %swap3A_579 = vector.shape_cast %swap3A_578 : vector<1x16xf32> to vector<16xf32>
    %swap3A_580 = vector.shape_cast %broadcast_in_dim3A_5 : vector<16xf32> to vector<1x16xf32>
    tpu.vector_store %arg11[%swap3A_576, %swap3A_577], %swap3A_580 {strides = array<i32>} : memref<32x48xf32, #tpu.memory_space<vmem>>, vector<1x16xf32>,
    %scan3A = arith.constant 0 : i32
    %scan3A_581 = arith.constant 0 : i32
    %scan3A_582 = arith.constant 20 : i32
    %scan3A_583 = arith.addi %scan3A_581, %scan3A_582 : i32
    %scan3A_584 = arith.constant 1 : i32
    scf.for %scan3A_597 = %scan3A_581 to %scan3A_583 step %scan3A_584  : i32 {
      %mul3A_598 = arith.constant 640 : i32
      %mul3A_599 = arith.muli %arg1, %mul3A_598 : i32
      %mul3A_600 = arith.constant 32 : i32
      %mul3A_601 = arith.muli %scan3A_597, %mul3A_600 : i32
      %add3A_602 = arith.addi %mul3A_599, %mul3A_601 : i32
      "tpu.region"() ({
        %run_scoped3A = tpu.sem_alloc : memref<!tpu.dma_semaphore, #tpu.memory_space<semaphore_mem>>
        %dma_start3A = arith.constant 0 : i32
        %dma_start3A_603 = tpu.memref_slice %arg12[%add3A_602, %dma_start3A] : memref<10240x48xf32, #tpu.memory_space<vmem_shared>> -> memref<32x48xf32, #tpu.memory_space<vmem_shared>>
        %dma_start3A_604 = arith.constant 0 : i32
        %dma_start3A_605 = tpu.memref_slice %arg12[%add3A_602, %dma_start3A_604] : memref<10240x48xf32, #tpu.memory_space<vmem_shared>> -> memref<32x48xf32, #tpu.memory_space<vmem_shared>>
        tpu.enqueue_dma source(%arg11 : memref<32x48xf32, #tpu.memory_space<vmem>>) target(%dma_start3A_605 : memref<32x48xf32, #tpu.memory_space<vmem_shared>>) target_semaphore(%run_scoped3A : memref<!tpu.dma_semaphore, #tpu.memory_space<semaphore_mem>>)
        %dma_wait3A = arith.constant 0 : i32
        %dma_wait3A_606 = tpu.memref_slice %arg12[%add3A_602, %dma_wait3A] : memref<10240x48xf32, #tpu.memory_space<vmem_shared>> -> memref<32x48xf32, #tpu.memory_space<vmem_shared>>
        %dma_wait3A_607 = arith.constant 0 : i32
        %dma_wait3A_608 = tpu.memref_slice %arg12[%add3A_602, %dma_wait3A_607] : memref<10240x48xf32, #tpu.memory_space<vmem_shared>> -> memref<32x48xf32, #tpu.memory_space<vmem_shared>>
        tpu.wait_dma2 semaphore(%run_scoped3A : memref<!tpu.dma_semaphore, #tpu.memory_space<semaphore_mem>>) src(%arg11 : memref<32x48xf32, #tpu.memory_space<vmem>>) dst(%dma_wait3A_608 : memref<32x48xf32, #tpu.memory_space<vmem_shared>>)
        tpu.yield
      }) : () -> ()
    }
    %scan3A_585 = arith.constant 20 : i32
    %barrier3A = arith.constant 0 : index
    tpu.barrier barrier_id(%barrier3A)
    %scan3A_586 = arith.constant 0 : i32
    %scan3A_587 = arith.constant 0 : i32
    %scan3A_588 = arith.constant 80 : i32
    %scan3A_589 = arith.addi %scan3A_587, %scan3A_588 : i32
    %scan3A_590 = arith.constant 1 : i32
    scf.for %scan3A_597 = %scan3A_587 to %scan3A_589 step %scan3A_590  : i32 {
      %mul3A_598 = arith.constant 80 : i32
      %mul3A_599 = arith.muli %add3A, %mul3A_598 : i32
      %add3A_600 = arith.addi %mul3A_599, %scan3A_597 : i32
      %dma_start3A = arith.constant 0 : i32
      %dma_start3A_601 = arith.constant 0 : i32
      %dma_start3A_602 = tpu.memref_slice %arg5[%add3A_600, %dma_start3A, %dma_start3A_601] : memref<2560x128x16xf32, #tpu.memory_space<hbm>> -> memref<1x128x16xf32, #tpu.memory_space<hbm>>
      %dma_start3A_603 = tpu.memref_squeeze %dma_start3A_602 : memref<1x128x16xf32, #tpu.memory_space<hbm>> -> memref<128x16xf32, #tpu.memory_space<hbm>>
      %dma_start3A_604 = arith.constant 0 : i32
      %dma_start3A_605 = arith.constant 0 : i32
      %dma_start3A_606 = tpu.memref_slice %arg5[%add3A_600, %dma_start3A_604, %dma_start3A_605] : memref<2560x128x16xf32, #tpu.memory_space<hbm>> -> memref<1x128x16xf32, #tpu.memory_space<hbm>>
      %dma_start3A_607 = tpu.memref_squeeze %dma_start3A_606 : memref<1x128x16xf32, #tpu.memory_space<hbm>> -> memref<128x16xf32, #tpu.memory_space<hbm>>
      tpu.enqueue_dma source(%dma_start3A_607 : memref<128x16xf32, #tpu.memory_space<hbm>>) target(%arg9 : memref<128x16xf32, #tpu.memory_space<vmem>>) target_semaphore(%arg13 : memref<!tpu.dma_semaphore, #tpu.memory_space<semaphore_mem>>)
      %dma_start3A_608 = arith.constant 0 : i32
      %dma_start3A_609 = tpu.memref_slice %arg7[%scan3A_597, %dma_start3A_608] : memref<80x128xi32, #tpu.memory_space<vmem>> -> memref<1x128xi32, #tpu.memory_space<vmem>>
      %dma_start3A_610 = tpu.memref_squeeze %dma_start3A_609 : memref<1x128xi32, #tpu.memory_space<vmem>> -> memref<128xi32, #tpu.memory_space<vmem>>
      %dma_start3A_611 = arith.constant 0 : i32
      %dma_start3A_612 = arith.constant 0 : i32
      %dma_start3A_613 = tpu.memref_slice %arg2[%dma_start3A_611, %dma_start3A_612] : memref<10240x48xf32, #tpu.memory_space<hbm>> -> memref<10240x48xf32, #tpu.memory_space<hbm>>
      tpu.enqueue_indirect_dma source(%dma_start3A_613 : memref<10240x48xf32, #tpu.memory_space<hbm>>) target(%arg10 : memref<128x48xf32, #tpu.memory_space<vmem>>) offsets(%dma_start3A_610 : memref<128xi32, #tpu.memory_space<vmem>>) semaphore(%arg13 : memref<!tpu.dma_semaphore, #tpu.memory_space<semaphore_mem>>)
      %dma_wait3A = arith.constant 0 : i32
      %dma_wait3A_614 = arith.constant 0 : i32
      %dma_wait3A_615 = tpu.memref_slice %arg5[%add3A_600, %dma_wait3A, %dma_wait3A_614] : memref<2560x128x16xf32, #tpu.memory_space<hbm>> -> memref<1x128x16xf32, #tpu.memory_space<hbm>>
      %dma_wait3A_616 = tpu.memref_squeeze %dma_wait3A_615 : memref<1x128x16xf32, #tpu.memory_space<hbm>> -> memref<128x16xf32, #tpu.memory_space<hbm>>
      %dma_wait3A_617 = arith.constant 0 : i32
      %dma_wait3A_618 = arith.constant 0 : i32
      %dma_wait3A_619 = tpu.memref_slice %arg5[%add3A_600, %dma_wait3A_617, %dma_wait3A_618] : memref<2560x128x16xf32, #tpu.memory_space<hbm>> -> memref<1x128x16xf32, #tpu.memory_space<hbm>>
      %dma_wait3A_620 = tpu.memref_squeeze %dma_wait3A_619 : memref<1x128x16xf32, #tpu.memory_space<hbm>> -> memref<128x16xf32, #tpu.memory_space<hbm>>
      tpu.wait_dma2 semaphore(%arg13 : memref<!tpu.dma_semaphore, #tpu.memory_space<semaphore_mem>>) src(%dma_wait3A_620 : memref<128x16xf32, #tpu.memory_space<hbm>>) dst(%arg9 : memref<128x16xf32, #tpu.memory_space<vmem>>)
      %dma_wait3A_621 = arith.constant 0 : i32
      %dma_wait3A_622 = tpu.memref_slice %arg7[%scan3A_597, %dma_wait3A_621] : memref<80x128xi32, #tpu.memory_space<vmem>> -> memref<1x128xi32, #tpu.memory_space<vmem>>
      %dma_wait3A_623 = tpu.memref_squeeze %dma_wait3A_622 : memref<1x128xi32, #tpu.memory_space<vmem>> -> memref<128xi32, #tpu.memory_space<vmem>>
      %dma_wait3A_624 = arith.constant 0 : i32
      %dma_wait3A_625 = arith.constant 0 : i32
      %dma_wait3A_626 = tpu.memref_slice %arg2[%dma_wait3A_624, %dma_wait3A_625] : memref<10240x48xf32, #tpu.memory_space<hbm>> -> memref<10240x48xf32, #tpu.memory_space<hbm>>
      tpu.wait_indirect_dma semaphore(%arg13 : memref<!tpu.dma_semaphore, #tpu.memory_space<semaphore_mem>>) src(%dma_wait3A_626 : memref<10240x48xf32, #tpu.memory_space<hbm>>) dst(%arg10 : memref<128x48xf32, #tpu.memory_space<vmem>>)
      %scan3A_627 = arith.constant 0 : i32
      %scan3A_628 = arith.constant 0 : i32
      %scan3A_629 = arith.constant 128 : i32
      %scan3A_630 = arith.addi %scan3A_628, %scan3A_629 : i32
      %scan3A_631 = arith.constant 1 : i32
      scf.for %scan3A_633 = %scan3A_628 to %scan3A_630 step %scan3A_631  : i32 {
        %get3A = arith.index_cast %scan3A_633 : i32 to index
        %get3A_634 = arith.constant 0 : index
        %get3A_635 = tpu.vector_load %arg9[%get3A, %get3A_634] {strides = array<i32>} : memref<128x16xf32, #tpu.memory_space<vmem>>, vector<1x16xf32>,
        %get3A_636 = vector.shape_cast %get3A_635 : vector<1x16xf32> to vector<16xf32>
        %get3A_637 = arith.index_cast %scan3A_633 : i32 to index
        %get3A_638 = arith.constant 0 : index
        %get3A_639 = tpu.vector_load %arg10[%get3A_637, %get3A_638] {strides = array<i32>} : memref<128x48xf32, #tpu.memory_space<vmem>>, vector<1x16xf32>,
        %get3A_640 = vector.shape_cast %get3A_639 : vector<1x16xf32> to vector<16xf32>
        %mul3A_641 = arith.mulf %get3A_640, %get3A_636 : vector<16xf32>
        %swap3A_642 = arith.index_cast %scan3A_633 : i32 to index
        %swap3A_643 = arith.constant 0 : index
        %swap3A_644 = tpu.vector_load %arg10[%swap3A_642, %swap3A_643] {strides = array<i32>} : memref<128x48xf32, #tpu.memory_space<vmem>>, vector<1x16xf32>,
        %swap3A_645 = vector.shape_cast %swap3A_644 : vector<1x16xf32> to vector<16xf32>
        %swap3A_646 = vector.shape_cast %mul3A_641 : vector<16xf32> to vector<1x16xf32>
        tpu.vector_store %arg10[%swap3A_642, %swap3A_643], %swap3A_646 {strides = array<i32>} : memref<128x48xf32, #tpu.memory_space<vmem>>, vector<1x16xf32>,
        %get3A_647 = arith.index_cast %scan3A_633 : i32 to index
        %get3A_648 = arith.constant 16 : index
        %get3A_649 = tpu.vector_load %arg10[%get3A_647, %get3A_648] {strides = array<i32>} : memref<128x48xf32, #tpu.memory_space<vmem>>, vector<1x16xf32>,
        %get3A_650 = vector.shape_cast %get3A_649 : vector<1x16xf32> to vector<16xf32>
        %mul3A_651 = arith.mulf %get3A_650, %get3A_636 : vector<16xf32>
        %swap3A_652 = arith.index_cast %scan3A_633 : i32 to index
        %swap3A_653 = arith.constant 16 : index
        %swap3A_654 = tpu.vector_load %arg10[%swap3A_652, %swap3A_653] {strides = array<i32>} : memref<128x48xf32, #tpu.memory_space<vmem>>, vector<1x16xf32>,
        %swap3A_655 = vector.shape_cast %swap3A_654 : vector<1x16xf32> to vector<16xf32>
        %swap3A_656 = vector.shape_cast %mul3A_651 : vector<16xf32> to vector<1x16xf32>
        tpu.vector_store %arg10[%swap3A_652, %swap3A_653], %swap3A_656 {strides = array<i32>} : memref<128x48xf32, #tpu.memory_space<vmem>>, vector<1x16xf32>,
        %get3A_657 = arith.index_cast %scan3A_633 : i32 to index
        %get3A_658 = arith.constant 32 : index
        %get3A_659 = tpu.vector_load %arg10[%get3A_657, %get3A_658] {strides = array<i32>} : memref<128x48xf32, #tpu.memory_space<vmem>>, vector<1x16xf32>,
        %get3A_660 = vector.shape_cast %get3A_659 : vector<1x16xf32> to vector<16xf32>
        %mul3A_661 = arith.mulf %get3A_660, %get3A_636 : vector<16xf32>
        %swap3A_662 = arith.index_cast %scan3A_633 : i32 to index
        %swap3A_663 = arith.constant 32 : index
        %swap3A_664 = tpu.vector_load %arg10[%swap3A_662, %swap3A_663] {strides = array<i32>} : memref<128x48xf32, #tpu.memory_space<vmem>>, vector<1x16xf32>,
        %swap3A_665 = vector.shape_cast %swap3A_664 : vector<1x16xf32> to vector<16xf32>
        %swap3A_666 = vector.shape_cast %mul3A_661 : vector<16xf32> to vector<1x16xf32>
        tpu.vector_store %arg10[%swap3A_662, %swap3A_663], %swap3A_666 {strides = array<i32>} : memref<128x48xf32, #tpu.memory_space<vmem>>, vector<1x16xf32>,
      }
      %scan3A_632 = arith.constant 128 : i32
      "tpu.region"() ({
        %run_scoped3A = tpu.sem_alloc : memref<!tpu.dma_semaphore, #tpu.memory_space<semaphore_mem>>
        %dma_start3A_633 = arith.constant 0 : i32
        %dma_start3A_634 = tpu.memref_slice %arg8[%scan3A_597, %dma_start3A_633] : memref<80x128xi32, #tpu.memory_space<vmem>> -> memref<1x128xi32, #tpu.memory_space<vmem>>
        %dma_start3A_635 = tpu.memref_squeeze %dma_start3A_634 : memref<1x128xi32, #tpu.memory_space<vmem>> -> memref<128xi32, #tpu.memory_space<vmem>>
        %dma_start3A_636 = arith.constant 0 : i32
        %dma_start3A_637 = arith.constant 0 : i32
        %dma_start3A_638 = tpu.memref_slice %arg12[%dma_start3A_636, %dma_start3A_637] : memref<10240x48xf32, #tpu.memory_space<vmem_shared>> -> memref<10240x48xf32, #tpu.memory_space<vmem_shared>>
        tpu.enqueue_indirect_dma source(%arg10 : memref<128x48xf32, #tpu.memory_space<vmem>>) target(%dma_start3A_638 : memref<10240x48xf32, #tpu.memory_space<vmem_shared>>) offsets(%dma_start3A_635 : memref<128xi32, #tpu.memory_space<vmem>>) semaphore(%run_scoped3A : memref<!tpu.dma_semaphore, #tpu.memory_space<semaphore_mem>>) {add = true}
        %dma_wait3A_639 = arith.constant 0 : i32
        %dma_wait3A_640 = tpu.memref_slice %arg8[%scan3A_597, %dma_wait3A_639] : memref<80x128xi32, #tpu.memory_space<vmem>> -> memref<1x128xi32, #tpu.memory_space<vmem>>
        %dma_wait3A_641 = tpu.memref_squeeze %dma_wait3A_640 : memref<1x128xi32, #tpu.memory_space<vmem>> -> memref<128xi32, #tpu.memory_space<vmem>>
        %dma_wait3A_642 = arith.constant 0 : i32
        %dma_wait3A_643 = arith.constant 0 : i32
        %dma_wait3A_644 = tpu.memref_slice %arg12[%dma_wait3A_642, %dma_wait3A_643] : memref<10240x48xf32, #tpu.memory_space<vmem_shared>> -> memref<10240x48xf32, #tpu.memory_space<vmem_shared>>
        tpu.wait_indirect_dma semaphore(%run_scoped3A : memref<!tpu.dma_semaphore, #tpu.memory_space<semaphore_mem>>) src(%arg10 : memref<128x48xf32, #tpu.memory_space<vmem>>) dst(%dma_wait3A_644 : memref<10240x48xf32, #tpu.memory_space<vmem_shared>>)
        tpu.yield
      }) : () -> ()
    }
    %scan3A_591 = arith.constant 80 : i32
    %barrier3A_592 = arith.constant 0 : index
    tpu.barrier barrier_id(%barrier3A_592)
    %mul3A_593 = arith.constant 640 : i32
    %mul3A_594 = arith.muli %arg1, %mul3A_593 : i32
    %mul3A_595 = arith.constant 640 : i32
    %mul3A_596 = arith.muli %arg1, %mul3A_595 : i32
    "tpu.region"() ({
      %run_scoped3A = tpu.sem_alloc : memref<!tpu.dma_semaphore, #tpu.memory_space<semaphore_mem>>
      %dma_start3A = arith.constant 0 : i32
      %dma_start3A_597 = tpu.memref_slice %arg6[%arg0, %mul3A_596, %dma_start3A] : memref<2x10240x48xf32, #tpu.memory_space<hbm>> -> memref<1x640x48xf32, #tpu.memory_space<hbm>>
      %dma_start3A_598 = tpu.memref_squeeze %dma_start3A_597 : memref<1x640x48xf32, #tpu.memory_space<hbm>> -> memref<640x48xf32, #tpu.memory_space<hbm>>
      %dma_start3A_599 = arith.constant 0 : i32
      %dma_start3A_600 = tpu.memref_slice %arg12[%mul3A_594, %dma_start3A_599] : memref<10240x48xf32, #tpu.memory_space<vmem_shared>> -> memref<640x48xf32, #tpu.memory_space<vmem_shared>>
      tpu.enqueue_dma source(%dma_start3A_600 : memref<640x48xf32, #tpu.memory_space<vmem_shared>>) target(%dma_start3A_598 : memref<640x48xf32, #tpu.memory_space<hbm>>) target_semaphore(%run_scoped3A : memref<!tpu.dma_semaphore, #tpu.memory_space<semaphore_mem>>)
      %dma_wait3A = arith.constant 0 : i32
      %dma_wait3A_601 = tpu.memref_slice %arg6[%arg0, %mul3A_596, %dma_wait3A] : memref<2x10240x48xf32, #tpu.memory_space<hbm>> -> memref<1x640x48xf32, #tpu.memory_space<hbm>>
      %dma_wait3A_602 = tpu.memref_squeeze %dma_wait3A_601 : memref<1x640x48xf32, #tpu.memory_space<hbm>> -> memref<640x48xf32, #tpu.memory_space<hbm>>
      %dma_wait3A_603 = arith.constant 0 : i32
      %dma_wait3A_604 = tpu.memref_slice %arg12[%mul3A_594, %dma_wait3A_603] : memref<10240x48xf32, #tpu.memory_space<vmem_shared>> -> memref<640x48xf32, #tpu.memory_space<vmem_shared>>
      tpu.wait_dma2 semaphore(%run_scoped3A : memref<!tpu.dma_semaphore, #tpu.memory_space<semaphore_mem>>) src(%dma_wait3A_604 : memref<640x48xf32, #tpu.memory_space<vmem_shared>>) dst(%dma_wait3A_602 : memref<640x48xf32, #tpu.memory_space<hbm>>)
      tpu.yield
    }) : () -> ()
    return
  }
}

module attributes {stable_mosaic.version = 14 : i64} {
  func.func @_bcast_body(%arg0: i32, %arg1: memref<4096x1xf32, #tpu.memory_space<vmem>>, %arg2: memref<4096x16xf32, #tpu.memory_space<vmem>>) attributes {dimension_semantics = [#tpu.dimension_semantics<arbitrary>], iteration_bounds = array<i64: 80>, scalar_prefetch = 0 : i64, scratch_operands = 0 : i64, tpu.core_type = #tpu.core_type<tc>, window_params = [{transform_indices = @transform_0, window_bounds = array<i64: 4096, 1>}, {transform_indices = @transform_1, window_bounds = array<i64: 4096, 16>}]} {
    %get3A = arith.constant 0 : index
    %get3A_0 = arith.constant 0 : index
    %get3A_1 = vector.load %arg1[%get3A, %get3A_0] : memref<4096x1xf32, #tpu.memory_space<vmem>>, vector<4096x1xf32>
    %broadcast_in_dim3A = vector.shape_cast %get3A_1 : vector<4096x1xf32> to vector<4096x1xf32>
    %broadcast_in_dim3A_2 = vector.broadcast %broadcast_in_dim3A : vector<4096x1xf32> to vector<4096x16xf32>
    %swap3A = arith.constant 0 : index
    %swap3A_3 = arith.constant 0 : index
    %swap3A_4 = vector.load %arg2[%swap3A, %swap3A_3] : memref<4096x16xf32, #tpu.memory_space<vmem>>, vector<4096x16xf32>
    tpu.vector_store %arg2[%swap3A, %swap3A_3], %broadcast_in_dim3A_2 {strides = array<i32>} : memref<4096x16xf32, #tpu.memory_space<vmem>>, vector<4096x16xf32>,
    return
  }
  func.func @transform_0(%arg0: i32) -> (i32, i32) {
    %c0_i32 = arith.constant 0 : i32
    %c0_i32_0 = arith.constant 0 : i32
    return %arg0, %c0_i32 : i32, i32
  }
  func.func @transform_1(%arg0: i32) -> (i32, i32) {
    %c0_i32 = arith.constant 0 : i32
    %c0_i32_0 = arith.constant 0 : i32
    return %arg0, %c0_i32 : i32, i32
  }
}

module attributes {stable_mosaic.version = 14 : i64} {
  func.func @_lin_body(%arg0: i32, %arg1: memref<2048x128xf32, #tpu.memory_space<vmem>>, %arg2: memref<128x128xf32, #tpu.memory_space<vmem>>, %arg3: memref<1x128xf32, #tpu.memory_space<vmem>>, %arg4: memref<2048x128xf32, #tpu.memory_space<vmem>>) attributes {dimension_semantics = [#tpu.dimension_semantics<arbitrary>], iteration_bounds = array<i64: 5>, scalar_prefetch = 0 : i64, scratch_operands = 0 : i64, tpu.core_type = #tpu.core_type<tc>, window_params = [{transform_indices = @transform_0, window_bounds = array<i64: 2048, 128>}, {pipeline_mode = #tpu.pipeline_mode<synchronous>, transform_indices = @transform_1, window_bounds = array<i64: 128, 128>}, {pipeline_mode = #tpu.pipeline_mode<synchronous>, transform_indices = @transform_2, window_bounds = array<i64: 1, 128>}, {transform_indices = @transform_3, window_bounds = array<i64: 2048, 128>}]} {
    %get3A = arith.constant 0 : index
    %get3A_0 = arith.constant 0 : index
    %get3A_1 = vector.load %arg1[%get3A, %get3A_0] : memref<2048x128xf32, #tpu.memory_space<vmem>>, vector<2048x128xf32>
    %get3A_2 = arith.constant 0 : index
    %get3A_3 = arith.constant 0 : index
    %get3A_4 = vector.load %arg2[%get3A_2, %get3A_3] : memref<128x128xf32, #tpu.memory_space<vmem>>, vector<128x128xf32>
    %dot_general3A = arith.constant dense<0.000000e+00> : vector<2048x128xf32>
    %dot_general3A_5 = tpu.matmul %get3A_1, %get3A_4, %dot_general3A {dimension_numbers = #tpu.dot_dimension_numbers<[1], [0], [0], [1], [0, 0, 1, 1], [], []>, transpose_lhs_hint = false} : vector<2048x128xf32>, vector<128x128xf32>, vector<2048x128xf32> -> vector<2048x128xf32>
    %get3A_6 = arith.constant 0 : index
    %get3A_7 = arith.constant 0 : index
    %get3A_8 = vector.load %arg3[%get3A_6, %get3A_7] : memref<1x128xf32, #tpu.memory_space<vmem>>, vector<1x128xf32>
    %add3A = vector.broadcast %get3A_8 : vector<1x128xf32> to vector<2048x128xf32>
    %add3A_9 = arith.addf %dot_general3A_5, %add3A : vector<2048x128xf32>
    %swap3A = arith.constant 0 : index
    %swap3A_10 = arith.constant 0 : index
    %swap3A_11 = vector.load %arg4[%swap3A, %swap3A_10] : memref<2048x128xf32, #tpu.memory_space<vmem>>, vector<2048x128xf32>
    tpu.vector_store %arg4[%swap3A, %swap3A_10], %add3A_9 {strides = array<i32>} : memref<2048x128xf32, #tpu.memory_space<vmem>>, vector<2048x128xf32>,
    return
  }
  func.func @transform_0(%arg0: i32) -> (i32, i32) {
    %c0_i32 = arith.constant 0 : i32
    %c0_i32_0 = arith.constant 0 : i32
    return %arg0, %c0_i32 : i32, i32
  }
  func.func @transform_1(%arg0: i32) -> (i32, i32) {
    %c0_i32 = arith.constant 0 : i32
    %c0_i32_0 = arith.constant 0 : i32
    %c0_i32_1 = arith.constant 0 : i32
    return %c0_i32, %c0_i32_0 : i32, i32
  }
  func.func @transform_2(%arg0: i32) -> (i32, i32) {
    %c0_i32 = arith.constant 0 : i32
    %c0_i32_0 = arith.constant 0 : i32
    %c0_i32_1 = arith.constant 0 : i32
    return %c0_i32, %c0_i32_0 : i32, i32
  }
  func.func @transform_3(%arg0: i32) -> (i32, i32) {
    %c0_i32 = arith.constant 0 : i32
    %c0_i32_0 = arith.constant 0 : i32
    return %arg0, %c0_i32 : i32, i32
  }
}

module attributes {stable_mosaic.version = 14 : i64} {
  func.func @_mid_body(%arg0: i32, %arg1: memref<2048x128xf32, #tpu.memory_space<vmem>>, %arg2: memref<2048x128xf32, #tpu.memory_space<vmem>>, %arg3: memref<128x64xf32, #tpu.memory_space<vmem>>, %arg4: memref<1x64xf32, #tpu.memory_space<vmem>>, %arg5: memref<2048x64xf32, #tpu.memory_space<vmem>>) attributes {dimension_semantics = [#tpu.dimension_semantics<arbitrary>], iteration_bounds = array<i64: 5>, scalar_prefetch = 0 : i64, scratch_operands = 0 : i64, tpu.core_type = #tpu.core_type<tc>, window_params = [{transform_indices = @transform_0, window_bounds = array<i64: 2048, 128>}, {transform_indices = @transform_1, window_bounds = array<i64: 2048, 128>}, {pipeline_mode = #tpu.pipeline_mode<synchronous>, transform_indices = @transform_2, window_bounds = array<i64: 128, 64>}, {pipeline_mode = #tpu.pipeline_mode<synchronous>, transform_indices = @transform_3, window_bounds = array<i64: 1, 64>}, {transform_indices = @transform_4, window_bounds = array<i64: 2048, 64>}]} {
    %get3A = arith.constant 0 : index
    %get3A_0 = arith.constant 0 : index
    %get3A_1 = vector.load %arg1[%get3A, %get3A_0] : memref<2048x128xf32, #tpu.memory_space<vmem>>, vector<2048x128xf32>
    %get3A_2 = arith.constant 0 : index
    %get3A_3 = arith.constant 0 : index
    %get3A_4 = vector.load %arg2[%get3A_2, %get3A_3] : memref<2048x128xf32, #tpu.memory_space<vmem>>, vector<2048x128xf32>
    %add3A = arith.addf %get3A_1, %get3A_4 : vector<2048x128xf32>
    %max3A = arith.constant 0.000000e+00 : f32
    %max3A_5 = vector.broadcast %max3A : f32 to vector<2048x128xf32>
    %max3A_6 = arith.maximumf %add3A, %max3A_5 : vector<2048x128xf32>
    %get3A_7 = arith.constant 0 : index
    %get3A_8 = arith.constant 0 : index
    %get3A_9 = vector.load %arg3[%get3A_7, %get3A_8] : memref<128x64xf32, #tpu.memory_space<vmem>>, vector<128x64xf32>
    %dot_general3A = arith.constant dense<0.000000e+00> : vector<2048x64xf32>
    %dot_general3A_10 = tpu.matmul %max3A_6, %get3A_9, %dot_general3A {dimension_numbers = #tpu.dot_dimension_numbers<[1], [0], [0], [1], [0, 0, 1, 1], [], []>, transpose_lhs_hint = false} : vector<2048x128xf32>, vector<128x64xf32>, vector<2048x64xf32> -> vector<2048x64xf32>
    %get3A_11 = arith.constant 0 : index
    %get3A_12 = arith.constant 0 : index
    %get3A_13 = vector.load %arg4[%get3A_11, %get3A_12] : memref<1x64xf32, #tpu.memory_space<vmem>>, vector<1x64xf32>
    %add3A_14 = vector.broadcast %get3A_13 : vector<1x64xf32> to vector<2048x64xf32>
    %add3A_15 = arith.addf %dot_general3A_10, %add3A_14 : vector<2048x64xf32>
    %swap3A = arith.constant 0 : index
    %swap3A_16 = arith.constant 0 : index
    %swap3A_17 = vector.load %arg5[%swap3A, %swap3A_16] : memref<2048x64xf32, #tpu.memory_space<vmem>>, vector<2048x64xf32>
    tpu.vector_store %arg5[%swap3A, %swap3A_16], %add3A_15 {strides = array<i32>} : memref<2048x64xf32, #tpu.memory_space<vmem>>, vector<2048x64xf32>,
    return
  }
  func.func @transform_0(%arg0: i32) -> (i32, i32) {
    %c0_i32 = arith.constant 0 : i32
    %c0_i32_0 = arith.constant 0 : i32
    return %arg0, %c0_i32 : i32, i32
  }
  func.func @transform_1(%arg0: i32) -> (i32, i32) {
    %c0_i32 = arith.constant 0 : i32
    %c0_i32_0 = arith.constant 0 : i32
    return %arg0, %c0_i32 : i32, i32
  }
  func.func @transform_2(%arg0: i32) -> (i32, i32) {
    %c0_i32 = arith.constant 0 : i32
    %c0_i32_0 = arith.constant 0 : i32
    %c0_i32_1 = arith.constant 0 : i32
    return %c0_i32, %c0_i32_0 : i32, i32
  }
  func.func @transform_3(%arg0: i32) -> (i32, i32) {
    %c0_i32 = arith.constant 0 : i32
    %c0_i32_0 = arith.constant 0 : i32
    %c0_i32_1 = arith.constant 0 : i32
    return %c0_i32, %c0_i32_0 : i32, i32
  }
  func.func @transform_4(%arg0: i32) -> (i32, i32) {
    %c0_i32 = arith.constant 0 : i32
    %c0_i32_0 = arith.constant 0 : i32
    return %arg0, %c0_i32 : i32, i32
  }
}

module attributes {stable_mosaic.version = 14 : i64} {
  func.func @_mid_body(%arg0: i32, %arg1: memref<2048x64xf32, #tpu.memory_space<vmem>>, %arg2: memref<2048x64xf32, #tpu.memory_space<vmem>>, %arg3: memref<64x48xf32, #tpu.memory_space<vmem>>, %arg4: memref<1x48xf32, #tpu.memory_space<vmem>>, %arg5: memref<2048x48xf32, #tpu.memory_space<vmem>>) attributes {dimension_semantics = [#tpu.dimension_semantics<arbitrary>], iteration_bounds = array<i64: 5>, scalar_prefetch = 0 : i64, scratch_operands = 0 : i64, tpu.core_type = #tpu.core_type<tc>, window_params = [{transform_indices = @transform_0, window_bounds = array<i64: 2048, 64>}, {transform_indices = @transform_1, window_bounds = array<i64: 2048, 64>}, {pipeline_mode = #tpu.pipeline_mode<synchronous>, transform_indices = @transform_2, window_bounds = array<i64: 64, 48>}, {pipeline_mode = #tpu.pipeline_mode<synchronous>, transform_indices = @transform_3, window_bounds = array<i64: 1, 48>}, {transform_indices = @transform_4, window_bounds = array<i64: 2048, 48>}]} {
    %get3A = arith.constant 0 : index
    %get3A_0 = arith.constant 0 : index
    %get3A_1 = vector.load %arg1[%get3A, %get3A_0] : memref<2048x64xf32, #tpu.memory_space<vmem>>, vector<2048x64xf32>
    %get3A_2 = arith.constant 0 : index
    %get3A_3 = arith.constant 0 : index
    %get3A_4 = vector.load %arg2[%get3A_2, %get3A_3] : memref<2048x64xf32, #tpu.memory_space<vmem>>, vector<2048x64xf32>
    %add3A = arith.addf %get3A_1, %get3A_4 : vector<2048x64xf32>
    %max3A = arith.constant 0.000000e+00 : f32
    %max3A_5 = vector.broadcast %max3A : f32 to vector<2048x64xf32>
    %max3A_6 = arith.maximumf %add3A, %max3A_5 : vector<2048x64xf32>
    %get3A_7 = arith.constant 0 : index
    %get3A_8 = arith.constant 0 : index
    %get3A_9 = vector.load %arg3[%get3A_7, %get3A_8] : memref<64x48xf32, #tpu.memory_space<vmem>>, vector<64x48xf32>
    %dot_general3A = arith.constant dense<0.000000e+00> : vector<2048x48xf32>
    %dot_general3A_10 = tpu.matmul %max3A_6, %get3A_9, %dot_general3A {dimension_numbers = #tpu.dot_dimension_numbers<[1], [0], [0], [1], [0, 0, 1, 1], [], []>, transpose_lhs_hint = false} : vector<2048x64xf32>, vector<64x48xf32>, vector<2048x48xf32> -> vector<2048x48xf32>
    %get3A_11 = arith.constant 0 : index
    %get3A_12 = arith.constant 0 : index
    %get3A_13 = vector.load %arg4[%get3A_11, %get3A_12] : memref<1x48xf32, #tpu.memory_space<vmem>>, vector<1x48xf32>
    %add3A_14 = vector.broadcast %get3A_13 : vector<1x48xf32> to vector<2048x48xf32>
    %add3A_15 = arith.addf %dot_general3A_10, %add3A_14 : vector<2048x48xf32>
    %swap3A = arith.constant 0 : index
    %swap3A_16 = arith.constant 0 : index
    %swap3A_17 = vector.load %arg5[%swap3A, %swap3A_16] : memref<2048x48xf32, #tpu.memory_space<vmem>>, vector<2048x48xf32>
    tpu.vector_store %arg5[%swap3A, %swap3A_16], %add3A_15 {strides = array<i32>} : memref<2048x48xf32, #tpu.memory_space<vmem>>, vector<2048x48xf32>,
    return
  }
  func.func @transform_0(%arg0: i32) -> (i32, i32) {
    %c0_i32 = arith.constant 0 : i32
    %c0_i32_0 = arith.constant 0 : i32
    return %arg0, %c0_i32 : i32, i32
  }
  func.func @transform_1(%arg0: i32) -> (i32, i32) {
    %c0_i32 = arith.constant 0 : i32
    %c0_i32_0 = arith.constant 0 : i32
    return %arg0, %c0_i32 : i32, i32
  }
  func.func @transform_2(%arg0: i32) -> (i32, i32) {
    %c0_i32 = arith.constant 0 : i32
    %c0_i32_0 = arith.constant 0 : i32
    %c0_i32_1 = arith.constant 0 : i32
    return %c0_i32, %c0_i32_0 : i32, i32
  }
  func.func @transform_3(%arg0: i32) -> (i32, i32) {
    %c0_i32 = arith.constant 0 : i32
    %c0_i32_0 = arith.constant 0 : i32
    %c0_i32_1 = arith.constant 0 : i32
    return %c0_i32, %c0_i32_0 : i32, i32
  }
  func.func @transform_4(%arg0: i32) -> (i32, i32) {
    %c0_i32 = arith.constant 0 : i32
    %c0_i32_0 = arith.constant 0 : i32
    return %arg0, %c0_i32 : i32, i32
  }
}

module attributes {stable_mosaic.version = 14 : i64} {
  func.func @_argmax_body(%arg0: i32, %arg1: memref<2048x48xf32, #tpu.memory_space<vmem>>, %arg2: memref<2048x48xf32, #tpu.memory_space<vmem>>, %arg3: memref<2048x1xi32, #tpu.memory_space<vmem>>) attributes {dimension_semantics = [#tpu.dimension_semantics<arbitrary>], iteration_bounds = array<i64: 5>, scalar_prefetch = 0 : i64, scratch_operands = 0 : i64, tpu.core_type = #tpu.core_type<tc>, window_params = [{transform_indices = @transform_0, window_bounds = array<i64: 2048, 48>}, {transform_indices = @transform_1, window_bounds = array<i64: 2048, 48>}, {transform_indices = @transform_2, window_bounds = array<i64: 2048, 1>}]} {
    %get3A = arith.constant 0 : index
    %get3A_0 = arith.constant 0 : index
    %get3A_1 = vector.load %arg1[%get3A, %get3A_0] : memref<2048x48xf32, #tpu.memory_space<vmem>>, vector<2048x48xf32>
    %get3A_2 = arith.constant 0 : index
    %get3A_3 = arith.constant 0 : index
    %get3A_4 = vector.load %arg2[%get3A_2, %get3A_3] : memref<2048x48xf32, #tpu.memory_space<vmem>>, vector<2048x48xf32>
    %add3A = arith.addf %get3A_1, %get3A_4 : vector<2048x48xf32>
    %iota3A = tpu.iota {dimensions = array<i32: 1>} : vector<2048x48xi32>
    %lt3A = arith.constant 40 : i32
    %lt3A_5 = vector.broadcast %lt3A : i32 to vector<2048x48xi32>
    %lt3A_6 = arith.cmpi slt, %iota3A, %lt3A_5 : vector<2048x48xi32>
    %jit3A = arith.constant 0xFF800000 : f32
    %broadcast_in_dim3A = vector.broadcast %jit3A : f32 to vector<2048x48xf32>
    %select_n3A = arith.select %lt3A_6, %add3A, %broadcast_in_dim3A : vector<2048x48xi1>, vector<2048x48xf32>
    %reduce_max3A = arith.constant dense<0xFF800000> : vector<2048xf32>
    %reduce_max3A_7 = vector.multi_reduction <maximumf>, %select_n3A, %reduce_max3A [1] : vector<2048x48xf32> to vector<2048xf32>
    %broadcast_in_dim3A_8 = vector.shape_cast %reduce_max3A_7 : vector<2048xf32> to vector<2048x1xf32>
    %ge3A = vector.broadcast %broadcast_in_dim3A_8 : vector<2048x1xf32> to vector<2048x48xf32>
    %ge3A_9 = arith.cmpf oge, %select_n3A, %ge3A : vector<2048x48xf32>
    %jit3A_10 = arith.constant 1073741824 : i32
    %broadcast_in_dim3A_11 = vector.broadcast %jit3A_10 : i32 to vector<2048x48xi32>
    %select_n3A_12 = arith.select %ge3A_9, %iota3A, %broadcast_in_dim3A_11 : vector<2048x48xi1>, vector<2048x48xi32>
    %reduce_min3A = arith.constant dense<2147483647> : vector<2048xi32>
    %reduce_min3A_13 = vector.multi_reduction <minsi>, %select_n3A_12, %reduce_min3A [1] : vector<2048x48xi32> to vector<2048xi32>
    %broadcast_in_dim3A_14 = vector.shape_cast %reduce_min3A_13 : vector<2048xi32> to vector<2048x1xi32>
    %swap3A = arith.constant 0 : index
    %swap3A_15 = arith.constant 0 : index
    %swap3A_16 = vector.load %arg3[%swap3A, %swap3A_15] : memref<2048x1xi32, #tpu.memory_space<vmem>>, vector<2048x1xi32>
    tpu.vector_store %arg3[%swap3A, %swap3A_15], %broadcast_in_dim3A_14 {strides = array<i32>} : memref<2048x1xi32, #tpu.memory_space<vmem>>, vector<2048x1xi32>,
    return
  }
  func.func @transform_0(%arg0: i32) -> (i32, i32) {
    %c0_i32 = arith.constant 0 : i32
    %c0_i32_0 = arith.constant 0 : i32
    return %arg0, %c0_i32 : i32, i32
  }
  func.func @transform_1(%arg0: i32) -> (i32, i32) {
    %c0_i32 = arith.constant 0 : i32
    %c0_i32_0 = arith.constant 0 : i32
    return %arg0, %c0_i32 : i32, i32
  }
  func.func @transform_2(%arg0: i32) -> (i32, i32) {
    %c0_i32 = arith.constant 0 : i32
    %c0_i32_0 = arith.constant 0 : i32
    return %arg0, %c0_i32 : i32, i32
  }
}

</mosaic_0001>

<sc_bundles>
// kernel: kernel.10.cloned.1.call-start
scs
__scs_entry_jumppad:
0x0: {  	(pc) =	sbr.rel $0x88, $3  }
0x1: {  	(tag) =	ssettag $0x0;
	lr =	simm.s32 $0x1  }
0x2: {  	[smem:$0x3F98] =	sst lr;
	_ =	strace $0xD0000000  }
0x3: {  	_ = 	snop  }
0x4: {  	_ = 	snop  }
0x5: {  	_ = 	snop  }
0x6: {  	_ = 	snop  }
0x7: {  	_ = 	snop  }
__scs_overlays_trampoline_lowered:
0x8: {  	[smem:$0x3FA7] =	sst s0  }
0x9: {  	[smem:$0x3FA8] =	sst s1  }
0xa: {  	[smem:$0x3FA9] =	sst s2  }
0xb: {  	[smem:$0x3FAA] =	sst s3  }
0xc: {  	[smem:$0x3FAB] =	sst s4  }
0xd: {  	[smem:$0x3FAC] =	sst s5  }
0xe: {  	[smem:$0x3FAD] =	sst s6  }
0xf: {  	[smem:$0x3FAE] =	sst s7  }
0x10: {  	[smem:$0x3FAF] =	sst s8  }
0x11: {  	[smem:$0x3FB0] =	sst s9;
	s0 =	simm.s32 @!p0 $0x0  }
0x12: {  	s1 =	sld [smem:$0x3F96];
	s0 =	simm.s32 @p0 $0x1  }
0x13: {  	[smem:$0x3FB1] =	sst s0;
	s0 =	simm.s32 @!p1 $0x0  }
0x14: {  	s2 =	sld [smem:$0x3F95];
	s0 =	simm.s32 @p1 $0x1  }
0x15: {  	[smem:$0x3FB2] =	sst s0;
	s0 =	simm.s32 @!p2 $0x0  }
0x16: {  	s3 =	sld [smem:$0x3FDB];
	s0 =	simm.s32 @p2 $0x1  }
0x17: {  	s4 =	simm.s32 $0x1BF5;
	[smem:$0x3FB4] =	sst s0  }
0x18: {  	s0 =	sld [smem:$0x3F97];
	_ =	swait.ge [sflag:s4], $0x0  }
0x19: {  	s7 =	sld [smem:$0x3F98]  }
0x1a: {  	s8 =	sadd.s32 $0xFFFFE003, lr  }
0x1b: {  	s9 =	sadd.s32 $0xFFFFFEF7, lr;
	s5 =	simm.s32 $0xFFFFFFFF;
	p2 =	slt.u32 s8, $0xFFFFF086  }
0x1c: {  	p1 =	slt.u32 s9, $0xF7A;
	s5 =	simm.s32 @!p2 $0x0  }
0x1d: {  	s5 =	simm.s32 @p1 $0x1;
	p0 =	seq.s32 s7, s2  }
0x1e: {  	s7 =	smul.u32 @!p0 $0xF7A, s2;
	p2 =	seq.s32 @!p0 s5, $0x0  }
0x1f: {  	s9 =	smul.u32 $0xF7A, s1;
	s8 =	simm.s32 @!p0 $0x1BF5;
	p2 =	por !p2, p0  }
0x20: {  	[sflag:s8] =	ssyncset.s32 @!p0 $0xFFFFF086;
	s6 =	sadd.s32 @!p0 s3, s7;
	s7 =	simm.s32 @!p0 $0x108  }
0x21: {  	s3 =	sadd.s32 s3, s9;
	s6 =	sadd.s32 @!p0 $0x88, s6;
	s7 =	simm.s32 @p2 $0x1082  }
0x22: {  	[simem:s7], [sflag:s8] =	dma.local @!p0 [hbm:s6], $0xF7A  }
0x23: {  	s9 =	sor.u32 $0xD0000000, s2;
	s6 =	simm.s32 $0x108;
	_ =	swait.ge @!p0 [sflag:s8], $0x0  }
0x24: {  	s3 =	sadd.s32 $0x88, s3;
	s6 =	simm.s32 @!p1 $0x1082;
	[sflag:s4] =	ssyncset.s32 $0xFFFFF086  }
0x25: {  	[simem:s6], [sflag:s4] =	dma.local [hbm:s3], $0xF7A  }
0x26: {  	[smem:$0x3F98] =	sst s1;
	(tag) =	ssettag s2;
	_ =	strace s9  }
0x27: {  	s1 =	sld [smem:$0x3FA8]  }
0x28: {  	s2 =	sld [smem:$0x3FA9]  }
0x29: {  	s4 =	sld [smem:$0x3FAB]  }
0x2a: {  	p0 =	seq.s32 s5, $0x0;
	s5 =	sld [smem:$0x3FAC]  }
0x2b: {  	s6 =	sld [smem:$0x3FAD]  }
0x2c: {  	s7 =	sld [smem:$0x3FAE]  }
0x2d: {  	s3 =	simm.s32 $0x108;
	s8 =	sld [smem:$0x3FAF]  }
0x2e: {  	s3 =	simm.s32 @!p0 $0x1082;
	s9 =	sld [smem:$0x3FB0]  }
0x2f: {  	lr =	sadd.s32 s0, s3;
	s0 =	sld [smem:$0x3FA7]  }
0x30: {  	s3 =	sld [smem:$0x3FAA]  }
0x31: {  	[smem:$0x3FB3] =	sst s10  }
0x32: {  	s10 =	sld [smem:$0x3FB1];
	_ =	sdelay $0x3  }
0x33: {  	p0 =	seq.s32 s10, $0x1;
	s10 =	sld [smem:$0x3FB3];
	_ =	sdelay $0x3  }
0x34: {  	[smem:$0x3FB3] =	sst s10  }
0x35: {  	s10 =	sld [smem:$0x3FB2];
	_ =	sdelay $0x3  }
0x36: {  	p1 =	seq.s32 s10, $0x1;
	s10 =	sld [smem:$0x3FB3];
	_ =	sdelay $0x3  }
0x37: {  	[smem:$0x3FB3] =	sst s10  }
0x38: {  	s10 =	sld [smem:$0x3FB4]  }
0x39: {  	_ = 	snop;
	(pc) =	sbr.ind lr, $3  }
0x3a: {  	_ = 	snop  }
0x3b: {  	_ = 	snop  }
0x3c: {  	p2 =	seq.s32 s10, $0x1;
	s10 =	sld [smem:$0x3FB3]  }
0x3d: {  	_ =	shalt  }
0x3e: {  	_ =	shalt  }
0x3f: {  	_ =	shalt  }
0x40: {  	_ =	shalt  }
0x41: {  	_ =	shalt  }
0x42: {  	_ =	shalt  }
0x43: {  	_ =	shalt  }
0x44: {  	_ =	shalt  }
0x45: {  	_ =	shalt  }
0x46: {  	_ =	shalt  }
0x47: {  	_ =	shalt  }
0x48: {  	_ =	shalt  }
0x49: {  	_ =	shalt  }
0x4a: {  	_ =	shalt  }
0x4b: {  	_ =	shalt  }
0x4c: {  	_ =	shalt  }
0x4d: {  	_ =	shalt  }
0x4e: {  	_ =	shalt  }
0x4f: {  	_ =	shalt  }
0x50: {  	_ =	shalt  }
0x51: {  	_ =	shalt  }
0x52: {  	_ =	shalt  }
0x53: {  	_ =	shalt  }
0x54: {  	_ =	shalt  }
0x55: {  	_ =	shalt  }
0x56: {  	_ =	shalt  }
0x57: {  	_ =	shalt  }
0x58: {  	_ =	shalt  }
0x59: {  	_ =	shalt  }
0x5a: {  	_ =	shalt  }
0x5b: {  	_ =	shalt  }
0x5c: {  	_ =	shalt  }
0x5d: {  	_ =	shalt  }
0x5e: {  	_ =	shalt  }
0x5f: {  	_ =	shalt  }
0x60: {  	_ =	shalt  }
0x61: {  	_ =	shalt  }
0x62: {  	_ =	shalt  }
0x63: {  	_ =	shalt  }
0x64: {  	_ =	shalt  }
0x65: {  	_ =	shalt  }
0x66: {  	_ =	shalt  }
0x67: {  	_ =	shalt  }
0x68: {  	_ =	shalt  }
0x69: {  	_ =	shalt  }
0x6a: {  	_ =	shalt  }
0x6b: {  	_ =	shalt  }
0x6c: {  	_ =	shalt  }
0x6d: {  	_ =	shalt  }
0x6e: {  	_ =	shalt  }
0x6f: {  	_ =	shalt  }
0x70: {  	_ =	shalt  }
0x71: {  	_ =	shalt  }
0x72: {  	_ =	shalt  }
0x73: {  	_ =	shalt  }
0x74: {  	_ =	shalt  }
0x75: {  	_ =	shalt  }
0x76: {  	_ =	shalt  }
0x77: {  	_ =	shalt  }
0x78: {  	_ =	shalt  }
0x79: {  	_ =	shalt  }
0x7a: {  	_ =	shalt  }
0x7b: {  	_ =	shalt  }
0x7c: {  	_ =	shalt  }
0x7d: {  	_ =	shalt  }
0x7e: {  	_ =	shalt  }
0x7f: {  	_ =	shalt  }
0x80: {  	_ =	shalt  }
0x81: {  	_ =	shalt  }
0x82: {  	_ =	shalt  }
0x83: {  	_ =	shalt  }
0x84: {  	_ =	shalt  }
0x85: {  	_ =	shalt  }
0x86: {  	_ =	shalt  }
0x87: {  	_ =	shalt  }
.Lfunc_end0:
.L_simem_size_0:
called_computation_lowered:
.L_overlay_start_0:
0x88: {  	s2 =	sld [smem:$0x3FD9]  }
0x89: {  	s3 =	sld [smem:$0x3FFE];
	_ =	sdelay $0x1  }
0x8a: {  	s1 =	srdreg.scid  }
0x8b: {  	s0 =	sand.u32 $0x1, s1  }
0x8c: {  	s16 =	sshll.u32 s0, $0xA;
	s2 =	sadd.s32 s3, s2  }
0x8d: {  	s2 =	sadd.s32 s2, s16  }
0x8e: {  	[smem:$0x3FBF] =	sst s2  }
0x8f: {  	_ = 	snop  }
0x90: {  	(tm) =	ssettm $0x1  }
0x91: {  	s17 =	sld [smem:$0x3FFB];
	_ =	sdelay $0x3  }
0x92: {  	_ =	strace s17  }
0x93: {  	s2 =	sld [smem:$0x3FFC];
	_ =	sdelay $0x3  }
0x94: {  	_ =	strace s2  }
0x95: {  	s2 =	sld [smem:$0x3FFD];
	_ =	sdelay $0x3  }
0x96: {  	_ =	strace s2  }
0x97: {  	_ =	strace $0x8FFFFFFF  }
0x98: {  	s18 =	sld [smem:$0x3FDB];
	_ =	sdelay $0x1  }
0x99: {  	s19 =	simm.s32 $_scs_section_size  }
0x9a: {  	s4 =	simm.s32 $_size__tile_overlayer_lowered;
	s5 =	simm.s32 $_tile_overlayer_lowered  }
0x9b: {  	s22 =	simm.s32 $0x1BFF;
	s21 =	sshll.u32 s5, $0x1;
	s2 =	sadd.s32 s19, s18  }
0x9c: {  	s6 =	simm.s32 $0x0;
	s20 =	sshll.u32 s4, $0x1;
	s4 =	sadd.s32 s21, s2  }
0x9d: {  	[timem:s6], [sflag:s22] =	dma.local [hbm:s4], s20  }
0x9e: {  	_ =	swait.ge [sflag:s22], s20  }
0x9f: {  	s3 =	ssub.s32 $0x0, s20;
	[sflag:s22] =	ssyncset.done $0x0  }
0xa0: {  	[sflag:s22] =	ssyncadd.s32 s3;
	_ =	sdelay $0x1  }
0xa1: {  	s23 =	simm.s32 $0x1B8B  }
0xa2: {  	_ =	swait.ge [sflag:s23], $0x1  }
0xa3: {  	[sflag:s23] =	ssyncset.done $0x0  }
0xa4: {  	s25 =	simm.s32 $0x1B8E;
	s24 =	sld [smem:$0x3FFE];
	[sflag:s23] =	ssyncadd.s32 $0xFFFFFFFF  }
0xa5: {  	s26 =	simm.s32 $execute0_lowered;
	[smem:$0x3FD2] =	sst s25  }
0xa6: {  	s4 =	sshll.u32 s26, $0x1;
	_ =	strace $0x80000046;
	[dreg:$0x1] =	wrdreg $0xFFFFFFFF  }
0xa7: {  	s28 =	simm.s32 $_size_execute0_lowered;
	s2 =	sadd.s32 s2, s4;
	[dreg:$0x0] =	wrdreg $0x0  }
0xa8: {  	s4 =	sshll.u32 s28, $0x1;
	[dreg:$0x2] =	wrdreg s2  }
0xa9: {  	[dreg:$0x3] =	wrdreg s4  }
0xaa: {  	[dreg:$0x4] =	wrdreg $0xC0  }
0xab: {  	_ =	task [dreg:s6], $0x5FFFF  }
0xac: {  	[dreg:$0x1] =	wrdreg $0xFFFFFFFF  }
0xad: {  	[dreg:$0x0] =	wrdreg $0x60  }
0xae: {  	[dreg:$0x2] =	wrdreg s24  }
0xaf: {  	[dreg:$0x3] =	wrdreg $0xA8000  }
0xb0: {  	[dreg:$0x4] =	wrdreg $0x9  }
0xb1: {  	_ =	task.clear_ibuf [dreg:s6], $0x5FFFF;
	_ =	strace $0x90000046  }
0xb2: {  	s29 =	simm.s32 $0x9;
	_ =	strace $0x80000048  }
0xb3: {  	_ =	swait.ge [sflag:s29], $0x1  }
0xb4: {  	[sflag:s29] =	ssyncadd.s32 $0xFFFFFFFF  }
0xb5: {  	_ =	strace $0x90000048  }
0xb6: {  	_ =	sfence  }
0xb7: {  	s30 =	sld [smem:$0x0];
	_ =	sdelay $0x2  }
0xb8: {  	s31 =	sshll.u32 s1, $0xD;
	s1 =	sshrl.u32 s1, $0x2  }
0xb9: {  	s3 =	sand.u32 $0x4000, s31;
	s1 =	sadd.s32 s1, s30  }
0xba: {  	s0 =	sor.u32 s3, s0;
	s1 =	sshll.u32 s1, $0x11  }
0xbb: {  	s0 =	sor.u32 s1, s0  }
0xbc: {  	s0 =	sadd.s32 $0x8F2B, s0  }
0xbd: {  	[sflag:s0] =	ssyncadd.remote.s32 $0x1  }
0xbe: {  	_ =	sfence.sel $0xFFFF  }
0xbf: {  	[dreg:$0x0] =	wrdreg $0xFFFFFFFF;
	(pc) =	sbr.abs _section_cstart, $3  }
0xc0: {  	[dreg:$0x1] =	wrdreg $0xFFFFFFFF  }
0xc1: {  	_ =	task.clear_ibuf [dreg:s6], $0x2FFFF;
	_ =	strace $0x9FFFFFFF  }
0xc2: {  	(tm) =	ssettm $0x7FFFFFFF  }
0xc3: {  	_ =	shalt  }
tec
execute0_lowered:
.L_overlay_start_1:
0x0: {  	(tag) =	ssettag $0x1  }
0x1: {  	s0 =	srdreg.scid  }
0x2: {  	s10 =	stileid.u32;
	s3 =	rddreg [dreg:$0x0]  }
0x3: {  	s2 =	rddreg [dreg:$0x1];
	s4 =	simm.s32 $0x0;
	s11 =	simm.s32 $0x1  }
0x4: {  	s12 =	simm.s32 $0x0;
	s0 =	sand.u32 $0x1, s0;
	[smem:$0x7FF] =	sst s4  }
0x5: {  	s7 =	smul.u32 $0x14000, s10;
	s4 =	sadd.s32 $0xB5600, s3;
	s1 =	sshll.u32 s0, $0x4  }
0x6: {  	s6 =	smul.u32 $0x140000, s0;
	_ =	strace $0x80000047;
	s0 =	ssub.s32 $0x2, s0  }
0x7: {  	s1 =	sor.u32 s10, s1;
	s9 =	sshrl.u32 s0, $0x1;
	s10 =	smul.u32 $0x50000, s10  }
0x8: {  	s18 =	sadd.s32 s7, s2;
	s5 =	smul.u32 $0x500, s1;
	s14 =	sadd.s32 s7, s6  }
0x9: {  	s0 =	ssub.s32 s0, s9;
	s7 =	simm.s32 $0x5000;
	s6 =	sshrl.u32 s14, $0x3  }
0xa: {  	s16 =	sshrl.u32 s10, $0x2;
	s0 =	smax.u32 s0, $0x1;
	s10 =	simm.s32 $0x5800  }
0xb: {  	s8 =	sadd.s32 s5, s3;
	s5 =	sadd.s32 $0x15600, s3;
	s3 =	sadd.s32 s6, s3  }
0xc: {  	s6 =	smul.u32 $0x50, s1;
	[dreg:$0x6] =	wrdreg s0;
	s15 =	sadd.s32 $0xB600, s8  }
0xd: {  	s9 =	sadd.s32 s16, s2;
	s8 =	sadd.s32 $0x1600, s8;
	[dreg:$0x3] =	wrdreg s15  }
0xe: {  	s0 =	simm.s32 $0x2;
	s17 =	sadd.s32 $0xDD600, s3;
	[dreg:$0x4] =	wrdreg s8  }
0xf: {  	s20 =	sadd.s32 $0x1000, s9;
	s21 =	sadd.s32 $0x2000, s9;
	[dreg:$0x5] =	wrdreg s17  }
0x10: {  	s22 =	sadd.s32 $0x3000, s9;
	s23 =	sadd.s32 $0x4000, s9;
	[dreg:$0x7] =	wrdreg s20  }
0x11: {  	s24 =	sadd.s32 $0x5000, s9;
	s25 =	sadd.s32 $0x6000, s9;
	[dreg:$0x8] =	wrdreg s21  }
0x12: {  	s26 =	sadd.s32 $0x7000, s9;
	s19 =	sadd.s32 $0x8000, s9;
	[dreg:$0x9] =	wrdreg s22  }
0x13: {  	s28 =	sadd.s32 $0xF000, s9;
	s29 =	sadd.s32 $0x10000, s9;
	[dreg:$0xa] =	wrdreg s23  }
0x14: {  	s30 =	sadd.s32 $0x11000, s9;
	s31 =	sadd.s32 $0x12000, s9;
	[dreg:$0xb] =	wrdreg s24  }
0x15: {  	s1 =	sadd.s32 $0x13000, s9;
	s3 =	simm.s32 $0x9800;
	[dreg:$0xc] =	wrdreg s25  }
0x16: {  	[dreg:$0xd] =	wrdreg s26;
	s20 =	sadd.s32 $0x9000, s9;
	s21 =	sadd.s32 $0xA000, s9  }
0x17: {  	s22 =	sadd.s32 $0xB000, s9;
	s23 =	sadd.s32 $0xC000, s9;
	s24 =	sadd.s32 $0xD000, s9  }
0x18: {  	v0 =	vimm.f32 $0.0e+00;
	s25 =	sshrl.u32 s18, $0x3;
	s26 =	sadd.s32 $0xE000, s9;
	s8 =	simm.s32 $0x80  }
.LBB2_1:
0x19: {  	s13 =	simm.s32 $0x0;
	s14 =	rddreg [dreg:$0x3]  }
0x1a: {  	[tilespmem:s13], [sflag:$0x2] =	stream.linear.gather [hbm4b:s14+s13], $0x2800, $0x38;
	[tilespmem:$0x1E800] =	vst v63  }
0x1b: {  	_ =	swait.ge [sflag:s0], $0x2800  }
0x1c: {  	[sflag:s0] =	ssyncset.done $0x0  }
0x1d: {  	s15 =	simm.s32 $0x2800;
	s16 =	rddreg [dreg:$0x4];
	[sflag:s0] =	ssyncadd.s32 $0xFFFFD800  }
0x1e: {  	[tilespmem:s15], [sflag:$0x2] =	stream.linear.gather [hbm4b:s16+s13], $0x2800, $0x38;
	[tilespmem:$0x1E800] =	vst v63  }
0x1f: {  	_ =	swait.ge [sflag:s0], $0x2800  }
0x20: {  	[sflag:s0] =	ssyncset.done $0x0  }
0x21: {  	[sflag:s0] =	ssyncadd.s32 $0xFFFFD800  }
0x22: {  	[tilespmem:$0x9800] =	vst v0  }
0x23: {  	[tilespmem:$0x9810] =	vst v0  }
0x24: {  	[tilespmem:$0x9820] =	vst v0  }
0x25: {  	[tilespmem:$0x9830] =	vst v0  }
0x26: {  	[tilespmem:$0x9840] =	vst v0  }
0x27: {  	[tilespmem:$0x9850] =	vst v0  }
0x28: {  	[tilespmem:$0x9860] =	vst v0  }
0x29: {  	[tilespmem:$0x9870] =	vst v0  }
0x2a: {  	[tilespmem:$0x9880] =	vst v0  }
0x2b: {  	[tilespmem:$0x9890] =	vst v0  }
0x2c: {  	[tilespmem:$0x98A0] =	vst v0  }
0x2d: {  	[tilespmem:$0x98B0] =	vst v0  }
0x2e: {  	[tilespmem:$0x98C0] =	vst v0  }
0x2f: {  	[tilespmem:$0x98D0] =	vst v0  }
0x30: {  	[tilespmem:$0x98E0] =	vst v0  }
0x31: {  	[tilespmem:$0x98F0] =	vst v0  }
0x32: {  	[tilespmem:$0x9900] =	vst v0  }
0x33: {  	[tilespmem:$0x9910] =	vst v0  }
0x34: {  	[tilespmem:$0x9920] =	vst v0  }
0x35: {  	[tilespmem:$0x9930] =	vst v0  }
0x36: {  	[tilespmem:$0x9940] =	vst v0  }
0x37: {  	[tilespmem:$0x9950] =	vst v0  }
0x38: {  	[tilespmem:$0x9960] =	vst v0  }
0x39: {  	[tilespmem:$0x9970] =	vst v0  }
0x3a: {  	[tilespmem:$0x9980] =	vst v0  }
0x3b: {  	[tilespmem:$0x9990] =	vst v0  }
0x3c: {  	[tilespmem:$0x99A0] =	vst v0  }
0x3d: {  	[tilespmem:$0x99B0] =	vst v0  }
0x3e: {  	[tilespmem:$0x99C0] =	vst v0  }
0x3f: {  	[tilespmem:$0x99D0] =	vst v0  }
0x40: {  	[tilespmem:$0x99E0] =	vst v0  }
0x41: {  	[tilespmem:$0x99F0] =	vst v0  }
0x42: {  	[tilespmem:$0x9A00] =	vst v0  }
0x43: {  	[tilespmem:$0x9A10] =	vst v0  }
0x44: {  	[tilespmem:$0x9A20] =	vst v0  }
0x45: {  	[tilespmem:$0x9A30] =	vst v0  }
0x46: {  	[tilespmem:$0x9A40] =	vst v0  }
0x47: {  	[tilespmem:$0x9A50] =	vst v0  }
0x48: {  	[tilespmem:$0x9A60] =	vst v0  }
0x49: {  	[tilespmem:$0x9A70] =	vst v0  }
0x4a: {  	[tilespmem:$0x9A80] =	vst v0  }
0x4b: {  	[tilespmem:$0x9A90] =	vst v0  }
0x4c: {  	[tilespmem:$0x9AA0] =	vst v0  }
0x4d: {  	[tilespmem:$0x9AB0] =	vst v0  }
0x4e: {  	[tilespmem:$0x9AC0] =	vst v0  }
0x4f: {  	[tilespmem:$0x9AD0] =	vst v0  }
0x50: {  	[tilespmem:$0x9AE0] =	vst v0  }
0x51: {  	[tilespmem:$0x9AF0] =	vst v0  }
0x52: {  	[tilespmem:$0x9B00] =	vst v0  }
0x53: {  	[tilespmem:$0x9B10] =	vst v0  }
0x54: {  	[tilespmem:$0x9B20] =	vst v0  }
0x55: {  	[tilespmem:$0x9B30] =	vst v0  }
0x56: {  	[tilespmem:$0x9B40] =	vst v0  }
0x57: {  	[tilespmem:$0x9B50] =	vst v0  }
0x58: {  	[tilespmem:$0x9B60] =	vst v0  }
0x59: {  	[tilespmem:$0x9B70] =	vst v0  }
0x5a: {  	[tilespmem:$0x9B80] =	vst v0  }
0x5b: {  	[tilespmem:$0x9B90] =	vst v0  }
0x5c: {  	[tilespmem:$0x9BA0] =	vst v0  }
0x5d: {  	[tilespmem:$0x9BB0] =	vst v0  }
0x5e: {  	[tilespmem:$0x9BC0] =	vst v0  }
0x5f: {  	[tilespmem:$0x9BD0] =	vst v0  }
0x60: {  	[tilespmem:$0x9BE0] =	vst v0  }
0x61: {  	[tilespmem:$0x9BF0] =	vst v0  }
0x62: {  	[tilespmem:$0x9C00] =	vst v0  }
0x63: {  	[tilespmem:$0x9C10] =	vst v0  }
0x64: {  	[tilespmem:$0x9C20] =	vst v0  }
0x65: {  	[tilespmem:$0x9C30] =	vst v0  }
0x66: {  	[tilespmem:$0x9C40] =	vst v0  }
0x67: {  	[tilespmem:$0x9C50] =	vst v0  }
0x68: {  	[tilespmem:$0x9C60] =	vst v0  }
0x69: {  	[tilespmem:$0x9C70] =	vst v0  }
0x6a: {  	[tilespmem:$0x9C80] =	vst v0  }
0x6b: {  	[tilespmem:$0x9C90] =	vst v0  }
0x6c: {  	[tilespmem:$0x9CA0] =	vst v0  }
0x6d: {  	[tilespmem:$0x9CB0] =	vst v0  }
0x6e: {  	[tilespmem:$0x9CC0] =	vst v0  }
0x6f: {  	[tilespmem:$0x9CD0] =	vst v0  }
0x70: {  	[tilespmem:$0x9CE0] =	vst v0  }
0x71: {  	[tilespmem:$0x9CF0] =	vst v0  }
0x72: {  	[tilespmem:$0x9D00] =	vst v0  }
0x73: {  	[tilespmem:$0x9D10] =	vst v0  }
0x74: {  	[tilespmem:$0x9D20] =	vst v0  }
0x75: {  	[tilespmem:$0x9D30] =	vst v0  }
0x76: {  	[tilespmem:$0x9D40] =	vst v0  }
0x77: {  	[tilespmem:$0x9D50] =	vst v0  }
0x78: {  	[tilespmem:$0x9D60] =	vst v0  }
0x79: {  	[tilespmem:$0x9D70] =	vst v0  }
0x7a: {  	[tilespmem:$0x9D80] =	vst v0  }
0x7b: {  	[tilespmem:$0x9D90] =	vst v0  }
0x7c: {  	[tilespmem:$0x9DA0] =	vst v0  }
0x7d: {  	[tilespmem:$0x9DB0] =	vst v0  }
0x7e: {  	[tilespmem:$0x9DC0] =	vst v0  }
0x7f: {  	[tilespmem:$0x9DD0] =	vst v0  }
0x80: {  	[tilespmem:$0x9DE0] =	vst v0  }
0x81: {  	[tilespmem:$0x9DF0] =	vst v0  }
0x82: {  	[tilespmem:$0x9E00] =	vst v0  }
0x83: {  	[tilespmem:$0x9E10] =	vst v0  }
0x84: {  	[tilespmem:$0x9E20] =	vst v0  }
0x85: {  	[tilespmem:$0x9E30] =	vst v0  }
0x86: {  	[tilespmem:$0x9E40] =	vst v0  }
0x87: {  	[tilespmem:$0x9E50] =	vst v0  }
0x88: {  	[tilespmem:$0x9E60] =	vst v0  }
0x89: {  	[tilespmem:$0x9E70] =	vst v0  }
0x8a: {  	[tilespmem:$0x9E80] =	vst v0  }
0x8b: {  	[tilespmem:$0x9E90] =	vst v0  }
0x8c: {  	[tilespmem:$0x9EA0] =	vst v0  }
0x8d: {  	[tilespmem:$0x9EB0] =	vst v0  }
0x8e: {  	[tilespmem:$0x9EC0] =	vst v0  }
0x8f: {  	[tilespmem:$0x9ED0] =	vst v0  }
0x90: {  	[tilespmem:$0x9EE0] =	vst v0  }
0x91: {  	[tilespmem:$0x9EF0] =	vst v0  }
0x92: {  	[tilespmem:$0x9F00] =	vst v0  }
0x93: {  	[tilespmem:$0x9F10] =	vst v0  }
0x94: {  	[tilespmem:$0x9F20] =	vst v0  }
0x95: {  	[tilespmem:$0x9F30] =	vst v0  }
0x96: {  	[tilespmem:$0x9F40] =	vst v0  }
0x97: {  	[tilespmem:$0x9F50] =	vst v0  }
0x98: {  	[tilespmem:$0x9F60] =	vst v0  }
0x99: {  	[tilespmem:$0x9F70] =	vst v0  }
0x9a: {  	[tilespmem:$0x9F80] =	vst v0  }
0x9b: {  	[tilespmem:$0x9F90] =	vst v0  }
0x9c: {  	[tilespmem:$0x9FA0] =	vst v0  }
0x9d: {  	[tilespmem:$0x9FB0] =	vst v0  }
0x9e: {  	[tilespmem:$0x9FC0] =	vst v0  }
0x9f: {  	[tilespmem:$0x9FD0] =	vst v0  }
0xa0: {  	[tilespmem:$0x9FE0] =	vst v0  }
0xa1: {  	[tilespmem:$0x9FF0] =	vst v0  }
0xa2: {  	[tilespmem:$0xA000] =	vst v0  }
0xa3: {  	[tilespmem:$0xA010] =	vst v0  }
0xa4: {  	[tilespmem:$0xA020] =	vst v0  }
0xa5: {  	[tilespmem:$0xA030] =	vst v0  }
0xa6: {  	[tilespmem:$0xA040] =	vst v0  }
0xa7: {  	[tilespmem:$0xA050] =	vst v0  }
0xa8: {  	[tilespmem:$0xA060] =	vst v0  }
0xa9: {  	[tilespmem:$0xA070] =	vst v0  }
0xaa: {  	[tilespmem:$0xA080] =	vst v0  }
0xab: {  	[tilespmem:$0xA090] =	vst v0  }
0xac: {  	[tilespmem:$0xA0A0] =	vst v0  }
0xad: {  	[tilespmem:$0xA0B0] =	vst v0  }
0xae: {  	[tilespmem:$0xA0C0] =	vst v0  }
0xaf: {  	[tilespmem:$0xA0D0] =	vst v0  }
0xb0: {  	[tilespmem:$0xA0E0] =	vst v0  }
0xb1: {  	[tilespmem:$0xA0F0] =	vst v0  }
0xb2: {  	[tilespmem:$0xA100] =	vst v0  }
0xb3: {  	[tilespmem:$0xA110] =	vst v0  }
0xb4: {  	[tilespmem:$0xA120] =	vst v0  }
0xb5: {  	[tilespmem:$0xA130] =	vst v0  }
0xb6: {  	[tilespmem:$0xA140] =	vst v0  }
0xb7: {  	[tilespmem:$0xA150] =	vst v0  }
0xb8: {  	[tilespmem:$0xA160] =	vst v0  }
0xb9: {  	[tilespmem:$0xA170] =	vst v0  }
0xba: {  	[tilespmem:$0xA180] =	vst v0  }
0xbb: {  	[tilespmem:$0xA190] =	vst v0  }
0xbc: {  	[tilespmem:$0xA1A0] =	vst v0  }
0xbd: {  	[tilespmem:$0xA1B0] =	vst v0  }
0xbe: {  	[tilespmem:$0xA1C0] =	vst v0  }
0xbf: {  	[tilespmem:$0xA1D0] =	vst v0  }
0xc0: {  	[tilespmem:$0xA1E0] =	vst v0  }
0xc1: {  	[tilespmem:$0xA1F0] =	vst v0  }
0xc2: {  	[tilespmem:$0xA200] =	vst v0  }
0xc3: {  	[tilespmem:$0xA210] =	vst v0  }
0xc4: {  	[tilespmem:$0xA220] =	vst v0  }
0xc5: {  	[tilespmem:$0xA230] =	vst v0  }
0xc6: {  	[tilespmem:$0xA240] =	vst v0  }
0xc7: {  	[tilespmem:$0xA250] =	vst v0  }
0xc8: {  	[tilespmem:$0xA260] =	vst v0  }
0xc9: {  	[tilespmem:$0xA270] =	vst v0  }
0xca: {  	[tilespmem:$0xA280] =	vst v0  }
0xcb: {  	[tilespmem:$0xA290] =	vst v0  }
0xcc: {  	[tilespmem:$0xA2A0] =	vst v0  }
0xcd: {  	[tilespmem:$0xA2B0] =	vst v0  }
0xce: {  	[tilespmem:$0xA2C0] =	vst v0  }
0xcf: {  	[tilespmem:$0xA2D0] =	vst v0  }
0xd0: {  	[tilespmem:$0xA2E0] =	vst v0  }
0xd1: {  	[tilespmem:$0xA2F0] =	vst v0  }
0xd2: {  	[tilespmem:$0xA300] =	vst v0  }
0xd3: {  	[tilespmem:$0xA310] =	vst v0  }
0xd4: {  	[tilespmem:$0xA320] =	vst v0  }
0xd5: {  	[tilespmem:$0xA330] =	vst v0  }
0xd6: {  	[tilespmem:$0xA340] =	vst v0  }
0xd7: {  	[tilespmem:$0xA350] =	vst v0  }
0xd8: {  	[tilespmem:$0xA360] =	vst v0  }
0xd9: {  	[tilespmem:$0xA370] =	vst v0  }
0xda: {  	[tilespmem:$0xA380] =	vst v0  }
0xdb: {  	[tilespmem:$0xA390] =	vst v0  }
0xdc: {  	[tilespmem:$0xA3A0] =	vst v0  }
0xdd: {  	[tilespmem:$0xA3B0] =	vst v0  }
0xde: {  	[tilespmem:$0xA3C0] =	vst v0  }
0xdf: {  	[tilespmem:$0xA3D0] =	vst v0  }
0xe0: {  	[tilespmem:$0xA3E0] =	vst v0  }
0xe1: {  	[tilespmem:$0xA3F0] =	vst v0  }
0xe2: {  	[tilespmem:$0xA400] =	vst v0  }
0xe3: {  	[tilespmem:$0xA410] =	vst v0  }
0xe4: {  	[tilespmem:$0xA420] =	vst v0  }
0xe5: {  	[tilespmem:$0xA430] =	vst v0  }
0xe6: {  	[tilespmem:$0xA440] =	vst v0  }
0xe7: {  	[tilespmem:$0xA450] =	vst v0  }
0xe8: {  	[tilespmem:$0xA460] =	vst v0  }
0xe9: {  	[tilespmem:$0xA470] =	vst v0  }
0xea: {  	[tilespmem:$0xA480] =	vst v0  }
0xeb: {  	[tilespmem:$0xA490] =	vst v0  }
0xec: {  	[tilespmem:$0xA4A0] =	vst v0  }
0xed: {  	[tilespmem:$0xA4B0] =	vst v0  }
0xee: {  	[tilespmem:$0xA4C0] =	vst v0  }
0xef: {  	[tilespmem:$0xA4D0] =	vst v0  }
0xf0: {  	[tilespmem:$0xA4E0] =	vst v0  }
0xf1: {  	[tilespmem:$0xA4F0] =	vst v0  }
0xf2: {  	[tilespmem:$0xA500] =	vst v0  }
0xf3: {  	[tilespmem:$0xA510] =	vst v0  }
0xf4: {  	[tilespmem:$0xA520] =	vst v0  }
0xf5: {  	[tilespmem:$0xA530] =	vst v0  }
0xf6: {  	[tilespmem:$0xA540] =	vst v0  }
0xf7: {  	[tilespmem:$0xA550] =	vst v0  }
0xf8: {  	[tilespmem:$0xA560] =	vst v0  }
0xf9: {  	[tilespmem:$0xA570] =	vst v0  }
0xfa: {  	[tilespmem:$0xA580] =	vst v0  }
0xfb: {  	[tilespmem:$0xA590] =	vst v0  }
0xfc: {  	[tilespmem:$0xA5A0] =	vst v0  }
0xfd: {  	[tilespmem:$0xA5B0] =	vst v0  }
0xfe: {  	[tilespmem:$0xA5C0] =	vst v0  }
0xff: {  	[tilespmem:$0xA5D0] =	vst v0  }
0x100: {  	[tilespmem:$0xA5E0] =	vst v0  }
0x101: {  	[tilespmem:$0xA5F0] =	vst v0  }
0x102: {  	[tilespmem:$0xA600] =	vst v0  }
0x103: {  	[tilespmem:$0xA610] =	vst v0  }
0x104: {  	[tilespmem:$0xA620] =	vst v0  }
0x105: {  	[tilespmem:$0xA630] =	vst v0  }
0x106: {  	[tilespmem:$0xA640] =	vst v0  }
0x107: {  	[tilespmem:$0xA650] =	vst v0  }
0x108: {  	[tilespmem:$0xA660] =	vst v0  }
0x109: {  	[tilespmem:$0xA670] =	vst v0  }
0x10a: {  	[tilespmem:$0xA680] =	vst v0  }
0x10b: {  	[tilespmem:$0xA690] =	vst v0  }
0x10c: {  	[tilespmem:$0xA6A0] =	vst v0  }
0x10d: {  	[tilespmem:$0xA6B0] =	vst v0  }
0x10e: {  	[tilespmem:$0xA6C0] =	vst v0  }
0x10f: {  	[tilespmem:$0xA6D0] =	vst v0  }
0x110: {  	[tilespmem:$0xA6E0] =	vst v0  }
0x111: {  	[tilespmem:$0xA6F0] =	vst v0  }
0x112: {  	[tilespmem:$0xA700] =	vst v0  }
0x113: {  	[tilespmem:$0xA710] =	vst v0  }
0x114: {  	[tilespmem:$0xA720] =	vst v0  }
0x115: {  	[tilespmem:$0xA730] =	vst v0  }
0x116: {  	[tilespmem:$0xA740] =	vst v0  }
0x117: {  	[tilespmem:$0xA750] =	vst v0  }
0x118: {  	[tilespmem:$0xA760] =	vst v0  }
0x119: {  	[tilespmem:$0xA770] =	vst v0  }
0x11a: {  	[tilespmem:$0xA780] =	vst v0  }
0x11b: {  	[tilespmem:$0xA790] =	vst v0  }
0x11c: {  	[tilespmem:$0xA7A0] =	vst v0  }
0x11d: {  	[tilespmem:$0xA7B0] =	vst v0  }
0x11e: {  	[tilespmem:$0xA7C0] =	vst v0  }
0x11f: {  	[tilespmem:$0xA7D0] =	vst v0  }
0x120: {  	[tilespmem:$0xA7E0] =	vst v0  }
0x121: {  	[tilespmem:$0xA7F0] =	vst v0  }
0x122: {  	[spmem:s9] =	stream.linear.scatter [tilespmem:s3], [sflag:$0x2], $0x1000, $0x38;
	[tilespmem:$0x1E800] =	vst v63  }
0x123: {  	_ =	swait.ge [sflag:s0], $0x1000  }
0x124: {  	[sflag:s0] =	ssyncset.done $0x0  }
0x125: {  	s17 =	rddreg [dreg:$0x7];
	[sflag:s0] =	ssyncadd.s32 $0xFFFFF000  }
0x126: {  	[spmem:s17] =	stream.linear.scatter [tilespmem:s3], [sflag:$0x2], $0x1000, $0x38;
	[tilespmem:$0x1E800] =	vst v63  }
0x127: {  	_ =	swait.ge [sflag:s0], $0x1000  }
0x128: {  	[sflag:s0] =	ssyncset.done $0x0  }
0x129: {  	s18 =	rddreg [dreg:$0x8];
	[sflag:s0] =	ssyncadd.s32 $0xFFFFF000  }
0x12a: {  	[spmem:s18] =	stream.linear.scatter [tilespmem:s3], [sflag:$0x2], $0x1000, $0x38;
	[tilespmem:$0x1E800] =	vst v63  }
0x12b: {  	_ =	swait.ge [sflag:s0], $0x1000  }
0x12c: {  	[sflag:s0] =	ssyncset.done $0x0  }
0x12d: {  	s14 =	rddreg [dreg:$0x9];
	[sflag:s0] =	ssyncadd.s32 $0xFFFFF000  }
0x12e: {  	[spmem:s14] =	stream.linear.scatter [tilespmem:s3], [sflag:$0x2], $0x1000, $0x38;
	[tilespmem:$0x1E800] =	vst v63  }
0x12f: {  	_ =	swait.ge [sflag:s0], $0x1000  }
0x130: {  	[sflag:s0] =	ssyncset.done $0x0  }
0x131: {  	s15 =	rddreg [dreg:$0xa];
	[sflag:s0] =	ssyncadd.s32 $0xFFFFF000  }
0x132: {  	[spmem:s15] =	stream.linear.scatter [tilespmem:s3], [sflag:$0x2], $0x1000, $0x38;
	[tilespmem:$0x1E800] =	vst v63  }
0x133: {  	_ =	swait.ge [sflag:s0], $0x1000  }
0x134: {  	[sflag:s0] =	ssyncset.done $0x0  }
0x135: {  	s16 =	rddreg [dreg:$0xb];
	[sflag:s0] =	ssyncadd.s32 $0xFFFFF000  }
0x136: {  	[spmem:s16] =	stream.linear.scatter [tilespmem:s3], [sflag:$0x2], $0x1000, $0x38;
	[tilespmem:$0x1E800] =	vst v63  }
0x137: {  	_ =	swait.ge [sflag:s0], $0x1000  }
0x138: {  	[sflag:s0] =	ssyncset.done $0x0  }
0x139: {  	s17 =	rddreg [dreg:$0xc];
	[sflag:s0] =	ssyncadd.s32 $0xFFFFF000  }
0x13a: {  	[spmem:s17] =	stream.linear.scatter [tilespmem:s3], [sflag:$0x2], $0x1000, $0x38;
	[tilespmem:$0x1E800] =	vst v63  }
0x13b: {  	_ =	swait.ge [sflag:s0], $0x1000  }
0x13c: {  	[sflag:s0] =	ssyncset.done $0x0  }
0x13d: {  	s18 =	rddreg [dreg:$0xd];
	[sflag:s0] =	ssyncadd.s32 $0xFFFFF000  }
0x13e: {  	[spmem:s18] =	stream.linear.scatter [tilespmem:s3], [sflag:$0x2], $0x1000, $0x38;
	[tilespmem:$0x1E800] =	vst v63  }
0x13f: {  	_ =	swait.ge [sflag:s0], $0x1000  }
0x140: {  	[sflag:s0] =	ssyncset.done $0x0  }
0x141: {  	[sflag:s0] =	ssyncadd.s32 $0xFFFFF000  }
0x142: {  	[spmem:s19] =	stream.linear.scatter [tilespmem:s3], [sflag:$0x2], $0x1000, $0x38;
	[tilespmem:$0x1E800] =	vst v63  }
0x143: {  	_ =	swait.ge [sflag:s0], $0x1000  }
0x144: {  	[sflag:s0] =	ssyncset.done $0x0  }
0x145: {  	[sflag:s0] =	ssyncadd.s32 $0xFFFFF000  }
0x146: {  	[spmem:s20] =	stream.linear.scatter [tilespmem:s3], [sflag:$0x2], $0x1000, $0x38;
	[tilespmem:$0x1E800] =	vst v63  }
0x147: {  	_ =	swait.ge [sflag:s0], $0x1000  }
0x148: {  	[sflag:s0] =	ssyncset.done $0x0  }
0x149: {  	[sflag:s0] =	ssyncadd.s32 $0xFFFFF000  }
0x14a: {  	[spmem:s21] =	stream.linear.scatter [tilespmem:s3], [sflag:$0x2], $0x1000, $0x38;
	[tilespmem:$0x1E800] =	vst v63  }
0x14b: {  	_ =	swait.ge [sflag:s0], $0x1000  }
0x14c: {  	[sflag:s0] =	ssyncset.done $0x0  }
0x14d: {  	[sflag:s0] =	ssyncadd.s32 $0xFFFFF000  }
0x14e: {  	[spmem:s22] =	stream.linear.scatter [tilespmem:s3], [sflag:$0x2], $0x1000, $0x38;
	[tilespmem:$0x1E800] =	vst v63  }
0x14f: {  	_ =	swait.ge [sflag:s0], $0x1000  }
0x150: {  	[sflag:s0] =	ssyncset.done $0x0  }
0x151: {  	[sflag:s0] =	ssyncadd.s32 $0xFFFFF000  }
0x152: {  	[spmem:s23] =	stream.linear.scatter [tilespmem:s3], [sflag:$0x2], $0x1000, $0x38;
	[tilespmem:$0x1E800] =	vst v63  }
0x153: {  	_ =	swait.ge [sflag:s0], $0x1000  }
0x154: {  	[sflag:s0] =	ssyncset.done $0x0  }
0x155: {  	[sflag:s0] =	ssyncadd.s32 $0xFFFFF000  }
0x156: {  	[spmem:s24] =	stream.linear.scatter [tilespmem:s3], [sflag:$0x2], $0x1000, $0x38;
	[tilespmem:$0x1E800] =	vst v63  }
0x157: {  	_ =	swait.ge [sflag:s0], $0x1000  }
0x158: {  	[sflag:s0] =	ssyncset.done $0x0  }
0x159: {  	[sflag:s0] =	ssyncadd.s32 $0xFFFFF000  }
0x15a: {  	[spmem:s26] =	stream.linear.scatter [tilespmem:s3], [sflag:$0x2], $0x1000, $0x38;
	[tilespmem:$0x1E800] =	vst v63  }
0x15b: {  	_ =	swait.ge [sflag:s0], $0x1000  }
0x15c: {  	[sflag:s0] =	ssyncset.done $0x0  }
0x15d: {  	[sflag:s0] =	ssyncadd.s32 $0xFFFFF000  }
0x15e: {  	[spmem:s28] =	stream.linear.scatter [tilespmem:s3], [sflag:$0x2], $0x1000, $0x38;
	[tilespmem:$0x1E800] =	vst v63  }
0x15f: {  	_ =	swait.ge [sflag:s0], $0x1000  }
0x160: {  	[sflag:s0] =	ssyncset.done $0x0  }
0x161: {  	[sflag:s0] =	ssyncadd.s32 $0xFFFFF000  }
0x162: {  	[spmem:s29] =	stream.linear.scatter [tilespmem:s3], [sflag:$0x2], $0x1000, $0x38;
	[tilespmem:$0x1E800] =	vst v63  }
0x163: {  	_ =	swait.ge [sflag:s0], $0x1000  }
0x164: {  	[sflag:s0] =	ssyncset.done $0x0  }
0x165: {  	[sflag:s0] =	ssyncadd.s32 $0xFFFFF000  }
0x166: {  	[spmem:s30] =	stream.linear.scatter [tilespmem:s3], [sflag:$0x2], $0x1000, $0x38;
	[tilespmem:$0x1E800] =	vst v63  }
0x167: {  	_ =	swait.ge [sflag:s0], $0x1000  }
0x168: {  	[sflag:s0] =	ssyncset.done $0x0  }
0x169: {  	[sflag:s0] =	ssyncadd.s32 $0xFFFFF000  }
0x16a: {  	[spmem:s31] =	stream.linear.scatter [tilespmem:s3], [sflag:$0x2], $0x1000, $0x38;
	[tilespmem:$0x1E800] =	vst v63  }
0x16b: {  	_ =	swait.ge [sflag:s0], $0x1000  }
0x16c: {  	[sflag:s0] =	ssyncset.done $0x0  }
0x16d: {  	[sflag:s0] =	ssyncadd.s32 $0xFFFFF000  }
0x16e: {  	[spmem:s1] =	stream.linear.scatter [tilespmem:s3], [sflag:$0x2], $0x1000, $0x38;
	[tilespmem:$0x1E800] =	vst v63  }
0x16f: {  	_ =	swait.ge [sflag:s0], $0x1000  }
0x170: {  	[sflag:s0] =	ssyncset.done $0x0  }
0x171: {  	[sflag:s0] =	ssyncadd.s32 $0xFFFFF000  }
0x172: {  	s13 =	simm.s32 $0x0;
	[bflag:$0x0] =	sbarrier.arrive $0xFFFF  }
.LBB2_2:
0x173: {  	s14 =	sadd.s32 s6, s13  }
0x174: {  	s14 =	sshll.u32 s14, $0x8  }
0x175: {  	s15 =	simm.s32 $0x0;
	s14 =	sadd.s32 s5, s14  }
0x176: {  	[tilespmem:s7], [sflag:$0x1] =	stream.linear.gather [hbm4b:s14+s15], $0x800, $0x38;
	[tilespmem:$0x1E800] =	vst v63  }
0x177: {  	s14 =	sshll.u32 s13, $0x7  }
0x178: {  	[tilespmem:s10], [sflag:$0x1] =	stream.indirect.gather [hbm4b:s4+s8], $0x80, s14, s8, $0xb8;
	[tilespmem:$0x1E800] =	vst v63  }
0x179: {  	_ =	swait.ge [sflag:s11], $0x800  }
0x17a: {  	[sflag:s11] =	ssyncset.done $0x0  }
0x17b: {  	[sflag:s11] =	ssyncadd.s32 $0xFFFFF800  }
0x17c: {  	_ =	swait.ge [sflag:s11], $0x4000  }
0x17d: {  	[sflag:s11] =	ssyncset.done $0x0  }
0x17e: {  	s15 =	simm.s32 $0x5840;
	[sflag:s11] =	ssyncadd.s32 $0xFFFFC000  }
0x17f: {  	v5 =	vld [tilespmem:s15+$0x30]  }
0x180: {  	v8 =	vld [tilespmem:s15+$0x10]  }
0x181: {  	s16 =	simm.s32 $0x0;
	v6 =	vld [tilespmem:s15+$0xFFFFFFC0]  }
0x182: {  	v2 =	vld [tilespmem:s16+$0x5000]  }
0x183: {  	v10 =	vld [tilespmem:s15+$0xFFFFFFE0]  }
0x184: {  	v1 =	vld [tilespmem:s15+$0xFFFFFFF0]  }
0x185: {  	v3 =	vld [tilespmem:s15+$0x20]  }
0x186: {  	v4 =	vld [tilespmem:s15+$0xFFFFFFD0]  }
0x187: {  	v9 =	vmul.f32 v5, v2;
	v5 =	vld [tilespmem:s15+$0x0]  }
0x188: {  	v7 =	vmul.f32 v6, v2  }
0x189: {  	s17 =	simm.s32 $0x5840;
	s16 =	simm.s32 $0x40;
	v6 =	vmul.f32 v10, v2;
	v8 =	vmul.f32 v8, v2  }
.LBB2_3:
0x18a: {  	p0 =	sne.s32 s16, $0x1FC0  }
0x18b: {  	v4 =	vmul.f32 v4, v2;
	v3 =	vmul.f32 v3, v2;
	[tilespmem:s15+$0x30] =	vst v9;
	s17 =	sadd.s32 $0x80, s17;
	s18 =	smov.u32 s16;
	s16 =	sadd.s32 $0x40, s16  }
0x18c: {  	[tilespmem:s15+$0xFFFFFFC0] =	vst v7;
	v7 =	vmul.f32 v1, v2;
	v2 =	vmul.f32 v5, v2  }
0x18d: {  	[tilespmem:s15+$0x10] =	vst v8  }
0x18e: {  	v1 =	vld [tilespmem:s17+$0xFFFFFFF0];
	[tilespmem:s15+$0xFFFFFFE0] =	vst v6  }
0x18f: {  	v6 =	vld [tilespmem:s17+$0x30];
	[tilespmem:s15+$0xFFFFFFF0] =	vst v7  }
0x190: {  	v8 =	vld [tilespmem:s17+$0x10];
	[tilespmem:s15+$0x0] =	vst v2  }
0x191: {  	v7 =	vld [tilespmem:s17+$0xFFFFFFC0];
	[tilespmem:s15+$0x20] =	vst v3  }
0x192: {  	s18 =	sshra.s32 s18, $0x2;
	v10 =	vld [tilespmem:s17+$0xFFFFFFE0];
	[tilespmem:s15+$0xFFFFFFD0] =	vst v4;
	s15 =	smov.u32 s17  }
0x193: {  	v2 =	vld [tilespmem:s18+$0x5000]  }
0x194: {  	v3 =	vld [tilespmem:s17+$0x20]  }
.Ltmp0:
0x195: {  	v4 =	vld [tilespmem:s17+$0xFFFFFFD0];
	(pc) =	sbr.rel @p0 .LBB2_3-.Ltmp0, $3  }
0x196: {  	v5 =	vld [tilespmem:s17+$0x0];
	_ =	sdelay $0x1  }
0x197: {  	v7 =	vmul.f32 v7, v2;
	v9 =	vmul.f32 v6, v2  }
0x198: {  	v6 =	vmul.f32 v10, v2;
	v8 =	vmul.f32 v8, v2  }
0x199: {  	[tilespmem:s15+$0x30] =	vst v9  }
0x19a: {  	[tilespmem:s15+$0xFFFFFFC0] =	vst v7  }
0x19b: {  	v1 =	vmul.f32 v1, v2;
	[tilespmem:s15+$0x10] =	vst v8  }
0x19c: {  	v3 =	vmul.f32 v3, v2;
	[tilespmem:s15+$0xFFFFFFE0] =	vst v6  }
0x19d: {  	v5 =	vmul.f32 v5, v2;
	[tilespmem:s15+$0xFFFFFFF0] =	vst v1  }
0x19e: {  	s13 =	sadd.s32 $0x1, s13;
	v1 =	vmul.f32 v4, v2;
	[tilespmem:s15+$0x20] =	vst v3  }
0x19f: {  	p0 =	sne.s32 s13, $0x50;
	[tilespmem:s15+$0x0] =	vst v5  }
.Ltmp1:
0x1a0: {  	s14 =	sadd.s32 $0x2800, s14;
	[tilespmem:s15+$0xFFFFFFD0] =	vst v1;
	(pc) =	sbr.rel @p0 .LBB2_2-.Ltmp1, $4  }
0x1a1: {  	[spmem:s2] =	stream.indirect.scatter.add.f32 [tilespmem:s10], [sflag:$0x2], $0x80, s14, s8, $0xb8;
	[tilespmem:$0x1E800] =	vst v63  }
0x1a2: {  	_ =	swait.ge [sflag:s0], $0x4000  }
0x1a3: {  	[sflag:s0] =	ssyncset.done $0x0  }
0x1a4: {  	[sflag:s0] =	ssyncadd.s32 $0xFFFFC000  }
0x1a5: {  	s13 =	stileid.u32  }
0x1a6: {  	[bflag:$0x0] =	sbarrier.arrive $0xFFFF;
	s13 =	sshll.u32 s13, $0x6  }
0x1a7: {  	s14 =	rddreg [dreg:$0x5];
	s13 =	sor.u32 $0x1C02, s13  }
0x1a8: {  	[hbm:s14], [sflag:s13] =	dma.local [spmem:s25], $0x2800  }
0x1a9: {  	_ =	swait.ge [sflag:s0], $0x2800  }
0x1aa: {  	s12 =	sadd.s32 $0x1, s12;
	s18 =	rddreg [dreg:$0x6]  }
0x1ab: {  	p0 =	sne.s32 s12, s18  }
.Ltmp2:
0x1ac: {  	_ = 	snop;
	(pc) =	sbr.rel @p0 .LBB2_1-.Ltmp2, $3  }
0x1ad: {  	_ =	sdelay $0x1  }
0x1ae: {  	[sflag:s0] =	ssyncset.done $0x0  }
0x1af: {  	[sflag:s0] =	ssyncadd.s32 $0xFFFFD800  }
0x1b0: {  	_ =	sfence.sel $0x180000  }
0x1b1: {  	[bflag:$0x0] =	sbarrier.arrive $0xFFFF  }
0x1b2: {  	_ =	strace $0x90000047  }
0x1b3: {  	s0 =	stileid.u32;
	[bflag:$0x2] =	sbarrier.arrive $0xFFFF  }
0x1b4: {  	p0 =	sne.s32 s0, $0x0;
	s0 =	rddreg [dreg:$0x2]  }
0x1b5: {  	s0 =	sadd.s32 @!p0 $0x100000, s0  }
0x1b6: {  	[sflag:s0] =	ssyncadd.tile.s32 @!p0 $0x1;
	_ =	shalt  }
.Lfunc_end2:
_tile_overlayer_lowered:
.L_overlay_start_2:
0x1b7: {  	(tag) =	ssettag $0x2  }
0x1b8: {  	s0 =	rddreg [dreg:$0x0];
	s2 =	stileid.u32  }
0x1b9: {  	s1 =	rddreg [dreg:$0x1];
	p0 =	sne.s32 s2, $0x0  }
0x1ba: {  	s3 =	rddreg [dreg:$0x2];
	[bflag:$0x3] =	sbarrier.arrive $0xFFFF;
	s2 =	simm.s32 @!p0 $0x1C02  }
0x1bb: {  	[timem:s3], [sflag:s2] =	dma.local @!p0 [hbm:s0], s1  }
0x1bc: {  	s0 =	simm.s32 @!p0 $0x2  }
0x1bd: {  	_ =	swait.ge @!p0 [sflag:s0], s1  }
0x1be: {  	s1 =	ssub.s32 @!p0 $0x0, s1;
	[sflag:s0] =	ssyncset.done @!p0 $0x0  }
0x1bf: {  	[sflag:s0] =	ssyncadd.s32 @!p0 s1  }
0x1c0: {  	[bflag:$0x3] =	sbarrier.arrive $0xFFFF  }
0x1c1: {  	_ =	shalt  }

// kernel: kernel.13.cloned.1.call-start
scs
__scs_entry_jumppad:
0x0: {  	(pc) =	sbr.rel $0x88, $3  }
0x1: {  	(tag) =	ssettag $0x0;
	lr =	simm.s32 $0x1  }
0x2: {  	[smem:$0x3F98] =	sst lr;
	_ =	strace $0xD0000000  }
0x3: {  	_ = 	snop  }
0x4: {  	_ = 	snop  }
0x5: {  	_ = 	snop  }
0x6: {  	_ = 	snop  }
0x7: {  	_ = 	snop  }
__scs_overlays_trampoline_lowered:
0x8: {  	[smem:$0x3FA7] =	sst s0  }
0x9: {  	[smem:$0x3FA8] =	sst s1  }
0xa: {  	[smem:$0x3FA9] =	sst s2  }
0xb: {  	[smem:$0x3FAA] =	sst s3  }
0xc: {  	[smem:$0x3FAB] =	sst s4  }
0xd: {  	[smem:$0x3FAC] =	sst s5  }
0xe: {  	[smem:$0x3FAD] =	sst s6  }
0xf: {  	[smem:$0x3FAE] =	sst s7  }
0x10: {  	[smem:$0x3FAF] =	sst s8  }
0x11: {  	[smem:$0x3FB0] =	sst s9;
	s0 =	simm.s32 @!p0 $0x0  }
0x12: {  	s1 =	sld [smem:$0x3F96];
	s0 =	simm.s32 @p0 $0x1  }
0x13: {  	[smem:$0x3FB1] =	sst s0;
	s0 =	simm.s32 @!p1 $0x0  }
0x14: {  	s2 =	sld [smem:$0x3F95];
	s0 =	simm.s32 @p1 $0x1  }
0x15: {  	[smem:$0x3FB2] =	sst s0;
	s0 =	simm.s32 @!p2 $0x0  }
0x16: {  	s3 =	sld [smem:$0x3FDB];
	s0 =	simm.s32 @p2 $0x1  }
0x17: {  	s4 =	simm.s32 $0x1BF5;
	[smem:$0x3FB4] =	sst s0  }
0x18: {  	s0 =	sld [smem:$0x3F97];
	_ =	swait.ge [sflag:s4], $0x0  }
0x19: {  	s7 =	sld [smem:$0x3F98]  }
0x1a: {  	s8 =	sadd.s32 $0xFFFFE003, lr  }
0x1b: {  	s9 =	sadd.s32 $0xFFFFFEF7, lr;
	s5 =	simm.s32 $0xFFFFFFFF;
	p2 =	slt.u32 s8, $0xFFFFF086  }
0x1c: {  	p1 =	slt.u32 s9, $0xF7A;
	s5 =	simm.s32 @!p2 $0x0  }
0x1d: {  	s5 =	simm.s32 @p1 $0x1;
	p0 =	seq.s32 s7, s2  }
0x1e: {  	s7 =	smul.u32 @!p0 $0xF7A, s2;
	p2 =	seq.s32 @!p0 s5, $0x0  }
0x1f: {  	s9 =	smul.u32 $0xF7A, s1;
	s8 =	simm.s32 @!p0 $0x1BF5;
	p2 =	por !p2, p0  }
0x20: {  	[sflag:s8] =	ssyncset.s32 @!p0 $0xFFFFF086;
	s6 =	sadd.s32 @!p0 s3, s7;
	s7 =	simm.s32 @!p0 $0x108  }
0x21: {  	s3 =	sadd.s32 s3, s9;
	s6 =	sadd.s32 @!p0 $0x88, s6;
	s7 =	simm.s32 @p2 $0x1082  }
0x22: {  	[simem:s7], [sflag:s8] =	dma.local @!p0 [hbm:s6], $0xF7A  }
0x23: {  	s9 =	sor.u32 $0xD0000000, s2;
	s6 =	simm.s32 $0x108;
	_ =	swait.ge @!p0 [sflag:s8], $0x0  }
0x24: {  	s3 =	sadd.s32 $0x88, s3;
	s6 =	simm.s32 @!p1 $0x1082;
	[sflag:s4] =	ssyncset.s32 $0xFFFFF086  }
0x25: {  	[simem:s6], [sflag:s4] =	dma.local [hbm:s3], $0xF7A  }
0x26: {  	[smem:$0x3F98] =	sst s1;
	(tag) =	ssettag s2;
	_ =	strace s9  }
0x27: {  	s1 =	sld [smem:$0x3FA8]  }
0x28: {  	s2 =	sld [smem:$0x3FA9]  }
0x29: {  	s4 =	sld [smem:$0x3FAB]  }
0x2a: {  	p0 =	seq.s32 s5, $0x0;
	s5 =	sld [smem:$0x3FAC]  }
0x2b: {  	s6 =	sld [smem:$0x3FAD]  }
0x2c: {  	s7 =	sld [smem:$0x3FAE]  }
0x2d: {  	s3 =	simm.s32 $0x108;
	s8 =	sld [smem:$0x3FAF]  }
0x2e: {  	s3 =	simm.s32 @!p0 $0x1082;
	s9 =	sld [smem:$0x3FB0]  }
0x2f: {  	lr =	sadd.s32 s0, s3;
	s0 =	sld [smem:$0x3FA7]  }
0x30: {  	s3 =	sld [smem:$0x3FAA]  }
0x31: {  	[smem:$0x3FB3] =	sst s10  }
0x32: {  	s10 =	sld [smem:$0x3FB1];
	_ =	sdelay $0x3  }
0x33: {  	p0 =	seq.s32 s10, $0x1;
	s10 =	sld [smem:$0x3FB3];
	_ =	sdelay $0x3  }
0x34: {  	[smem:$0x3FB3] =	sst s10  }
0x35: {  	s10 =	sld [smem:$0x3FB2];
	_ =	sdelay $0x3  }
0x36: {  	p1 =	seq.s32 s10, $0x1;
	s10 =	sld [smem:$0x3FB3];
	_ =	sdelay $0x3  }
0x37: {  	[smem:$0x3FB3] =	sst s10  }
0x38: {  	s10 =	sld [smem:$0x3FB4]  }
0x39: {  	_ = 	snop;
	(pc) =	sbr.ind lr, $3  }
0x3a: {  	_ = 	snop  }
0x3b: {  	_ = 	snop  }
0x3c: {  	p2 =	seq.s32 s10, $0x1;
	s10 =	sld [smem:$0x3FB3]  }
0x3d: {  	_ =	shalt  }
0x3e: {  	_ =	shalt  }
0x3f: {  	_ =	shalt  }
0x40: {  	_ =	shalt  }
0x41: {  	_ =	shalt  }
0x42: {  	_ =	shalt  }
0x43: {  	_ =	shalt  }
0x44: {  	_ =	shalt  }
0x45: {  	_ =	shalt  }
0x46: {  	_ =	shalt  }
0x47: {  	_ =	shalt  }
0x48: {  	_ =	shalt  }
0x49: {  	_ =	shalt  }
0x4a: {  	_ =	shalt  }
0x4b: {  	_ =	shalt  }
0x4c: {  	_ =	shalt  }
0x4d: {  	_ =	shalt  }
0x4e: {  	_ =	shalt  }
0x4f: {  	_ =	shalt  }
0x50: {  	_ =	shalt  }
0x51: {  	_ =	shalt  }
0x52: {  	_ =	shalt  }
0x53: {  	_ =	shalt  }
0x54: {  	_ =	shalt  }
0x55: {  	_ =	shalt  }
0x56: {  	_ =	shalt  }
0x57: {  	_ =	shalt  }
0x58: {  	_ =	shalt  }
0x59: {  	_ =	shalt  }
0x5a: {  	_ =	shalt  }
0x5b: {  	_ =	shalt  }
0x5c: {  	_ =	shalt  }
0x5d: {  	_ =	shalt  }
0x5e: {  	_ =	shalt  }
0x5f: {  	_ =	shalt  }
0x60: {  	_ =	shalt  }
0x61: {  	_ =	shalt  }
0x62: {  	_ =	shalt  }
0x63: {  	_ =	shalt  }
0x64: {  	_ =	shalt  }
0x65: {  	_ =	shalt  }
0x66: {  	_ =	shalt  }
0x67: {  	_ =	shalt  }
0x68: {  	_ =	shalt  }
0x69: {  	_ =	shalt  }
0x6a: {  	_ =	shalt  }
0x6b: {  	_ =	shalt  }
0x6c: {  	_ =	shalt  }
0x6d: {  	_ =	shalt  }
0x6e: {  	_ =	shalt  }
0x6f: {  	_ =	shalt  }
0x70: {  	_ =	shalt  }
0x71: {  	_ =	shalt  }
0x72: {  	_ =	shalt  }
0x73: {  	_ =	shalt  }
0x74: {  	_ =	shalt  }
0x75: {  	_ =	shalt  }
0x76: {  	_ =	shalt  }
0x77: {  	_ =	shalt  }
0x78: {  	_ =	shalt  }
0x79: {  	_ =	shalt  }
0x7a: {  	_ =	shalt  }
0x7b: {  	_ =	shalt  }
0x7c: {  	_ =	shalt  }
0x7d: {  	_ =	shalt  }
0x7e: {  	_ =	shalt  }
0x7f: {  	_ =	shalt  }
0x80: {  	_ =	shalt  }
0x81: {  	_ =	shalt  }
0x82: {  	_ =	shalt  }
0x83: {  	_ =	shalt  }
0x84: {  	_ =	shalt  }
0x85: {  	_ =	shalt  }
0x86: {  	_ =	shalt  }
0x87: {  	_ =	shalt  }
.Lfunc_end0:
.L_simem_size_0:
called_computation.1_lowered:
.L_overlay_start_0:
0x88: {  	s2 =	sld [smem:$0x3FD9]  }
0x89: {  	s3 =	sld [smem:$0x3FFE];
	_ =	sdelay $0x1  }
0x8a: {  	s1 =	srdreg.scid  }
0x8b: {  	s0 =	sand.u32 $0x1, s1  }
0x8c: {  	s16 =	sshll.u32 s0, $0xA;
	s2 =	sadd.s32 s3, s2  }
0x8d: {  	s2 =	sadd.s32 s2, s16  }
0x8e: {  	[smem:$0x3FBF] =	sst s2  }
0x8f: {  	_ = 	snop  }
0x90: {  	(tm) =	ssettm $0x1  }
0x91: {  	s17 =	sld [smem:$0x3FFB];
	_ =	sdelay $0x3  }
0x92: {  	_ =	strace s17  }
0x93: {  	s2 =	sld [smem:$0x3FFC];
	_ =	sdelay $0x3  }
0x94: {  	_ =	strace s2  }
0x95: {  	s2 =	sld [smem:$0x3FFD];
	_ =	sdelay $0x3  }
0x96: {  	_ =	strace s2  }
0x97: {  	_ =	strace $0x8FFFFFFF  }
0x98: {  	s18 =	sld [smem:$0x3FDB];
	_ =	sdelay $0x1  }
0x99: {  	s19 =	simm.s32 $_scs_section_size  }
0x9a: {  	s4 =	simm.s32 $_size__tile_overlayer_lowered;
	s5 =	simm.s32 $_tile_overlayer_lowered  }
0x9b: {  	s22 =	simm.s32 $0x1BFF;
	s21 =	sshll.u32 s5, $0x1;
	s2 =	sadd.s32 s19, s18  }
0x9c: {  	s6 =	simm.s32 $0x0;
	s20 =	sshll.u32 s4, $0x1;
	s4 =	sadd.s32 s21, s2  }
0x9d: {  	[timem:s6], [sflag:s22] =	dma.local [hbm:s4], s20  }
0x9e: {  	_ =	swait.ge [sflag:s22], s20  }
0x9f: {  	s3 =	ssub.s32 $0x0, s20;
	[sflag:s22] =	ssyncset.done $0x0  }
0xa0: {  	[sflag:s22] =	ssyncadd.s32 s3;
	_ =	sdelay $0x1  }
0xa1: {  	s23 =	simm.s32 $0x1B8B  }
0xa2: {  	_ =	swait.ge [sflag:s23], $0x1  }
0xa3: {  	[sflag:s23] =	ssyncset.done $0x0  }
0xa4: {  	s25 =	simm.s32 $0x1B8E;
	s24 =	sld [smem:$0x3FFE];
	[sflag:s23] =	ssyncadd.s32 $0xFFFFFFFF  }
0xa5: {  	s26 =	simm.s32 $execute0_lowered;
	[smem:$0x3FD2] =	sst s25  }
0xa6: {  	s4 =	sshll.u32 s26, $0x1;
	_ =	strace $0x80000049;
	[dreg:$0x1] =	wrdreg $0xFFFFFFFF  }
0xa7: {  	s28 =	simm.s32 $_size_execute0_lowered;
	s2 =	sadd.s32 s2, s4;
	[dreg:$0x0] =	wrdreg $0x0  }
0xa8: {  	s4 =	sshll.u32 s28, $0x1;
	[dreg:$0x2] =	wrdreg s2  }
0xa9: {  	[dreg:$0x3] =	wrdreg s4  }
0xaa: {  	[dreg:$0x4] =	wrdreg $0xC0  }
0xab: {  	_ =	task [dreg:s6], $0x5FFFF  }
0xac: {  	[dreg:$0x1] =	wrdreg $0xFFFFFFFF  }
0xad: {  	[dreg:$0x0] =	wrdreg $0x60  }
0xae: {  	[dreg:$0x2] =	wrdreg s24  }
0xaf: {  	[dreg:$0x3] =	wrdreg $0x80000  }
0xb0: {  	[dreg:$0x4] =	wrdreg $0x9  }
0xb1: {  	_ =	task.clear_ibuf [dreg:s6], $0x5FFFF;
	_ =	strace $0x90000049  }
0xb2: {  	s29 =	simm.s32 $0x9;
	_ =	strace $0x8000004B  }
0xb3: {  	_ =	swait.ge [sflag:s29], $0x1  }
0xb4: {  	[sflag:s29] =	ssyncadd.s32 $0xFFFFFFFF  }
0xb5: {  	_ =	strace $0x9000004B  }
0xb6: {  	_ =	sfence  }
0xb7: {  	s30 =	sld [smem:$0x0];
	_ =	sdelay $0x2  }
0xb8: {  	s31 =	sshll.u32 s1, $0xD;
	s1 =	sshrl.u32 s1, $0x2  }
0xb9: {  	s3 =	sand.u32 $0x4000, s31;
	s1 =	sadd.s32 s1, s30  }
0xba: {  	s0 =	sor.u32 s3, s0;
	s1 =	sshll.u32 s1, $0x11  }
0xbb: {  	s0 =	sor.u32 s1, s0  }
0xbc: {  	s0 =	sadd.s32 $0x8F2B, s0  }
0xbd: {  	[sflag:s0] =	ssyncadd.remote.s32 $0x1  }
0xbe: {  	_ =	sfence.sel $0xFFFF  }
0xbf: {  	[dreg:$0x0] =	wrdreg $0xFFFFFFFF;
	(pc) =	sbr.abs _section_cstart, $3  }
0xc0: {  	[dreg:$0x1] =	wrdreg $0xFFFFFFFF  }
0xc1: {  	_ =	task.clear_ibuf [dreg:s6], $0x2FFFF;
	_ =	strace $0x9FFFFFFF  }
0xc2: {  	(tm) =	ssettm $0x7FFFFFFF  }
0xc3: {  	_ =	shalt  }
tec
execute0_lowered:
.L_overlay_start_1:
0x0: {  	(tag) =	ssettag $0x1  }
0x1: {  	s0 =	srdreg.scid  }
0x2: {  	s10 =	stileid.u32;
	s3 =	rddreg [dreg:$0x0]  }
0x3: {  	s2 =	rddreg [dreg:$0x1];
	s4 =	simm.s32 $0x0;
	s11 =	simm.s32 $0x1  }
0x4: {  	s12 =	simm.s32 $0x0;
	s0 =	sand.u32 $0x1, s0;
	[smem:$0x7FF] =	sst s4  }
0x5: {  	s7 =	smul.u32 $0xA000, s10;
	s4 =	sadd.s32 $0xB5600, s3;
	s1 =	sshll.u32 s0, $0x4  }
0x6: {  	s6 =	smul.u32 $0xA0000, s0;
	_ =	strace $0x8000004A;
	s0 =	ssub.s32 $0x2, s0  }
0x7: {  	s1 =	sor.u32 s10, s1;
	s9 =	sshrl.u32 s0, $0x1;
	s10 =	smul.u32 $0x28000, s10  }
0x8: {  	s18 =	sadd.s32 s7, s2;
	s5 =	smul.u32 $0x500, s1;
	s14 =	sadd.s32 s7, s6  }
0x9: {  	s0 =	ssub.s32 s0, s9;
	s7 =	simm.s32 $0x5000;
	s6 =	sshrl.u32 s14, $0x3  }
0xa: {  	s16 =	sshrl.u32 s10, $0x2;
	s0 =	smax.u32 s0, $0x1;
	s10 =	simm.s32 $0x5800  }
0xb: {  	s8 =	sadd.s32 s5, s3;
	s5 =	sadd.s32 $0x15600, s3;
	s3 =	sadd.s32 s6, s3  }
0xc: {  	s6 =	smul.u32 $0x50, s1;
	[dreg:$0x6] =	wrdreg s0;
	s15 =	sadd.s32 $0xB600, s8  }
0xd: {  	s9 =	sadd.s32 s16, s2;
	s8 =	sadd.s32 $0x1600, s8;
	[dreg:$0x3] =	wrdreg s15  }
0xe: {  	s0 =	simm.s32 $0x2;
	s17 =	sadd.s32 $0xC9600, s3;
	[dreg:$0x4] =	wrdreg s8  }
0xf: {  	s20 =	sadd.s32 $0x800, s9;
	s21 =	sadd.s32 $0x1000, s9;
	[dreg:$0x5] =	wrdreg s17  }
0x10: {  	s22 =	sadd.s32 $0x1800, s9;
	s23 =	sadd.s32 $0x2000, s9;
	[dreg:$0x7] =	wrdreg s20  }
0x11: {  	s24 =	sadd.s32 $0x2800, s9;
	s25 =	sadd.s32 $0x3000, s9;
	[dreg:$0x8] =	wrdreg s21  }
0x12: {  	s26 =	sadd.s32 $0x3800, s9;
	s19 =	sadd.s32 $0x4000, s9;
	[dreg:$0x9] =	wrdreg s22  }
0x13: {  	s28 =	sadd.s32 $0x7800, s9;
	s29 =	sadd.s32 $0x8000, s9;
	[dreg:$0xa] =	wrdreg s23  }
0x14: {  	s30 =	sadd.s32 $0x8800, s9;
	s31 =	sadd.s32 $0x9000, s9;
	[dreg:$0xb] =	wrdreg s24  }
0x15: {  	s1 =	sadd.s32 $0x9800, s9;
	s3 =	simm.s32 $0x7800;
	[dreg:$0xc] =	wrdreg s25  }
0x16: {  	[dreg:$0xd] =	wrdreg s26;
	s20 =	sadd.s32 $0x4800, s9;
	s21 =	sadd.s32 $0x5000, s9  }
0x17: {  	s22 =	sadd.s32 $0x5800, s9;
	s23 =	sadd.s32 $0x6000, s9;
	s24 =	sadd.s32 $0x6800, s9  }
0x18: {  	v0 =	vimm.f32 $0.0e+00;
	s25 =	sshrl.u32 s18, $0x3;
	s26 =	sadd.s32 $0x7000, s9;
	s8 =	simm.s32 $0x80  }
.LBB2_1:
0x19: {  	s13 =	simm.s32 $0x0;
	s14 =	rddreg [dreg:$0x3]  }
0x1a: {  	[tilespmem:s13], [sflag:$0x2] =	stream.linear.gather [hbm4b:s14+s13], $0x2800, $0x38;
	[tilespmem:$0x12000] =	vst v63  }
0x1b: {  	_ =	swait.ge [sflag:s0], $0x2800  }
0x1c: {  	[sflag:s0] =	ssyncset.done $0x0  }
0x1d: {  	s15 =	simm.s32 $0x2800;
	s16 =	rddreg [dreg:$0x4];
	[sflag:s0] =	ssyncadd.s32 $0xFFFFD800  }
0x1e: {  	[tilespmem:s15], [sflag:$0x2] =	stream.linear.gather [hbm4b:s16+s13], $0x2800, $0x38;
	[tilespmem:$0x12000] =	vst v63  }
0x1f: {  	_ =	swait.ge [sflag:s0], $0x2800  }
0x20: {  	[sflag:s0] =	ssyncset.done $0x0  }
0x21: {  	[sflag:s0] =	ssyncadd.s32 $0xFFFFD800  }
0x22: {  	[tilespmem:$0x7800] =	vst v0  }
0x23: {  	[tilespmem:$0x7810] =	vst v0  }
0x24: {  	[tilespmem:$0x7820] =	vst v0  }
0x25: {  	[tilespmem:$0x7830] =	vst v0  }
0x26: {  	[tilespmem:$0x7840] =	vst v0  }
0x27: {  	[tilespmem:$0x7850] =	vst v0  }
0x28: {  	[tilespmem:$0x7860] =	vst v0  }
0x29: {  	[tilespmem:$0x7870] =	vst v0  }
0x2a: {  	[tilespmem:$0x7880] =	vst v0  }
0x2b: {  	[tilespmem:$0x7890] =	vst v0  }
0x2c: {  	[tilespmem:$0x78A0] =	vst v0  }
0x2d: {  	[tilespmem:$0x78B0] =	vst v0  }
0x2e: {  	[tilespmem:$0x78C0] =	vst v0  }
0x2f: {  	[tilespmem:$0x78D0] =	vst v0  }
0x30: {  	[tilespmem:$0x78E0] =	vst v0  }
0x31: {  	[tilespmem:$0x78F0] =	vst v0  }
0x32: {  	[tilespmem:$0x7900] =	vst v0  }
0x33: {  	[tilespmem:$0x7910] =	vst v0  }
0x34: {  	[tilespmem:$0x7920] =	vst v0  }
0x35: {  	[tilespmem:$0x7930] =	vst v0  }
0x36: {  	[tilespmem:$0x7940] =	vst v0  }
0x37: {  	[tilespmem:$0x7950] =	vst v0  }
0x38: {  	[tilespmem:$0x7960] =	vst v0  }
0x39: {  	[tilespmem:$0x7970] =	vst v0  }
0x3a: {  	[tilespmem:$0x7980] =	vst v0  }
0x3b: {  	[tilespmem:$0x7990] =	vst v0  }
0x3c: {  	[tilespmem:$0x79A0] =	vst v0  }
0x3d: {  	[tilespmem:$0x79B0] =	vst v0  }
0x3e: {  	[tilespmem:$0x79C0] =	vst v0  }
0x3f: {  	[tilespmem:$0x79D0] =	vst v0  }
0x40: {  	[tilespmem:$0x79E0] =	vst v0  }
0x41: {  	[tilespmem:$0x79F0] =	vst v0  }
0x42: {  	[tilespmem:$0x7A00] =	vst v0  }
0x43: {  	[tilespmem:$0x7A10] =	vst v0  }
0x44: {  	[tilespmem:$0x7A20] =	vst v0  }
0x45: {  	[tilespmem:$0x7A30] =	vst v0  }
0x46: {  	[tilespmem:$0x7A40] =	vst v0  }
0x47: {  	[tilespmem:$0x7A50] =	vst v0  }
0x48: {  	[tilespmem:$0x7A60] =	vst v0  }
0x49: {  	[tilespmem:$0x7A70] =	vst v0  }
0x4a: {  	[tilespmem:$0x7A80] =	vst v0  }
0x4b: {  	[tilespmem:$0x7A90] =	vst v0  }
0x4c: {  	[tilespmem:$0x7AA0] =	vst v0  }
0x4d: {  	[tilespmem:$0x7AB0] =	vst v0  }
0x4e: {  	[tilespmem:$0x7AC0] =	vst v0  }
0x4f: {  	[tilespmem:$0x7AD0] =	vst v0  }
0x50: {  	[tilespmem:$0x7AE0] =	vst v0  }
0x51: {  	[tilespmem:$0x7AF0] =	vst v0  }
0x52: {  	[tilespmem:$0x7B00] =	vst v0  }
0x53: {  	[tilespmem:$0x7B10] =	vst v0  }
0x54: {  	[tilespmem:$0x7B20] =	vst v0  }
0x55: {  	[tilespmem:$0x7B30] =	vst v0  }
0x56: {  	[tilespmem:$0x7B40] =	vst v0  }
0x57: {  	[tilespmem:$0x7B50] =	vst v0  }
0x58: {  	[tilespmem:$0x7B60] =	vst v0  }
0x59: {  	[tilespmem:$0x7B70] =	vst v0  }
0x5a: {  	[tilespmem:$0x7B80] =	vst v0  }
0x5b: {  	[tilespmem:$0x7B90] =	vst v0  }
0x5c: {  	[tilespmem:$0x7BA0] =	vst v0  }
0x5d: {  	[tilespmem:$0x7BB0] =	vst v0  }
0x5e: {  	[tilespmem:$0x7BC0] =	vst v0  }
0x5f: {  	[tilespmem:$0x7BD0] =	vst v0  }
0x60: {  	[tilespmem:$0x7BE0] =	vst v0  }
0x61: {  	[tilespmem:$0x7BF0] =	vst v0  }
0x62: {  	[tilespmem:$0x7C00] =	vst v0  }
0x63: {  	[tilespmem:$0x7C10] =	vst v0  }
0x64: {  	[tilespmem:$0x7C20] =	vst v0  }
0x65: {  	[tilespmem:$0x7C30] =	vst v0  }
0x66: {  	[tilespmem:$0x7C40] =	vst v0  }
0x67: {  	[tilespmem:$0x7C50] =	vst v0  }
0x68: {  	[tilespmem:$0x7C60] =	vst v0  }
0x69: {  	[tilespmem:$0x7C70] =	vst v0  }
0x6a: {  	[tilespmem:$0x7C80] =	vst v0  }
0x6b: {  	[tilespmem:$0x7C90] =	vst v0  }
0x6c: {  	[tilespmem:$0x7CA0] =	vst v0  }
0x6d: {  	[tilespmem:$0x7CB0] =	vst v0  }
0x6e: {  	[tilespmem:$0x7CC0] =	vst v0  }
0x6f: {  	[tilespmem:$0x7CD0] =	vst v0  }
0x70: {  	[tilespmem:$0x7CE0] =	vst v0  }
0x71: {  	[tilespmem:$0x7CF0] =	vst v0  }
0x72: {  	[tilespmem:$0x7D00] =	vst v0  }
0x73: {  	[tilespmem:$0x7D10] =	vst v0  }
0x74: {  	[tilespmem:$0x7D20] =	vst v0  }
0x75: {  	[tilespmem:$0x7D30] =	vst v0  }
0x76: {  	[tilespmem:$0x7D40] =	vst v0  }
0x77: {  	[tilespmem:$0x7D50] =	vst v0  }
0x78: {  	[tilespmem:$0x7D60] =	vst v0  }
0x79: {  	[tilespmem:$0x7D70] =	vst v0  }
0x7a: {  	[tilespmem:$0x7D80] =	vst v0  }
0x7b: {  	[tilespmem:$0x7D90] =	vst v0  }
0x7c: {  	[tilespmem:$0x7DA0] =	vst v0  }
0x7d: {  	[tilespmem:$0x7DB0] =	vst v0  }
0x7e: {  	[tilespmem:$0x7DC0] =	vst v0  }
0x7f: {  	[tilespmem:$0x7DD0] =	vst v0  }
0x80: {  	[tilespmem:$0x7DE0] =	vst v0  }
0x81: {  	[tilespmem:$0x7DF0] =	vst v0  }
0x82: {  	[tilespmem:$0x7E00] =	vst v0  }
0x83: {  	[tilespmem:$0x7E10] =	vst v0  }
0x84: {  	[tilespmem:$0x7E20] =	vst v0  }
0x85: {  	[tilespmem:$0x7E30] =	vst v0  }
0x86: {  	[tilespmem:$0x7E40] =	vst v0  }
0x87: {  	[tilespmem:$0x7E50] =	vst v0  }
0x88: {  	[tilespmem:$0x7E60] =	vst v0  }
0x89: {  	[tilespmem:$0x7E70] =	vst v0  }
0x8a: {  	[tilespmem:$0x7E80] =	vst v0  }
0x8b: {  	[tilespmem:$0x7E90] =	vst v0  }
0x8c: {  	[tilespmem:$0x7EA0] =	vst v0  }
0x8d: {  	[tilespmem:$0x7EB0] =	vst v0  }
0x8e: {  	[tilespmem:$0x7EC0] =	vst v0  }
0x8f: {  	[tilespmem:$0x7ED0] =	vst v0  }
0x90: {  	[tilespmem:$0x7EE0] =	vst v0  }
0x91: {  	[tilespmem:$0x7EF0] =	vst v0  }
0x92: {  	[tilespmem:$0x7F00] =	vst v0  }
0x93: {  	[tilespmem:$0x7F10] =	vst v0  }
0x94: {  	[tilespmem:$0x7F20] =	vst v0  }
0x95: {  	[tilespmem:$0x7F30] =	vst v0  }
0x96: {  	[tilespmem:$0x7F40] =	vst v0  }
0x97: {  	[tilespmem:$0x7F50] =	vst v0  }
0x98: {  	[tilespmem:$0x7F60] =	vst v0  }
0x99: {  	[tilespmem:$0x7F70] =	vst v0  }
0x9a: {  	[tilespmem:$0x7F80] =	vst v0  }
0x9b: {  	[tilespmem:$0x7F90] =	vst v0  }
0x9c: {  	[tilespmem:$0x7FA0] =	vst v0  }
0x9d: {  	[tilespmem:$0x7FB0] =	vst v0  }
0x9e: {  	[tilespmem:$0x7FC0] =	vst v0  }
0x9f: {  	[tilespmem:$0x7FD0] =	vst v0  }
0xa0: {  	[tilespmem:$0x7FE0] =	vst v0  }
0xa1: {  	[tilespmem:$0x7FF0] =	vst v0  }
0xa2: {  	[spmem:s9] =	stream.linear.scatter [tilespmem:s3], [sflag:$0x2], $0x800, $0x38;
	[tilespmem:$0x12000] =	vst v63  }
0xa3: {  	_ =	swait.ge [sflag:s0], $0x800  }
0xa4: {  	[sflag:s0] =	ssyncset.done $0x0  }
0xa5: {  	s17 =	rddreg [dreg:$0x7];
	[sflag:s0] =	ssyncadd.s32 $0xFFFFF800  }
0xa6: {  	[spmem:s17] =	stream.linear.scatter [tilespmem:s3], [sflag:$0x2], $0x800, $0x38;
	[tilespmem:$0x12000] =	vst v63  }
0xa7: {  	_ =	swait.ge [sflag:s0], $0x800  }
0xa8: {  	[sflag:s0] =	ssyncset.done $0x0  }
0xa9: {  	s18 =	rddreg [dreg:$0x8];
	[sflag:s0] =	ssyncadd.s32 $0xFFFFF800  }
0xaa: {  	[spmem:s18] =	stream.linear.scatter [tilespmem:s3], [sflag:$0x2], $0x800, $0x38;
	[tilespmem:$0x12000] =	vst v63  }
0xab: {  	_ =	swait.ge [sflag:s0], $0x800  }
0xac: {  	[sflag:s0] =	ssyncset.done $0x0  }
0xad: {  	s14 =	rddreg [dreg:$0x9];
	[sflag:s0] =	ssyncadd.s32 $0xFFFFF800  }
0xae: {  	[spmem:s14] =	stream.linear.scatter [tilespmem:s3], [sflag:$0x2], $0x800, $0x38;
	[tilespmem:$0x12000] =	vst v63  }
0xaf: {  	_ =	swait.ge [sflag:s0], $0x800  }
0xb0: {  	[sflag:s0] =	ssyncset.done $0x0  }
0xb1: {  	s15 =	rddreg [dreg:$0xa];
	[sflag:s0] =	ssyncadd.s32 $0xFFFFF800  }
0xb2: {  	[spmem:s15] =	stream.linear.scatter [tilespmem:s3], [sflag:$0x2], $0x800, $0x38;
	[tilespmem:$0x12000] =	vst v63  }
0xb3: {  	_ =	swait.ge [sflag:s0], $0x800  }
0xb4: {  	[sflag:s0] =	ssyncset.done $0x0  }
0xb5: {  	s16 =	rddreg [dreg:$0xb];
	[sflag:s0] =	ssyncadd.s32 $0xFFFFF800  }
0xb6: {  	[spmem:s16] =	stream.linear.scatter [tilespmem:s3], [sflag:$0x2], $0x800, $0x38;
	[tilespmem:$0x12000] =	vst v63  }
0xb7: {  	_ =	swait.ge [sflag:s0], $0x800  }
0xb8: {  	[sflag:s0] =	ssyncset.done $0x0  }
0xb9: {  	s17 =	rddreg [dreg:$0xc];
	[sflag:s0] =	ssyncadd.s32 $0xFFFFF800  }
0xba: {  	[spmem:s17] =	stream.linear.scatter [tilespmem:s3], [sflag:$0x2], $0x800, $0x38;
	[tilespmem:$0x12000] =	vst v63  }
0xbb: {  	_ =	swait.ge [sflag:s0], $0x800  }
0xbc: {  	[sflag:s0] =	ssyncset.done $0x0  }
0xbd: {  	s18 =	rddreg [dreg:$0xd];
	[sflag:s0] =	ssyncadd.s32 $0xFFFFF800  }
0xbe: {  	[spmem:s18] =	stream.linear.scatter [tilespmem:s3], [sflag:$0x2], $0x800, $0x38;
	[tilespmem:$0x12000] =	vst v63  }
0xbf: {  	_ =	swait.ge [sflag:s0], $0x800  }
0xc0: {  	[sflag:s0] =	ssyncset.done $0x0  }
0xc1: {  	[sflag:s0] =	ssyncadd.s32 $0xFFFFF800  }
0xc2: {  	[spmem:s19] =	stream.linear.scatter [tilespmem:s3], [sflag:$0x2], $0x800, $0x38;
	[tilespmem:$0x12000] =	vst v63  }
0xc3: {  	_ =	swait.ge [sflag:s0], $0x800  }
0xc4: {  	[sflag:s0] =	ssyncset.done $0x0  }
0xc5: {  	[sflag:s0] =	ssyncadd.s32 $0xFFFFF800  }
0xc6: {  	[spmem:s20] =	stream.linear.scatter [tilespmem:s3], [sflag:$0x2], $0x800, $0x38;
	[tilespmem:$0x12000] =	vst v63  }
0xc7: {  	_ =	swait.ge [sflag:s0], $0x800  }
0xc8: {  	[sflag:s0] =	ssyncset.done $0x0  }
0xc9: {  	[sflag:s0] =	ssyncadd.s32 $0xFFFFF800  }
0xca: {  	[spmem:s21] =	stream.linear.scatter [tilespmem:s3], [sflag:$0x2], $0x800, $0x38;
	[tilespmem:$0x12000] =	vst v63  }
0xcb: {  	_ =	swait.ge [sflag:s0], $0x800  }
0xcc: {  	[sflag:s0] =	ssyncset.done $0x0  }
0xcd: {  	[sflag:s0] =	ssyncadd.s32 $0xFFFFF800  }
0xce: {  	[spmem:s22] =	stream.linear.scatter [tilespmem:s3], [sflag:$0x2], $0x800, $0x38;
	[tilespmem:$0x12000] =	vst v63  }
0xcf: {  	_ =	swait.ge [sflag:s0], $0x800  }
0xd0: {  	[sflag:s0] =	ssyncset.done $0x0  }
0xd1: {  	[sflag:s0] =	ssyncadd.s32 $0xFFFFF800  }
0xd2: {  	[spmem:s23] =	stream.linear.scatter [tilespmem:s3], [sflag:$0x2], $0x800, $0x38;
	[tilespmem:$0x12000] =	vst v63  }
0xd3: {  	_ =	swait.ge [sflag:s0], $0x800  }
0xd4: {  	[sflag:s0] =	ssyncset.done $0x0  }
0xd5: {  	[sflag:s0] =	ssyncadd.s32 $0xFFFFF800  }
0xd6: {  	[spmem:s24] =	stream.linear.scatter [tilespmem:s3], [sflag:$0x2], $0x800, $0x38;
	[tilespmem:$0x12000] =	vst v63  }
0xd7: {  	_ =	swait.ge [sflag:s0], $0x800  }
0xd8: {  	[sflag:s0] =	ssyncset.done $0x0  }
0xd9: {  	[sflag:s0] =	ssyncadd.s32 $0xFFFFF800  }
0xda: {  	[spmem:s26] =	stream.linear.scatter [tilespmem:s3], [sflag:$0x2], $0x800, $0x38;
	[tilespmem:$0x12000] =	vst v63  }
0xdb: {  	_ =	swait.ge [sflag:s0], $0x800  }
0xdc: {  	[sflag:s0] =	ssyncset.done $0x0  }
0xdd: {  	[sflag:s0] =	ssyncadd.s32 $0xFFFFF800  }
0xde: {  	[spmem:s28] =	stream.linear.scatter [tilespmem:s3], [sflag:$0x2], $0x800, $0x38;
	[tilespmem:$0x12000] =	vst v63  }
0xdf: {  	_ =	swait.ge [sflag:s0], $0x800  }
0xe0: {  	[sflag:s0] =	ssyncset.done $0x0  }
0xe1: {  	[sflag:s0] =	ssyncadd.s32 $0xFFFFF800  }
0xe2: {  	[spmem:s29] =	stream.linear.scatter [tilespmem:s3], [sflag:$0x2], $0x800, $0x38;
	[tilespmem:$0x12000] =	vst v63  }
0xe3: {  	_ =	swait.ge [sflag:s0], $0x800  }
0xe4: {  	[sflag:s0] =	ssyncset.done $0x0  }
0xe5: {  	[sflag:s0] =	ssyncadd.s32 $0xFFFFF800  }
0xe6: {  	[spmem:s30] =	stream.linear.scatter [tilespmem:s3], [sflag:$0x2], $0x800, $0x38;
	[tilespmem:$0x12000] =	vst v63  }
0xe7: {  	_ =	swait.ge [sflag:s0], $0x800  }
0xe8: {  	[sflag:s0] =	ssyncset.done $0x0  }
0xe9: {  	[sflag:s0] =	ssyncadd.s32 $0xFFFFF800  }
0xea: {  	[spmem:s31] =	stream.linear.scatter [tilespmem:s3], [sflag:$0x2], $0x800, $0x38;
	[tilespmem:$0x12000] =	vst v63  }
0xeb: {  	_ =	swait.ge [sflag:s0], $0x800  }
0xec: {  	[sflag:s0] =	ssyncset.done $0x0  }
0xed: {  	[sflag:s0] =	ssyncadd.s32 $0xFFFFF800  }
0xee: {  	[spmem:s1] =	stream.linear.scatter [tilespmem:s3], [sflag:$0x2], $0x800, $0x38;
	[tilespmem:$0x12000] =	vst v63  }
0xef: {  	_ =	swait.ge [sflag:s0], $0x800  }
0xf0: {  	[sflag:s0] =	ssyncset.done $0x0  }
0xf1: {  	[sflag:s0] =	ssyncadd.s32 $0xFFFFF800  }
0xf2: {  	s13 =	simm.s32 $0x0;
	[bflag:$0x0] =	sbarrier.arrive $0xFFFF  }
.LBB2_2:
0xf3: {  	s14 =	sadd.s32 s6, s13  }
0xf4: {  	s14 =	sshll.u32 s14, $0x8  }
0xf5: {  	s15 =	simm.s32 $0x0;
	s14 =	sadd.s32 s5, s14  }
0xf6: {  	[tilespmem:s7], [sflag:$0x1] =	stream.linear.gather [hbm4b:s14+s15], $0x800, $0x38;
	[tilespmem:$0x12000] =	vst v63  }
0xf7: {  	s14 =	sshll.u32 s13, $0x7  }
0xf8: {  	[tilespmem:s10], [sflag:$0x1] =	stream.indirect.gather [hbm4b:s4+s8], $0x40, s14, s8, $0xb8;
	[tilespmem:$0x12000] =	vst v63  }
0xf9: {  	_ =	swait.ge [sflag:s11], $0x800  }
0xfa: {  	[sflag:s11] =	ssyncset.done $0x0  }
0xfb: {  	[sflag:s11] =	ssyncadd.s32 $0xFFFFF800  }
0xfc: {  	_ =	swait.ge [sflag:s11], $0x2000  }
0xfd: {  	[sflag:s11] =	ssyncset.done $0x0  }
0xfe: {  	s15 =	simm.s32 $0x5820;
	[sflag:s11] =	ssyncadd.s32 $0xFFFFE000  }
0xff: {  	v1 =	vld [tilespmem:s15+$0xFFFFFFF0]  }
0x100: {  	v3 =	vld [tilespmem:s15+$0x10]  }
0x101: {  	s16 =	simm.s32 $0x0;
	v2 =	vld [tilespmem:s15+$0xFFFFFFE0]  }
0x102: {  	v5 =	vld [tilespmem:s16+$0x5000]  }
0x103: {  	v6 =	vld [tilespmem:s15+$0x0];
	_ =	sdelay $0x3  }
0x104: {  	v2 =	vmul.f32 v2, v5;
	v4 =	vmul.f32 v3, v5  }
0x105: {  	s17 =	simm.s32 $0x5820;
	s16 =	simm.s32 $0x40;
	v3 =	vmul.f32 v1, v5;
	v1 =	vmul.f32 v6, v5  }
.LBB2_3:
0x106: {  	p0 =	sne.s32 s16, $0x1FC0  }
0x107: {  	[tilespmem:s15+$0x10] =	vst v4;
	s17 =	sadd.s32 $0x40, s17;
	s18 =	smov.u32 s16;
	s16 =	sadd.s32 $0x40, s16  }
0x108: {  	v5 =	vld [tilespmem:s17+$0xFFFFFFF0];
	[tilespmem:s15+$0xFFFFFFE0] =	vst v2  }
0x109: {  	v4 =	vld [tilespmem:s17+$0x10];
	[tilespmem:s15+$0xFFFFFFF0] =	vst v3  }
0x10a: {  	s18 =	sshra.s32 s18, $0x2;
	v2 =	vld [tilespmem:s17+$0xFFFFFFE0];
	[tilespmem:s15+$0x0] =	vst v1;
	s15 =	smov.u32 s17  }
0x10b: {  	v1 =	vld [tilespmem:s18+$0x5000]  }
0x10c: {  	v6 =	vld [tilespmem:s17+$0x0]  }
.Ltmp0:
0x10d: {  	(pc) =	sbr.rel @p0 .LBB2_3-.Ltmp0, $3  }
0x10e: {  	_ =	sdelay $0x1  }
0x10f: {  	v2 =	vmul.f32 v2, v1;
	v4 =	vmul.f32 v4, v1  }
0x110: {  	v3 =	vmul.f32 v5, v1;
	v1 =	vmul.f32 v6, v1  }
0x111: {  	[tilespmem:s15+$0x10] =	vst v4  }
0x112: {  	[tilespmem:s15+$0xFFFFFFE0] =	vst v2;
	s13 =	sadd.s32 $0x1, s13  }
0x113: {  	[tilespmem:s15+$0xFFFFFFF0] =	vst v3;
	p0 =	sne.s32 s13, $0x50  }
.Ltmp1:
0x114: {  	s14 =	sadd.s32 $0x2800, s14;
	[tilespmem:s15+$0x0] =	vst v1;
	(pc) =	sbr.rel @p0 .LBB2_2-.Ltmp1, $4  }
0x115: {  	[spmem:s2] =	stream.indirect.scatter.add.f32 [tilespmem:s10], [sflag:$0x2], $0x40, s14, s8, $0xb8;
	[tilespmem:$0x12000] =	vst v63  }
0x116: {  	_ =	swait.ge [sflag:s0], $0x2000  }
0x117: {  	[sflag:s0] =	ssyncset.done $0x0  }
0x118: {  	[sflag:s0] =	ssyncadd.s32 $0xFFFFE000  }
0x119: {  	s13 =	stileid.u32  }
0x11a: {  	[bflag:$0x0] =	sbarrier.arrive $0xFFFF;
	s13 =	sshll.u32 s13, $0x6  }
0x11b: {  	s14 =	rddreg [dreg:$0x5];
	s13 =	sor.u32 $0x1C02, s13  }
0x11c: {  	[hbm:s14], [sflag:s13] =	dma.local [spmem:s25], $0x1400  }
0x11d: {  	_ =	swait.ge [sflag:s0], $0x1400  }
0x11e: {  	s12 =	sadd.s32 $0x1, s12;
	s18 =	rddreg [dreg:$0x6]  }
0x11f: {  	p0 =	sne.s32 s12, s18  }
.Ltmp2:
0x120: {  	_ = 	snop;
	(pc) =	sbr.rel @p0 .LBB2_1-.Ltmp2, $3  }
0x121: {  	_ =	sdelay $0x1  }
0x122: {  	[sflag:s0] =	ssyncset.done $0x0  }
0x123: {  	[sflag:s0] =	ssyncadd.s32 $0xFFFFEC00  }
0x124: {  	_ =	sfence.sel $0x180000  }
0x125: {  	[bflag:$0x0] =	sbarrier.arrive $0xFFFF  }
0x126: {  	_ =	strace $0x9000004A  }
0x127: {  	s0 =	stileid.u32;
	[bflag:$0x2] =	sbarrier.arrive $0xFFFF  }
0x128: {  	p0 =	sne.s32 s0, $0x0;
	s0 =	rddreg [dreg:$0x2]  }
0x129: {  	s0 =	sadd.s32 @!p0 $0x100000, s0  }
0x12a: {  	[sflag:s0] =	ssyncadd.tile.s32 @!p0 $0x1;
	_ =	shalt  }
.Lfunc_end2:
_tile_overlayer_lowered:
.L_overlay_start_2:
0x12b: {  	(tag) =	ssettag $0x2  }
0x12c: {  	s0 =	rddreg [dreg:$0x0];
	s2 =	stileid.u32  }
0x12d: {  	s1 =	rddreg [dreg:$0x1];
	p0 =	sne.s32 s2, $0x0  }
0x12e: {  	s3 =	rddreg [dreg:$0x2];
	[bflag:$0x3] =	sbarrier.arrive $0xFFFF;
	s2 =	simm.s32 @!p0 $0x1C02  }
0x12f: {  	[timem:s3], [sflag:s2] =	dma.local @!p0 [hbm:s0], s1  }
0x130: {  	s0 =	simm.s32 @!p0 $0x2  }
0x131: {  	_ =	swait.ge @!p0 [sflag:s0], s1  }
0x132: {  	s1 =	ssub.s32 @!p0 $0x0, s1;
	[sflag:s0] =	ssyncset.done @!p0 $0x0  }
0x133: {  	[sflag:s0] =	ssyncadd.s32 @!p0 s1  }
0x134: {  	[bflag:$0x3] =	sbarrier.arrive $0xFFFF  }
0x135: {  	_ =	shalt  }

// kernel: kernel.16.cloned.1.call-start
scs
__scs_entry_jumppad:
0x0: {  	(pc) =	sbr.rel $0x88, $3  }
0x1: {  	(tag) =	ssettag $0x0;
	lr =	simm.s32 $0x1  }
0x2: {  	[smem:$0x3F98] =	sst lr;
	_ =	strace $0xD0000000  }
0x3: {  	_ = 	snop  }
0x4: {  	_ = 	snop  }
0x5: {  	_ = 	snop  }
0x6: {  	_ = 	snop  }
0x7: {  	_ = 	snop  }
__scs_overlays_trampoline_lowered:
0x8: {  	[smem:$0x3FA7] =	sst s0  }
0x9: {  	[smem:$0x3FA8] =	sst s1  }
0xa: {  	[smem:$0x3FA9] =	sst s2  }
0xb: {  	[smem:$0x3FAA] =	sst s3  }
0xc: {  	[smem:$0x3FAB] =	sst s4  }
0xd: {  	[smem:$0x3FAC] =	sst s5  }
0xe: {  	[smem:$0x3FAD] =	sst s6  }
0xf: {  	[smem:$0x3FAE] =	sst s7  }
0x10: {  	[smem:$0x3FAF] =	sst s8  }
0x11: {  	[smem:$0x3FB0] =	sst s9;
	s0 =	simm.s32 @!p0 $0x0  }
0x12: {  	s1 =	sld [smem:$0x3F96];
	s0 =	simm.s32 @p0 $0x1  }
0x13: {  	[smem:$0x3FB1] =	sst s0;
	s0 =	simm.s32 @!p1 $0x0  }
0x14: {  	s2 =	sld [smem:$0x3F95];
	s0 =	simm.s32 @p1 $0x1  }
0x15: {  	[smem:$0x3FB2] =	sst s0;
	s0 =	simm.s32 @!p2 $0x0  }
0x16: {  	s3 =	sld [smem:$0x3FDB];
	s0 =	simm.s32 @p2 $0x1  }
0x17: {  	s4 =	simm.s32 $0x1BF5;
	[smem:$0x3FB4] =	sst s0  }
0x18: {  	s0 =	sld [smem:$0x3F97];
	_ =	swait.ge [sflag:s4], $0x0  }
0x19: {  	s7 =	sld [smem:$0x3F98]  }
0x1a: {  	s8 =	sadd.s32 $0xFFFFE003, lr  }
0x1b: {  	s9 =	sadd.s32 $0xFFFFFEF7, lr;
	s5 =	simm.s32 $0xFFFFFFFF;
	p2 =	slt.u32 s8, $0xFFFFF086  }
0x1c: {  	p1 =	slt.u32 s9, $0xF7A;
	s5 =	simm.s32 @!p2 $0x0  }
0x1d: {  	s5 =	simm.s32 @p1 $0x1;
	p0 =	seq.s32 s7, s2  }
0x1e: {  	s7 =	smul.u32 @!p0 $0xF7A, s2;
	p2 =	seq.s32 @!p0 s5, $0x0  }
0x1f: {  	s9 =	smul.u32 $0xF7A, s1;
	s8 =	simm.s32 @!p0 $0x1BF5;
	p2 =	por !p2, p0  }
0x20: {  	[sflag:s8] =	ssyncset.s32 @!p0 $0xFFFFF086;
	s6 =	sadd.s32 @!p0 s3, s7;
	s7 =	simm.s32 @!p0 $0x108  }
0x21: {  	s3 =	sadd.s32 s3, s9;
	s6 =	sadd.s32 @!p0 $0x88, s6;
	s7 =	simm.s32 @p2 $0x1082  }
0x22: {  	[simem:s7], [sflag:s8] =	dma.local @!p0 [hbm:s6], $0xF7A  }
0x23: {  	s9 =	sor.u32 $0xD0000000, s2;
	s6 =	simm.s32 $0x108;
	_ =	swait.ge @!p0 [sflag:s8], $0x0  }
0x24: {  	s3 =	sadd.s32 $0x88, s3;
	s6 =	simm.s32 @!p1 $0x1082;
	[sflag:s4] =	ssyncset.s32 $0xFFFFF086  }
0x25: {  	[simem:s6], [sflag:s4] =	dma.local [hbm:s3], $0xF7A  }
0x26: {  	[smem:$0x3F98] =	sst s1;
	(tag) =	ssettag s2;
	_ =	strace s9  }
0x27: {  	s1 =	sld [smem:$0x3FA8]  }
0x28: {  	s2 =	sld [smem:$0x3FA9]  }
0x29: {  	s4 =	sld [smem:$0x3FAB]  }
0x2a: {  	p0 =	seq.s32 s5, $0x0;
	s5 =	sld [smem:$0x3FAC]  }
0x2b: {  	s6 =	sld [smem:$0x3FAD]  }
0x2c: {  	s7 =	sld [smem:$0x3FAE]  }
0x2d: {  	s3 =	simm.s32 $0x108;
	s8 =	sld [smem:$0x3FAF]  }
0x2e: {  	s3 =	simm.s32 @!p0 $0x1082;
	s9 =	sld [smem:$0x3FB0]  }
0x2f: {  	lr =	sadd.s32 s0, s3;
	s0 =	sld [smem:$0x3FA7]  }
0x30: {  	s3 =	sld [smem:$0x3FAA]  }
0x31: {  	[smem:$0x3FB3] =	sst s10  }
0x32: {  	s10 =	sld [smem:$0x3FB1];
	_ =	sdelay $0x3  }
0x33: {  	p0 =	seq.s32 s10, $0x1;
	s10 =	sld [smem:$0x3FB3];
	_ =	sdelay $0x3  }
0x34: {  	[smem:$0x3FB3] =	sst s10  }
0x35: {  	s10 =	sld [smem:$0x3FB2];
	_ =	sdelay $0x3  }
0x36: {  	p1 =	seq.s32 s10, $0x1;
	s10 =	sld [smem:$0x3FB3];
	_ =	sdelay $0x3  }
0x37: {  	[smem:$0x3FB3] =	sst s10  }
0x38: {  	s10 =	sld [smem:$0x3FB4]  }
0x39: {  	_ = 	snop;
	(pc) =	sbr.ind lr, $3  }
0x3a: {  	_ = 	snop  }
0x3b: {  	_ = 	snop  }
0x3c: {  	p2 =	seq.s32 s10, $0x1;
	s10 =	sld [smem:$0x3FB3]  }
0x3d: {  	_ =	shalt  }
0x3e: {  	_ =	shalt  }
0x3f: {  	_ =	shalt  }
0x40: {  	_ =	shalt  }
0x41: {  	_ =	shalt  }
0x42: {  	_ =	shalt  }
0x43: {  	_ =	shalt  }
0x44: {  	_ =	shalt  }
0x45: {  	_ =	shalt  }
0x46: {  	_ =	shalt  }
0x47: {  	_ =	shalt  }
0x48: {  	_ =	shalt  }
0x49: {  	_ =	shalt  }
0x4a: {  	_ =	shalt  }
0x4b: {  	_ =	shalt  }
0x4c: {  	_ =	shalt  }
0x4d: {  	_ =	shalt  }
0x4e: {  	_ =	shalt  }
0x4f: {  	_ =	shalt  }
0x50: {  	_ =	shalt  }
0x51: {  	_ =	shalt  }
0x52: {  	_ =	shalt  }
0x53: {  	_ =	shalt  }
0x54: {  	_ =	shalt  }
0x55: {  	_ =	shalt  }
0x56: {  	_ =	shalt  }
0x57: {  	_ =	shalt  }
0x58: {  	_ =	shalt  }
0x59: {  	_ =	shalt  }
0x5a: {  	_ =	shalt  }
0x5b: {  	_ =	shalt  }
0x5c: {  	_ =	shalt  }
0x5d: {  	_ =	shalt  }
0x5e: {  	_ =	shalt  }
0x5f: {  	_ =	shalt  }
0x60: {  	_ =	shalt  }
0x61: {  	_ =	shalt  }
0x62: {  	_ =	shalt  }
0x63: {  	_ =	shalt  }
0x64: {  	_ =	shalt  }
0x65: {  	_ =	shalt  }
0x66: {  	_ =	shalt  }
0x67: {  	_ =	shalt  }
0x68: {  	_ =	shalt  }
0x69: {  	_ =	shalt  }
0x6a: {  	_ =	shalt  }
0x6b: {  	_ =	shalt  }
0x6c: {  	_ =	shalt  }
0x6d: {  	_ =	shalt  }
0x6e: {  	_ =	shalt  }
0x6f: {  	_ =	shalt  }
0x70: {  	_ =	shalt  }
0x71: {  	_ =	shalt  }
0x72: {  	_ =	shalt  }
0x73: {  	_ =	shalt  }
0x74: {  	_ =	shalt  }
0x75: {  	_ =	shalt  }
0x76: {  	_ =	shalt  }
0x77: {  	_ =	shalt  }
0x78: {  	_ =	shalt  }
0x79: {  	_ =	shalt  }
0x7a: {  	_ =	shalt  }
0x7b: {  	_ =	shalt  }
0x7c: {  	_ =	shalt  }
0x7d: {  	_ =	shalt  }
0x7e: {  	_ =	shalt  }
0x7f: {  	_ =	shalt  }
0x80: {  	_ =	shalt  }
0x81: {  	_ =	shalt  }
0x82: {  	_ =	shalt  }
0x83: {  	_ =	shalt  }
0x84: {  	_ =	shalt  }
0x85: {  	_ =	shalt  }
0x86: {  	_ =	shalt  }
0x87: {  	_ =	shalt  }
.Lfunc_end0:
.L_simem_size_0:
called_computation.2_lowered:
.L_overlay_start_0:
0x88: {  	s2 =	sld [smem:$0x3FD9]  }
0x89: {  	s3 =	sld [smem:$0x3FFE];
	_ =	sdelay $0x1  }
0x8a: {  	s1 =	srdreg.scid  }
0x8b: {  	s0 =	sand.u32 $0x1, s1  }
0x8c: {  	s16 =	sshll.u32 s0, $0xA;
	s2 =	sadd.s32 s3, s2  }
0x8d: {  	s2 =	sadd.s32 s2, s16  }
0x8e: {  	[smem:$0x3FBF] =	sst s2  }
0x8f: {  	_ = 	snop  }
0x90: {  	(tm) =	ssettm $0x1  }
0x91: {  	s17 =	sld [smem:$0x3FFB];
	_ =	sdelay $0x3  }
0x92: {  	_ =	strace s17  }
0x93: {  	s2 =	sld [smem:$0x3FFC];
	_ =	sdelay $0x3  }
0x94: {  	_ =	strace s2  }
0x95: {  	s2 =	sld [smem:$0x3FFD];
	_ =	sdelay $0x3  }
0x96: {  	_ =	strace s2  }
0x97: {  	_ =	strace $0x8FFFFFFF  }
0x98: {  	s18 =	sld [smem:$0x3FDB];
	_ =	sdelay $0x1  }
0x99: {  	s19 =	simm.s32 $_scs_section_size  }
0x9a: {  	s4 =	simm.s32 $_size__tile_overlayer_lowered;
	s5 =	simm.s32 $_tile_overlayer_lowered  }
0x9b: {  	s22 =	simm.s32 $0x1BFF;
	s21 =	sshll.u32 s5, $0x1;
	s2 =	sadd.s32 s19, s18  }
0x9c: {  	s6 =	simm.s32 $0x0;
	s20 =	sshll.u32 s4, $0x1;
	s4 =	sadd.s32 s21, s2  }
0x9d: {  	[timem:s6], [sflag:s22] =	dma.local [hbm:s4], s20  }
0x9e: {  	_ =	swait.ge [sflag:s22], s20  }
0x9f: {  	s3 =	ssub.s32 $0x0, s20;
	[sflag:s22] =	ssyncset.done $0x0  }
0xa0: {  	[sflag:s22] =	ssyncadd.s32 s3;
	_ =	sdelay $0x1  }
0xa1: {  	s23 =	simm.s32 $0x1B8B  }
0xa2: {  	_ =	swait.ge [sflag:s23], $0x1  }
0xa3: {  	[sflag:s23] =	ssyncset.done $0x0  }
0xa4: {  	s25 =	simm.s32 $0x1B8E;
	s24 =	sld [smem:$0x3FFE];
	[sflag:s23] =	ssyncadd.s32 $0xFFFFFFFF  }
0xa5: {  	s26 =	simm.s32 $execute0_lowered;
	[smem:$0x3FD2] =	sst s25  }
0xa6: {  	s4 =	sshll.u32 s26, $0x1;
	_ =	strace $0x8000004C;
	[dreg:$0x1] =	wrdreg $0xFFFFFFFF  }
0xa7: {  	s28 =	simm.s32 $_size_execute0_lowered;
	s2 =	sadd.s32 s2, s4;
	[dreg:$0x0] =	wrdreg $0x0  }
0xa8: {  	s4 =	sshll.u32 s28, $0x1;
	[dreg:$0x2] =	wrdreg s2  }
0xa9: {  	[dreg:$0x3] =	wrdreg s4  }
0xaa: {  	[dreg:$0x4] =	wrdreg $0xC0  }
0xab: {  	_ =	task [dreg:s6], $0x5FFFF  }
0xac: {  	[dreg:$0x1] =	wrdreg $0xFFFFFFFF  }
0xad: {  	[dreg:$0x0] =	wrdreg $0x60  }
0xae: {  	[dreg:$0x2] =	wrdreg s24  }
0xaf: {  	[dreg:$0x3] =	wrdreg $0x76000  }
0xb0: {  	[dreg:$0x4] =	wrdreg $0x9  }
0xb1: {  	_ =	task.clear_ibuf [dreg:s6], $0x5FFFF;
	_ =	strace $0x9000004C  }
0xb2: {  	s29 =	simm.s32 $0x9;
	_ =	strace $0x8000004E  }
0xb3: {  	_ =	swait.ge [sflag:s29], $0x1  }
0xb4: {  	[sflag:s29] =	ssyncadd.s32 $0xFFFFFFFF  }
0xb5: {  	_ =	strace $0x9000004E  }
0xb6: {  	_ =	sfence  }
0xb7: {  	s30 =	sld [smem:$0x0];
	_ =	sdelay $0x2  }
0xb8: {  	s31 =	sshll.u32 s1, $0xD;
	s1 =	sshrl.u32 s1, $0x2  }
0xb9: {  	s3 =	sand.u32 $0x4000, s31;
	s1 =	sadd.s32 s1, s30  }
0xba: {  	s0 =	sor.u32 s3, s0;
	s1 =	sshll.u32 s1, $0x11  }
0xbb: {  	s0 =	sor.u32 s1, s0  }
0xbc: {  	s0 =	sadd.s32 $0x8F2B, s0  }
0xbd: {  	[sflag:s0] =	ssyncadd.remote.s32 $0x1  }
0xbe: {  	_ =	sfence.sel $0xFFFF  }
0xbf: {  	[dreg:$0x0] =	wrdreg $0xFFFFFFFF;
	(pc) =	sbr.abs _section_cstart, $3  }
0xc0: {  	[dreg:$0x1] =	wrdreg $0xFFFFFFFF  }
0xc1: {  	_ =	task.clear_ibuf [dreg:s6], $0x2FFFF;
	_ =	strace $0x9FFFFFFF  }
0xc2: {  	(tm) =	ssettm $0x7FFFFFFF  }
0xc3: {  	_ =	shalt  }
tec
execute0_lowered:
.L_overlay_start_1:
0x0: {  	(tag) =	ssettag $0x1  }
0x1: {  	s7 =	rddreg [dreg:$0x0]  }
0x2: {  	s0 =	srdreg.scid;
	s2 =	rddreg [dreg:$0x1];
	s3 =	simm.s32 $0x0  }
0x3: {  	s14 =	simm.s32 $0x7000;
	s15 =	simm.s32 $0x5000;
	s16 =	simm.s32 $0x80  }
0x4: {  	s17 =	simm.s32 $0x5800;
	s18 =	simm.s32 $0x1;
	s6 =	sand.u32 $0x1, s0  }
0x5: {  	s21 =	simm.s32 $0x0;
	s0 =	stileid.u32;
	s9 =	smul.u32 $0x78000, s6  }
0x6: {  	[smem:$0x7FF] =	sst s3;
	s4 =	sadd.s32 $0xB5600, s7;
	s10 =	smul.u32 $0x7800, s0  }
0x7: {  	s1 =	sshll.u32 s6, $0x4;
	s12 =	ssub.s32 $0x2, s6;
	s30 =	smul.u32 $0x1E000, s0  }
0x8: {  	s19 =	sshll.u32 s0, $0x6;
	s8 =	sor.u32 s0, s1;
	s1 =	rddreg [dreg:$0x2]  }
0x9: {  	_ =	strace $0x8000004D;
	s13 =	sshrl.u32 s12, $0x1;
	s5 =	smul.u32 $0x500, s8  }
0xa: {  	s19 =	sor.u32 $0x1C02, s19;
	s9 =	sadd.s32 s10, s9;
	s6 =	smul.u32 $0x50, s8  }
0xb: {  	s12 =	ssub.s32 s12, s13;
	s20 =	sadd.s32 s10, s2;
	s31 =	sshrl.u32 s30, $0x2  }
0xc: {  	s13 =	simm.s32 $0x2800;
	s9 =	sshrl.u32 s9, $0x3;
	s10 =	smax.u32 s12, $0x1  }
0xd: {  	s12 =	simm.s32 $0x2;
	s20 =	sshrl.u32 s20, $0x3;
	s11 =	sadd.s32 s5, s7  }
0xe: {  	s5 =	sadd.s32 $0x15600, s7;
	s9 =	sadd.s32 s9, s7;
	s7 =	sadd.s32 $0xB600, s11  }
0xf: {  	v0 =	vimm.f32 $0.0e+00;
	s8 =	sadd.s32 $0x1600, s11;
	s9 =	sadd.s32 $0xC4600, s9;
	s11 =	sadd.s32 s31, s2  }
.LBB2_1:
0x10: {  	[tilespmem:s3], [sflag:$0x2] =	stream.linear.gather [hbm4b:s7+s3], $0x2800, $0x38;
	[tilespmem:$0xEE00] =	vst v63  }
0x11: {  	_ =	swait.ge [sflag:s12], $0x2800  }
0x12: {  	[sflag:s12] =	ssyncset.done $0x0  }
0x13: {  	[sflag:s12] =	ssyncadd.s32 $0xFFFFD800  }
0x14: {  	[tilespmem:s13], [sflag:$0x2] =	stream.linear.gather [hbm4b:s8+s3], $0x2800, $0x38;
	[tilespmem:$0xEE00] =	vst v63  }
0x15: {  	_ =	swait.ge [sflag:s12], $0x2800  }
0x16: {  	[sflag:s12] =	ssyncset.done $0x0  }
0x17: {  	[sflag:s12] =	ssyncadd.s32 $0xFFFFD800  }
0x18: {  	[tilespmem:$0x7000] =	vst v0  }
0x19: {  	[tilespmem:$0x7010] =	vst v0  }
0x1a: {  	[tilespmem:$0x7020] =	vst v0  }
0x1b: {  	[tilespmem:$0x7030] =	vst v0  }
0x1c: {  	[tilespmem:$0x7040] =	vst v0  }
0x1d: {  	[tilespmem:$0x7050] =	vst v0  }
0x1e: {  	[tilespmem:$0x7060] =	vst v0  }
0x1f: {  	[tilespmem:$0x7070] =	vst v0  }
0x20: {  	[tilespmem:$0x7080] =	vst v0  }
0x21: {  	[tilespmem:$0x7090] =	vst v0  }
0x22: {  	[tilespmem:$0x70A0] =	vst v0  }
0x23: {  	[tilespmem:$0x70B0] =	vst v0  }
0x24: {  	[tilespmem:$0x70C0] =	vst v0  }
0x25: {  	[tilespmem:$0x70D0] =	vst v0  }
0x26: {  	[tilespmem:$0x70E0] =	vst v0  }
0x27: {  	[tilespmem:$0x70F0] =	vst v0  }
0x28: {  	[tilespmem:$0x7100] =	vst v0  }
0x29: {  	[tilespmem:$0x7110] =	vst v0  }
0x2a: {  	[tilespmem:$0x7120] =	vst v0  }
0x2b: {  	[tilespmem:$0x7130] =	vst v0  }
0x2c: {  	[tilespmem:$0x7140] =	vst v0  }
0x2d: {  	[tilespmem:$0x7150] =	vst v0  }
0x2e: {  	[tilespmem:$0x7160] =	vst v0  }
0x2f: {  	[tilespmem:$0x7170] =	vst v0  }
0x30: {  	[tilespmem:$0x7180] =	vst v0  }
0x31: {  	[tilespmem:$0x7190] =	vst v0  }
0x32: {  	[tilespmem:$0x71A0] =	vst v0  }
0x33: {  	[tilespmem:$0x71B0] =	vst v0  }
0x34: {  	[tilespmem:$0x71C0] =	vst v0  }
0x35: {  	[tilespmem:$0x71D0] =	vst v0  }
0x36: {  	[tilespmem:$0x71E0] =	vst v0  }
0x37: {  	[tilespmem:$0x71F0] =	vst v0  }
0x38: {  	[tilespmem:$0x7200] =	vst v0  }
0x39: {  	[tilespmem:$0x7210] =	vst v0  }
0x3a: {  	[tilespmem:$0x7220] =	vst v0  }
0x3b: {  	[tilespmem:$0x7230] =	vst v0  }
0x3c: {  	[tilespmem:$0x7240] =	vst v0  }
0x3d: {  	[tilespmem:$0x7250] =	vst v0  }
0x3e: {  	[tilespmem:$0x7260] =	vst v0  }
0x3f: {  	[tilespmem:$0x7270] =	vst v0  }
0x40: {  	[tilespmem:$0x7280] =	vst v0  }
0x41: {  	[tilespmem:$0x7290] =	vst v0  }
0x42: {  	[tilespmem:$0x72A0] =	vst v0  }
0x43: {  	[tilespmem:$0x72B0] =	vst v0  }
0x44: {  	[tilespmem:$0x72C0] =	vst v0  }
0x45: {  	[tilespmem:$0x72D0] =	vst v0  }
0x46: {  	[tilespmem:$0x72E0] =	vst v0  }
0x47: {  	[tilespmem:$0x72F0] =	vst v0  }
0x48: {  	[tilespmem:$0x7300] =	vst v0  }
0x49: {  	[tilespmem:$0x7310] =	vst v0  }
0x4a: {  	[tilespmem:$0x7320] =	vst v0  }
0x4b: {  	[tilespmem:$0x7330] =	vst v0  }
0x4c: {  	[tilespmem:$0x7340] =	vst v0  }
0x4d: {  	[tilespmem:$0x7350] =	vst v0  }
0x4e: {  	[tilespmem:$0x7360] =	vst v0  }
0x4f: {  	[tilespmem:$0x7370] =	vst v0  }
0x50: {  	[tilespmem:$0x7380] =	vst v0  }
0x51: {  	[tilespmem:$0x7390] =	vst v0  }
0x52: {  	[tilespmem:$0x73A0] =	vst v0  }
0x53: {  	[tilespmem:$0x73B0] =	vst v0  }
0x54: {  	[tilespmem:$0x73C0] =	vst v0  }
0x55: {  	[tilespmem:$0x73D0] =	vst v0  }
0x56: {  	[tilespmem:$0x73E0] =	vst v0  }
0x57: {  	[tilespmem:$0x73F0] =	vst v0  }
0x58: {  	[tilespmem:$0x7400] =	vst v0  }
0x59: {  	[tilespmem:$0x7410] =	vst v0  }
0x5a: {  	[tilespmem:$0x7420] =	vst v0  }
0x5b: {  	[tilespmem:$0x7430] =	vst v0  }
0x5c: {  	[tilespmem:$0x7440] =	vst v0  }
0x5d: {  	[tilespmem:$0x7450] =	vst v0  }
0x5e: {  	[tilespmem:$0x7460] =	vst v0  }
0x5f: {  	[tilespmem:$0x7470] =	vst v0  }
0x60: {  	[tilespmem:$0x7480] =	vst v0  }
0x61: {  	[tilespmem:$0x7490] =	vst v0  }
0x62: {  	[tilespmem:$0x74A0] =	vst v0  }
0x63: {  	[tilespmem:$0x74B0] =	vst v0  }
0x64: {  	[tilespmem:$0x74C0] =	vst v0  }
0x65: {  	[tilespmem:$0x74D0] =	vst v0  }
0x66: {  	[tilespmem:$0x74E0] =	vst v0  }
0x67: {  	[tilespmem:$0x74F0] =	vst v0  }
0x68: {  	[tilespmem:$0x7500] =	vst v0  }
0x69: {  	[tilespmem:$0x7510] =	vst v0  }
0x6a: {  	[tilespmem:$0x7520] =	vst v0  }
0x6b: {  	[tilespmem:$0x7530] =	vst v0  }
0x6c: {  	[tilespmem:$0x7540] =	vst v0  }
0x6d: {  	[tilespmem:$0x7550] =	vst v0  }
0x6e: {  	[tilespmem:$0x7560] =	vst v0  }
0x6f: {  	[tilespmem:$0x7570] =	vst v0  }
0x70: {  	[tilespmem:$0x7580] =	vst v0  }
0x71: {  	[tilespmem:$0x7590] =	vst v0  }
0x72: {  	[tilespmem:$0x75A0] =	vst v0  }
0x73: {  	[tilespmem:$0x75B0] =	vst v0  }
0x74: {  	[tilespmem:$0x75C0] =	vst v0  }
0x75: {  	[tilespmem:$0x75D0] =	vst v0  }
0x76: {  	[tilespmem:$0x75E0] =	vst v0  }
0x77: {  	s22 =	sadd.s32 $0x0, s11;
	[tilespmem:$0x75F0] =	vst v0  }
0x78: {  	[spmem:s22] =	stream.linear.scatter [tilespmem:s14], [sflag:$0x2], $0x600, $0x38;
	[tilespmem:$0xEE00] =	vst v63  }
0x79: {  	s22 =	simm.s32 $0x1800;
	_ =	swait.ge [sflag:s12], $0x600  }
.LBB2_2:
0x7a: {  	s23 =	sshra.s32 s22, $0x2;
	[sflag:s12] =	ssyncset.done $0x0;
	p0 =	sne.s32 s22, $0x1C800  }
.Ltmp0:
0x7b: {  	s23 =	sadd.s32 s23, s11;
	[sflag:s12] =	ssyncadd.s32 $0xFFFFFA00;
	(pc) =	sbr.rel @p0 .LBB2_2-.Ltmp0, $3  }
0x7c: {  	[spmem:s23] =	stream.linear.scatter [tilespmem:s14], [sflag:$0x2], $0x600, $0x38;
	[tilespmem:$0xEE00] =	vst v63  }
0x7d: {  	s22 =	sadd.s32 $0x1800, s22;
	_ =	sdelay $0x1  }
0x7e: {  	_ =	swait.ge [sflag:s12], $0x600  }
0x7f: {  	[sflag:s12] =	ssyncset.done $0x0  }
0x80: {  	[sflag:s12] =	ssyncadd.s32 $0xFFFFFA00  }
0x81: {  	s22 =	simm.s32 $0x0;
	s23 =	simm.s32 $0x0;
	[bflag:$0x0] =	sbarrier.arrive $0xFFFF  }
.LBB2_4:
0x82: {  	s24 =	sadd.s32 s6, s23  }
0x83: {  	s24 =	sshll.u32 s24, $0x8  }
0x84: {  	s24 =	sadd.s32 s5, s24  }
0x85: {  	[tilespmem:s15], [sflag:$0x1] =	stream.linear.gather [hbm4b:s24+s22], $0x800, $0x38;
	[tilespmem:$0xEE00] =	vst v63  }
0x86: {  	s24 =	sshll.u32 s23, $0x7  }
0x87: {  	[tilespmem:s17], [sflag:$0x1] =	stream.indirect.gather [hbm4b:s4+s16], $0x30, s24, s16, $0xb8;
	[tilespmem:$0xEE00] =	vst v63  }
0x88: {  	_ =	swait.ge [sflag:s18], $0x800  }
0x89: {  	[sflag:s18] =	ssyncset.done $0x0  }
0x8a: {  	[sflag:s18] =	ssyncadd.s32 $0xFFFFF800  }
0x8b: {  	_ =	swait.ge [sflag:s18], $0x1800  }
0x8c: {  	[sflag:s18] =	ssyncset.done $0x0  }
0x8d: {  	s26 =	simm.s32 $0x5820;
	[sflag:s18] =	ssyncadd.s32 $0xFFFFE800  }
0x8e: {  	v1 =	vld [tilespmem:s26+$0xFFFFFFF0]  }
0x8f: {  	s29 =	simm.s32 $0x0;
	s28 =	simm.s32 $0x40;
	s25 =	simm.s32 $0x5820;
	v2 =	vld [tilespmem:s26+$0xFFFFFFE0]  }
.LBB2_5:
0x90: {  	p0 =	sne.s32 s28, $0x1FC0;
	v3 =	vld [tilespmem:s29+$0x5000]  }
0x91: {  	v4 =	vld [tilespmem:s26+$0x0];
	_ =	sdelay $0x3  }
.Ltmp1:
0x92: {  	v2 =	vmul.f32 v2, v3;
	v5 =	vmul.f32 v1, v3;
	(pc) =	sbr.rel @p0 .LBB2_5-.Ltmp1, $4  }
0x93: {  	v3 =	vmul.f32 v4, v3  }
0x94: {  	s26 =	sadd.s32 $0x30, s26;
	[tilespmem:s25+$0xFFFFFFE0] =	vst v2  }
0x95: {  	v1 =	vld [tilespmem:s26+$0xFFFFFFF0];
	[tilespmem:s25+$0xFFFFFFF0] =	vst v5  }
0x96: {  	s29 =	sshra.s32 s28, $0x2;
	s28 =	sadd.s32 $0x40, s28;
	v2 =	vld [tilespmem:s26+$0xFFFFFFE0];
	[tilespmem:s25+$0x0] =	vst v3;
	s25 =	smov.u32 s26  }
0x97: {  	v3 =	vld [tilespmem:s29+$0x5000];
	_ =	sdelay $0x1  }
0x98: {  	v4 =	vld [tilespmem:s26+$0x0];
	_ =	sdelay $0x2  }
0x99: {  	v2 =	vmul.f32 v2, v3  }
0x9a: {  	v1 =	vmul.f32 v1, v3  }
0x9b: {  	s23 =	sadd.s32 $0x1, s23;
	v3 =	vmul.f32 v4, v3;
	[tilespmem:s25+$0xFFFFFFE0] =	vst v2  }
0x9c: {  	p0 =	sne.s32 s23, $0x50;
	[tilespmem:s25+$0xFFFFFFF0] =	vst v1  }
.Ltmp2:
0x9d: {  	s24 =	sadd.s32 $0x2800, s24;
	[tilespmem:s25+$0x0] =	vst v3;
	(pc) =	sbr.rel @p0 .LBB2_4-.Ltmp2, $4  }
0x9e: {  	[spmem:s2] =	stream.indirect.scatter.add.f32 [tilespmem:s17], [sflag:$0x2], $0x30, s24, s16, $0xb8;
	[tilespmem:$0xEE00] =	vst v63  }
0x9f: {  	_ =	swait.ge [sflag:s12], $0x1800  }
0xa0: {  	[sflag:s12] =	ssyncset.done $0x0  }
0xa1: {  	[sflag:s12] =	ssyncadd.s32 $0xFFFFE800  }
0xa2: {  	s21 =	sadd.s32 $0x1, s21  }
0xa3: {  	p0 =	sne.s32 s21, s10  }
.Ltmp3:
0xa4: {  	[bflag:$0x0] =	sbarrier.arrive $0xFFFF;
	(pc) =	sbr.rel @p0 .LBB2_1-.Ltmp3, $4  }
0xa5: {  	[hbm:s9], [sflag:s19] =	dma.local [spmem:s20], $0xF00  }
0xa6: {  	_ =	swait.ge [sflag:s12], $0xF00  }
0xa7: {  	[sflag:s12] =	ssyncset.done $0x0  }
0xa8: {  	[sflag:s12] =	ssyncadd.s32 $0xFFFFF100  }
0xa9: {  	_ =	sfence.sel $0x180000  }
0xaa: {  	[bflag:$0x0] =	sbarrier.arrive $0xFFFF  }
0xab: {  	p0 =	sne.s32 s0, $0x0;
	_ =	strace $0x9000004D  }
0xac: {  	s0 =	sadd.s32 @!p0 $0x100000, s1;
	[bflag:$0x2] =	sbarrier.arrive $0xFFFF  }
0xad: {  	[sflag:s0] =	ssyncadd.tile.s32 @!p0 $0x1;
	_ =	shalt  }
.Lfunc_end2:
_tile_overlayer_lowered:
.L_overlay_start_2:
0xae: {  	(tag) =	ssettag $0x2  }
0xaf: {  	s0 =	rddreg [dreg:$0x0];
	s2 =	stileid.u32  }
0xb0: {  	s1 =	rddreg [dreg:$0x1];
	p0 =	sne.s32 s2, $0x0  }
0xb1: {  	s3 =	rddreg [dreg:$0x2];
	[bflag:$0x3] =	sbarrier.arrive $0xFFFF;
	s2 =	simm.s32 @!p0 $0x1C02  }
0xb2: {  	[timem:s3], [sflag:s2] =	dma.local @!p0 [hbm:s0], s1  }
0xb3: {  	s0 =	simm.s32 @!p0 $0x2  }
0xb4: {  	_ =	swait.ge @!p0 [sflag:s0], s1  }
0xb5: {  	s1 =	ssub.s32 @!p0 $0x0, s1;
	[sflag:s0] =	ssyncset.done @!p0 $0x0  }
0xb6: {  	[sflag:s0] =	ssyncadd.s32 @!p0 s1  }
0xb7: {  	[bflag:$0x3] =	sbarrier.arrive $0xFFFF  }
0xb8: {  	_ =	shalt  }

</sc_bundles>
